<compile_context>
chip_gen: v7x
topology: tpu7x:2x2x1
jax: 0.10.2.dev20260603
libtpu: 0.0.44.dev20260713+nightly
codegen_flags: <defaults>
</compile_context>

<pallas_src>
import functools

import jax
import jax.numpy as jnp
from jax import lax
from jax.experimental import pallas as pl
from jax.experimental.pallas import tpu as pltpu
from jax.experimental.pallas import tpu_sc as plsc

NC, NS, L = 2, 16, 16
NW = NC * NS
IC = 128


def _shade_fn(n_pix, n_c, w_img, blk, p2f_hbm, bary_hbm, vf_hbm, faces_hbm,
              out_hbm, p2f_v, idx_v, bary_v, fverts_v, vidx_v, rows_v, out_t,
              fs0, fs1, fs2, vs0, vs1, vs2):
    fsems = [fs0, fs1, fs2]
    vsems = [vs0, vs1, vs2]
    n_per_w = n_pix // NW
    n_blocks = n_per_w // blk
    rows_blk = blk // w_img
    chunks_row = w_img // L
    wid = lax.axis_index("s") * NC + lax.axis_index("c")
    base0 = wid * n_per_w

    def do_block(b, _):
        base = base0 + b * blk
        rowbase = base // w_img
        pltpu.sync_copy(p2f_hbm.at[pl.ds(base, blk)], p2f_v)
        pltpu.sync_copy(bary_hbm.at[pl.ds(rowbase, rows_blk)], bary_v)

        def clamp_body(i, _):
            f = p2f_v[pl.ds(i * L, L)]
            idx_v[i // (IC // L), pl.ds((i % (IC // L)) * L, L)] = (
                jnp.maximum(f, 0))
            return _

        lax.fori_loop(0, blk // L, clamp_body, None, unroll=4)

        ng = rows_blk
        jg = blk // IC // ng
        mg = 3 * blk // IC // ng
        qg = 3 * blk // L // ng
        ig = blk // L // ng

        def flat_chunk(q, _):
            t = 16 * q + lax.iota(jnp.int32, L)
            val = plsc.load_gather(fverts_v, [t // 3, t % 3])
            vidx_v[q // (IC // L), pl.ds((q % (IC // L)) * L, L)] = val
            return _

        def px_chunk(i, _):
            row_l = i // chunks_row
            w0 = (i % chunks_row) * L
            l = i * L + lax.iota(jnp.int32, L)
            f = p2f_v[pl.ds(i * L, L)]
            mf = jnp.where(f >= 0, jnp.float32(1.0), jnp.float32(0.0))
            w = [bary_v[row_l, j, 0, pl.ds(w0, L)] * mf for j in range(3)]
            r = [3 * l + j for j in range(3)]
            for c in range(n_c):
                cc = jnp.full((L,), c, jnp.int32)
                acc = w[0] * plsc.load_gather(rows_v, [r[0], cc])
                acc += w[1] * plsc.load_gather(rows_v, [r[1], cc])
                acc += w[2] * plsc.load_gather(rows_v, [r[2], cc])
                out_t[row_l, c, pl.ds(w0, L)] = acc
            return _

        fcp = [[pltpu.async_copy(faces_hbm.at[idx_v.at[g * jg + j]],
                                 fverts_v.at[pl.ds((g * jg + j) * IC, IC)],
                                 fsems[g])
                for j in range(jg)] for g in range(ng)]
        vcp = []
        for g in range(ng):
            for cp in fcp[g]:
                cp.wait()
            lax.fori_loop(g * qg, (g + 1) * qg, flat_chunk, None, unroll=4)
            vcp.append([pltpu.async_copy(vf_hbm.at[vidx_v.at[g * mg + m]],
                                         rows_v.at[pl.ds((g * mg + m) * IC,
                                                         IC)],
                                         vsems[g])
                        for m in range(mg)])
        for g in range(ng):
            for cp in vcp[g]:
                cp.wait()
            lax.fori_loop(g * ig, (g + 1) * ig, px_chunk, None, unroll=2)
        pltpu.sync_copy(out_t, out_hbm.at[pl.ds(rowbase, rows_blk)])
        return _

    lax.fori_loop(0, n_blocks, do_block, None)


def _shade(p2f, bary_t, vf, faces16, n_pix, w_img):
    n_c = vf.shape[1]
    blk = 3 * w_img
    mesh = plsc.VectorSubcoreMesh(core_axis_name="c", subcore_axis_name="s",
                                  num_cores=NC, num_subcores=NS)
    return pl.kernel(
        functools.partial(_shade_fn, n_pix, n_c, w_img, blk),
        out_type=jax.ShapeDtypeStruct((n_pix // w_img, n_c, w_img),
                                      jnp.float32),
        mesh=mesh,
        compiler_params=pltpu.CompilerParams(needs_layout_passes=False,
                                             use_tc_tiling_on_sc=False),
        scratch_types=[
            pltpu.VMEM((blk,), jnp.int32),
            pltpu.VMEM((blk // IC, IC), jnp.int32),
            pltpu.VMEM((blk // w_img, 3, 2, w_img), jnp.float32),
            pltpu.VMEM((blk, 16), jnp.int32),
            pltpu.VMEM((3 * blk // IC, IC), jnp.int32),
            pltpu.VMEM((3 * blk, n_c), jnp.float32),
            pltpu.VMEM((blk // w_img, n_c, w_img), jnp.float32),
            pltpu.SemaphoreType.DMA,
            pltpu.SemaphoreType.DMA,
            pltpu.SemaphoreType.DMA,
            pltpu.SemaphoreType.DMA,
            pltpu.SemaphoreType.DMA,
            pltpu.SemaphoreType.DMA,
        ],
    )(p2f, bary_t, vf, faces16)


def kernel(pix_to_face, bary_coords, verts_features, faces):
    b, h, w, k = pix_to_face.shape
    v, c = verts_features.shape
    n = b * h * w
    p2f = pix_to_face[..., 0].reshape(n).astype(jnp.int32)
    bary_t = bary_coords.transpose(0, 1, 4, 3, 2).reshape(b * h, 3, k, w)
    faces16 = jnp.concatenate(
        [faces.astype(jnp.int32),
         jnp.zeros((faces.shape[0], 13), jnp.int32)], axis=1)
    out = _shade(p2f, bary_t, verts_features, faces16, n, w)
    return out.reshape(b, h, c, w).transpose(0, 1, 3, 2)

# --- scband reference (transcript-rebuilt; emitter-appended) ---
"""Pipeline reference for scband-feature-shader-30889404793487 (READ-ONLY COPY).

The authoritative reference and input builder live on the scoring server;
editing this copy changes nothing except your own understanding.
"""

import jax, jax.numpy as jnp
import numpy as np

B, H, W, K = 2, 384, 384, 2
V, F, C = 100000, 200000, 16

def setup_inputs(seed: int = 0) -> dict:
    key = jax.random.key(seed)
    k1, k2, k3, k4 = jax.random.split(key, 4)
    # pix_to_face: -1 marks invalid (background) pixels, like pytorch3d fragments
    pix_to_face = jax.random.randint(k1, (B, H, W, K), -1, F, dtype=jnp.int64)
    bary = jax.random.uniform(k2, (B, H, W, K, 3), dtype=jnp.float32) + 1e-4
    bary_coords = bary / jnp.sum(bary, axis=-1, keepdims=True)
    verts_features = jax.random.normal(k3, (V, C), dtype=jnp.float32)
    faces = jax.random.randint(k4, (F, 3), 0, V, dtype=jnp.int64)
    return {
        "pix_to_face": pix_to_face,
        "bary_coords": bary_coords,
        "verts_features": verts_features,
        "faces": faces,
    }

def reference(pix_to_face, bary_coords, verts_features, faces):
    # meshes.sample_textures(fragments): gather face vertex features and
    # interpolate with barycentric coordinates.
    num_faces = faces.shape[0]
    safe_pix = jnp.clip(pix_to_face, 0, num_faces - 1)
    face_verts = jnp.take(faces, safe_pix, axis=0)            # [B,H,W,K,3]
    feats = jnp.take(verts_features, face_verts, axis=0)      # [B,H,W,K,3,C]
    texels = jnp.sum(bary_coords[..., None] * feats, axis=-2) # [B,H,W,K,C]
    # valid_max = fragments.pix_to_face >= 0
    valid = pix_to_face >= 0                                   # [B,H,W,K]
    # blended_texels = zeros_like(texels); blended_texels[valid] = texels[valid]
    blended_texels = jnp.where(valid[..., None], texels, jnp.zeros_like(texels))
    # return blended_texels[:, :, :, 0, :]
    return blended_texels[:, :, :, 0, :]

if __name__ == "__main__":
    import jax
    _d = setup_inputs()
    print(jax.jit(kernel)(*tuple(_d.values())))

</pallas_src>

<mosaic_0001>
#map = affine_map<(d0, d1) -> (0)>
#map1 = affine_map<(d0, d1) -> (0, 0, 0, 0)>
#map2 = affine_map<(d0, d1) -> (0, 0)>
#map3 = affine_map<(d0, d1) -> (0, 0, 0)>
module attributes {stable_mosaic.version = 14 : i64} {
  func.func @_shade_fn(%arg0: i32, %arg1: i32, %arg2: memref<294912xi32, #tpu.memory_space<hbm>>, %arg3: memref<768x3x2x384xf32, #tpu.memory_space<hbm>>, %arg4: memref<100000x16xf32, #tpu.memory_space<hbm>>, %arg5: memref<200000x16xi32, #tpu.memory_space<hbm>>, %arg6: memref<768x16x384xf32, #tpu.memory_space<hbm>>, %arg7: memref<1152xi32, #tpu.memory_space<vmem>>, %arg8: memref<9x128xi32, #tpu.memory_space<vmem>>, %arg9: memref<3x3x2x384xf32, #tpu.memory_space<vmem>>, %arg10: memref<1152x16xi32, #tpu.memory_space<vmem>>, %arg11: memref<27x128xi32, #tpu.memory_space<vmem>>, %arg12: memref<3456x16xf32, #tpu.memory_space<vmem>>, %arg13: memref<3x16x384xf32, #tpu.memory_space<vmem>>, %arg14: memref<!tpu.dma_semaphore, #tpu.memory_space<semaphore_mem>>, %arg15: memref<!tpu.dma_semaphore, #tpu.memory_space<semaphore_mem>>, %arg16: memref<!tpu.dma_semaphore, #tpu.memory_space<semaphore_mem>>, %arg17: memref<!tpu.dma_semaphore, #tpu.memory_space<semaphore_mem>>, %arg18: memref<!tpu.dma_semaphore, #tpu.memory_space<semaphore_mem>>, %arg19: memref<!tpu.dma_semaphore, #tpu.memory_space<semaphore_mem>>) attributes {dimension_semantics = [#tpu.dimension_semantics<core_parallel>, #tpu.dimension_semantics<subcore_parallel>], iteration_bounds = array<i64: 2, 16>, scalar_prefetch = 0 : i64, scratch_operands = 13 : i64, tpu.core_type = #tpu.core_type<sc_vector_subcore>, window_params = [{transform_indices = #map}, {transform_indices = #map1}, {transform_indices = #map2}, {transform_indices = #map2}, {transform_indices = #map3}]} {
    %mul3A = arith.constant 2 : i32
    %mul3A_0 = arith.muli %arg1, %mul3A : i32
    %add3A = arith.addi %mul3A_0, %arg0 : i32
    %mul3A_1 = arith.constant 9216 : i32
    %mul3A_2 = arith.muli %add3A, %mul3A_1 : i32
    %scan3A = arith.constant 0 : i32
    %scan3A_3 = arith.constant 8 : i32
    %scan3A_4 = arith.addi %scan3A, %scan3A_3 : i32
    %scan3A_5 = arith.constant 1 : i32
    scf.for %scan3A_7 = %scan3A to %scan3A_4 step %scan3A_5  : i32 {
      %mul3A_8 = arith.constant 1152 : i32
      %mul3A_9 = arith.muli %scan3A_7, %mul3A_8 : i32
      %add3A_10 = arith.addi %mul3A_2, %mul3A_9 : i32
      %jit3A = arith.constant 384 : i32
      %div3A = arith.divsi %add3A_10, %jit3A : i32
      %sign3A = arith.constant 0 : i32
      %sign3A_11 = arith.cmpi sgt, %add3A_10, %sign3A : i32
      %sign3A_12 = arith.extui %sign3A_11 : i1 to i32
      %sign3A_13 = arith.constant 0 : i32
      %sign3A_14 = arith.cmpi slt, %add3A_10, %sign3A_13 : i32
      %sign3A_15 = arith.extui %sign3A_14 : i1 to i32
      %sign3A_16 = arith.subi %sign3A_12, %sign3A_15 : i32
      %sign3A_17 = arith.constant 0 : i32
      %sign3A_18 = arith.cmpi sgt, %jit3A, %sign3A_17 : i32
      %sign3A_19 = arith.extui %sign3A_18 : i1 to i32
      %sign3A_20 = arith.constant 0 : i32
      %sign3A_21 = arith.cmpi slt, %jit3A, %sign3A_20 : i32
      %sign3A_22 = arith.extui %sign3A_21 : i1 to i32
      %sign3A_23 = arith.subi %sign3A_19, %sign3A_22 : i32
      %ne3A = arith.cmpi ne, %sign3A_16, %sign3A_23 : i32
      %rem3A = arith.remsi %add3A_10, %jit3A : i32
      %ne3A_24 = arith.constant 0 : i32
      %ne3A_25 = arith.cmpi ne, %rem3A, %ne3A_24 : i32
      %and3A = arith.andi %ne3A, %ne3A_25 : i1
      %sub3A = arith.constant 1 : i32
      %sub3A_26 = arith.subi %div3A, %sub3A : i32
      %select_n3A = arith.select %and3A, %sub3A_26, %div3A : i32
      "tpu.region"() ({
        %run_scoped3A = tpu.sem_alloc : memref<!tpu.dma_semaphore, #tpu.memory_space<semaphore_mem>>
        %dma_start3A_780 = tpu.memref_slice %arg2[%add3A_10] : memref<294912xi32, #tpu.memory_space<hbm>> -> memref<1152xi32, #tpu.memory_space<hbm>>
        %dma_start3A_781 = tpu.memref_slice %arg2[%add3A_10] : memref<294912xi32, #tpu.memory_space<hbm>> -> memref<1152xi32, #tpu.memory_space<hbm>>
        tpu.enqueue_dma source(%dma_start3A_781 : memref<1152xi32, #tpu.memory_space<hbm>>) target(%arg7 : memref<1152xi32, #tpu.memory_space<vmem>>) target_semaphore(%run_scoped3A : memref<!tpu.dma_semaphore, #tpu.memory_space<semaphore_mem>>)
        %dma_wait3A_782 = tpu.memref_slice %arg2[%add3A_10] : memref<294912xi32, #tpu.memory_space<hbm>> -> memref<1152xi32, #tpu.memory_space<hbm>>
        %dma_wait3A_783 = tpu.memref_slice %arg2[%add3A_10] : memref<294912xi32, #tpu.memory_space<hbm>> -> memref<1152xi32, #tpu.memory_space<hbm>>
        tpu.wait_dma2 semaphore(%run_scoped3A : memref<!tpu.dma_semaphore, #tpu.memory_space<semaphore_mem>>) src(%dma_wait3A_783 : memref<1152xi32, #tpu.memory_space<hbm>>) dst(%arg7 : memref<1152xi32, #tpu.memory_space<vmem>>)
        tpu.yield
      }) : () -> ()
      "tpu.region"() ({
        %run_scoped3A = tpu.sem_alloc : memref<!tpu.dma_semaphore, #tpu.memory_space<semaphore_mem>>
        %dma_start3A_780 = arith.constant 0 : i32
        %dma_start3A_781 = arith.constant 0 : i32
        %dma_start3A_782 = arith.constant 0 : i32
        %dma_start3A_783 = tpu.memref_slice %arg3[%select_n3A, %dma_start3A_780, %dma_start3A_781, %dma_start3A_782] : memref<768x3x2x384xf32, #tpu.memory_space<hbm>> -> memref<3x3x2x384xf32, #tpu.memory_space<hbm>>
        %dma_start3A_784 = arith.constant 0 : i32
        %dma_start3A_785 = arith.constant 0 : i32
        %dma_start3A_786 = arith.constant 0 : i32
        %dma_start3A_787 = tpu.memref_slice %arg3[%select_n3A, %dma_start3A_784, %dma_start3A_785, %dma_start3A_786] : memref<768x3x2x384xf32, #tpu.memory_space<hbm>> -> memref<3x3x2x384xf32, #tpu.memory_space<hbm>>
        tpu.enqueue_dma source(%dma_start3A_787 : memref<3x3x2x384xf32, #tpu.memory_space<hbm>>) target(%arg9 : memref<3x3x2x384xf32, #tpu.memory_space<vmem>>) target_semaphore(%run_scoped3A : memref<!tpu.dma_semaphore, #tpu.memory_space<semaphore_mem>>)
        %dma_wait3A_788 = arith.constant 0 : i32
        %dma_wait3A_789 = arith.constant 0 : i32
        %dma_wait3A_790 = arith.constant 0 : i32
        %dma_wait3A_791 = tpu.memref_slice %arg3[%select_n3A, %dma_wait3A_788, %dma_wait3A_789, %dma_wait3A_790] : memref<768x3x2x384xf32, #tpu.memory_space<hbm>> -> memref<3x3x2x384xf32, #tpu.memory_space<hbm>>
        %dma_wait3A_792 = arith.constant 0 : i32
        %dma_wait3A_793 = arith.constant 0 : i32
        %dma_wait3A_794 = arith.constant 0 : i32
        %dma_wait3A_795 = tpu.memref_slice %arg3[%select_n3A, %dma_wait3A_792, %dma_wait3A_793, %dma_wait3A_794] : memref<768x3x2x384xf32, #tpu.memory_space<hbm>> -> memref<3x3x2x384xf32, #tpu.memory_space<hbm>>
        tpu.wait_dma2 semaphore(%run_scoped3A : memref<!tpu.dma_semaphore, #tpu.memory_space<semaphore_mem>>) src(%dma_wait3A_795 : memref<3x3x2x384xf32, #tpu.memory_space<hbm>>) dst(%arg9 : memref<3x3x2x384xf32, #tpu.memory_space<vmem>>)
        tpu.yield
      }) : () -> ()
      %scan3A_27 = arith.constant 0 : i32
      %scan3A_28 = arith.constant 72 : i32
      %scan3A_29 = arith.addi %scan3A_27, %scan3A_28 : i32
      %scan3A_30 = arith.constant 4 : i32
      scf.for %scan3A_780 = %scan3A_27 to %scan3A_29 step %scan3A_30  : i32 {
        %mul3A_781 = arith.constant 16 : i32
        %mul3A_782 = arith.muli %scan3A_780, %mul3A_781 : i32
        %get3A = arith.index_cast %mul3A_782 : i32 to index
        %get3A_783 = tpu.vector_load %arg7[%get3A] {strides = array<i32>} : memref<1152xi32, #tpu.memory_space<vmem>>, vector<16xi32>,
        %max3A = arith.constant 0 : i32
        %max3A_784 = vector.broadcast %max3A : i32 to vector<16xi32>
        %max3A_785 = arith.maxsi %get3A_783, %max3A_784 : vector<16xi32>
        %jit3A_786 = arith.constant 8 : i32
        %div3A_787 = arith.divsi %scan3A_780, %jit3A_786 : i32
        %sign3A_788 = arith.constant 0 : i32
        %sign3A_789 = arith.cmpi sgt, %scan3A_780, %sign3A_788 : i32
        %sign3A_790 = arith.extui %sign3A_789 : i1 to i32
        %sign3A_791 = arith.constant 0 : i32
        %sign3A_792 = arith.cmpi slt, %scan3A_780, %sign3A_791 : i32
        %sign3A_793 = arith.extui %sign3A_792 : i1 to i32
        %sign3A_794 = arith.subi %sign3A_790, %sign3A_793 : i32
        %sign3A_795 = arith.constant 0 : i32
        %sign3A_796 = arith.cmpi sgt, %jit3A_786, %sign3A_795 : i32
        %sign3A_797 = arith.extui %sign3A_796 : i1 to i32
        %sign3A_798 = arith.constant 0 : i32
        %sign3A_799 = arith.cmpi slt, %jit3A_786, %sign3A_798 : i32
        %sign3A_800 = arith.extui %sign3A_799 : i1 to i32
        %sign3A_801 = arith.subi %sign3A_797, %sign3A_800 : i32
        %ne3A_802 = arith.cmpi ne, %sign3A_794, %sign3A_801 : i32
        %rem3A_803 = arith.remsi %scan3A_780, %jit3A_786 : i32
        %ne3A_804 = arith.constant 0 : i32
        %ne3A_805 = arith.cmpi ne, %rem3A_803, %ne3A_804 : i32
        %and3A_806 = arith.andi %ne3A_802, %ne3A_805 : i1
        %sub3A_807 = arith.constant 1 : i32
        %sub3A_808 = arith.subi %div3A_787, %sub3A_807 : i32
        %select_n3A_809 = arith.select %and3A_806, %sub3A_808, %div3A_787 : i32
        %jit3A_810 = arith.constant 8 : i32
        %eq3A = arith.constant 0 : i32
        %eq3A_811 = arith.cmpi eq, %jit3A_810, %eq3A : i32
        %jit3A_812 = arith.constant 1 : i32
        %select_n3A_813 = arith.select %eq3A_811, %jit3A_812, %jit3A_810 : i32
        %rem3A_814 = arith.remsi %scan3A_780, %select_n3A_813 : i32
        %ne3A_815 = arith.constant 0 : i32
        %ne3A_816 = arith.cmpi ne, %rem3A_814, %ne3A_815 : i32
        %lt3A = arith.constant 0 : i32
        %lt3A_817 = arith.cmpi slt, %rem3A_814, %lt3A : i32
        %lt3A_818 = arith.constant 0 : i32
        %lt3A_819 = arith.cmpi slt, %select_n3A_813, %lt3A_818 : i32
        %ne3A_820 = arith.xori %lt3A_817, %lt3A_819 : i1
        %and3A_821 = arith.andi %ne3A_820, %ne3A_816 : i1
        %add3A_822 = arith.addi %rem3A_814, %select_n3A_813 : i32
        %select_n3A_823 = arith.select %and3A_821, %add3A_822, %rem3A_814 : i32
        %mul3A_824 = arith.constant 16 : i32
        %mul3A_825 = arith.muli %select_n3A_823, %mul3A_824 : i32
        %swap3A = arith.index_cast %select_n3A_809 : i32 to index
        %swap3A_826 = arith.index_cast %mul3A_825 : i32 to index
        %swap3A_827 = tpu.vector_load %arg8[%swap3A, %swap3A_826] {strides = array<i32>} : memref<9x128xi32, #tpu.memory_space<vmem>>, vector<16xi32>,
        tpu.vector_store %arg8[%swap3A, %swap3A_826], %max3A_785 {strides = array<i32>} : memref<9x128xi32, #tpu.memory_space<vmem>>, vector<16xi32>,
        %scan3A_828 = arith.constant 1 : i32
        %scan3A_829 = arith.addi %scan3A_780, %scan3A_828 : i32
        %mul3A_830 = arith.constant 16 : i32
        %mul3A_831 = arith.muli %scan3A_829, %mul3A_830 : i32
        %get3A_832 = arith.index_cast %mul3A_831 : i32 to index
        %get3A_833 = tpu.vector_load %arg7[%get3A_832] {strides = array<i32>} : memref<1152xi32, #tpu.memory_space<vmem>>, vector<16xi32>,
        %max3A_834 = arith.constant 0 : i32
        %max3A_835 = vector.broadcast %max3A_834 : i32 to vector<16xi32>
        %max3A_836 = arith.maxsi %get3A_833, %max3A_835 : vector<16xi32>
        %jit3A_837 = arith.constant 8 : i32
        %div3A_838 = arith.divsi %scan3A_829, %jit3A_837 : i32
        %sign3A_839 = arith.constant 0 : i32
        %sign3A_840 = arith.cmpi sgt, %scan3A_829, %sign3A_839 : i32
        %sign3A_841 = arith.extui %sign3A_840 : i1 to i32
        %sign3A_842 = arith.constant 0 : i32
        %sign3A_843 = arith.cmpi slt, %scan3A_829, %sign3A_842 : i32
        %sign3A_844 = arith.extui %sign3A_843 : i1 to i32
        %sign3A_845 = arith.subi %sign3A_841, %sign3A_844 : i32
        %sign3A_846 = arith.constant 0 : i32
        %sign3A_847 = arith.cmpi sgt, %jit3A_837, %sign3A_846 : i32
        %sign3A_848 = arith.extui %sign3A_847 : i1 to i32
        %sign3A_849 = arith.constant 0 : i32
        %sign3A_850 = arith.cmpi slt, %jit3A_837, %sign3A_849 : i32
        %sign3A_851 = arith.extui %sign3A_850 : i1 to i32
        %sign3A_852 = arith.subi %sign3A_848, %sign3A_851 : i32
        %ne3A_853 = arith.cmpi ne, %sign3A_845, %sign3A_852 : i32
        %rem3A_854 = arith.remsi %scan3A_829, %jit3A_837 : i32
        %ne3A_855 = arith.constant 0 : i32
        %ne3A_856 = arith.cmpi ne, %rem3A_854, %ne3A_855 : i32
        %and3A_857 = arith.andi %ne3A_853, %ne3A_856 : i1
        %sub3A_858 = arith.constant 1 : i32
        %sub3A_859 = arith.subi %div3A_838, %sub3A_858 : i32
        %select_n3A_860 = arith.select %and3A_857, %sub3A_859, %div3A_838 : i32
        %jit3A_861 = arith.constant 8 : i32
        %eq3A_862 = arith.constant 0 : i32
        %eq3A_863 = arith.cmpi eq, %jit3A_861, %eq3A_862 : i32
        %jit3A_864 = arith.constant 1 : i32
        %select_n3A_865 = arith.select %eq3A_863, %jit3A_864, %jit3A_861 : i32
        %rem3A_866 = arith.remsi %scan3A_829, %select_n3A_865 : i32
        %ne3A_867 = arith.constant 0 : i32
        %ne3A_868 = arith.cmpi ne, %rem3A_866, %ne3A_867 : i32
        %lt3A_869 = arith.constant 0 : i32
        %lt3A_870 = arith.cmpi slt, %rem3A_866, %lt3A_869 : i32
        %lt3A_871 = arith.constant 0 : i32
        %lt3A_872 = arith.cmpi slt, %select_n3A_865, %lt3A_871 : i32
        %ne3A_873 = arith.xori %lt3A_870, %lt3A_872 : i1
        %and3A_874 = arith.andi %ne3A_873, %ne3A_868 : i1
        %add3A_875 = arith.addi %rem3A_866, %select_n3A_865 : i32
        %select_n3A_876 = arith.select %and3A_874, %add3A_875, %rem3A_866 : i32
        %mul3A_877 = arith.constant 16 : i32
        %mul3A_878 = arith.muli %select_n3A_876, %mul3A_877 : i32
        %swap3A_879 = arith.index_cast %select_n3A_860 : i32 to index
        %swap3A_880 = arith.index_cast %mul3A_878 : i32 to index
        %swap3A_881 = tpu.vector_load %arg8[%swap3A_879, %swap3A_880] {strides = array<i32>} : memref<9x128xi32, #tpu.memory_space<vmem>>, vector<16xi32>,
        tpu.vector_store %arg8[%swap3A_879, %swap3A_880], %max3A_836 {strides = array<i32>} : memref<9x128xi32, #tpu.memory_space<vmem>>, vector<16xi32>,
        %scan3A_882 = arith.constant 2 : i32
        %scan3A_883 = arith.addi %scan3A_780, %scan3A_882 : i32
        %mul3A_884 = arith.constant 16 : i32
        %mul3A_885 = arith.muli %scan3A_883, %mul3A_884 : i32
        %get3A_886 = arith.index_cast %mul3A_885 : i32 to index
        %get3A_887 = tpu.vector_load %arg7[%get3A_886] {strides = array<i32>} : memref<1152xi32, #tpu.memory_space<vmem>>, vector<16xi32>,
        %max3A_888 = arith.constant 0 : i32
        %max3A_889 = vector.broadcast %max3A_888 : i32 to vector<16xi32>
        %max3A_890 = arith.maxsi %get3A_887, %max3A_889 : vector<16xi32>
        %jit3A_891 = arith.constant 8 : i32
        %div3A_892 = arith.divsi %scan3A_883, %jit3A_891 : i32
        %sign3A_893 = arith.constant 0 : i32
        %sign3A_894 = arith.cmpi sgt, %scan3A_883, %sign3A_893 : i32
        %sign3A_895 = arith.extui %sign3A_894 : i1 to i32
        %sign3A_896 = arith.constant 0 : i32
        %sign3A_897 = arith.cmpi slt, %scan3A_883, %sign3A_896 : i32
        %sign3A_898 = arith.extui %sign3A_897 : i1 to i32
        %sign3A_899 = arith.subi %sign3A_895, %sign3A_898 : i32
        %sign3A_900 = arith.constant 0 : i32
        %sign3A_901 = arith.cmpi sgt, %jit3A_891, %sign3A_900 : i32
        %sign3A_902 = arith.extui %sign3A_901 : i1 to i32
        %sign3A_903 = arith.constant 0 : i32
        %sign3A_904 = arith.cmpi slt, %jit3A_891, %sign3A_903 : i32
        %sign3A_905 = arith.extui %sign3A_904 : i1 to i32
        %sign3A_906 = arith.subi %sign3A_902, %sign3A_905 : i32
        %ne3A_907 = arith.cmpi ne, %sign3A_899, %sign3A_906 : i32
        %rem3A_908 = arith.remsi %scan3A_883, %jit3A_891 : i32
        %ne3A_909 = arith.constant 0 : i32
        %ne3A_910 = arith.cmpi ne, %rem3A_908, %ne3A_909 : i32
        %and3A_911 = arith.andi %ne3A_907, %ne3A_910 : i1
        %sub3A_912 = arith.constant 1 : i32
        %sub3A_913 = arith.subi %div3A_892, %sub3A_912 : i32
        %select_n3A_914 = arith.select %and3A_911, %sub3A_913, %div3A_892 : i32
        %jit3A_915 = arith.constant 8 : i32
        %eq3A_916 = arith.constant 0 : i32
        %eq3A_917 = arith.cmpi eq, %jit3A_915, %eq3A_916 : i32
        %jit3A_918 = arith.constant 1 : i32
        %select_n3A_919 = arith.select %eq3A_917, %jit3A_918, %jit3A_915 : i32
        %rem3A_920 = arith.remsi %scan3A_883, %select_n3A_919 : i32
        %ne3A_921 = arith.constant 0 : i32
        %ne3A_922 = arith.cmpi ne, %rem3A_920, %ne3A_921 : i32
        %lt3A_923 = arith.constant 0 : i32
        %lt3A_924 = arith.cmpi slt, %rem3A_920, %lt3A_923 : i32
        %lt3A_925 = arith.constant 0 : i32
        %lt3A_926 = arith.cmpi slt, %select_n3A_919, %lt3A_925 : i32
        %ne3A_927 = arith.xori %lt3A_924, %lt3A_926 : i1
        %and3A_928 = arith.andi %ne3A_927, %ne3A_922 : i1
        %add3A_929 = arith.addi %rem3A_920, %select_n3A_919 : i32
        %select_n3A_930 = arith.select %and3A_928, %add3A_929, %rem3A_920 : i32
        %mul3A_931 = arith.constant 16 : i32
        %mul3A_932 = arith.muli %select_n3A_930, %mul3A_931 : i32
        %swap3A_933 = arith.index_cast %select_n3A_914 : i32 to index
        %swap3A_934 = arith.index_cast %mul3A_932 : i32 to index
        %swap3A_935 = tpu.vector_load %arg8[%swap3A_933, %swap3A_934] {strides = array<i32>} : memref<9x128xi32, #tpu.memory_space<vmem>>, vector<16xi32>,
        tpu.vector_store %arg8[%swap3A_933, %swap3A_934], %max3A_890 {strides = array<i32>} : memref<9x128xi32, #tpu.memory_space<vmem>>, vector<16xi32>,
        %scan3A_936 = arith.constant 3 : i32
        %scan3A_937 = arith.addi %scan3A_780, %scan3A_936 : i32
        %mul3A_938 = arith.constant 16 : i32
        %mul3A_939 = arith.muli %scan3A_937, %mul3A_938 : i32
        %get3A_940 = arith.index_cast %mul3A_939 : i32 to index
        %get3A_941 = tpu.vector_load %arg7[%get3A_940] {strides = array<i32>} : memref<1152xi32, #tpu.memory_space<vmem>>, vector<16xi32>,
        %max3A_942 = arith.constant 0 : i32
        %max3A_943 = vector.broadcast %max3A_942 : i32 to vector<16xi32>
        %max3A_944 = arith.maxsi %get3A_941, %max3A_943 : vector<16xi32>
        %jit3A_945 = arith.constant 8 : i32
        %div3A_946 = arith.divsi %scan3A_937, %jit3A_945 : i32
        %sign3A_947 = arith.constant 0 : i32
        %sign3A_948 = arith.cmpi sgt, %scan3A_937, %sign3A_947 : i32
        %sign3A_949 = arith.extui %sign3A_948 : i1 to i32
        %sign3A_950 = arith.constant 0 : i32
        %sign3A_951 = arith.cmpi slt, %scan3A_937, %sign3A_950 : i32
        %sign3A_952 = arith.extui %sign3A_951 : i1 to i32
        %sign3A_953 = arith.subi %sign3A_949, %sign3A_952 : i32
        %sign3A_954 = arith.constant 0 : i32
        %sign3A_955 = arith.cmpi sgt, %jit3A_945, %sign3A_954 : i32
        %sign3A_956 = arith.extui %sign3A_955 : i1 to i32
        %sign3A_957 = arith.constant 0 : i32
        %sign3A_958 = arith.cmpi slt, %jit3A_945, %sign3A_957 : i32
        %sign3A_959 = arith.extui %sign3A_958 : i1 to i32
        %sign3A_960 = arith.subi %sign3A_956, %sign3A_959 : i32
        %ne3A_961 = arith.cmpi ne, %sign3A_953, %sign3A_960 : i32
        %rem3A_962 = arith.remsi %scan3A_937, %jit3A_945 : i32
        %ne3A_963 = arith.constant 0 : i32
        %ne3A_964 = arith.cmpi ne, %rem3A_962, %ne3A_963 : i32
        %and3A_965 = arith.andi %ne3A_961, %ne3A_964 : i1
        %sub3A_966 = arith.constant 1 : i32
        %sub3A_967 = arith.subi %div3A_946, %sub3A_966 : i32
        %select_n3A_968 = arith.select %and3A_965, %sub3A_967, %div3A_946 : i32
        %jit3A_969 = arith.constant 8 : i32
        %eq3A_970 = arith.constant 0 : i32
        %eq3A_971 = arith.cmpi eq, %jit3A_969, %eq3A_970 : i32
        %jit3A_972 = arith.constant 1 : i32
        %select_n3A_973 = arith.select %eq3A_971, %jit3A_972, %jit3A_969 : i32
        %rem3A_974 = arith.remsi %scan3A_937, %select_n3A_973 : i32
        %ne3A_975 = arith.constant 0 : i32
        %ne3A_976 = arith.cmpi ne, %rem3A_974, %ne3A_975 : i32
        %lt3A_977 = arith.constant 0 : i32
        %lt3A_978 = arith.cmpi slt, %rem3A_974, %lt3A_977 : i32
        %lt3A_979 = arith.constant 0 : i32
        %lt3A_980 = arith.cmpi slt, %select_n3A_973, %lt3A_979 : i32
        %ne3A_981 = arith.xori %lt3A_978, %lt3A_980 : i1
        %and3A_982 = arith.andi %ne3A_981, %ne3A_976 : i1
        %add3A_983 = arith.addi %rem3A_974, %select_n3A_973 : i32
        %select_n3A_984 = arith.select %and3A_982, %add3A_983, %rem3A_974 : i32
        %mul3A_985 = arith.constant 16 : i32
        %mul3A_986 = arith.muli %select_n3A_984, %mul3A_985 : i32
        %swap3A_987 = arith.index_cast %select_n3A_968 : i32 to index
        %swap3A_988 = arith.index_cast %mul3A_986 : i32 to index
        %swap3A_989 = tpu.vector_load %arg8[%swap3A_987, %swap3A_988] {strides = array<i32>} : memref<9x128xi32, #tpu.memory_space<vmem>>, vector<16xi32>,
        tpu.vector_store %arg8[%swap3A_987, %swap3A_988], %max3A_944 {strides = array<i32>} : memref<9x128xi32, #tpu.memory_space<vmem>>, vector<16xi32>,
      }
      %scan3A_31 = arith.constant 72 : i32
      %dma_start3A = arith.constant 0 : i32
      %dma_start3A_32 = arith.constant 0 : i32
      %dma_start3A_33 = arith.constant 0 : i32
      %dma_start3A_34 = tpu.memref_slice %arg10[%dma_start3A_32, %dma_start3A_33] : memref<1152x16xi32, #tpu.memory_space<vmem>> -> memref<128x16xi32, #tpu.memory_space<vmem>>
      %dma_start3A_35 = arith.constant 0 : i32
      %dma_start3A_36 = tpu.memref_slice %arg8[%dma_start3A, %dma_start3A_35] : memref<9x128xi32, #tpu.memory_space<vmem>> -> memref<1x128xi32, #tpu.memory_space<vmem>>
      %dma_start3A_37 = tpu.memref_squeeze %dma_start3A_36 : memref<1x128xi32, #tpu.memory_space<vmem>> -> memref<128xi32, #tpu.memory_space<vmem>>
      %dma_start3A_38 = arith.constant 0 : i32
      %dma_start3A_39 = arith.constant 0 : i32
      %dma_start3A_40 = tpu.memref_slice %arg5[%dma_start3A_38, %dma_start3A_39] : memref<200000x16xi32, #tpu.memory_space<hbm>> -> memref<200000x16xi32, #tpu.memory_space<hbm>>
      tpu.enqueue_indirect_dma source(%dma_start3A_40 : memref<200000x16xi32, #tpu.memory_space<hbm>>) target(%dma_start3A_34 : memref<128x16xi32, #tpu.memory_space<vmem>>) offsets(%dma_start3A_37 : memref<128xi32, #tpu.memory_space<vmem>>) semaphore(%arg14 : memref<!tpu.dma_semaphore, #tpu.memory_space<semaphore_mem>>)
      %dma_start3A_41 = arith.constant 1 : i32
      %dma_start3A_42 = arith.constant 128 : i32
      %dma_start3A_43 = arith.constant 0 : i32
      %dma_start3A_44 = tpu.memref_slice %arg10[%dma_start3A_42, %dma_start3A_43] : memref<1152x16xi32, #tpu.memory_space<vmem>> -> memref<128x16xi32, #tpu.memory_space<vmem>>
      %dma_start3A_45 = arith.constant 0 : i32
      %dma_start3A_46 = tpu.memref_slice %arg8[%dma_start3A_41, %dma_start3A_45] : memref<9x128xi32, #tpu.memory_space<vmem>> -> memref<1x128xi32, #tpu.memory_space<vmem>>
      %dma_start3A_47 = tpu.memref_squeeze %dma_start3A_46 : memref<1x128xi32, #tpu.memory_space<vmem>> -> memref<128xi32, #tpu.memory_space<vmem>>
      %dma_start3A_48 = arith.constant 0 : i32
      %dma_start3A_49 = arith.constant 0 : i32
      %dma_start3A_50 = tpu.memref_slice %arg5[%dma_start3A_48, %dma_start3A_49] : memref<200000x16xi32, #tpu.memory_space<hbm>> -> memref<200000x16xi32, #tpu.memory_space<hbm>>
      tpu.enqueue_indirect_dma source(%dma_start3A_50 : memref<200000x16xi32, #tpu.memory_space<hbm>>) target(%dma_start3A_44 : memref<128x16xi32, #tpu.memory_space<vmem>>) offsets(%dma_start3A_47 : memref<128xi32, #tpu.memory_space<vmem>>) semaphore(%arg14 : memref<!tpu.dma_semaphore, #tpu.memory_space<semaphore_mem>>)
      %dma_start3A_51 = arith.constant 2 : i32
      %dma_start3A_52 = arith.constant 256 : i32
      %dma_start3A_53 = arith.constant 0 : i32
      %dma_start3A_54 = tpu.memref_slice %arg10[%dma_start3A_52, %dma_start3A_53] : memref<1152x16xi32, #tpu.memory_space<vmem>> -> memref<128x16xi32, #tpu.memory_space<vmem>>
      %dma_start3A_55 = arith.constant 0 : i32
      %dma_start3A_56 = tpu.memref_slice %arg8[%dma_start3A_51, %dma_start3A_55] : memref<9x128xi32, #tpu.memory_space<vmem>> -> memref<1x128xi32, #tpu.memory_space<vmem>>
      %dma_start3A_57 = tpu.memref_squeeze %dma_start3A_56 : memref<1x128xi32, #tpu.memory_space<vmem>> -> memref<128xi32, #tpu.memory_space<vmem>>
      %dma_start3A_58 = arith.constant 0 : i32
      %dma_start3A_59 = arith.constant 0 : i32
      %dma_start3A_60 = tpu.memref_slice %arg5[%dma_start3A_58, %dma_start3A_59] : memref<200000x16xi32, #tpu.memory_space<hbm>> -> memref<200000x16xi32, #tpu.memory_space<hbm>>
      tpu.enqueue_indirect_dma source(%dma_start3A_60 : memref<200000x16xi32, #tpu.memory_space<hbm>>) target(%dma_start3A_54 : memref<128x16xi32, #tpu.memory_space<vmem>>) offsets(%dma_start3A_57 : memref<128xi32, #tpu.memory_space<vmem>>) semaphore(%arg14 : memref<!tpu.dma_semaphore, #tpu.memory_space<semaphore_mem>>)
      %dma_start3A_61 = arith.constant 3 : i32
      %dma_start3A_62 = arith.constant 384 : i32
      %dma_start3A_63 = arith.constant 0 : i32
      %dma_start3A_64 = tpu.memref_slice %arg10[%dma_start3A_62, %dma_start3A_63] : memref<1152x16xi32, #tpu.memory_space<vmem>> -> memref<128x16xi32, #tpu.memory_space<vmem>>
      %dma_start3A_65 = arith.constant 0 : i32
      %dma_start3A_66 = tpu.memref_slice %arg8[%dma_start3A_61, %dma_start3A_65] : memref<9x128xi32, #tpu.memory_space<vmem>> -> memref<1x128xi32, #tpu.memory_space<vmem>>
      %dma_start3A_67 = tpu.memref_squeeze %dma_start3A_66 : memref<1x128xi32, #tpu.memory_space<vmem>> -> memref<128xi32, #tpu.memory_space<vmem>>
      %dma_start3A_68 = arith.constant 0 : i32
      %dma_start3A_69 = arith.constant 0 : i32
      %dma_start3A_70 = tpu.memref_slice %arg5[%dma_start3A_68, %dma_start3A_69] : memref<200000x16xi32, #tpu.memory_space<hbm>> -> memref<200000x16xi32, #tpu.memory_space<hbm>>
      tpu.enqueue_indirect_dma source(%dma_start3A_70 : memref<200000x16xi32, #tpu.memory_space<hbm>>) target(%dma_start3A_64 : memref<128x16xi32, #tpu.memory_space<vmem>>) offsets(%dma_start3A_67 : memref<128xi32, #tpu.memory_space<vmem>>) semaphore(%arg15 : memref<!tpu.dma_semaphore, #tpu.memory_space<semaphore_mem>>)
      %dma_start3A_71 = arith.constant 4 : i32
      %dma_start3A_72 = arith.constant 512 : i32
      %dma_start3A_73 = arith.constant 0 : i32
      %dma_start3A_74 = tpu.memref_slice %arg10[%dma_start3A_72, %dma_start3A_73] : memref<1152x16xi32, #tpu.memory_space<vmem>> -> memref<128x16xi32, #tpu.memory_space<vmem>>
      %dma_start3A_75 = arith.constant 0 : i32
      %dma_start3A_76 = tpu.memref_slice %arg8[%dma_start3A_71, %dma_start3A_75] : memref<9x128xi32, #tpu.memory_space<vmem>> -> memref<1x128xi32, #tpu.memory_space<vmem>>
      %dma_start3A_77 = tpu.memref_squeeze %dma_start3A_76 : memref<1x128xi32, #tpu.memory_space<vmem>> -> memref<128xi32, #tpu.memory_space<vmem>>
      %dma_start3A_78 = arith.constant 0 : i32
      %dma_start3A_79 = arith.constant 0 : i32
      %dma_start3A_80 = tpu.memref_slice %arg5[%dma_start3A_78, %dma_start3A_79] : memref<200000x16xi32, #tpu.memory_space<hbm>> -> memref<200000x16xi32, #tpu.memory_space<hbm>>
      tpu.enqueue_indirect_dma source(%dma_start3A_80 : memref<200000x16xi32, #tpu.memory_space<hbm>>) target(%dma_start3A_74 : memref<128x16xi32, #tpu.memory_space<vmem>>) offsets(%dma_start3A_77 : memref<128xi32, #tpu.memory_space<vmem>>) semaphore(%arg15 : memref<!tpu.dma_semaphore, #tpu.memory_space<semaphore_mem>>)
      %dma_start3A_81 = arith.constant 5 : i32
      %dma_start3A_82 = arith.constant 640 : i32
      %dma_start3A_83 = arith.constant 0 : i32
      %dma_start3A_84 = tpu.memref_slice %arg10[%dma_start3A_82, %dma_start3A_83] : memref<1152x16xi32, #tpu.memory_space<vmem>> -> memref<128x16xi32, #tpu.memory_space<vmem>>
      %dma_start3A_85 = arith.constant 0 : i32
      %dma_start3A_86 = tpu.memref_slice %arg8[%dma_start3A_81, %dma_start3A_85] : memref<9x128xi32, #tpu.memory_space<vmem>> -> memref<1x128xi32, #tpu.memory_space<vmem>>
      %dma_start3A_87 = tpu.memref_squeeze %dma_start3A_86 : memref<1x128xi32, #tpu.memory_space<vmem>> -> memref<128xi32, #tpu.memory_space<vmem>>
      %dma_start3A_88 = arith.constant 0 : i32
      %dma_start3A_89 = arith.constant 0 : i32
      %dma_start3A_90 = tpu.memref_slice %arg5[%dma_start3A_88, %dma_start3A_89] : memref<200000x16xi32, #tpu.memory_space<hbm>> -> memref<200000x16xi32, #tpu.memory_space<hbm>>
      tpu.enqueue_indirect_dma source(%dma_start3A_90 : memref<200000x16xi32, #tpu.memory_space<hbm>>) target(%dma_start3A_84 : memref<128x16xi32, #tpu.memory_space<vmem>>) offsets(%dma_start3A_87 : memref<128xi32, #tpu.memory_space<vmem>>) semaphore(%arg15 : memref<!tpu.dma_semaphore, #tpu.memory_space<semaphore_mem>>)
      %dma_start3A_91 = arith.constant 6 : i32
      %dma_start3A_92 = arith.constant 768 : i32
      %dma_start3A_93 = arith.constant 0 : i32
      %dma_start3A_94 = tpu.memref_slice %arg10[%dma_start3A_92, %dma_start3A_93] : memref<1152x16xi32, #tpu.memory_space<vmem>> -> memref<128x16xi32, #tpu.memory_space<vmem>>
      %dma_start3A_95 = arith.constant 0 : i32
      %dma_start3A_96 = tpu.memref_slice %arg8[%dma_start3A_91, %dma_start3A_95] : memref<9x128xi32, #tpu.memory_space<vmem>> -> memref<1x128xi32, #tpu.memory_space<vmem>>
      %dma_start3A_97 = tpu.memref_squeeze %dma_start3A_96 : memref<1x128xi32, #tpu.memory_space<vmem>> -> memref<128xi32, #tpu.memory_space<vmem>>
      %dma_start3A_98 = arith.constant 0 : i32
      %dma_start3A_99 = arith.constant 0 : i32
      %dma_start3A_100 = tpu.memref_slice %arg5[%dma_start3A_98, %dma_start3A_99] : memref<200000x16xi32, #tpu.memory_space<hbm>> -> memref<200000x16xi32, #tpu.memory_space<hbm>>
      tpu.enqueue_indirect_dma source(%dma_start3A_100 : memref<200000x16xi32, #tpu.memory_space<hbm>>) target(%dma_start3A_94 : memref<128x16xi32, #tpu.memory_space<vmem>>) offsets(%dma_start3A_97 : memref<128xi32, #tpu.memory_space<vmem>>) semaphore(%arg16 : memref<!tpu.dma_semaphore, #tpu.memory_space<semaphore_mem>>)
      %dma_start3A_101 = arith.constant 7 : i32
      %dma_start3A_102 = arith.constant 896 : i32
      %dma_start3A_103 = arith.constant 0 : i32
      %dma_start3A_104 = tpu.memref_slice %arg10[%dma_start3A_102, %dma_start3A_103] : memref<1152x16xi32, #tpu.memory_space<vmem>> -> memref<128x16xi32, #tpu.memory_space<vmem>>
      %dma_start3A_105 = arith.constant 0 : i32
      %dma_start3A_106 = tpu.memref_slice %arg8[%dma_start3A_101, %dma_start3A_105] : memref<9x128xi32, #tpu.memory_space<vmem>> -> memref<1x128xi32, #tpu.memory_space<vmem>>
      %dma_start3A_107 = tpu.memref_squeeze %dma_start3A_106 : memref<1x128xi32, #tpu.memory_space<vmem>> -> memref<128xi32, #tpu.memory_space<vmem>>
      %dma_start3A_108 = arith.constant 0 : i32
      %dma_start3A_109 = arith.constant 0 : i32
      %dma_start3A_110 = tpu.memref_slice %arg5[%dma_start3A_108, %dma_start3A_109] : memref<200000x16xi32, #tpu.memory_space<hbm>> -> memref<200000x16xi32, #tpu.memory_space<hbm>>
      tpu.enqueue_indirect_dma source(%dma_start3A_110 : memref<200000x16xi32, #tpu.memory_space<hbm>>) target(%dma_start3A_104 : memref<128x16xi32, #tpu.memory_space<vmem>>) offsets(%dma_start3A_107 : memref<128xi32, #tpu.memory_space<vmem>>) semaphore(%arg16 : memref<!tpu.dma_semaphore, #tpu.memory_space<semaphore_mem>>)
      %dma_start3A_111 = arith.constant 8 : i32
      %dma_start3A_112 = arith.constant 1024 : i32
      %dma_start3A_113 = arith.constant 0 : i32
      %dma_start3A_114 = tpu.memref_slice %arg10[%dma_start3A_112, %dma_start3A_113] : memref<1152x16xi32, #tpu.memory_space<vmem>> -> memref<128x16xi32, #tpu.memory_space<vmem>>
      %dma_start3A_115 = arith.constant 0 : i32
      %dma_start3A_116 = tpu.memref_slice %arg8[%dma_start3A_111, %dma_start3A_115] : memref<9x128xi32, #tpu.memory_space<vmem>> -> memref<1x128xi32, #tpu.memory_space<vmem>>
      %dma_start3A_117 = tpu.memref_squeeze %dma_start3A_116 : memref<1x128xi32, #tpu.memory_space<vmem>> -> memref<128xi32, #tpu.memory_space<vmem>>
      %dma_start3A_118 = arith.constant 0 : i32
      %dma_start3A_119 = arith.constant 0 : i32
      %dma_start3A_120 = tpu.memref_slice %arg5[%dma_start3A_118, %dma_start3A_119] : memref<200000x16xi32, #tpu.memory_space<hbm>> -> memref<200000x16xi32, #tpu.memory_space<hbm>>
      tpu.enqueue_indirect_dma source(%dma_start3A_120 : memref<200000x16xi32, #tpu.memory_space<hbm>>) target(%dma_start3A_114 : memref<128x16xi32, #tpu.memory_space<vmem>>) offsets(%dma_start3A_117 : memref<128xi32, #tpu.memory_space<vmem>>) semaphore(%arg16 : memref<!tpu.dma_semaphore, #tpu.memory_space<semaphore_mem>>)
      %dma_wait3A = arith.constant 0 : i32
      %dma_wait3A_121 = arith.constant 0 : i32
      %dma_wait3A_122 = arith.constant 0 : i32
      %dma_wait3A_123 = tpu.memref_slice %arg10[%dma_wait3A_121, %dma_wait3A_122] : memref<1152x16xi32, #tpu.memory_space<vmem>> -> memref<128x16xi32, #tpu.memory_space<vmem>>
      %dma_wait3A_124 = arith.constant 0 : i32
      %dma_wait3A_125 = tpu.memref_slice %arg8[%dma_wait3A, %dma_wait3A_124] : memref<9x128xi32, #tpu.memory_space<vmem>> -> memref<1x128xi32, #tpu.memory_space<vmem>>
      %dma_wait3A_126 = tpu.memref_squeeze %dma_wait3A_125 : memref<1x128xi32, #tpu.memory_space<vmem>> -> memref<128xi32, #tpu.memory_space<vmem>>
      %dma_wait3A_127 = arith.constant 0 : i32
      %dma_wait3A_128 = arith.constant 0 : i32
      %dma_wait3A_129 = tpu.memref_slice %arg5[%dma_wait3A_127, %dma_wait3A_128] : memref<200000x16xi32, #tpu.memory_space<hbm>> -> memref<200000x16xi32, #tpu.memory_space<hbm>>
      tpu.wait_indirect_dma semaphore(%arg14 : memref<!tpu.dma_semaphore, #tpu.memory_space<semaphore_mem>>) src(%dma_wait3A_129 : memref<200000x16xi32, #tpu.memory_space<hbm>>) dst(%dma_wait3A_123 : memref<128x16xi32, #tpu.memory_space<vmem>>)
      %dma_wait3A_130 = arith.constant 1 : i32
      %dma_wait3A_131 = arith.constant 128 : i32
      %dma_wait3A_132 = arith.constant 0 : i32
      %dma_wait3A_133 = tpu.memref_slice %arg10[%dma_wait3A_131, %dma_wait3A_132] : memref<1152x16xi32, #tpu.memory_space<vmem>> -> memref<128x16xi32, #tpu.memory_space<vmem>>
      %dma_wait3A_134 = arith.constant 0 : i32
      %dma_wait3A_135 = tpu.memref_slice %arg8[%dma_wait3A_130, %dma_wait3A_134] : memref<9x128xi32, #tpu.memory_space<vmem>> -> memref<1x128xi32, #tpu.memory_space<vmem>>
      %dma_wait3A_136 = tpu.memref_squeeze %dma_wait3A_135 : memref<1x128xi32, #tpu.memory_space<vmem>> -> memref<128xi32, #tpu.memory_space<vmem>>
      %dma_wait3A_137 = arith.constant 0 : i32
      %dma_wait3A_138 = arith.constant 0 : i32
      %dma_wait3A_139 = tpu.memref_slice %arg5[%dma_wait3A_137, %dma_wait3A_138] : memref<200000x16xi32, #tpu.memory_space<hbm>> -> memref<200000x16xi32, #tpu.memory_space<hbm>>
      tpu.wait_indirect_dma semaphore(%arg14 : memref<!tpu.dma_semaphore, #tpu.memory_space<semaphore_mem>>) src(%dma_wait3A_139 : memref<200000x16xi32, #tpu.memory_space<hbm>>) dst(%dma_wait3A_133 : memref<128x16xi32, #tpu.memory_space<vmem>>)
      %dma_wait3A_140 = arith.constant 2 : i32
      %dma_wait3A_141 = arith.constant 256 : i32
      %dma_wait3A_142 = arith.constant 0 : i32
      %dma_wait3A_143 = tpu.memref_slice %arg10[%dma_wait3A_141, %dma_wait3A_142] : memref<1152x16xi32, #tpu.memory_space<vmem>> -> memref<128x16xi32, #tpu.memory_space<vmem>>
      %dma_wait3A_144 = arith.constant 0 : i32
      %dma_wait3A_145 = tpu.memref_slice %arg8[%dma_wait3A_140, %dma_wait3A_144] : memref<9x128xi32, #tpu.memory_space<vmem>> -> memref<1x128xi32, #tpu.memory_space<vmem>>
      %dma_wait3A_146 = tpu.memref_squeeze %dma_wait3A_145 : memref<1x128xi32, #tpu.memory_space<vmem>> -> memref<128xi32, #tpu.memory_space<vmem>>
      %dma_wait3A_147 = arith.constant 0 : i32
      %dma_wait3A_148 = arith.constant 0 : i32
      %dma_wait3A_149 = tpu.memref_slice %arg5[%dma_wait3A_147, %dma_wait3A_148] : memref<200000x16xi32, #tpu.memory_space<hbm>> -> memref<200000x16xi32, #tpu.memory_space<hbm>>
      tpu.wait_indirect_dma semaphore(%arg14 : memref<!tpu.dma_semaphore, #tpu.memory_space<semaphore_mem>>) src(%dma_wait3A_149 : memref<200000x16xi32, #tpu.memory_space<hbm>>) dst(%dma_wait3A_143 : memref<128x16xi32, #tpu.memory_space<vmem>>)
      %scan3A_150 = arith.constant 0 : i32
      %scan3A_151 = arith.constant 72 : i32
      %scan3A_152 = arith.addi %scan3A_150, %scan3A_151 : i32
      %scan3A_153 = arith.constant 4 : i32
      scf.for %scan3A_780 = %scan3A_150 to %scan3A_152 step %scan3A_153  : i32 {
        %mul3A_781 = arith.constant 16 : i32
        %mul3A_782 = arith.muli %mul3A_781, %scan3A_780 : i32
        %iota3A = tpu.iota {dimensions = array<i32: 0>} : vector<16xi32>
        %add3A_783 = vector.broadcast %mul3A_782 : i32 to vector<16xi32>
        %add3A_784 = arith.addi %add3A_783, %iota3A : vector<16xi32>
        %jit3A_785 = arith.constant 3 : i32
        %div3A_786 = vector.broadcast %jit3A_785 : i32 to vector<16xi32>
        %div3A_787 = arith.divsi %add3A_784, %div3A_786 : vector<16xi32>
        %sign3A_788 = arith.constant 0 : i32
        %sign3A_789 = vector.broadcast %sign3A_788 : i32 to vector<16xi32>
        %sign3A_790 = arith.cmpi sgt, %add3A_784, %sign3A_789 : vector<16xi32>
        %sign3A_791 = arith.extui %sign3A_790 : vector<16xi1> to vector<16xi32>
        %sign3A_792 = arith.constant 0 : i32
        %sign3A_793 = vector.broadcast %sign3A_792 : i32 to vector<16xi32>
        %sign3A_794 = arith.cmpi slt, %add3A_784, %sign3A_793 : vector<16xi32>
        %sign3A_795 = arith.extui %sign3A_794 : vector<16xi1> to vector<16xi32>
        %sign3A_796 = arith.subi %sign3A_791, %sign3A_795 : vector<16xi32>
        %sign3A_797 = arith.constant 0 : i32
        %sign3A_798 = arith.cmpi sgt, %jit3A_785, %sign3A_797 : i32
        %sign3A_799 = arith.extui %sign3A_798 : i1 to i32
        %sign3A_800 = arith.constant 0 : i32
        %sign3A_801 = arith.cmpi slt, %jit3A_785, %sign3A_800 : i32
        %sign3A_802 = arith.extui %sign3A_801 : i1 to i32
        %sign3A_803 = arith.subi %sign3A_799, %sign3A_802 : i32
        %ne3A_804 = vector.broadcast %sign3A_803 : i32 to vector<16xi32>
        %ne3A_805 = arith.cmpi ne, %sign3A_796, %ne3A_804 : vector<16xi32>
        %rem3A_806 = vector.broadcast %jit3A_785 : i32 to vector<16xi32>
        %rem3A_807 = arith.remsi %add3A_784, %rem3A_806 : vector<16xi32>
        %ne3A_808 = arith.constant 0 : i32
        %ne3A_809 = vector.broadcast %ne3A_808 : i32 to vector<16xi32>
        %ne3A_810 = arith.cmpi ne, %rem3A_807, %ne3A_809 : vector<16xi32>
        %and3A_811 = arith.andi %ne3A_805, %ne3A_810 : vector<16xi1>
        %sub3A_812 = arith.constant 1 : i32
        %sub3A_813 = vector.broadcast %sub3A_812 : i32 to vector<16xi32>
        %sub3A_814 = arith.subi %div3A_787, %sub3A_813 : vector<16xi32>
        %select_n3A_815 = arith.select %and3A_811, %sub3A_814, %div3A_787 : vector<16xi1>, vector<16xi32>
        %jit3A_816 = arith.constant 3 : i32
        %eq3A = arith.constant 0 : i32
        %eq3A_817 = arith.cmpi eq, %jit3A_816, %eq3A : i32
        %jit3A_818 = arith.constant 1 : i32
        %select_n3A_819 = arith.select %eq3A_817, %jit3A_818, %jit3A_816 : i32
        %rem3A_820 = vector.broadcast %select_n3A_819 : i32 to vector<16xi32>
        %rem3A_821 = arith.remsi %add3A_784, %rem3A_820 : vector<16xi32>
        %ne3A_822 = arith.constant 0 : i32
        %ne3A_823 = vector.broadcast %ne3A_822 : i32 to vector<16xi32>
        %ne3A_824 = arith.cmpi ne, %rem3A_821, %ne3A_823 : vector<16xi32>
        %lt3A = arith.constant 0 : i32
        %lt3A_825 = vector.broadcast %lt3A : i32 to vector<16xi32>
        %lt3A_826 = arith.cmpi slt, %rem3A_821, %lt3A_825 : vector<16xi32>
        %lt3A_827 = arith.constant 0 : i32
        %lt3A_828 = arith.cmpi slt, %select_n3A_819, %lt3A_827 : i32
        %ne3A_829 = vector.broadcast %lt3A_828 : i1 to vector<16xi1>
        %ne3A_830 = vector.broadcast %ne3A_829 : vector<16xi1> to vector<16xi1>
        %ne3A_831 = arith.xori %lt3A_826, %ne3A_830 : vector<16xi1>
        %and3A_832 = arith.andi %ne3A_831, %ne3A_824 : vector<16xi1>
        %add3A_833 = vector.broadcast %select_n3A_819 : i32 to vector<16xi32>
        %add3A_834 = arith.addi %rem3A_821, %add3A_833 : vector<16xi32>
        %select_n3A_835 = arith.select %and3A_832, %add3A_834, %rem3A_821 : vector<16xi1>, vector<16xi32>
        %gather3A = tpu.vector_load_idx %arg10[%select_n3A_815, %select_n3A_835] : memref<1152x16xi32, #tpu.memory_space<vmem>>[vector<16xi32>, vector<16xi32>], vector<16xi32>,
        %jit3A_836 = arith.constant 8 : i32
        %div3A_837 = arith.divsi %scan3A_780, %jit3A_836 : i32
        %sign3A_838 = arith.constant 0 : i32
        %sign3A_839 = arith.cmpi sgt, %scan3A_780, %sign3A_838 : i32
        %sign3A_840 = arith.extui %sign3A_839 : i1 to i32
        %sign3A_841 = arith.constant 0 : i32
        %sign3A_842 = arith.cmpi slt, %scan3A_780, %sign3A_841 : i32
        %sign3A_843 = arith.extui %sign3A_842 : i1 to i32
        %sign3A_844 = arith.subi %sign3A_840, %sign3A_843 : i32
        %sign3A_845 = arith.constant 0 : i32
        %sign3A_846 = arith.cmpi sgt, %jit3A_836, %sign3A_845 : i32
        %sign3A_847 = arith.extui %sign3A_846 : i1 to i32
        %sign3A_848 = arith.constant 0 : i32
        %sign3A_849 = arith.cmpi slt, %jit3A_836, %sign3A_848 : i32
        %sign3A_850 = arith.extui %sign3A_849 : i1 to i32
        %sign3A_851 = arith.subi %sign3A_847, %sign3A_850 : i32
        %ne3A_852 = arith.cmpi ne, %sign3A_844, %sign3A_851 : i32
        %rem3A_853 = arith.remsi %scan3A_780, %jit3A_836 : i32
        %ne3A_854 = arith.constant 0 : i32
        %ne3A_855 = arith.cmpi ne, %rem3A_853, %ne3A_854 : i32
        %and3A_856 = arith.andi %ne3A_852, %ne3A_855 : i1
        %sub3A_857 = arith.constant 1 : i32
        %sub3A_858 = arith.subi %div3A_837, %sub3A_857 : i32
        %select_n3A_859 = arith.select %and3A_856, %sub3A_858, %div3A_837 : i32
        %jit3A_860 = arith.constant 8 : i32
        %eq3A_861 = arith.constant 0 : i32
        %eq3A_862 = arith.cmpi eq, %jit3A_860, %eq3A_861 : i32
        %jit3A_863 = arith.constant 1 : i32
        %select_n3A_864 = arith.select %eq3A_862, %jit3A_863, %jit3A_860 : i32
        %rem3A_865 = arith.remsi %scan3A_780, %select_n3A_864 : i32
        %ne3A_866 = arith.constant 0 : i32
        %ne3A_867 = arith.cmpi ne, %rem3A_865, %ne3A_866 : i32
        %lt3A_868 = arith.constant 0 : i32
        %lt3A_869 = arith.cmpi slt, %rem3A_865, %lt3A_868 : i32
        %lt3A_870 = arith.constant 0 : i32
        %lt3A_871 = arith.cmpi slt, %select_n3A_864, %lt3A_870 : i32
        %ne3A_872 = arith.xori %lt3A_869, %lt3A_871 : i1
        %and3A_873 = arith.andi %ne3A_872, %ne3A_867 : i1
        %add3A_874 = arith.addi %rem3A_865, %select_n3A_864 : i32
        %select_n3A_875 = arith.select %and3A_873, %add3A_874, %rem3A_865 : i32
        %mul3A_876 = arith.constant 16 : i32
        %mul3A_877 = arith.muli %select_n3A_875, %mul3A_876 : i32
        %swap3A = arith.index_cast %select_n3A_859 : i32 to index
        %swap3A_878 = arith.index_cast %mul3A_877 : i32 to index
        %swap3A_879 = tpu.vector_load %arg11[%swap3A, %swap3A_878] {strides = array<i32>} : memref<27x128xi32, #tpu.memory_space<vmem>>, vector<16xi32>,
        tpu.vector_store %arg11[%swap3A, %swap3A_878], %gather3A {strides = array<i32>} : memref<27x128xi32, #tpu.memory_space<vmem>>, vector<16xi32>,
        %scan3A_880 = arith.constant 1 : i32
        %scan3A_881 = arith.addi %scan3A_780, %scan3A_880 : i32
        %mul3A_882 = arith.constant 16 : i32
        %mul3A_883 = arith.muli %mul3A_882, %scan3A_881 : i32
        %iota3A_884 = tpu.iota {dimensions = array<i32: 0>} : vector<16xi32>
        %add3A_885 = vector.broadcast %mul3A_883 : i32 to vector<16xi32>
        %add3A_886 = arith.addi %add3A_885, %iota3A_884 : vector<16xi32>
        %jit3A_887 = arith.constant 3 : i32
        %div3A_888 = vector.broadcast %jit3A_887 : i32 to vector<16xi32>
        %div3A_889 = arith.divsi %add3A_886, %div3A_888 : vector<16xi32>
        %sign3A_890 = arith.constant 0 : i32
        %sign3A_891 = vector.broadcast %sign3A_890 : i32 to vector<16xi32>
        %sign3A_892 = arith.cmpi sgt, %add3A_886, %sign3A_891 : vector<16xi32>
        %sign3A_893 = arith.extui %sign3A_892 : vector<16xi1> to vector<16xi32>
        %sign3A_894 = arith.constant 0 : i32
        %sign3A_895 = vector.broadcast %sign3A_894 : i32 to vector<16xi32>
        %sign3A_896 = arith.cmpi slt, %add3A_886, %sign3A_895 : vector<16xi32>
        %sign3A_897 = arith.extui %sign3A_896 : vector<16xi1> to vector<16xi32>
        %sign3A_898 = arith.subi %sign3A_893, %sign3A_897 : vector<16xi32>
        %sign3A_899 = arith.constant 0 : i32
        %sign3A_900 = arith.cmpi sgt, %jit3A_887, %sign3A_899 : i32
        %sign3A_901 = arith.extui %sign3A_900 : i1 to i32
        %sign3A_902 = arith.constant 0 : i32
        %sign3A_903 = arith.cmpi slt, %jit3A_887, %sign3A_902 : i32
        %sign3A_904 = arith.extui %sign3A_903 : i1 to i32
        %sign3A_905 = arith.subi %sign3A_901, %sign3A_904 : i32
        %ne3A_906 = vector.broadcast %sign3A_905 : i32 to vector<16xi32>
        %ne3A_907 = arith.cmpi ne, %sign3A_898, %ne3A_906 : vector<16xi32>
        %rem3A_908 = vector.broadcast %jit3A_887 : i32 to vector<16xi32>
        %rem3A_909 = arith.remsi %add3A_886, %rem3A_908 : vector<16xi32>
        %ne3A_910 = arith.constant 0 : i32
        %ne3A_911 = vector.broadcast %ne3A_910 : i32 to vector<16xi32>
        %ne3A_912 = arith.cmpi ne, %rem3A_909, %ne3A_911 : vector<16xi32>
        %and3A_913 = arith.andi %ne3A_907, %ne3A_912 : vector<16xi1>
        %sub3A_914 = arith.constant 1 : i32
        %sub3A_915 = vector.broadcast %sub3A_914 : i32 to vector<16xi32>
        %sub3A_916 = arith.subi %div3A_889, %sub3A_915 : vector<16xi32>
        %select_n3A_917 = arith.select %and3A_913, %sub3A_916, %div3A_889 : vector<16xi1>, vector<16xi32>
        %jit3A_918 = arith.constant 3 : i32
        %eq3A_919 = arith.constant 0 : i32
        %eq3A_920 = arith.cmpi eq, %jit3A_918, %eq3A_919 : i32
        %jit3A_921 = arith.constant 1 : i32
        %select_n3A_922 = arith.select %eq3A_920, %jit3A_921, %jit3A_918 : i32
        %rem3A_923 = vector.broadcast %select_n3A_922 : i32 to vector<16xi32>
        %rem3A_924 = arith.remsi %add3A_886, %rem3A_923 : vector<16xi32>
        %ne3A_925 = arith.constant 0 : i32
        %ne3A_926 = vector.broadcast %ne3A_925 : i32 to vector<16xi32>
        %ne3A_927 = arith.cmpi ne, %rem3A_924, %ne3A_926 : vector<16xi32>
        %lt3A_928 = arith.constant 0 : i32
        %lt3A_929 = vector.broadcast %lt3A_928 : i32 to vector<16xi32>
        %lt3A_930 = arith.cmpi slt, %rem3A_924, %lt3A_929 : vector<16xi32>
        %lt3A_931 = arith.constant 0 : i32
        %lt3A_932 = arith.cmpi slt, %select_n3A_922, %lt3A_931 : i32
        %ne3A_933 = vector.broadcast %lt3A_932 : i1 to vector<16xi1>
        %ne3A_934 = vector.broadcast %ne3A_933 : vector<16xi1> to vector<16xi1>
        %ne3A_935 = arith.xori %lt3A_930, %ne3A_934 : vector<16xi1>
        %and3A_936 = arith.andi %ne3A_935, %ne3A_927 : vector<16xi1>
        %add3A_937 = vector.broadcast %select_n3A_922 : i32 to vector<16xi32>
        %add3A_938 = arith.addi %rem3A_924, %add3A_937 : vector<16xi32>
        %select_n3A_939 = arith.select %and3A_936, %add3A_938, %rem3A_924 : vector<16xi1>, vector<16xi32>
        %gather3A_940 = tpu.vector_load_idx %arg10[%select_n3A_917, %select_n3A_939] : memref<1152x16xi32, #tpu.memory_space<vmem>>[vector<16xi32>, vector<16xi32>], vector<16xi32>,
        %jit3A_941 = arith.constant 8 : i32
        %div3A_942 = arith.divsi %scan3A_881, %jit3A_941 : i32
        %sign3A_943 = arith.constant 0 : i32
        %sign3A_944 = arith.cmpi sgt, %scan3A_881, %sign3A_943 : i32
        %sign3A_945 = arith.extui %sign3A_944 : i1 to i32
        %sign3A_946 = arith.constant 0 : i32
        %sign3A_947 = arith.cmpi slt, %scan3A_881, %sign3A_946 : i32
        %sign3A_948 = arith.extui %sign3A_947 : i1 to i32
        %sign3A_949 = arith.subi %sign3A_945, %sign3A_948 : i32
        %sign3A_950 = arith.constant 0 : i32
        %sign3A_951 = arith.cmpi sgt, %jit3A_941, %sign3A_950 : i32
        %sign3A_952 = arith.extui %sign3A_951 : i1 to i32
        %sign3A_953 = arith.constant 0 : i32
        %sign3A_954 = arith.cmpi slt, %jit3A_941, %sign3A_953 : i32
        %sign3A_955 = arith.extui %sign3A_954 : i1 to i32
        %sign3A_956 = arith.subi %sign3A_952, %sign3A_955 : i32
        %ne3A_957 = arith.cmpi ne, %sign3A_949, %sign3A_956 : i32
        %rem3A_958 = arith.remsi %scan3A_881, %jit3A_941 : i32
        %ne3A_959 = arith.constant 0 : i32
        %ne3A_960 = arith.cmpi ne, %rem3A_958, %ne3A_959 : i32
        %and3A_961 = arith.andi %ne3A_957, %ne3A_960 : i1
        %sub3A_962 = arith.constant 1 : i32
        %sub3A_963 = arith.subi %div3A_942, %sub3A_962 : i32
        %select_n3A_964 = arith.select %and3A_961, %sub3A_963, %div3A_942 : i32
        %jit3A_965 = arith.constant 8 : i32
        %eq3A_966 = arith.constant 0 : i32
        %eq3A_967 = arith.cmpi eq, %jit3A_965, %eq3A_966 : i32
        %jit3A_968 = arith.constant 1 : i32
        %select_n3A_969 = arith.select %eq3A_967, %jit3A_968, %jit3A_965 : i32
        %rem3A_970 = arith.remsi %scan3A_881, %select_n3A_969 : i32
        %ne3A_971 = arith.constant 0 : i32
        %ne3A_972 = arith.cmpi ne, %rem3A_970, %ne3A_971 : i32
        %lt3A_973 = arith.constant 0 : i32
        %lt3A_974 = arith.cmpi slt, %rem3A_970, %lt3A_973 : i32
        %lt3A_975 = arith.constant 0 : i32
        %lt3A_976 = arith.cmpi slt, %select_n3A_969, %lt3A_975 : i32
        %ne3A_977 = arith.xori %lt3A_974, %lt3A_976 : i1
        %and3A_978 = arith.andi %ne3A_977, %ne3A_972 : i1
        %add3A_979 = arith.addi %rem3A_970, %select_n3A_969 : i32
        %select_n3A_980 = arith.select %and3A_978, %add3A_979, %rem3A_970 : i32
        %mul3A_981 = arith.constant 16 : i32
        %mul3A_982 = arith.muli %select_n3A_980, %mul3A_981 : i32
        %swap3A_983 = arith.index_cast %select_n3A_964 : i32 to index
        %swap3A_984 = arith.index_cast %mul3A_982 : i32 to index
        %swap3A_985 = tpu.vector_load %arg11[%swap3A_983, %swap3A_984] {strides = array<i32>} : memref<27x128xi32, #tpu.memory_space<vmem>>, vector<16xi32>,
        tpu.vector_store %arg11[%swap3A_983, %swap3A_984], %gather3A_940 {strides = array<i32>} : memref<27x128xi32, #tpu.memory_space<vmem>>, vector<16xi32>,
        %scan3A_986 = arith.constant 2 : i32
        %scan3A_987 = arith.addi %scan3A_780, %scan3A_986 : i32
        %mul3A_988 = arith.constant 16 : i32
        %mul3A_989 = arith.muli %mul3A_988, %scan3A_987 : i32
        %iota3A_990 = tpu.iota {dimensions = array<i32: 0>} : vector<16xi32>
        %add3A_991 = vector.broadcast %mul3A_989 : i32 to vector<16xi32>
        %add3A_992 = arith.addi %add3A_991, %iota3A_990 : vector<16xi32>
        %jit3A_993 = arith.constant 3 : i32
        %div3A_994 = vector.broadcast %jit3A_993 : i32 to vector<16xi32>
        %div3A_995 = arith.divsi %add3A_992, %div3A_994 : vector<16xi32>
        %sign3A_996 = arith.constant 0 : i32
        %sign3A_997 = vector.broadcast %sign3A_996 : i32 to vector<16xi32>
        %sign3A_998 = arith.cmpi sgt, %add3A_992, %sign3A_997 : vector<16xi32>
        %sign3A_999 = arith.extui %sign3A_998 : vector<16xi1> to vector<16xi32>
        %sign3A_1000 = arith.constant 0 : i32
        %sign3A_1001 = vector.broadcast %sign3A_1000 : i32 to vector<16xi32>
        %sign3A_1002 = arith.cmpi slt, %add3A_992, %sign3A_1001 : vector<16xi32>
        %sign3A_1003 = arith.extui %sign3A_1002 : vector<16xi1> to vector<16xi32>
        %sign3A_1004 = arith.subi %sign3A_999, %sign3A_1003 : vector<16xi32>
        %sign3A_1005 = arith.constant 0 : i32
        %sign3A_1006 = arith.cmpi sgt, %jit3A_993, %sign3A_1005 : i32
        %sign3A_1007 = arith.extui %sign3A_1006 : i1 to i32
        %sign3A_1008 = arith.constant 0 : i32
        %sign3A_1009 = arith.cmpi slt, %jit3A_993, %sign3A_1008 : i32
        %sign3A_1010 = arith.extui %sign3A_1009 : i1 to i32
        %sign3A_1011 = arith.subi %sign3A_1007, %sign3A_1010 : i32
        %ne3A_1012 = vector.broadcast %sign3A_1011 : i32 to vector<16xi32>
        %ne3A_1013 = arith.cmpi ne, %sign3A_1004, %ne3A_1012 : vector<16xi32>
        %rem3A_1014 = vector.broadcast %jit3A_993 : i32 to vector<16xi32>
        %rem3A_1015 = arith.remsi %add3A_992, %rem3A_1014 : vector<16xi32>
        %ne3A_1016 = arith.constant 0 : i32
        %ne3A_1017 = vector.broadcast %ne3A_1016 : i32 to vector<16xi32>
        %ne3A_1018 = arith.cmpi ne, %rem3A_1015, %ne3A_1017 : vector<16xi32>
        %and3A_1019 = arith.andi %ne3A_1013, %ne3A_1018 : vector<16xi1>
        %sub3A_1020 = arith.constant 1 : i32
        %sub3A_1021 = vector.broadcast %sub3A_1020 : i32 to vector<16xi32>
        %sub3A_1022 = arith.subi %div3A_995, %sub3A_1021 : vector<16xi32>
        %select_n3A_1023 = arith.select %and3A_1019, %sub3A_1022, %div3A_995 : vector<16xi1>, vector<16xi32>
        %jit3A_1024 = arith.constant 3 : i32
        %eq3A_1025 = arith.constant 0 : i32
        %eq3A_1026 = arith.cmpi eq, %jit3A_1024, %eq3A_1025 : i32
        %jit3A_1027 = arith.constant 1 : i32
        %select_n3A_1028 = arith.select %eq3A_1026, %jit3A_1027, %jit3A_1024 : i32
        %rem3A_1029 = vector.broadcast %select_n3A_1028 : i32 to vector<16xi32>
        %rem3A_1030 = arith.remsi %add3A_992, %rem3A_1029 : vector<16xi32>
        %ne3A_1031 = arith.constant 0 : i32
        %ne3A_1032 = vector.broadcast %ne3A_1031 : i32 to vector<16xi32>
        %ne3A_1033 = arith.cmpi ne, %rem3A_1030, %ne3A_1032 : vector<16xi32>
        %lt3A_1034 = arith.constant 0 : i32
        %lt3A_1035 = vector.broadcast %lt3A_1034 : i32 to vector<16xi32>
        %lt3A_1036 = arith.cmpi slt, %rem3A_1030, %lt3A_1035 : vector<16xi32>
        %lt3A_1037 = arith.constant 0 : i32
        %lt3A_1038 = arith.cmpi slt, %select_n3A_1028, %lt3A_1037 : i32
        %ne3A_1039 = vector.broadcast %lt3A_1038 : i1 to vector<16xi1>
        %ne3A_1040 = vector.broadcast %ne3A_1039 : vector<16xi1> to vector<16xi1>
        %ne3A_1041 = arith.xori %lt3A_1036, %ne3A_1040 : vector<16xi1>
        %and3A_1042 = arith.andi %ne3A_1041, %ne3A_1033 : vector<16xi1>
        %add3A_1043 = vector.broadcast %select_n3A_1028 : i32 to vector<16xi32>
        %add3A_1044 = arith.addi %rem3A_1030, %add3A_1043 : vector<16xi32>
        %select_n3A_1045 = arith.select %and3A_1042, %add3A_1044, %rem3A_1030 : vector<16xi1>, vector<16xi32>
        %gather3A_1046 = tpu.vector_load_idx %arg10[%select_n3A_1023, %select_n3A_1045] : memref<1152x16xi32, #tpu.memory_space<vmem>>[vector<16xi32>, vector<16xi32>], vector<16xi32>,
        %jit3A_1047 = arith.constant 8 : i32
        %div3A_1048 = arith.divsi %scan3A_987, %jit3A_1047 : i32
        %sign3A_1049 = arith.constant 0 : i32
        %sign3A_1050 = arith.cmpi sgt, %scan3A_987, %sign3A_1049 : i32
        %sign3A_1051 = arith.extui %sign3A_1050 : i1 to i32
        %sign3A_1052 = arith.constant 0 : i32
        %sign3A_1053 = arith.cmpi slt, %scan3A_987, %sign3A_1052 : i32
        %sign3A_1054 = arith.extui %sign3A_1053 : i1 to i32
        %sign3A_1055 = arith.subi %sign3A_1051, %sign3A_1054 : i32
        %sign3A_1056 = arith.constant 0 : i32
        %sign3A_1057 = arith.cmpi sgt, %jit3A_1047, %sign3A_1056 : i32
        %sign3A_1058 = arith.extui %sign3A_1057 : i1 to i32
        %sign3A_1059 = arith.constant 0 : i32
        %sign3A_1060 = arith.cmpi slt, %jit3A_1047, %sign3A_1059 : i32
        %sign3A_1061 = arith.extui %sign3A_1060 : i1 to i32
        %sign3A_1062 = arith.subi %sign3A_1058, %sign3A_1061 : i32
        %ne3A_1063 = arith.cmpi ne, %sign3A_1055, %sign3A_1062 : i32
        %rem3A_1064 = arith.remsi %scan3A_987, %jit3A_1047 : i32
        %ne3A_1065 = arith.constant 0 : i32
        %ne3A_1066 = arith.cmpi ne, %rem3A_1064, %ne3A_1065 : i32
        %and3A_1067 = arith.andi %ne3A_1063, %ne3A_1066 : i1
        %sub3A_1068 = arith.constant 1 : i32
        %sub3A_1069 = arith.subi %div3A_1048, %sub3A_1068 : i32
        %select_n3A_1070 = arith.select %and3A_1067, %sub3A_1069, %div3A_1048 : i32
        %jit3A_1071 = arith.constant 8 : i32
        %eq3A_1072 = arith.constant 0 : i32
        %eq3A_1073 = arith.cmpi eq, %jit3A_1071, %eq3A_1072 : i32
        %jit3A_1074 = arith.constant 1 : i32
        %select_n3A_1075 = arith.select %eq3A_1073, %jit3A_1074, %jit3A_1071 : i32
        %rem3A_1076 = arith.remsi %scan3A_987, %select_n3A_1075 : i32
        %ne3A_1077 = arith.constant 0 : i32
        %ne3A_1078 = arith.cmpi ne, %rem3A_1076, %ne3A_1077 : i32
        %lt3A_1079 = arith.constant 0 : i32
        %lt3A_1080 = arith.cmpi slt, %rem3A_1076, %lt3A_1079 : i32
        %lt3A_1081 = arith.constant 0 : i32
        %lt3A_1082 = arith.cmpi slt, %select_n3A_1075, %lt3A_1081 : i32
        %ne3A_1083 = arith.xori %lt3A_1080, %lt3A_1082 : i1
        %and3A_1084 = arith.andi %ne3A_1083, %ne3A_1078 : i1
        %add3A_1085 = arith.addi %rem3A_1076, %select_n3A_1075 : i32
        %select_n3A_1086 = arith.select %and3A_1084, %add3A_1085, %rem3A_1076 : i32
        %mul3A_1087 = arith.constant 16 : i32
        %mul3A_1088 = arith.muli %select_n3A_1086, %mul3A_1087 : i32
        %swap3A_1089 = arith.index_cast %select_n3A_1070 : i32 to index
        %swap3A_1090 = arith.index_cast %mul3A_1088 : i32 to index
        %swap3A_1091 = tpu.vector_load %arg11[%swap3A_1089, %swap3A_1090] {strides = array<i32>} : memref<27x128xi32, #tpu.memory_space<vmem>>, vector<16xi32>,
        tpu.vector_store %arg11[%swap3A_1089, %swap3A_1090], %gather3A_1046 {strides = array<i32>} : memref<27x128xi32, #tpu.memory_space<vmem>>, vector<16xi32>,
        %scan3A_1092 = arith.constant 3 : i32
        %scan3A_1093 = arith.addi %scan3A_780, %scan3A_1092 : i32
        %mul3A_1094 = arith.constant 16 : i32
        %mul3A_1095 = arith.muli %mul3A_1094, %scan3A_1093 : i32
        %iota3A_1096 = tpu.iota {dimensions = array<i32: 0>} : vector<16xi32>
        %add3A_1097 = vector.broadcast %mul3A_1095 : i32 to vector<16xi32>
        %add3A_1098 = arith.addi %add3A_1097, %iota3A_1096 : vector<16xi32>
        %jit3A_1099 = arith.constant 3 : i32
        %div3A_1100 = vector.broadcast %jit3A_1099 : i32 to vector<16xi32>
        %div3A_1101 = arith.divsi %add3A_1098, %div3A_1100 : vector<16xi32>
        %sign3A_1102 = arith.constant 0 : i32
        %sign3A_1103 = vector.broadcast %sign3A_1102 : i32 to vector<16xi32>
        %sign3A_1104 = arith.cmpi sgt, %add3A_1098, %sign3A_1103 : vector<16xi32>
        %sign3A_1105 = arith.extui %sign3A_1104 : vector<16xi1> to vector<16xi32>
        %sign3A_1106 = arith.constant 0 : i32
        %sign3A_1107 = vector.broadcast %sign3A_1106 : i32 to vector<16xi32>
        %sign3A_1108 = arith.cmpi slt, %add3A_1098, %sign3A_1107 : vector<16xi32>
        %sign3A_1109 = arith.extui %sign3A_1108 : vector<16xi1> to vector<16xi32>
        %sign3A_1110 = arith.subi %sign3A_1105, %sign3A_1109 : vector<16xi32>
        %sign3A_1111 = arith.constant 0 : i32
        %sign3A_1112 = arith.cmpi sgt, %jit3A_1099, %sign3A_1111 : i32
        %sign3A_1113 = arith.extui %sign3A_1112 : i1 to i32
        %sign3A_1114 = arith.constant 0 : i32
        %sign3A_1115 = arith.cmpi slt, %jit3A_1099, %sign3A_1114 : i32
        %sign3A_1116 = arith.extui %sign3A_1115 : i1 to i32
        %sign3A_1117 = arith.subi %sign3A_1113, %sign3A_1116 : i32
        %ne3A_1118 = vector.broadcast %sign3A_1117 : i32 to vector<16xi32>
        %ne3A_1119 = arith.cmpi ne, %sign3A_1110, %ne3A_1118 : vector<16xi32>
        %rem3A_1120 = vector.broadcast %jit3A_1099 : i32 to vector<16xi32>
        %rem3A_1121 = arith.remsi %add3A_1098, %rem3A_1120 : vector<16xi32>
        %ne3A_1122 = arith.constant 0 : i32
        %ne3A_1123 = vector.broadcast %ne3A_1122 : i32 to vector<16xi32>
        %ne3A_1124 = arith.cmpi ne, %rem3A_1121, %ne3A_1123 : vector<16xi32>
        %and3A_1125 = arith.andi %ne3A_1119, %ne3A_1124 : vector<16xi1>
        %sub3A_1126 = arith.constant 1 : i32
        %sub3A_1127 = vector.broadcast %sub3A_1126 : i32 to vector<16xi32>
        %sub3A_1128 = arith.subi %div3A_1101, %sub3A_1127 : vector<16xi32>
        %select_n3A_1129 = arith.select %and3A_1125, %sub3A_1128, %div3A_1101 : vector<16xi1>, vector<16xi32>
        %jit3A_1130 = arith.constant 3 : i32
        %eq3A_1131 = arith.constant 0 : i32
        %eq3A_1132 = arith.cmpi eq, %jit3A_1130, %eq3A_1131 : i32
        %jit3A_1133 = arith.constant 1 : i32
        %select_n3A_1134 = arith.select %eq3A_1132, %jit3A_1133, %jit3A_1130 : i32
        %rem3A_1135 = vector.broadcast %select_n3A_1134 : i32 to vector<16xi32>
        %rem3A_1136 = arith.remsi %add3A_1098, %rem3A_1135 : vector<16xi32>
        %ne3A_1137 = arith.constant 0 : i32
        %ne3A_1138 = vector.broadcast %ne3A_1137 : i32 to vector<16xi32>
        %ne3A_1139 = arith.cmpi ne, %rem3A_1136, %ne3A_1138 : vector<16xi32>
        %lt3A_1140 = arith.constant 0 : i32
        %lt3A_1141 = vector.broadcast %lt3A_1140 : i32 to vector<16xi32>
        %lt3A_1142 = arith.cmpi slt, %rem3A_1136, %lt3A_1141 : vector<16xi32>
        %lt3A_1143 = arith.constant 0 : i32
        %lt3A_1144 = arith.cmpi slt, %select_n3A_1134, %lt3A_1143 : i32
        %ne3A_1145 = vector.broadcast %lt3A_1144 : i1 to vector<16xi1>
        %ne3A_1146 = vector.broadcast %ne3A_1145 : vector<16xi1> to vector<16xi1>
        %ne3A_1147 = arith.xori %lt3A_1142, %ne3A_1146 : vector<16xi1>
        %and3A_1148 = arith.andi %ne3A_1147, %ne3A_1139 : vector<16xi1>
        %add3A_1149 = vector.broadcast %select_n3A_1134 : i32 to vector<16xi32>
        %add3A_1150 = arith.addi %rem3A_1136, %add3A_1149 : vector<16xi32>
        %select_n3A_1151 = arith.select %and3A_1148, %add3A_1150, %rem3A_1136 : vector<16xi1>, vector<16xi32>
        %gather3A_1152 = tpu.vector_load_idx %arg10[%select_n3A_1129, %select_n3A_1151] : memref<1152x16xi32, #tpu.memory_space<vmem>>[vector<16xi32>, vector<16xi32>], vector<16xi32>,
        %jit3A_1153 = arith.constant 8 : i32
        %div3A_1154 = arith.divsi %scan3A_1093, %jit3A_1153 : i32
        %sign3A_1155 = arith.constant 0 : i32
        %sign3A_1156 = arith.cmpi sgt, %scan3A_1093, %sign3A_1155 : i32
        %sign3A_1157 = arith.extui %sign3A_1156 : i1 to i32
        %sign3A_1158 = arith.constant 0 : i32
        %sign3A_1159 = arith.cmpi slt, %scan3A_1093, %sign3A_1158 : i32
        %sign3A_1160 = arith.extui %sign3A_1159 : i1 to i32
        %sign3A_1161 = arith.subi %sign3A_1157, %sign3A_1160 : i32
        %sign3A_1162 = arith.constant 0 : i32
        %sign3A_1163 = arith.cmpi sgt, %jit3A_1153, %sign3A_1162 : i32
        %sign3A_1164 = arith.extui %sign3A_1163 : i1 to i32
        %sign3A_1165 = arith.constant 0 : i32
        %sign3A_1166 = arith.cmpi slt, %jit3A_1153, %sign3A_1165 : i32
        %sign3A_1167 = arith.extui %sign3A_1166 : i1 to i32
        %sign3A_1168 = arith.subi %sign3A_1164, %sign3A_1167 : i32
        %ne3A_1169 = arith.cmpi ne, %sign3A_1161, %sign3A_1168 : i32
        %rem3A_1170 = arith.remsi %scan3A_1093, %jit3A_1153 : i32
        %ne3A_1171 = arith.constant 0 : i32
        %ne3A_1172 = arith.cmpi ne, %rem3A_1170, %ne3A_1171 : i32
        %and3A_1173 = arith.andi %ne3A_1169, %ne3A_1172 : i1
        %sub3A_1174 = arith.constant 1 : i32
        %sub3A_1175 = arith.subi %div3A_1154, %sub3A_1174 : i32
        %select_n3A_1176 = arith.select %and3A_1173, %sub3A_1175, %div3A_1154 : i32
        %jit3A_1177 = arith.constant 8 : i32
        %eq3A_1178 = arith.constant 0 : i32
        %eq3A_1179 = arith.cmpi eq, %jit3A_1177, %eq3A_1178 : i32
        %jit3A_1180 = arith.constant 1 : i32
        %select_n3A_1181 = arith.select %eq3A_1179, %jit3A_1180, %jit3A_1177 : i32
        %rem3A_1182 = arith.remsi %scan3A_1093, %select_n3A_1181 : i32
        %ne3A_1183 = arith.constant 0 : i32
        %ne3A_1184 = arith.cmpi ne, %rem3A_1182, %ne3A_1183 : i32
        %lt3A_1185 = arith.constant 0 : i32
        %lt3A_1186 = arith.cmpi slt, %rem3A_1182, %lt3A_1185 : i32
        %lt3A_1187 = arith.constant 0 : i32
        %lt3A_1188 = arith.cmpi slt, %select_n3A_1181, %lt3A_1187 : i32
        %ne3A_1189 = arith.xori %lt3A_1186, %lt3A_1188 : i1
        %and3A_1190 = arith.andi %ne3A_1189, %ne3A_1184 : i1
        %add3A_1191 = arith.addi %rem3A_1182, %select_n3A_1181 : i32
        %select_n3A_1192 = arith.select %and3A_1190, %add3A_1191, %rem3A_1182 : i32
        %mul3A_1193 = arith.constant 16 : i32
        %mul3A_1194 = arith.muli %select_n3A_1192, %mul3A_1193 : i32
        %swap3A_1195 = arith.index_cast %select_n3A_1176 : i32 to index
        %swap3A_1196 = arith.index_cast %mul3A_1194 : i32 to index
        %swap3A_1197 = tpu.vector_load %arg11[%swap3A_1195, %swap3A_1196] {strides = array<i32>} : memref<27x128xi32, #tpu.memory_space<vmem>>, vector<16xi32>,
        tpu.vector_store %arg11[%swap3A_1195, %swap3A_1196], %gather3A_1152 {strides = array<i32>} : memref<27x128xi32, #tpu.memory_space<vmem>>, vector<16xi32>,
      }
      %scan3A_154 = arith.constant 72 : i32
      %dma_start3A_155 = arith.constant 0 : i32
      %dma_start3A_156 = arith.constant 0 : i32
      %dma_start3A_157 = arith.constant 0 : i32
      %dma_start3A_158 = tpu.memref_slice %arg12[%dma_start3A_156, %dma_start3A_157] : memref<3456x16xf32, #tpu.memory_space<vmem>> -> memref<128x16xf32, #tpu.memory_space<vmem>>
      %dma_start3A_159 = arith.constant 0 : i32
      %dma_start3A_160 = tpu.memref_slice %arg11[%dma_start3A_155, %dma_start3A_159] : memref<27x128xi32, #tpu.memory_space<vmem>> -> memref<1x128xi32, #tpu.memory_space<vmem>>
      %dma_start3A_161 = tpu.memref_squeeze %dma_start3A_160 : memref<1x128xi32, #tpu.memory_space<vmem>> -> memref<128xi32, #tpu.memory_space<vmem>>
      %dma_start3A_162 = arith.constant 0 : i32
      %dma_start3A_163 = arith.constant 0 : i32
      %dma_start3A_164 = tpu.memref_slice %arg4[%dma_start3A_162, %dma_start3A_163] : memref<100000x16xf32, #tpu.memory_space<hbm>> -> memref<100000x16xf32, #tpu.memory_space<hbm>>
      tpu.enqueue_indirect_dma source(%dma_start3A_164 : memref<100000x16xf32, #tpu.memory_space<hbm>>) target(%dma_start3A_158 : memref<128x16xf32, #tpu.memory_space<vmem>>) offsets(%dma_start3A_161 : memref<128xi32, #tpu.memory_space<vmem>>) semaphore(%arg17 : memref<!tpu.dma_semaphore, #tpu.memory_space<semaphore_mem>>)
      %dma_start3A_165 = arith.constant 1 : i32
      %dma_start3A_166 = arith.constant 128 : i32
      %dma_start3A_167 = arith.constant 0 : i32
      %dma_start3A_168 = tpu.memref_slice %arg12[%dma_start3A_166, %dma_start3A_167] : memref<3456x16xf32, #tpu.memory_space<vmem>> -> memref<128x16xf32, #tpu.memory_space<vmem>>
      %dma_start3A_169 = arith.constant 0 : i32
      %dma_start3A_170 = tpu.memref_slice %arg11[%dma_start3A_165, %dma_start3A_169] : memref<27x128xi32, #tpu.memory_space<vmem>> -> memref<1x128xi32, #tpu.memory_space<vmem>>
      %dma_start3A_171 = tpu.memref_squeeze %dma_start3A_170 : memref<1x128xi32, #tpu.memory_space<vmem>> -> memref<128xi32, #tpu.memory_space<vmem>>
      %dma_start3A_172 = arith.constant 0 : i32
      %dma_start3A_173 = arith.constant 0 : i32
      %dma_start3A_174 = tpu.memref_slice %arg4[%dma_start3A_172, %dma_start3A_173] : memref<100000x16xf32, #tpu.memory_space<hbm>> -> memref<100000x16xf32, #tpu.memory_space<hbm>>
      tpu.enqueue_indirect_dma source(%dma_start3A_174 : memref<100000x16xf32, #tpu.memory_space<hbm>>) target(%dma_start3A_168 : memref<128x16xf32, #tpu.memory_space<vmem>>) offsets(%dma_start3A_171 : memref<128xi32, #tpu.memory_space<vmem>>) semaphore(%arg17 : memref<!tpu.dma_semaphore, #tpu.memory_space<semaphore_mem>>)
      %dma_start3A_175 = arith.constant 2 : i32
      %dma_start3A_176 = arith.constant 256 : i32
      %dma_start3A_177 = arith.constant 0 : i32
      %dma_start3A_178 = tpu.memref_slice %arg12[%dma_start3A_176, %dma_start3A_177] : memref<3456x16xf32, #tpu.memory_space<vmem>> -> memref<128x16xf32, #tpu.memory_space<vmem>>
      %dma_start3A_179 = arith.constant 0 : i32
      %dma_start3A_180 = tpu.memref_slice %arg11[%dma_start3A_175, %dma_start3A_179] : memref<27x128xi32, #tpu.memory_space<vmem>> -> memref<1x128xi32, #tpu.memory_space<vmem>>
      %dma_start3A_181 = tpu.memref_squeeze %dma_start3A_180 : memref<1x128xi32, #tpu.memory_space<vmem>> -> memref<128xi32, #tpu.memory_space<vmem>>
      %dma_start3A_182 = arith.constant 0 : i32
      %dma_start3A_183 = arith.constant 0 : i32
      %dma_start3A_184 = tpu.memref_slice %arg4[%dma_start3A_182, %dma_start3A_183] : memref<100000x16xf32, #tpu.memory_space<hbm>> -> memref<100000x16xf32, #tpu.memory_space<hbm>>
      tpu.enqueue_indirect_dma source(%dma_start3A_184 : memref<100000x16xf32, #tpu.memory_space<hbm>>) target(%dma_start3A_178 : memref<128x16xf32, #tpu.memory_space<vmem>>) offsets(%dma_start3A_181 : memref<128xi32, #tpu.memory_space<vmem>>) semaphore(%arg17 : memref<!tpu.dma_semaphore, #tpu.memory_space<semaphore_mem>>)
      %dma_start3A_185 = arith.constant 3 : i32
      %dma_start3A_186 = arith.constant 384 : i32
      %dma_start3A_187 = arith.constant 0 : i32
      %dma_start3A_188 = tpu.memref_slice %arg12[%dma_start3A_186, %dma_start3A_187] : memref<3456x16xf32, #tpu.memory_space<vmem>> -> memref<128x16xf32, #tpu.memory_space<vmem>>
      %dma_start3A_189 = arith.constant 0 : i32
      %dma_start3A_190 = tpu.memref_slice %arg11[%dma_start3A_185, %dma_start3A_189] : memref<27x128xi32, #tpu.memory_space<vmem>> -> memref<1x128xi32, #tpu.memory_space<vmem>>
      %dma_start3A_191 = tpu.memref_squeeze %dma_start3A_190 : memref<1x128xi32, #tpu.memory_space<vmem>> -> memref<128xi32, #tpu.memory_space<vmem>>
      %dma_start3A_192 = arith.constant 0 : i32
      %dma_start3A_193 = arith.constant 0 : i32
      %dma_start3A_194 = tpu.memref_slice %arg4[%dma_start3A_192, %dma_start3A_193] : memref<100000x16xf32, #tpu.memory_space<hbm>> -> memref<100000x16xf32, #tpu.memory_space<hbm>>
      tpu.enqueue_indirect_dma source(%dma_start3A_194 : memref<100000x16xf32, #tpu.memory_space<hbm>>) target(%dma_start3A_188 : memref<128x16xf32, #tpu.memory_space<vmem>>) offsets(%dma_start3A_191 : memref<128xi32, #tpu.memory_space<vmem>>) semaphore(%arg17 : memref<!tpu.dma_semaphore, #tpu.memory_space<semaphore_mem>>)
      %dma_start3A_195 = arith.constant 4 : i32
      %dma_start3A_196 = arith.constant 512 : i32
      %dma_start3A_197 = arith.constant 0 : i32
      %dma_start3A_198 = tpu.memref_slice %arg12[%dma_start3A_196, %dma_start3A_197] : memref<3456x16xf32, #tpu.memory_space<vmem>> -> memref<128x16xf32, #tpu.memory_space<vmem>>
      %dma_start3A_199 = arith.constant 0 : i32
      %dma_start3A_200 = tpu.memref_slice %arg11[%dma_start3A_195, %dma_start3A_199] : memref<27x128xi32, #tpu.memory_space<vmem>> -> memref<1x128xi32, #tpu.memory_space<vmem>>
      %dma_start3A_201 = tpu.memref_squeeze %dma_start3A_200 : memref<1x128xi32, #tpu.memory_space<vmem>> -> memref<128xi32, #tpu.memory_space<vmem>>
      %dma_start3A_202 = arith.constant 0 : i32
      %dma_start3A_203 = arith.constant 0 : i32
      %dma_start3A_204 = tpu.memref_slice %arg4[%dma_start3A_202, %dma_start3A_203] : memref<100000x16xf32, #tpu.memory_space<hbm>> -> memref<100000x16xf32, #tpu.memory_space<hbm>>
      tpu.enqueue_indirect_dma source(%dma_start3A_204 : memref<100000x16xf32, #tpu.memory_space<hbm>>) target(%dma_start3A_198 : memref<128x16xf32, #tpu.memory_space<vmem>>) offsets(%dma_start3A_201 : memref<128xi32, #tpu.memory_space<vmem>>) semaphore(%arg17 : memref<!tpu.dma_semaphore, #tpu.memory_space<semaphore_mem>>)
      %dma_start3A_205 = arith.constant 5 : i32
      %dma_start3A_206 = arith.constant 640 : i32
      %dma_start3A_207 = arith.constant 0 : i32
      %dma_start3A_208 = tpu.memref_slice %arg12[%dma_start3A_206, %dma_start3A_207] : memref<3456x16xf32, #tpu.memory_space<vmem>> -> memref<128x16xf32, #tpu.memory_space<vmem>>
      %dma_start3A_209 = arith.constant 0 : i32
      %dma_start3A_210 = tpu.memref_slice %arg11[%dma_start3A_205, %dma_start3A_209] : memref<27x128xi32, #tpu.memory_space<vmem>> -> memref<1x128xi32, #tpu.memory_space<vmem>>
      %dma_start3A_211 = tpu.memref_squeeze %dma_start3A_210 : memref<1x128xi32, #tpu.memory_space<vmem>> -> memref<128xi32, #tpu.memory_space<vmem>>
      %dma_start3A_212 = arith.constant 0 : i32
      %dma_start3A_213 = arith.constant 0 : i32
      %dma_start3A_214 = tpu.memref_slice %arg4[%dma_start3A_212, %dma_start3A_213] : memref<100000x16xf32, #tpu.memory_space<hbm>> -> memref<100000x16xf32, #tpu.memory_space<hbm>>
      tpu.enqueue_indirect_dma source(%dma_start3A_214 : memref<100000x16xf32, #tpu.memory_space<hbm>>) target(%dma_start3A_208 : memref<128x16xf32, #tpu.memory_space<vmem>>) offsets(%dma_start3A_211 : memref<128xi32, #tpu.memory_space<vmem>>) semaphore(%arg17 : memref<!tpu.dma_semaphore, #tpu.memory_space<semaphore_mem>>)
      %dma_start3A_215 = arith.constant 6 : i32
      %dma_start3A_216 = arith.constant 768 : i32
      %dma_start3A_217 = arith.constant 0 : i32
      %dma_start3A_218 = tpu.memref_slice %arg12[%dma_start3A_216, %dma_start3A_217] : memref<3456x16xf32, #tpu.memory_space<vmem>> -> memref<128x16xf32, #tpu.memory_space<vmem>>
      %dma_start3A_219 = arith.constant 0 : i32
      %dma_start3A_220 = tpu.memref_slice %arg11[%dma_start3A_215, %dma_start3A_219] : memref<27x128xi32, #tpu.memory_space<vmem>> -> memref<1x128xi32, #tpu.memory_space<vmem>>
      %dma_start3A_221 = tpu.memref_squeeze %dma_start3A_220 : memref<1x128xi32, #tpu.memory_space<vmem>> -> memref<128xi32, #tpu.memory_space<vmem>>
      %dma_start3A_222 = arith.constant 0 : i32
      %dma_start3A_223 = arith.constant 0 : i32
      %dma_start3A_224 = tpu.memref_slice %arg4[%dma_start3A_222, %dma_start3A_223] : memref<100000x16xf32, #tpu.memory_space<hbm>> -> memref<100000x16xf32, #tpu.memory_space<hbm>>
      tpu.enqueue_indirect_dma source(%dma_start3A_224 : memref<100000x16xf32, #tpu.memory_space<hbm>>) target(%dma_start3A_218 : memref<128x16xf32, #tpu.memory_space<vmem>>) offsets(%dma_start3A_221 : memref<128xi32, #tpu.memory_space<vmem>>) semaphore(%arg17 : memref<!tpu.dma_semaphore, #tpu.memory_space<semaphore_mem>>)
      %dma_start3A_225 = arith.constant 7 : i32
      %dma_start3A_226 = arith.constant 896 : i32
      %dma_start3A_227 = arith.constant 0 : i32
      %dma_start3A_228 = tpu.memref_slice %arg12[%dma_start3A_226, %dma_start3A_227] : memref<3456x16xf32, #tpu.memory_space<vmem>> -> memref<128x16xf32, #tpu.memory_space<vmem>>
      %dma_start3A_229 = arith.constant 0 : i32
      %dma_start3A_230 = tpu.memref_slice %arg11[%dma_start3A_225, %dma_start3A_229] : memref<27x128xi32, #tpu.memory_space<vmem>> -> memref<1x128xi32, #tpu.memory_space<vmem>>
      %dma_start3A_231 = tpu.memref_squeeze %dma_start3A_230 : memref<1x128xi32, #tpu.memory_space<vmem>> -> memref<128xi32, #tpu.memory_space<vmem>>
      %dma_start3A_232 = arith.constant 0 : i32
      %dma_start3A_233 = arith.constant 0 : i32
      %dma_start3A_234 = tpu.memref_slice %arg4[%dma_start3A_232, %dma_start3A_233] : memref<100000x16xf32, #tpu.memory_space<hbm>> -> memref<100000x16xf32, #tpu.memory_space<hbm>>
      tpu.enqueue_indirect_dma source(%dma_start3A_234 : memref<100000x16xf32, #tpu.memory_space<hbm>>) target(%dma_start3A_228 : memref<128x16xf32, #tpu.memory_space<vmem>>) offsets(%dma_start3A_231 : memref<128xi32, #tpu.memory_space<vmem>>) semaphore(%arg17 : memref<!tpu.dma_semaphore, #tpu.memory_space<semaphore_mem>>)
      %dma_start3A_235 = arith.constant 8 : i32
      %dma_start3A_236 = arith.constant 1024 : i32
      %dma_start3A_237 = arith.constant 0 : i32
      %dma_start3A_238 = tpu.memref_slice %arg12[%dma_start3A_236, %dma_start3A_237] : memref<3456x16xf32, #tpu.memory_space<vmem>> -> memref<128x16xf32, #tpu.memory_space<vmem>>
      %dma_start3A_239 = arith.constant 0 : i32
      %dma_start3A_240 = tpu.memref_slice %arg11[%dma_start3A_235, %dma_start3A_239] : memref<27x128xi32, #tpu.memory_space<vmem>> -> memref<1x128xi32, #tpu.memory_space<vmem>>
      %dma_start3A_241 = tpu.memref_squeeze %dma_start3A_240 : memref<1x128xi32, #tpu.memory_space<vmem>> -> memref<128xi32, #tpu.memory_space<vmem>>
      %dma_start3A_242 = arith.constant 0 : i32
      %dma_start3A_243 = arith.constant 0 : i32
      %dma_start3A_244 = tpu.memref_slice %arg4[%dma_start3A_242, %dma_start3A_243] : memref<100000x16xf32, #tpu.memory_space<hbm>> -> memref<100000x16xf32, #tpu.memory_space<hbm>>
      tpu.enqueue_indirect_dma source(%dma_start3A_244 : memref<100000x16xf32, #tpu.memory_space<hbm>>) target(%dma_start3A_238 : memref<128x16xf32, #tpu.memory_space<vmem>>) offsets(%dma_start3A_241 : memref<128xi32, #tpu.memory_space<vmem>>) semaphore(%arg17 : memref<!tpu.dma_semaphore, #tpu.memory_space<semaphore_mem>>)
      %dma_wait3A_245 = arith.constant 3 : i32
      %dma_wait3A_246 = arith.constant 384 : i32
      %dma_wait3A_247 = arith.constant 0 : i32
      %dma_wait3A_248 = tpu.memref_slice %arg10[%dma_wait3A_246, %dma_wait3A_247] : memref<1152x16xi32, #tpu.memory_space<vmem>> -> memref<128x16xi32, #tpu.memory_space<vmem>>
      %dma_wait3A_249 = arith.constant 0 : i32
      %dma_wait3A_250 = tpu.memref_slice %arg8[%dma_wait3A_245, %dma_wait3A_249] : memref<9x128xi32, #tpu.memory_space<vmem>> -> memref<1x128xi32, #tpu.memory_space<vmem>>
      %dma_wait3A_251 = tpu.memref_squeeze %dma_wait3A_250 : memref<1x128xi32, #tpu.memory_space<vmem>> -> memref<128xi32, #tpu.memory_space<vmem>>
      %dma_wait3A_252 = arith.constant 0 : i32
      %dma_wait3A_253 = arith.constant 0 : i32
      %dma_wait3A_254 = tpu.memref_slice %arg5[%dma_wait3A_252, %dma_wait3A_253] : memref<200000x16xi32, #tpu.memory_space<hbm>> -> memref<200000x16xi32, #tpu.memory_space<hbm>>
      tpu.wait_indirect_dma semaphore(%arg15 : memref<!tpu.dma_semaphore, #tpu.memory_space<semaphore_mem>>) src(%dma_wait3A_254 : memref<200000x16xi32, #tpu.memory_space<hbm>>) dst(%dma_wait3A_248 : memref<128x16xi32, #tpu.memory_space<vmem>>)
      %dma_wait3A_255 = arith.constant 4 : i32
      %dma_wait3A_256 = arith.constant 512 : i32
      %dma_wait3A_257 = arith.constant 0 : i32
      %dma_wait3A_258 = tpu.memref_slice %arg10[%dma_wait3A_256, %dma_wait3A_257] : memref<1152x16xi32, #tpu.memory_space<vmem>> -> memref<128x16xi32, #tpu.memory_space<vmem>>
      %dma_wait3A_259 = arith.constant 0 : i32
      %dma_wait3A_260 = tpu.memref_slice %arg8[%dma_wait3A_255, %dma_wait3A_259] : memref<9x128xi32, #tpu.memory_space<vmem>> -> memref<1x128xi32, #tpu.memory_space<vmem>>
      %dma_wait3A_261 = tpu.memref_squeeze %dma_wait3A_260 : memref<1x128xi32, #tpu.memory_space<vmem>> -> memref<128xi32, #tpu.memory_space<vmem>>
      %dma_wait3A_262 = arith.constant 0 : i32
      %dma_wait3A_263 = arith.constant 0 : i32
      %dma_wait3A_264 = tpu.memref_slice %arg5[%dma_wait3A_262, %dma_wait3A_263] : memref<200000x16xi32, #tpu.memory_space<hbm>> -> memref<200000x16xi32, #tpu.memory_space<hbm>>
      tpu.wait_indirect_dma semaphore(%arg15 : memref<!tpu.dma_semaphore, #tpu.memory_space<semaphore_mem>>) src(%dma_wait3A_264 : memref<200000x16xi32, #tpu.memory_space<hbm>>) dst(%dma_wait3A_258 : memref<128x16xi32, #tpu.memory_space<vmem>>)
      %dma_wait3A_265 = arith.constant 5 : i32
      %dma_wait3A_266 = arith.constant 640 : i32
      %dma_wait3A_267 = arith.constant 0 : i32
      %dma_wait3A_268 = tpu.memref_slice %arg10[%dma_wait3A_266, %dma_wait3A_267] : memref<1152x16xi32, #tpu.memory_space<vmem>> -> memref<128x16xi32, #tpu.memory_space<vmem>>
      %dma_wait3A_269 = arith.constant 0 : i32
      %dma_wait3A_270 = tpu.memref_slice %arg8[%dma_wait3A_265, %dma_wait3A_269] : memref<9x128xi32, #tpu.memory_space<vmem>> -> memref<1x128xi32, #tpu.memory_space<vmem>>
      %dma_wait3A_271 = tpu.memref_squeeze %dma_wait3A_270 : memref<1x128xi32, #tpu.memory_space<vmem>> -> memref<128xi32, #tpu.memory_space<vmem>>
      %dma_wait3A_272 = arith.constant 0 : i32
      %dma_wait3A_273 = arith.constant 0 : i32
      %dma_wait3A_274 = tpu.memref_slice %arg5[%dma_wait3A_272, %dma_wait3A_273] : memref<200000x16xi32, #tpu.memory_space<hbm>> -> memref<200000x16xi32, #tpu.memory_space<hbm>>
      tpu.wait_indirect_dma semaphore(%arg15 : memref<!tpu.dma_semaphore, #tpu.memory_space<semaphore_mem>>) src(%dma_wait3A_274 : memref<200000x16xi32, #tpu.memory_space<hbm>>) dst(%dma_wait3A_268 : memref<128x16xi32, #tpu.memory_space<vmem>>)
      %scan3A_275 = arith.constant 72 : i32
      %scan3A_276 = arith.constant 72 : i32
      %scan3A_277 = arith.addi %scan3A_275, %scan3A_276 : i32
      %scan3A_278 = arith.constant 4 : i32
      scf.for %scan3A_780 = %scan3A_275 to %scan3A_277 step %scan3A_278  : i32 {
        %mul3A_781 = arith.constant 16 : i32
        %mul3A_782 = arith.muli %mul3A_781, %scan3A_780 : i32
        %iota3A = tpu.iota {dimensions = array<i32: 0>} : vector<16xi32>
        %add3A_783 = vector.broadcast %mul3A_782 : i32 to vector<16xi32>
        %add3A_784 = arith.addi %add3A_783, %iota3A : vector<16xi32>
        %jit3A_785 = arith.constant 3 : i32
        %div3A_786 = vector.broadcast %jit3A_785 : i32 to vector<16xi32>
        %div3A_787 = arith.divsi %add3A_784, %div3A_786 : vector<16xi32>
        %sign3A_788 = arith.constant 0 : i32
        %sign3A_789 = vector.broadcast %sign3A_788 : i32 to vector<16xi32>
        %sign3A_790 = arith.cmpi sgt, %add3A_784, %sign3A_789 : vector<16xi32>
        %sign3A_791 = arith.extui %sign3A_790 : vector<16xi1> to vector<16xi32>
        %sign3A_792 = arith.constant 0 : i32
        %sign3A_793 = vector.broadcast %sign3A_792 : i32 to vector<16xi32>
        %sign3A_794 = arith.cmpi slt, %add3A_784, %sign3A_793 : vector<16xi32>
        %sign3A_795 = arith.extui %sign3A_794 : vector<16xi1> to vector<16xi32>
        %sign3A_796 = arith.subi %sign3A_791, %sign3A_795 : vector<16xi32>
        %sign3A_797 = arith.constant 0 : i32
        %sign3A_798 = arith.cmpi sgt, %jit3A_785, %sign3A_797 : i32
        %sign3A_799 = arith.extui %sign3A_798 : i1 to i32
        %sign3A_800 = arith.constant 0 : i32
        %sign3A_801 = arith.cmpi slt, %jit3A_785, %sign3A_800 : i32
        %sign3A_802 = arith.extui %sign3A_801 : i1 to i32
        %sign3A_803 = arith.subi %sign3A_799, %sign3A_802 : i32
        %ne3A_804 = vector.broadcast %sign3A_803 : i32 to vector<16xi32>
        %ne3A_805 = arith.cmpi ne, %sign3A_796, %ne3A_804 : vector<16xi32>
        %rem3A_806 = vector.broadcast %jit3A_785 : i32 to vector<16xi32>
        %rem3A_807 = arith.remsi %add3A_784, %rem3A_806 : vector<16xi32>
        %ne3A_808 = arith.constant 0 : i32
        %ne3A_809 = vector.broadcast %ne3A_808 : i32 to vector<16xi32>
        %ne3A_810 = arith.cmpi ne, %rem3A_807, %ne3A_809 : vector<16xi32>
        %and3A_811 = arith.andi %ne3A_805, %ne3A_810 : vector<16xi1>
        %sub3A_812 = arith.constant 1 : i32
        %sub3A_813 = vector.broadcast %sub3A_812 : i32 to vector<16xi32>
        %sub3A_814 = arith.subi %div3A_787, %sub3A_813 : vector<16xi32>
        %select_n3A_815 = arith.select %and3A_811, %sub3A_814, %div3A_787 : vector<16xi1>, vector<16xi32>
        %jit3A_816 = arith.constant 3 : i32
        %eq3A = arith.constant 0 : i32
        %eq3A_817 = arith.cmpi eq, %jit3A_816, %eq3A : i32
        %jit3A_818 = arith.constant 1 : i32
        %select_n3A_819 = arith.select %eq3A_817, %jit3A_818, %jit3A_816 : i32
        %rem3A_820 = vector.broadcast %select_n3A_819 : i32 to vector<16xi32>
        %rem3A_821 = arith.remsi %add3A_784, %rem3A_820 : vector<16xi32>
        %ne3A_822 = arith.constant 0 : i32
        %ne3A_823 = vector.broadcast %ne3A_822 : i32 to vector<16xi32>
        %ne3A_824 = arith.cmpi ne, %rem3A_821, %ne3A_823 : vector<16xi32>
        %lt3A = arith.constant 0 : i32
        %lt3A_825 = vector.broadcast %lt3A : i32 to vector<16xi32>
        %lt3A_826 = arith.cmpi slt, %rem3A_821, %lt3A_825 : vector<16xi32>
        %lt3A_827 = arith.constant 0 : i32
        %lt3A_828 = arith.cmpi slt, %select_n3A_819, %lt3A_827 : i32
        %ne3A_829 = vector.broadcast %lt3A_828 : i1 to vector<16xi1>
        %ne3A_830 = vector.broadcast %ne3A_829 : vector<16xi1> to vector<16xi1>
        %ne3A_831 = arith.xori %lt3A_826, %ne3A_830 : vector<16xi1>
        %and3A_832 = arith.andi %ne3A_831, %ne3A_824 : vector<16xi1>
        %add3A_833 = vector.broadcast %select_n3A_819 : i32 to vector<16xi32>
        %add3A_834 = arith.addi %rem3A_821, %add3A_833 : vector<16xi32>
        %select_n3A_835 = arith.select %and3A_832, %add3A_834, %rem3A_821 : vector<16xi1>, vector<16xi32>
        %gather3A = tpu.vector_load_idx %arg10[%select_n3A_815, %select_n3A_835] : memref<1152x16xi32, #tpu.memory_space<vmem>>[vector<16xi32>, vector<16xi32>], vector<16xi32>,
        %jit3A_836 = arith.constant 8 : i32
        %div3A_837 = arith.divsi %scan3A_780, %jit3A_836 : i32
        %sign3A_838 = arith.constant 0 : i32
        %sign3A_839 = arith.cmpi sgt, %scan3A_780, %sign3A_838 : i32
        %sign3A_840 = arith.extui %sign3A_839 : i1 to i32
        %sign3A_841 = arith.constant 0 : i32
        %sign3A_842 = arith.cmpi slt, %scan3A_780, %sign3A_841 : i32
        %sign3A_843 = arith.extui %sign3A_842 : i1 to i32
        %sign3A_844 = arith.subi %sign3A_840, %sign3A_843 : i32
        %sign3A_845 = arith.constant 0 : i32
        %sign3A_846 = arith.cmpi sgt, %jit3A_836, %sign3A_845 : i32
        %sign3A_847 = arith.extui %sign3A_846 : i1 to i32
        %sign3A_848 = arith.constant 0 : i32
        %sign3A_849 = arith.cmpi slt, %jit3A_836, %sign3A_848 : i32
        %sign3A_850 = arith.extui %sign3A_849 : i1 to i32
        %sign3A_851 = arith.subi %sign3A_847, %sign3A_850 : i32
        %ne3A_852 = arith.cmpi ne, %sign3A_844, %sign3A_851 : i32
        %rem3A_853 = arith.remsi %scan3A_780, %jit3A_836 : i32
        %ne3A_854 = arith.constant 0 : i32
        %ne3A_855 = arith.cmpi ne, %rem3A_853, %ne3A_854 : i32
        %and3A_856 = arith.andi %ne3A_852, %ne3A_855 : i1
        %sub3A_857 = arith.constant 1 : i32
        %sub3A_858 = arith.subi %div3A_837, %sub3A_857 : i32
        %select_n3A_859 = arith.select %and3A_856, %sub3A_858, %div3A_837 : i32
        %jit3A_860 = arith.constant 8 : i32
        %eq3A_861 = arith.constant 0 : i32
        %eq3A_862 = arith.cmpi eq, %jit3A_860, %eq3A_861 : i32
        %jit3A_863 = arith.constant 1 : i32
        %select_n3A_864 = arith.select %eq3A_862, %jit3A_863, %jit3A_860 : i32
        %rem3A_865 = arith.remsi %scan3A_780, %select_n3A_864 : i32
        %ne3A_866 = arith.constant 0 : i32
        %ne3A_867 = arith.cmpi ne, %rem3A_865, %ne3A_866 : i32
        %lt3A_868 = arith.constant 0 : i32
        %lt3A_869 = arith.cmpi slt, %rem3A_865, %lt3A_868 : i32
        %lt3A_870 = arith.constant 0 : i32
        %lt3A_871 = arith.cmpi slt, %select_n3A_864, %lt3A_870 : i32
        %ne3A_872 = arith.xori %lt3A_869, %lt3A_871 : i1
        %and3A_873 = arith.andi %ne3A_872, %ne3A_867 : i1
        %add3A_874 = arith.addi %rem3A_865, %select_n3A_864 : i32
        %select_n3A_875 = arith.select %and3A_873, %add3A_874, %rem3A_865 : i32
        %mul3A_876 = arith.constant 16 : i32
        %mul3A_877 = arith.muli %select_n3A_875, %mul3A_876 : i32
        %swap3A = arith.index_cast %select_n3A_859 : i32 to index
        %swap3A_878 = arith.index_cast %mul3A_877 : i32 to index
        %swap3A_879 = tpu.vector_load %arg11[%swap3A, %swap3A_878] {strides = array<i32>} : memref<27x128xi32, #tpu.memory_space<vmem>>, vector<16xi32>,
        tpu.vector_store %arg11[%swap3A, %swap3A_878], %gather3A {strides = array<i32>} : memref<27x128xi32, #tpu.memory_space<vmem>>, vector<16xi32>,
        %scan3A_880 = arith.constant 1 : i32
        %scan3A_881 = arith.addi %scan3A_780, %scan3A_880 : i32
        %mul3A_882 = arith.constant 16 : i32
        %mul3A_883 = arith.muli %mul3A_882, %scan3A_881 : i32
        %iota3A_884 = tpu.iota {dimensions = array<i32: 0>} : vector<16xi32>
        %add3A_885 = vector.broadcast %mul3A_883 : i32 to vector<16xi32>
        %add3A_886 = arith.addi %add3A_885, %iota3A_884 : vector<16xi32>
        %jit3A_887 = arith.constant 3 : i32
        %div3A_888 = vector.broadcast %jit3A_887 : i32 to vector<16xi32>
        %div3A_889 = arith.divsi %add3A_886, %div3A_888 : vector<16xi32>
        %sign3A_890 = arith.constant 0 : i32
        %sign3A_891 = vector.broadcast %sign3A_890 : i32 to vector<16xi32>
        %sign3A_892 = arith.cmpi sgt, %add3A_886, %sign3A_891 : vector<16xi32>
        %sign3A_893 = arith.extui %sign3A_892 : vector<16xi1> to vector<16xi32>
        %sign3A_894 = arith.constant 0 : i32
        %sign3A_895 = vector.broadcast %sign3A_894 : i32 to vector<16xi32>
        %sign3A_896 = arith.cmpi slt, %add3A_886, %sign3A_895 : vector<16xi32>
        %sign3A_897 = arith.extui %sign3A_896 : vector<16xi1> to vector<16xi32>
        %sign3A_898 = arith.subi %sign3A_893, %sign3A_897 : vector<16xi32>
        %sign3A_899 = arith.constant 0 : i32
        %sign3A_900 = arith.cmpi sgt, %jit3A_887, %sign3A_899 : i32
        %sign3A_901 = arith.extui %sign3A_900 : i1 to i32
        %sign3A_902 = arith.constant 0 : i32
        %sign3A_903 = arith.cmpi slt, %jit3A_887, %sign3A_902 : i32
        %sign3A_904 = arith.extui %sign3A_903 : i1 to i32
        %sign3A_905 = arith.subi %sign3A_901, %sign3A_904 : i32
        %ne3A_906 = vector.broadcast %sign3A_905 : i32 to vector<16xi32>
        %ne3A_907 = arith.cmpi ne, %sign3A_898, %ne3A_906 : vector<16xi32>
        %rem3A_908 = vector.broadcast %jit3A_887 : i32 to vector<16xi32>
        %rem3A_909 = arith.remsi %add3A_886, %rem3A_908 : vector<16xi32>
        %ne3A_910 = arith.constant 0 : i32
        %ne3A_911 = vector.broadcast %ne3A_910 : i32 to vector<16xi32>
        %ne3A_912 = arith.cmpi ne, %rem3A_909, %ne3A_911 : vector<16xi32>
        %and3A_913 = arith.andi %ne3A_907, %ne3A_912 : vector<16xi1>
        %sub3A_914 = arith.constant 1 : i32
        %sub3A_915 = vector.broadcast %sub3A_914 : i32 to vector<16xi32>
        %sub3A_916 = arith.subi %div3A_889, %sub3A_915 : vector<16xi32>
        %select_n3A_917 = arith.select %and3A_913, %sub3A_916, %div3A_889 : vector<16xi1>, vector<16xi32>
        %jit3A_918 = arith.constant 3 : i32
        %eq3A_919 = arith.constant 0 : i32
        %eq3A_920 = arith.cmpi eq, %jit3A_918, %eq3A_919 : i32
        %jit3A_921 = arith.constant 1 : i32
        %select_n3A_922 = arith.select %eq3A_920, %jit3A_921, %jit3A_918 : i32
        %rem3A_923 = vector.broadcast %select_n3A_922 : i32 to vector<16xi32>
        %rem3A_924 = arith.remsi %add3A_886, %rem3A_923 : vector<16xi32>
        %ne3A_925 = arith.constant 0 : i32
        %ne3A_926 = vector.broadcast %ne3A_925 : i32 to vector<16xi32>
        %ne3A_927 = arith.cmpi ne, %rem3A_924, %ne3A_926 : vector<16xi32>
        %lt3A_928 = arith.constant 0 : i32
        %lt3A_929 = vector.broadcast %lt3A_928 : i32 to vector<16xi32>
        %lt3A_930 = arith.cmpi slt, %rem3A_924, %lt3A_929 : vector<16xi32>
        %lt3A_931 = arith.constant 0 : i32
        %lt3A_932 = arith.cmpi slt, %select_n3A_922, %lt3A_931 : i32
        %ne3A_933 = vector.broadcast %lt3A_932 : i1 to vector<16xi1>
        %ne3A_934 = vector.broadcast %ne3A_933 : vector<16xi1> to vector<16xi1>
        %ne3A_935 = arith.xori %lt3A_930, %ne3A_934 : vector<16xi1>
        %and3A_936 = arith.andi %ne3A_935, %ne3A_927 : vector<16xi1>
        %add3A_937 = vector.broadcast %select_n3A_922 : i32 to vector<16xi32>
        %add3A_938 = arith.addi %rem3A_924, %add3A_937 : vector<16xi32>
        %select_n3A_939 = arith.select %and3A_936, %add3A_938, %rem3A_924 : vector<16xi1>, vector<16xi32>
        %gather3A_940 = tpu.vector_load_idx %arg10[%select_n3A_917, %select_n3A_939] : memref<1152x16xi32, #tpu.memory_space<vmem>>[vector<16xi32>, vector<16xi32>], vector<16xi32>,
        %jit3A_941 = arith.constant 8 : i32
        %div3A_942 = arith.divsi %scan3A_881, %jit3A_941 : i32
        %sign3A_943 = arith.constant 0 : i32
        %sign3A_944 = arith.cmpi sgt, %scan3A_881, %sign3A_943 : i32
        %sign3A_945 = arith.extui %sign3A_944 : i1 to i32
        %sign3A_946 = arith.constant 0 : i32
        %sign3A_947 = arith.cmpi slt, %scan3A_881, %sign3A_946 : i32
        %sign3A_948 = arith.extui %sign3A_947 : i1 to i32
        %sign3A_949 = arith.subi %sign3A_945, %sign3A_948 : i32
        %sign3A_950 = arith.constant 0 : i32
        %sign3A_951 = arith.cmpi sgt, %jit3A_941, %sign3A_950 : i32
        %sign3A_952 = arith.extui %sign3A_951 : i1 to i32
        %sign3A_953 = arith.constant 0 : i32
        %sign3A_954 = arith.cmpi slt, %jit3A_941, %sign3A_953 : i32
        %sign3A_955 = arith.extui %sign3A_954 : i1 to i32
        %sign3A_956 = arith.subi %sign3A_952, %sign3A_955 : i32
        %ne3A_957 = arith.cmpi ne, %sign3A_949, %sign3A_956 : i32
        %rem3A_958 = arith.remsi %scan3A_881, %jit3A_941 : i32
        %ne3A_959 = arith.constant 0 : i32
        %ne3A_960 = arith.cmpi ne, %rem3A_958, %ne3A_959 : i32
        %and3A_961 = arith.andi %ne3A_957, %ne3A_960 : i1
        %sub3A_962 = arith.constant 1 : i32
        %sub3A_963 = arith.subi %div3A_942, %sub3A_962 : i32
        %select_n3A_964 = arith.select %and3A_961, %sub3A_963, %div3A_942 : i32
        %jit3A_965 = arith.constant 8 : i32
        %eq3A_966 = arith.constant 0 : i32
        %eq3A_967 = arith.cmpi eq, %jit3A_965, %eq3A_966 : i32
        %jit3A_968 = arith.constant 1 : i32
        %select_n3A_969 = arith.select %eq3A_967, %jit3A_968, %jit3A_965 : i32
        %rem3A_970 = arith.remsi %scan3A_881, %select_n3A_969 : i32
        %ne3A_971 = arith.constant 0 : i32
        %ne3A_972 = arith.cmpi ne, %rem3A_970, %ne3A_971 : i32
        %lt3A_973 = arith.constant 0 : i32
        %lt3A_974 = arith.cmpi slt, %rem3A_970, %lt3A_973 : i32
        %lt3A_975 = arith.constant 0 : i32
        %lt3A_976 = arith.cmpi slt, %select_n3A_969, %lt3A_975 : i32
        %ne3A_977 = arith.xori %lt3A_974, %lt3A_976 : i1
        %and3A_978 = arith.andi %ne3A_977, %ne3A_972 : i1
        %add3A_979 = arith.addi %rem3A_970, %select_n3A_969 : i32
        %select_n3A_980 = arith.select %and3A_978, %add3A_979, %rem3A_970 : i32
        %mul3A_981 = arith.constant 16 : i32
        %mul3A_982 = arith.muli %select_n3A_980, %mul3A_981 : i32
        %swap3A_983 = arith.index_cast %select_n3A_964 : i32 to index
        %swap3A_984 = arith.index_cast %mul3A_982 : i32 to index
        %swap3A_985 = tpu.vector_load %arg11[%swap3A_983, %swap3A_984] {strides = array<i32>} : memref<27x128xi32, #tpu.memory_space<vmem>>, vector<16xi32>,
        tpu.vector_store %arg11[%swap3A_983, %swap3A_984], %gather3A_940 {strides = array<i32>} : memref<27x128xi32, #tpu.memory_space<vmem>>, vector<16xi32>,
        %scan3A_986 = arith.constant 2 : i32
        %scan3A_987 = arith.addi %scan3A_780, %scan3A_986 : i32
        %mul3A_988 = arith.constant 16 : i32
        %mul3A_989 = arith.muli %mul3A_988, %scan3A_987 : i32
        %iota3A_990 = tpu.iota {dimensions = array<i32: 0>} : vector<16xi32>
        %add3A_991 = vector.broadcast %mul3A_989 : i32 to vector<16xi32>
        %add3A_992 = arith.addi %add3A_991, %iota3A_990 : vector<16xi32>
        %jit3A_993 = arith.constant 3 : i32
        %div3A_994 = vector.broadcast %jit3A_993 : i32 to vector<16xi32>
        %div3A_995 = arith.divsi %add3A_992, %div3A_994 : vector<16xi32>
        %sign3A_996 = arith.constant 0 : i32
        %sign3A_997 = vector.broadcast %sign3A_996 : i32 to vector<16xi32>
        %sign3A_998 = arith.cmpi sgt, %add3A_992, %sign3A_997 : vector<16xi32>
        %sign3A_999 = arith.extui %sign3A_998 : vector<16xi1> to vector<16xi32>
        %sign3A_1000 = arith.constant 0 : i32
        %sign3A_1001 = vector.broadcast %sign3A_1000 : i32 to vector<16xi32>
        %sign3A_1002 = arith.cmpi slt, %add3A_992, %sign3A_1001 : vector<16xi32>
        %sign3A_1003 = arith.extui %sign3A_1002 : vector<16xi1> to vector<16xi32>
        %sign3A_1004 = arith.subi %sign3A_999, %sign3A_1003 : vector<16xi32>
        %sign3A_1005 = arith.constant 0 : i32
        %sign3A_1006 = arith.cmpi sgt, %jit3A_993, %sign3A_1005 : i32
        %sign3A_1007 = arith.extui %sign3A_1006 : i1 to i32
        %sign3A_1008 = arith.constant 0 : i32
        %sign3A_1009 = arith.cmpi slt, %jit3A_993, %sign3A_1008 : i32
        %sign3A_1010 = arith.extui %sign3A_1009 : i1 to i32
        %sign3A_1011 = arith.subi %sign3A_1007, %sign3A_1010 : i32
        %ne3A_1012 = vector.broadcast %sign3A_1011 : i32 to vector<16xi32>
        %ne3A_1013 = arith.cmpi ne, %sign3A_1004, %ne3A_1012 : vector<16xi32>
        %rem3A_1014 = vector.broadcast %jit3A_993 : i32 to vector<16xi32>
        %rem3A_1015 = arith.remsi %add3A_992, %rem3A_1014 : vector<16xi32>
        %ne3A_1016 = arith.constant 0 : i32
        %ne3A_1017 = vector.broadcast %ne3A_1016 : i32 to vector<16xi32>
        %ne3A_1018 = arith.cmpi ne, %rem3A_1015, %ne3A_1017 : vector<16xi32>
        %and3A_1019 = arith.andi %ne3A_1013, %ne3A_1018 : vector<16xi1>
        %sub3A_1020 = arith.constant 1 : i32
        %sub3A_1021 = vector.broadcast %sub3A_1020 : i32 to vector<16xi32>
        %sub3A_1022 = arith.subi %div3A_995, %sub3A_1021 : vector<16xi32>
        %select_n3A_1023 = arith.select %and3A_1019, %sub3A_1022, %div3A_995 : vector<16xi1>, vector<16xi32>
        %jit3A_1024 = arith.constant 3 : i32
        %eq3A_1025 = arith.constant 0 : i32
        %eq3A_1026 = arith.cmpi eq, %jit3A_1024, %eq3A_1025 : i32
        %jit3A_1027 = arith.constant 1 : i32
        %select_n3A_1028 = arith.select %eq3A_1026, %jit3A_1027, %jit3A_1024 : i32
        %rem3A_1029 = vector.broadcast %select_n3A_1028 : i32 to vector<16xi32>
        %rem3A_1030 = arith.remsi %add3A_992, %rem3A_1029 : vector<16xi32>
        %ne3A_1031 = arith.constant 0 : i32
        %ne3A_1032 = vector.broadcast %ne3A_1031 : i32 to vector<16xi32>
        %ne3A_1033 = arith.cmpi ne, %rem3A_1030, %ne3A_1032 : vector<16xi32>
        %lt3A_1034 = arith.constant 0 : i32
        %lt3A_1035 = vector.broadcast %lt3A_1034 : i32 to vector<16xi32>
        %lt3A_1036 = arith.cmpi slt, %rem3A_1030, %lt3A_1035 : vector<16xi32>
        %lt3A_1037 = arith.constant 0 : i32
        %lt3A_1038 = arith.cmpi slt, %select_n3A_1028, %lt3A_1037 : i32
        %ne3A_1039 = vector.broadcast %lt3A_1038 : i1 to vector<16xi1>
        %ne3A_1040 = vector.broadcast %ne3A_1039 : vector<16xi1> to vector<16xi1>
        %ne3A_1041 = arith.xori %lt3A_1036, %ne3A_1040 : vector<16xi1>
        %and3A_1042 = arith.andi %ne3A_1041, %ne3A_1033 : vector<16xi1>
        %add3A_1043 = vector.broadcast %select_n3A_1028 : i32 to vector<16xi32>
        %add3A_1044 = arith.addi %rem3A_1030, %add3A_1043 : vector<16xi32>
        %select_n3A_1045 = arith.select %and3A_1042, %add3A_1044, %rem3A_1030 : vector<16xi1>, vector<16xi32>
        %gather3A_1046 = tpu.vector_load_idx %arg10[%select_n3A_1023, %select_n3A_1045] : memref<1152x16xi32, #tpu.memory_space<vmem>>[vector<16xi32>, vector<16xi32>], vector<16xi32>,
        %jit3A_1047 = arith.constant 8 : i32
        %div3A_1048 = arith.divsi %scan3A_987, %jit3A_1047 : i32
        %sign3A_1049 = arith.constant 0 : i32
        %sign3A_1050 = arith.cmpi sgt, %scan3A_987, %sign3A_1049 : i32
        %sign3A_1051 = arith.extui %sign3A_1050 : i1 to i32
        %sign3A_1052 = arith.constant 0 : i32
        %sign3A_1053 = arith.cmpi slt, %scan3A_987, %sign3A_1052 : i32
        %sign3A_1054 = arith.extui %sign3A_1053 : i1 to i32
        %sign3A_1055 = arith.subi %sign3A_1051, %sign3A_1054 : i32
        %sign3A_1056 = arith.constant 0 : i32
        %sign3A_1057 = arith.cmpi sgt, %jit3A_1047, %sign3A_1056 : i32
        %sign3A_1058 = arith.extui %sign3A_1057 : i1 to i32
        %sign3A_1059 = arith.constant 0 : i32
        %sign3A_1060 = arith.cmpi slt, %jit3A_1047, %sign3A_1059 : i32
        %sign3A_1061 = arith.extui %sign3A_1060 : i1 to i32
        %sign3A_1062 = arith.subi %sign3A_1058, %sign3A_1061 : i32
        %ne3A_1063 = arith.cmpi ne, %sign3A_1055, %sign3A_1062 : i32
        %rem3A_1064 = arith.remsi %scan3A_987, %jit3A_1047 : i32
        %ne3A_1065 = arith.constant 0 : i32
        %ne3A_1066 = arith.cmpi ne, %rem3A_1064, %ne3A_1065 : i32
        %and3A_1067 = arith.andi %ne3A_1063, %ne3A_1066 : i1
        %sub3A_1068 = arith.constant 1 : i32
        %sub3A_1069 = arith.subi %div3A_1048, %sub3A_1068 : i32
        %select_n3A_1070 = arith.select %and3A_1067, %sub3A_1069, %div3A_1048 : i32
        %jit3A_1071 = arith.constant 8 : i32
        %eq3A_1072 = arith.constant 0 : i32
        %eq3A_1073 = arith.cmpi eq, %jit3A_1071, %eq3A_1072 : i32
        %jit3A_1074 = arith.constant 1 : i32
        %select_n3A_1075 = arith.select %eq3A_1073, %jit3A_1074, %jit3A_1071 : i32
        %rem3A_1076 = arith.remsi %scan3A_987, %select_n3A_1075 : i32
        %ne3A_1077 = arith.constant 0 : i32
        %ne3A_1078 = arith.cmpi ne, %rem3A_1076, %ne3A_1077 : i32
        %lt3A_1079 = arith.constant 0 : i32
        %lt3A_1080 = arith.cmpi slt, %rem3A_1076, %lt3A_1079 : i32
        %lt3A_1081 = arith.constant 0 : i32
        %lt3A_1082 = arith.cmpi slt, %select_n3A_1075, %lt3A_1081 : i32
        %ne3A_1083 = arith.xori %lt3A_1080, %lt3A_1082 : i1
        %and3A_1084 = arith.andi %ne3A_1083, %ne3A_1078 : i1
        %add3A_1085 = arith.addi %rem3A_1076, %select_n3A_1075 : i32
        %select_n3A_1086 = arith.select %and3A_1084, %add3A_1085, %rem3A_1076 : i32
        %mul3A_1087 = arith.constant 16 : i32
        %mul3A_1088 = arith.muli %select_n3A_1086, %mul3A_1087 : i32
        %swap3A_1089 = arith.index_cast %select_n3A_1070 : i32 to index
        %swap3A_1090 = arith.index_cast %mul3A_1088 : i32 to index
        %swap3A_1091 = tpu.vector_load %arg11[%swap3A_1089, %swap3A_1090] {strides = array<i32>} : memref<27x128xi32, #tpu.memory_space<vmem>>, vector<16xi32>,
        tpu.vector_store %arg11[%swap3A_1089, %swap3A_1090], %gather3A_1046 {strides = array<i32>} : memref<27x128xi32, #tpu.memory_space<vmem>>, vector<16xi32>,
        %scan3A_1092 = arith.constant 3 : i32
        %scan3A_1093 = arith.addi %scan3A_780, %scan3A_1092 : i32
        %mul3A_1094 = arith.constant 16 : i32
        %mul3A_1095 = arith.muli %mul3A_1094, %scan3A_1093 : i32
        %iota3A_1096 = tpu.iota {dimensions = array<i32: 0>} : vector<16xi32>
        %add3A_1097 = vector.broadcast %mul3A_1095 : i32 to vector<16xi32>
        %add3A_1098 = arith.addi %add3A_1097, %iota3A_1096 : vector<16xi32>
        %jit3A_1099 = arith.constant 3 : i32
        %div3A_1100 = vector.broadcast %jit3A_1099 : i32 to vector<16xi32>
        %div3A_1101 = arith.divsi %add3A_1098, %div3A_1100 : vector<16xi32>
        %sign3A_1102 = arith.constant 0 : i32
        %sign3A_1103 = vector.broadcast %sign3A_1102 : i32 to vector<16xi32>
        %sign3A_1104 = arith.cmpi sgt, %add3A_1098, %sign3A_1103 : vector<16xi32>
        %sign3A_1105 = arith.extui %sign3A_1104 : vector<16xi1> to vector<16xi32>
        %sign3A_1106 = arith.constant 0 : i32
        %sign3A_1107 = vector.broadcast %sign3A_1106 : i32 to vector<16xi32>
        %sign3A_1108 = arith.cmpi slt, %add3A_1098, %sign3A_1107 : vector<16xi32>
        %sign3A_1109 = arith.extui %sign3A_1108 : vector<16xi1> to vector<16xi32>
        %sign3A_1110 = arith.subi %sign3A_1105, %sign3A_1109 : vector<16xi32>
        %sign3A_1111 = arith.constant 0 : i32
        %sign3A_1112 = arith.cmpi sgt, %jit3A_1099, %sign3A_1111 : i32
        %sign3A_1113 = arith.extui %sign3A_1112 : i1 to i32
        %sign3A_1114 = arith.constant 0 : i32
        %sign3A_1115 = arith.cmpi slt, %jit3A_1099, %sign3A_1114 : i32
        %sign3A_1116 = arith.extui %sign3A_1115 : i1 to i32
        %sign3A_1117 = arith.subi %sign3A_1113, %sign3A_1116 : i32
        %ne3A_1118 = vector.broadcast %sign3A_1117 : i32 to vector<16xi32>
        %ne3A_1119 = arith.cmpi ne, %sign3A_1110, %ne3A_1118 : vector<16xi32>
        %rem3A_1120 = vector.broadcast %jit3A_1099 : i32 to vector<16xi32>
        %rem3A_1121 = arith.remsi %add3A_1098, %rem3A_1120 : vector<16xi32>
        %ne3A_1122 = arith.constant 0 : i32
        %ne3A_1123 = vector.broadcast %ne3A_1122 : i32 to vector<16xi32>
        %ne3A_1124 = arith.cmpi ne, %rem3A_1121, %ne3A_1123 : vector<16xi32>
        %and3A_1125 = arith.andi %ne3A_1119, %ne3A_1124 : vector<16xi1>
        %sub3A_1126 = arith.constant 1 : i32
        %sub3A_1127 = vector.broadcast %sub3A_1126 : i32 to vector<16xi32>
        %sub3A_1128 = arith.subi %div3A_1101, %sub3A_1127 : vector<16xi32>
        %select_n3A_1129 = arith.select %and3A_1125, %sub3A_1128, %div3A_1101 : vector<16xi1>, vector<16xi32>
        %jit3A_1130 = arith.constant 3 : i32
        %eq3A_1131 = arith.constant 0 : i32
        %eq3A_1132 = arith.cmpi eq, %jit3A_1130, %eq3A_1131 : i32
        %jit3A_1133 = arith.constant 1 : i32
        %select_n3A_1134 = arith.select %eq3A_1132, %jit3A_1133, %jit3A_1130 : i32
        %rem3A_1135 = vector.broadcast %select_n3A_1134 : i32 to vector<16xi32>
        %rem3A_1136 = arith.remsi %add3A_1098, %rem3A_1135 : vector<16xi32>
        %ne3A_1137 = arith.constant 0 : i32
        %ne3A_1138 = vector.broadcast %ne3A_1137 : i32 to vector<16xi32>
        %ne3A_1139 = arith.cmpi ne, %rem3A_1136, %ne3A_1138 : vector<16xi32>
        %lt3A_1140 = arith.constant 0 : i32
        %lt3A_1141 = vector.broadcast %lt3A_1140 : i32 to vector<16xi32>
        %lt3A_1142 = arith.cmpi slt, %rem3A_1136, %lt3A_1141 : vector<16xi32>
        %lt3A_1143 = arith.constant 0 : i32
        %lt3A_1144 = arith.cmpi slt, %select_n3A_1134, %lt3A_1143 : i32
        %ne3A_1145 = vector.broadcast %lt3A_1144 : i1 to vector<16xi1>
        %ne3A_1146 = vector.broadcast %ne3A_1145 : vector<16xi1> to vector<16xi1>
        %ne3A_1147 = arith.xori %lt3A_1142, %ne3A_1146 : vector<16xi1>
        %and3A_1148 = arith.andi %ne3A_1147, %ne3A_1139 : vector<16xi1>
        %add3A_1149 = vector.broadcast %select_n3A_1134 : i32 to vector<16xi32>
        %add3A_1150 = arith.addi %rem3A_1136, %add3A_1149 : vector<16xi32>
        %select_n3A_1151 = arith.select %and3A_1148, %add3A_1150, %rem3A_1136 : vector<16xi1>, vector<16xi32>
        %gather3A_1152 = tpu.vector_load_idx %arg10[%select_n3A_1129, %select_n3A_1151] : memref<1152x16xi32, #tpu.memory_space<vmem>>[vector<16xi32>, vector<16xi32>], vector<16xi32>,
        %jit3A_1153 = arith.constant 8 : i32
        %div3A_1154 = arith.divsi %scan3A_1093, %jit3A_1153 : i32
        %sign3A_1155 = arith.constant 0 : i32
        %sign3A_1156 = arith.cmpi sgt, %scan3A_1093, %sign3A_1155 : i32
        %sign3A_1157 = arith.extui %sign3A_1156 : i1 to i32
        %sign3A_1158 = arith.constant 0 : i32
        %sign3A_1159 = arith.cmpi slt, %scan3A_1093, %sign3A_1158 : i32
        %sign3A_1160 = arith.extui %sign3A_1159 : i1 to i32
        %sign3A_1161 = arith.subi %sign3A_1157, %sign3A_1160 : i32
        %sign3A_1162 = arith.constant 0 : i32
        %sign3A_1163 = arith.cmpi sgt, %jit3A_1153, %sign3A_1162 : i32
        %sign3A_1164 = arith.extui %sign3A_1163 : i1 to i32
        %sign3A_1165 = arith.constant 0 : i32
        %sign3A_1166 = arith.cmpi slt, %jit3A_1153, %sign3A_1165 : i32
        %sign3A_1167 = arith.extui %sign3A_1166 : i1 to i32
        %sign3A_1168 = arith.subi %sign3A_1164, %sign3A_1167 : i32
        %ne3A_1169 = arith.cmpi ne, %sign3A_1161, %sign3A_1168 : i32
        %rem3A_1170 = arith.remsi %scan3A_1093, %jit3A_1153 : i32
        %ne3A_1171 = arith.constant 0 : i32
        %ne3A_1172 = arith.cmpi ne, %rem3A_1170, %ne3A_1171 : i32
        %and3A_1173 = arith.andi %ne3A_1169, %ne3A_1172 : i1
        %sub3A_1174 = arith.constant 1 : i32
        %sub3A_1175 = arith.subi %div3A_1154, %sub3A_1174 : i32
        %select_n3A_1176 = arith.select %and3A_1173, %sub3A_1175, %div3A_1154 : i32
        %jit3A_1177 = arith.constant 8 : i32
        %eq3A_1178 = arith.constant 0 : i32
        %eq3A_1179 = arith.cmpi eq, %jit3A_1177, %eq3A_1178 : i32
        %jit3A_1180 = arith.constant 1 : i32
        %select_n3A_1181 = arith.select %eq3A_1179, %jit3A_1180, %jit3A_1177 : i32
        %rem3A_1182 = arith.remsi %scan3A_1093, %select_n3A_1181 : i32
        %ne3A_1183 = arith.constant 0 : i32
        %ne3A_1184 = arith.cmpi ne, %rem3A_1182, %ne3A_1183 : i32
        %lt3A_1185 = arith.constant 0 : i32
        %lt3A_1186 = arith.cmpi slt, %rem3A_1182, %lt3A_1185 : i32
        %lt3A_1187 = arith.constant 0 : i32
        %lt3A_1188 = arith.cmpi slt, %select_n3A_1181, %lt3A_1187 : i32
        %ne3A_1189 = arith.xori %lt3A_1186, %lt3A_1188 : i1
        %and3A_1190 = arith.andi %ne3A_1189, %ne3A_1184 : i1
        %add3A_1191 = arith.addi %rem3A_1182, %select_n3A_1181 : i32
        %select_n3A_1192 = arith.select %and3A_1190, %add3A_1191, %rem3A_1182 : i32
        %mul3A_1193 = arith.constant 16 : i32
        %mul3A_1194 = arith.muli %select_n3A_1192, %mul3A_1193 : i32
        %swap3A_1195 = arith.index_cast %select_n3A_1176 : i32 to index
        %swap3A_1196 = arith.index_cast %mul3A_1194 : i32 to index
        %swap3A_1197 = tpu.vector_load %arg11[%swap3A_1195, %swap3A_1196] {strides = array<i32>} : memref<27x128xi32, #tpu.memory_space<vmem>>, vector<16xi32>,
        tpu.vector_store %arg11[%swap3A_1195, %swap3A_1196], %gather3A_1152 {strides = array<i32>} : memref<27x128xi32, #tpu.memory_space<vmem>>, vector<16xi32>,
      }
      %scan3A_279 = arith.constant 72 : i32
      %dma_start3A_280 = arith.constant 9 : i32
      %dma_start3A_281 = arith.constant 1152 : i32
      %dma_start3A_282 = arith.constant 0 : i32
      %dma_start3A_283 = tpu.memref_slice %arg12[%dma_start3A_281, %dma_start3A_282] : memref<3456x16xf32, #tpu.memory_space<vmem>> -> memref<128x16xf32, #tpu.memory_space<vmem>>
      %dma_start3A_284 = arith.constant 0 : i32
      %dma_start3A_285 = tpu.memref_slice %arg11[%dma_start3A_280, %dma_start3A_284] : memref<27x128xi32, #tpu.memory_space<vmem>> -> memref<1x128xi32, #tpu.memory_space<vmem>>
      %dma_start3A_286 = tpu.memref_squeeze %dma_start3A_285 : memref<1x128xi32, #tpu.memory_space<vmem>> -> memref<128xi32, #tpu.memory_space<vmem>>
      %dma_start3A_287 = arith.constant 0 : i32
      %dma_start3A_288 = arith.constant 0 : i32
      %dma_start3A_289 = tpu.memref_slice %arg4[%dma_start3A_287, %dma_start3A_288] : memref<100000x16xf32, #tpu.memory_space<hbm>> -> memref<100000x16xf32, #tpu.memory_space<hbm>>
      tpu.enqueue_indirect_dma source(%dma_start3A_289 : memref<100000x16xf32, #tpu.memory_space<hbm>>) target(%dma_start3A_283 : memref<128x16xf32, #tpu.memory_space<vmem>>) offsets(%dma_start3A_286 : memref<128xi32, #tpu.memory_space<vmem>>) semaphore(%arg18 : memref<!tpu.dma_semaphore, #tpu.memory_space<semaphore_mem>>)
      %dma_start3A_290 = arith.constant 10 : i32
      %dma_start3A_291 = arith.constant 1280 : i32
      %dma_start3A_292 = arith.constant 0 : i32
      %dma_start3A_293 = tpu.memref_slice %arg12[%dma_start3A_291, %dma_start3A_292] : memref<3456x16xf32, #tpu.memory_space<vmem>> -> memref<128x16xf32, #tpu.memory_space<vmem>>
      %dma_start3A_294 = arith.constant 0 : i32
      %dma_start3A_295 = tpu.memref_slice %arg11[%dma_start3A_290, %dma_start3A_294] : memref<27x128xi32, #tpu.memory_space<vmem>> -> memref<1x128xi32, #tpu.memory_space<vmem>>
      %dma_start3A_296 = tpu.memref_squeeze %dma_start3A_295 : memref<1x128xi32, #tpu.memory_space<vmem>> -> memref<128xi32, #tpu.memory_space<vmem>>
      %dma_start3A_297 = arith.constant 0 : i32
      %dma_start3A_298 = arith.constant 0 : i32
      %dma_start3A_299 = tpu.memref_slice %arg4[%dma_start3A_297, %dma_start3A_298] : memref<100000x16xf32, #tpu.memory_space<hbm>> -> memref<100000x16xf32, #tpu.memory_space<hbm>>
      tpu.enqueue_indirect_dma source(%dma_start3A_299 : memref<100000x16xf32, #tpu.memory_space<hbm>>) target(%dma_start3A_293 : memref<128x16xf32, #tpu.memory_space<vmem>>) offsets(%dma_start3A_296 : memref<128xi32, #tpu.memory_space<vmem>>) semaphore(%arg18 : memref<!tpu.dma_semaphore, #tpu.memory_space<semaphore_mem>>)
      %dma_start3A_300 = arith.constant 11 : i32
      %dma_start3A_301 = arith.constant 1408 : i32
      %dma_start3A_302 = arith.constant 0 : i32
      %dma_start3A_303 = tpu.memref_slice %arg12[%dma_start3A_301, %dma_start3A_302] : memref<3456x16xf32, #tpu.memory_space<vmem>> -> memref<128x16xf32, #tpu.memory_space<vmem>>
      %dma_start3A_304 = arith.constant 0 : i32
      %dma_start3A_305 = tpu.memref_slice %arg11[%dma_start3A_300, %dma_start3A_304] : memref<27x128xi32, #tpu.memory_space<vmem>> -> memref<1x128xi32, #tpu.memory_space<vmem>>
      %dma_start3A_306 = tpu.memref_squeeze %dma_start3A_305 : memref<1x128xi32, #tpu.memory_space<vmem>> -> memref<128xi32, #tpu.memory_space<vmem>>
      %dma_start3A_307 = arith.constant 0 : i32
      %dma_start3A_308 = arith.constant 0 : i32
      %dma_start3A_309 = tpu.memref_slice %arg4[%dma_start3A_307, %dma_start3A_308] : memref<100000x16xf32, #tpu.memory_space<hbm>> -> memref<100000x16xf32, #tpu.memory_space<hbm>>
      tpu.enqueue_indirect_dma source(%dma_start3A_309 : memref<100000x16xf32, #tpu.memory_space<hbm>>) target(%dma_start3A_303 : memref<128x16xf32, #tpu.memory_space<vmem>>) offsets(%dma_start3A_306 : memref<128xi32, #tpu.memory_space<vmem>>) semaphore(%arg18 : memref<!tpu.dma_semaphore, #tpu.memory_space<semaphore_mem>>)
      %dma_start3A_310 = arith.constant 12 : i32
      %dma_start3A_311 = arith.constant 1536 : i32
      %dma_start3A_312 = arith.constant 0 : i32
      %dma_start3A_313 = tpu.memref_slice %arg12[%dma_start3A_311, %dma_start3A_312] : memref<3456x16xf32, #tpu.memory_space<vmem>> -> memref<128x16xf32, #tpu.memory_space<vmem>>
      %dma_start3A_314 = arith.constant 0 : i32
      %dma_start3A_315 = tpu.memref_slice %arg11[%dma_start3A_310, %dma_start3A_314] : memref<27x128xi32, #tpu.memory_space<vmem>> -> memref<1x128xi32, #tpu.memory_space<vmem>>
      %dma_start3A_316 = tpu.memref_squeeze %dma_start3A_315 : memref<1x128xi32, #tpu.memory_space<vmem>> -> memref<128xi32, #tpu.memory_space<vmem>>
      %dma_start3A_317 = arith.constant 0 : i32
      %dma_start3A_318 = arith.constant 0 : i32
      %dma_start3A_319 = tpu.memref_slice %arg4[%dma_start3A_317, %dma_start3A_318] : memref<100000x16xf32, #tpu.memory_space<hbm>> -> memref<100000x16xf32, #tpu.memory_space<hbm>>
      tpu.enqueue_indirect_dma source(%dma_start3A_319 : memref<100000x16xf32, #tpu.memory_space<hbm>>) target(%dma_start3A_313 : memref<128x16xf32, #tpu.memory_space<vmem>>) offsets(%dma_start3A_316 : memref<128xi32, #tpu.memory_space<vmem>>) semaphore(%arg18 : memref<!tpu.dma_semaphore, #tpu.memory_space<semaphore_mem>>)
      %dma_start3A_320 = arith.constant 13 : i32
      %dma_start3A_321 = arith.constant 1664 : i32
      %dma_start3A_322 = arith.constant 0 : i32
      %dma_start3A_323 = tpu.memref_slice %arg12[%dma_start3A_321, %dma_start3A_322] : memref<3456x16xf32, #tpu.memory_space<vmem>> -> memref<128x16xf32, #tpu.memory_space<vmem>>
      %dma_start3A_324 = arith.constant 0 : i32
      %dma_start3A_325 = tpu.memref_slice %arg11[%dma_start3A_320, %dma_start3A_324] : memref<27x128xi32, #tpu.memory_space<vmem>> -> memref<1x128xi32, #tpu.memory_space<vmem>>
      %dma_start3A_326 = tpu.memref_squeeze %dma_start3A_325 : memref<1x128xi32, #tpu.memory_space<vmem>> -> memref<128xi32, #tpu.memory_space<vmem>>
      %dma_start3A_327 = arith.constant 0 : i32
      %dma_start3A_328 = arith.constant 0 : i32
      %dma_start3A_329 = tpu.memref_slice %arg4[%dma_start3A_327, %dma_start3A_328] : memref<100000x16xf32, #tpu.memory_space<hbm>> -> memref<100000x16xf32, #tpu.memory_space<hbm>>
      tpu.enqueue_indirect_dma source(%dma_start3A_329 : memref<100000x16xf32, #tpu.memory_space<hbm>>) target(%dma_start3A_323 : memref<128x16xf32, #tpu.memory_space<vmem>>) offsets(%dma_start3A_326 : memref<128xi32, #tpu.memory_space<vmem>>) semaphore(%arg18 : memref<!tpu.dma_semaphore, #tpu.memory_space<semaphore_mem>>)
      %dma_start3A_330 = arith.constant 14 : i32
      %dma_start3A_331 = arith.constant 1792 : i32
      %dma_start3A_332 = arith.constant 0 : i32
      %dma_start3A_333 = tpu.memref_slice %arg12[%dma_start3A_331, %dma_start3A_332] : memref<3456x16xf32, #tpu.memory_space<vmem>> -> memref<128x16xf32, #tpu.memory_space<vmem>>
      %dma_start3A_334 = arith.constant 0 : i32
      %dma_start3A_335 = tpu.memref_slice %arg11[%dma_start3A_330, %dma_start3A_334] : memref<27x128xi32, #tpu.memory_space<vmem>> -> memref<1x128xi32, #tpu.memory_space<vmem>>
      %dma_start3A_336 = tpu.memref_squeeze %dma_start3A_335 : memref<1x128xi32, #tpu.memory_space<vmem>> -> memref<128xi32, #tpu.memory_space<vmem>>
      %dma_start3A_337 = arith.constant 0 : i32
      %dma_start3A_338 = arith.constant 0 : i32
      %dma_start3A_339 = tpu.memref_slice %arg4[%dma_start3A_337, %dma_start3A_338] : memref<100000x16xf32, #tpu.memory_space<hbm>> -> memref<100000x16xf32, #tpu.memory_space<hbm>>
      tpu.enqueue_indirect_dma source(%dma_start3A_339 : memref<100000x16xf32, #tpu.memory_space<hbm>>) target(%dma_start3A_333 : memref<128x16xf32, #tpu.memory_space<vmem>>) offsets(%dma_start3A_336 : memref<128xi32, #tpu.memory_space<vmem>>) semaphore(%arg18 : memref<!tpu.dma_semaphore, #tpu.memory_space<semaphore_mem>>)
      %dma_start3A_340 = arith.constant 15 : i32
      %dma_start3A_341 = arith.constant 1920 : i32
      %dma_start3A_342 = arith.constant 0 : i32
      %dma_start3A_343 = tpu.memref_slice %arg12[%dma_start3A_341, %dma_start3A_342] : memref<3456x16xf32, #tpu.memory_space<vmem>> -> memref<128x16xf32, #tpu.memory_space<vmem>>
      %dma_start3A_344 = arith.constant 0 : i32
      %dma_start3A_345 = tpu.memref_slice %arg11[%dma_start3A_340, %dma_start3A_344] : memref<27x128xi32, #tpu.memory_space<vmem>> -> memref<1x128xi32, #tpu.memory_space<vmem>>
      %dma_start3A_346 = tpu.memref_squeeze %dma_start3A_345 : memref<1x128xi32, #tpu.memory_space<vmem>> -> memref<128xi32, #tpu.memory_space<vmem>>
      %dma_start3A_347 = arith.constant 0 : i32
      %dma_start3A_348 = arith.constant 0 : i32
      %dma_start3A_349 = tpu.memref_slice %arg4[%dma_start3A_347, %dma_start3A_348] : memref<100000x16xf32, #tpu.memory_space<hbm>> -> memref<100000x16xf32, #tpu.memory_space<hbm>>
      tpu.enqueue_indirect_dma source(%dma_start3A_349 : memref<100000x16xf32, #tpu.memory_space<hbm>>) target(%dma_start3A_343 : memref<128x16xf32, #tpu.memory_space<vmem>>) offsets(%dma_start3A_346 : memref<128xi32, #tpu.memory_space<vmem>>) semaphore(%arg18 : memref<!tpu.dma_semaphore, #tpu.memory_space<semaphore_mem>>)
      %dma_start3A_350 = arith.constant 16 : i32
      %dma_start3A_351 = arith.constant 2048 : i32
      %dma_start3A_352 = arith.constant 0 : i32
      %dma_start3A_353 = tpu.memref_slice %arg12[%dma_start3A_351, %dma_start3A_352] : memref<3456x16xf32, #tpu.memory_space<vmem>> -> memref<128x16xf32, #tpu.memory_space<vmem>>
      %dma_start3A_354 = arith.constant 0 : i32
      %dma_start3A_355 = tpu.memref_slice %arg11[%dma_start3A_350, %dma_start3A_354] : memref<27x128xi32, #tpu.memory_space<vmem>> -> memref<1x128xi32, #tpu.memory_space<vmem>>
      %dma_start3A_356 = tpu.memref_squeeze %dma_start3A_355 : memref<1x128xi32, #tpu.memory_space<vmem>> -> memref<128xi32, #tpu.memory_space<vmem>>
      %dma_start3A_357 = arith.constant 0 : i32
      %dma_start3A_358 = arith.constant 0 : i32
      %dma_start3A_359 = tpu.memref_slice %arg4[%dma_start3A_357, %dma_start3A_358] : memref<100000x16xf32, #tpu.memory_space<hbm>> -> memref<100000x16xf32, #tpu.memory_space<hbm>>
      tpu.enqueue_indirect_dma source(%dma_start3A_359 : memref<100000x16xf32, #tpu.memory_space<hbm>>) target(%dma_start3A_353 : memref<128x16xf32, #tpu.memory_space<vmem>>) offsets(%dma_start3A_356 : memref<128xi32, #tpu.memory_space<vmem>>) semaphore(%arg18 : memref<!tpu.dma_semaphore, #tpu.memory_space<semaphore_mem>>)
      %dma_start3A_360 = arith.constant 17 : i32
      %dma_start3A_361 = arith.constant 2176 : i32
      %dma_start3A_362 = arith.constant 0 : i32
      %dma_start3A_363 = tpu.memref_slice %arg12[%dma_start3A_361, %dma_start3A_362] : memref<3456x16xf32, #tpu.memory_space<vmem>> -> memref<128x16xf32, #tpu.memory_space<vmem>>
      %dma_start3A_364 = arith.constant 0 : i32
      %dma_start3A_365 = tpu.memref_slice %arg11[%dma_start3A_360, %dma_start3A_364] : memref<27x128xi32, #tpu.memory_space<vmem>> -> memref<1x128xi32, #tpu.memory_space<vmem>>
      %dma_start3A_366 = tpu.memref_squeeze %dma_start3A_365 : memref<1x128xi32, #tpu.memory_space<vmem>> -> memref<128xi32, #tpu.memory_space<vmem>>
      %dma_start3A_367 = arith.constant 0 : i32
      %dma_start3A_368 = arith.constant 0 : i32
      %dma_start3A_369 = tpu.memref_slice %arg4[%dma_start3A_367, %dma_start3A_368] : memref<100000x16xf32, #tpu.memory_space<hbm>> -> memref<100000x16xf32, #tpu.memory_space<hbm>>
      tpu.enqueue_indirect_dma source(%dma_start3A_369 : memref<100000x16xf32, #tpu.memory_space<hbm>>) target(%dma_start3A_363 : memref<128x16xf32, #tpu.memory_space<vmem>>) offsets(%dma_start3A_366 : memref<128xi32, #tpu.memory_space<vmem>>) semaphore(%arg18 : memref<!tpu.dma_semaphore, #tpu.memory_space<semaphore_mem>>)
      %dma_wait3A_370 = arith.constant 6 : i32
      %dma_wait3A_371 = arith.constant 768 : i32
      %dma_wait3A_372 = arith.constant 0 : i32
      %dma_wait3A_373 = tpu.memref_slice %arg10[%dma_wait3A_371, %dma_wait3A_372] : memref<1152x16xi32, #tpu.memory_space<vmem>> -> memref<128x16xi32, #tpu.memory_space<vmem>>
      %dma_wait3A_374 = arith.constant 0 : i32
      %dma_wait3A_375 = tpu.memref_slice %arg8[%dma_wait3A_370, %dma_wait3A_374] : memref<9x128xi32, #tpu.memory_space<vmem>> -> memref<1x128xi32, #tpu.memory_space<vmem>>
      %dma_wait3A_376 = tpu.memref_squeeze %dma_wait3A_375 : memref<1x128xi32, #tpu.memory_space<vmem>> -> memref<128xi32, #tpu.memory_space<vmem>>
      %dma_wait3A_377 = arith.constant 0 : i32
      %dma_wait3A_378 = arith.constant 0 : i32
      %dma_wait3A_379 = tpu.memref_slice %arg5[%dma_wait3A_377, %dma_wait3A_378] : memref<200000x16xi32, #tpu.memory_space<hbm>> -> memref<200000x16xi32, #tpu.memory_space<hbm>>
      tpu.wait_indirect_dma semaphore(%arg16 : memref<!tpu.dma_semaphore, #tpu.memory_space<semaphore_mem>>) src(%dma_wait3A_379 : memref<200000x16xi32, #tpu.memory_space<hbm>>) dst(%dma_wait3A_373 : memref<128x16xi32, #tpu.memory_space<vmem>>)
      %dma_wait3A_380 = arith.constant 7 : i32
      %dma_wait3A_381 = arith.constant 896 : i32
      %dma_wait3A_382 = arith.constant 0 : i32
      %dma_wait3A_383 = tpu.memref_slice %arg10[%dma_wait3A_381, %dma_wait3A_382] : memref<1152x16xi32, #tpu.memory_space<vmem>> -> memref<128x16xi32, #tpu.memory_space<vmem>>
      %dma_wait3A_384 = arith.constant 0 : i32
      %dma_wait3A_385 = tpu.memref_slice %arg8[%dma_wait3A_380, %dma_wait3A_384] : memref<9x128xi32, #tpu.memory_space<vmem>> -> memref<1x128xi32, #tpu.memory_space<vmem>>
      %dma_wait3A_386 = tpu.memref_squeeze %dma_wait3A_385 : memref<1x128xi32, #tpu.memory_space<vmem>> -> memref<128xi32, #tpu.memory_space<vmem>>
      %dma_wait3A_387 = arith.constant 0 : i32
      %dma_wait3A_388 = arith.constant 0 : i32
      %dma_wait3A_389 = tpu.memref_slice %arg5[%dma_wait3A_387, %dma_wait3A_388] : memref<200000x16xi32, #tpu.memory_space<hbm>> -> memref<200000x16xi32, #tpu.memory_space<hbm>>
      tpu.wait_indirect_dma semaphore(%arg16 : memref<!tpu.dma_semaphore, #tpu.memory_space<semaphore_mem>>) src(%dma_wait3A_389 : memref<200000x16xi32, #tpu.memory_space<hbm>>) dst(%dma_wait3A_383 : memref<128x16xi32, #tpu.memory_space<vmem>>)
      %dma_wait3A_390 = arith.constant 8 : i32
      %dma_wait3A_391 = arith.constant 1024 : i32
      %dma_wait3A_392 = arith.constant 0 : i32
      %dma_wait3A_393 = tpu.memref_slice %arg10[%dma_wait3A_391, %dma_wait3A_392] : memref<1152x16xi32, #tpu.memory_space<vmem>> -> memref<128x16xi32, #tpu.memory_space<vmem>>
      %dma_wait3A_394 = arith.constant 0 : i32
      %dma_wait3A_395 = tpu.memref_slice %arg8[%dma_wait3A_390, %dma_wait3A_394] : memref<9x128xi32, #tpu.memory_space<vmem>> -> memref<1x128xi32, #tpu.memory_space<vmem>>
      %dma_wait3A_396 = tpu.memref_squeeze %dma_wait3A_395 : memref<1x128xi32, #tpu.memory_space<vmem>> -> memref<128xi32, #tpu.memory_space<vmem>>
      %dma_wait3A_397 = arith.constant 0 : i32
      %dma_wait3A_398 = arith.constant 0 : i32
      %dma_wait3A_399 = tpu.memref_slice %arg5[%dma_wait3A_397, %dma_wait3A_398] : memref<200000x16xi32, #tpu.memory_space<hbm>> -> memref<200000x16xi32, #tpu.memory_space<hbm>>
      tpu.wait_indirect_dma semaphore(%arg16 : memref<!tpu.dma_semaphore, #tpu.memory_space<semaphore_mem>>) src(%dma_wait3A_399 : memref<200000x16xi32, #tpu.memory_space<hbm>>) dst(%dma_wait3A_393 : memref<128x16xi32, #tpu.memory_space<vmem>>)
      %scan3A_400 = arith.constant 144 : i32
      %scan3A_401 = arith.constant 72 : i32
      %scan3A_402 = arith.addi %scan3A_400, %scan3A_401 : i32
      %scan3A_403 = arith.constant 4 : i32
      scf.for %scan3A_780 = %scan3A_400 to %scan3A_402 step %scan3A_403  : i32 {
        %mul3A_781 = arith.constant 16 : i32
        %mul3A_782 = arith.muli %mul3A_781, %scan3A_780 : i32
        %iota3A = tpu.iota {dimensions = array<i32: 0>} : vector<16xi32>
        %add3A_783 = vector.broadcast %mul3A_782 : i32 to vector<16xi32>
        %add3A_784 = arith.addi %add3A_783, %iota3A : vector<16xi32>
        %jit3A_785 = arith.constant 3 : i32
        %div3A_786 = vector.broadcast %jit3A_785 : i32 to vector<16xi32>
        %div3A_787 = arith.divsi %add3A_784, %div3A_786 : vector<16xi32>
        %sign3A_788 = arith.constant 0 : i32
        %sign3A_789 = vector.broadcast %sign3A_788 : i32 to vector<16xi32>
        %sign3A_790 = arith.cmpi sgt, %add3A_784, %sign3A_789 : vector<16xi32>
        %sign3A_791 = arith.extui %sign3A_790 : vector<16xi1> to vector<16xi32>
        %sign3A_792 = arith.constant 0 : i32
        %sign3A_793 = vector.broadcast %sign3A_792 : i32 to vector<16xi32>
        %sign3A_794 = arith.cmpi slt, %add3A_784, %sign3A_793 : vector<16xi32>
        %sign3A_795 = arith.extui %sign3A_794 : vector<16xi1> to vector<16xi32>
        %sign3A_796 = arith.subi %sign3A_791, %sign3A_795 : vector<16xi32>
        %sign3A_797 = arith.constant 0 : i32
        %sign3A_798 = arith.cmpi sgt, %jit3A_785, %sign3A_797 : i32
        %sign3A_799 = arith.extui %sign3A_798 : i1 to i32
        %sign3A_800 = arith.constant 0 : i32
        %sign3A_801 = arith.cmpi slt, %jit3A_785, %sign3A_800 : i32
        %sign3A_802 = arith.extui %sign3A_801 : i1 to i32
        %sign3A_803 = arith.subi %sign3A_799, %sign3A_802 : i32
        %ne3A_804 = vector.broadcast %sign3A_803 : i32 to vector<16xi32>
        %ne3A_805 = arith.cmpi ne, %sign3A_796, %ne3A_804 : vector<16xi32>
        %rem3A_806 = vector.broadcast %jit3A_785 : i32 to vector<16xi32>
        %rem3A_807 = arith.remsi %add3A_784, %rem3A_806 : vector<16xi32>
        %ne3A_808 = arith.constant 0 : i32
        %ne3A_809 = vector.broadcast %ne3A_808 : i32 to vector<16xi32>
        %ne3A_810 = arith.cmpi ne, %rem3A_807, %ne3A_809 : vector<16xi32>
        %and3A_811 = arith.andi %ne3A_805, %ne3A_810 : vector<16xi1>
        %sub3A_812 = arith.constant 1 : i32
        %sub3A_813 = vector.broadcast %sub3A_812 : i32 to vector<16xi32>
        %sub3A_814 = arith.subi %div3A_787, %sub3A_813 : vector<16xi32>
        %select_n3A_815 = arith.select %and3A_811, %sub3A_814, %div3A_787 : vector<16xi1>, vector<16xi32>
        %jit3A_816 = arith.constant 3 : i32
        %eq3A = arith.constant 0 : i32
        %eq3A_817 = arith.cmpi eq, %jit3A_816, %eq3A : i32
        %jit3A_818 = arith.constant 1 : i32
        %select_n3A_819 = arith.select %eq3A_817, %jit3A_818, %jit3A_816 : i32
        %rem3A_820 = vector.broadcast %select_n3A_819 : i32 to vector<16xi32>
        %rem3A_821 = arith.remsi %add3A_784, %rem3A_820 : vector<16xi32>
        %ne3A_822 = arith.constant 0 : i32
        %ne3A_823 = vector.broadcast %ne3A_822 : i32 to vector<16xi32>
        %ne3A_824 = arith.cmpi ne, %rem3A_821, %ne3A_823 : vector<16xi32>
        %lt3A = arith.constant 0 : i32
        %lt3A_825 = vector.broadcast %lt3A : i32 to vector<16xi32>
        %lt3A_826 = arith.cmpi slt, %rem3A_821, %lt3A_825 : vector<16xi32>
        %lt3A_827 = arith.constant 0 : i32
        %lt3A_828 = arith.cmpi slt, %select_n3A_819, %lt3A_827 : i32
        %ne3A_829 = vector.broadcast %lt3A_828 : i1 to vector<16xi1>
        %ne3A_830 = vector.broadcast %ne3A_829 : vector<16xi1> to vector<16xi1>
        %ne3A_831 = arith.xori %lt3A_826, %ne3A_830 : vector<16xi1>
        %and3A_832 = arith.andi %ne3A_831, %ne3A_824 : vector<16xi1>
        %add3A_833 = vector.broadcast %select_n3A_819 : i32 to vector<16xi32>
        %add3A_834 = arith.addi %rem3A_821, %add3A_833 : vector<16xi32>
        %select_n3A_835 = arith.select %and3A_832, %add3A_834, %rem3A_821 : vector<16xi1>, vector<16xi32>
        %gather3A = tpu.vector_load_idx %arg10[%select_n3A_815, %select_n3A_835] : memref<1152x16xi32, #tpu.memory_space<vmem>>[vector<16xi32>, vector<16xi32>], vector<16xi32>,
        %jit3A_836 = arith.constant 8 : i32
        %div3A_837 = arith.divsi %scan3A_780, %jit3A_836 : i32
        %sign3A_838 = arith.constant 0 : i32
        %sign3A_839 = arith.cmpi sgt, %scan3A_780, %sign3A_838 : i32
        %sign3A_840 = arith.extui %sign3A_839 : i1 to i32
        %sign3A_841 = arith.constant 0 : i32
        %sign3A_842 = arith.cmpi slt, %scan3A_780, %sign3A_841 : i32
        %sign3A_843 = arith.extui %sign3A_842 : i1 to i32
        %sign3A_844 = arith.subi %sign3A_840, %sign3A_843 : i32
        %sign3A_845 = arith.constant 0 : i32
        %sign3A_846 = arith.cmpi sgt, %jit3A_836, %sign3A_845 : i32
        %sign3A_847 = arith.extui %sign3A_846 : i1 to i32
        %sign3A_848 = arith.constant 0 : i32
        %sign3A_849 = arith.cmpi slt, %jit3A_836, %sign3A_848 : i32
        %sign3A_850 = arith.extui %sign3A_849 : i1 to i32
        %sign3A_851 = arith.subi %sign3A_847, %sign3A_850 : i32
        %ne3A_852 = arith.cmpi ne, %sign3A_844, %sign3A_851 : i32
        %rem3A_853 = arith.remsi %scan3A_780, %jit3A_836 : i32
        %ne3A_854 = arith.constant 0 : i32
        %ne3A_855 = arith.cmpi ne, %rem3A_853, %ne3A_854 : i32
        %and3A_856 = arith.andi %ne3A_852, %ne3A_855 : i1
        %sub3A_857 = arith.constant 1 : i32
        %sub3A_858 = arith.subi %div3A_837, %sub3A_857 : i32
        %select_n3A_859 = arith.select %and3A_856, %sub3A_858, %div3A_837 : i32
        %jit3A_860 = arith.constant 8 : i32
        %eq3A_861 = arith.constant 0 : i32
        %eq3A_862 = arith.cmpi eq, %jit3A_860, %eq3A_861 : i32
        %jit3A_863 = arith.constant 1 : i32
        %select_n3A_864 = arith.select %eq3A_862, %jit3A_863, %jit3A_860 : i32
        %rem3A_865 = arith.remsi %scan3A_780, %select_n3A_864 : i32
        %ne3A_866 = arith.constant 0 : i32
        %ne3A_867 = arith.cmpi ne, %rem3A_865, %ne3A_866 : i32
        %lt3A_868 = arith.constant 0 : i32
        %lt3A_869 = arith.cmpi slt, %rem3A_865, %lt3A_868 : i32
        %lt3A_870 = arith.constant 0 : i32
        %lt3A_871 = arith.cmpi slt, %select_n3A_864, %lt3A_870 : i32
        %ne3A_872 = arith.xori %lt3A_869, %lt3A_871 : i1
        %and3A_873 = arith.andi %ne3A_872, %ne3A_867 : i1
        %add3A_874 = arith.addi %rem3A_865, %select_n3A_864 : i32
        %select_n3A_875 = arith.select %and3A_873, %add3A_874, %rem3A_865 : i32
        %mul3A_876 = arith.constant 16 : i32
        %mul3A_877 = arith.muli %select_n3A_875, %mul3A_876 : i32
        %swap3A = arith.index_cast %select_n3A_859 : i32 to index
        %swap3A_878 = arith.index_cast %mul3A_877 : i32 to index
        %swap3A_879 = tpu.vector_load %arg11[%swap3A, %swap3A_878] {strides = array<i32>} : memref<27x128xi32, #tpu.memory_space<vmem>>, vector<16xi32>,
        tpu.vector_store %arg11[%swap3A, %swap3A_878], %gather3A {strides = array<i32>} : memref<27x128xi32, #tpu.memory_space<vmem>>, vector<16xi32>,
        %scan3A_880 = arith.constant 1 : i32
        %scan3A_881 = arith.addi %scan3A_780, %scan3A_880 : i32
        %mul3A_882 = arith.constant 16 : i32
        %mul3A_883 = arith.muli %mul3A_882, %scan3A_881 : i32
        %iota3A_884 = tpu.iota {dimensions = array<i32: 0>} : vector<16xi32>
        %add3A_885 = vector.broadcast %mul3A_883 : i32 to vector<16xi32>
        %add3A_886 = arith.addi %add3A_885, %iota3A_884 : vector<16xi32>
        %jit3A_887 = arith.constant 3 : i32
        %div3A_888 = vector.broadcast %jit3A_887 : i32 to vector<16xi32>
        %div3A_889 = arith.divsi %add3A_886, %div3A_888 : vector<16xi32>
        %sign3A_890 = arith.constant 0 : i32
        %sign3A_891 = vector.broadcast %sign3A_890 : i32 to vector<16xi32>
        %sign3A_892 = arith.cmpi sgt, %add3A_886, %sign3A_891 : vector<16xi32>
        %sign3A_893 = arith.extui %sign3A_892 : vector<16xi1> to vector<16xi32>
        %sign3A_894 = arith.constant 0 : i32
        %sign3A_895 = vector.broadcast %sign3A_894 : i32 to vector<16xi32>
        %sign3A_896 = arith.cmpi slt, %add3A_886, %sign3A_895 : vector<16xi32>
        %sign3A_897 = arith.extui %sign3A_896 : vector<16xi1> to vector<16xi32>
        %sign3A_898 = arith.subi %sign3A_893, %sign3A_897 : vector<16xi32>
        %sign3A_899 = arith.constant 0 : i32
        %sign3A_900 = arith.cmpi sgt, %jit3A_887, %sign3A_899 : i32
        %sign3A_901 = arith.extui %sign3A_900 : i1 to i32
        %sign3A_902 = arith.constant 0 : i32
        %sign3A_903 = arith.cmpi slt, %jit3A_887, %sign3A_902 : i32
        %sign3A_904 = arith.extui %sign3A_903 : i1 to i32
        %sign3A_905 = arith.subi %sign3A_901, %sign3A_904 : i32
        %ne3A_906 = vector.broadcast %sign3A_905 : i32 to vector<16xi32>
        %ne3A_907 = arith.cmpi ne, %sign3A_898, %ne3A_906 : vector<16xi32>
        %rem3A_908 = vector.broadcast %jit3A_887 : i32 to vector<16xi32>
        %rem3A_909 = arith.remsi %add3A_886, %rem3A_908 : vector<16xi32>
        %ne3A_910 = arith.constant 0 : i32
        %ne3A_911 = vector.broadcast %ne3A_910 : i32 to vector<16xi32>
        %ne3A_912 = arith.cmpi ne, %rem3A_909, %ne3A_911 : vector<16xi32>
        %and3A_913 = arith.andi %ne3A_907, %ne3A_912 : vector<16xi1>
        %sub3A_914 = arith.constant 1 : i32
        %sub3A_915 = vector.broadcast %sub3A_914 : i32 to vector<16xi32>
        %sub3A_916 = arith.subi %div3A_889, %sub3A_915 : vector<16xi32>
        %select_n3A_917 = arith.select %and3A_913, %sub3A_916, %div3A_889 : vector<16xi1>, vector<16xi32>
        %jit3A_918 = arith.constant 3 : i32
        %eq3A_919 = arith.constant 0 : i32
        %eq3A_920 = arith.cmpi eq, %jit3A_918, %eq3A_919 : i32
        %jit3A_921 = arith.constant 1 : i32
        %select_n3A_922 = arith.select %eq3A_920, %jit3A_921, %jit3A_918 : i32
        %rem3A_923 = vector.broadcast %select_n3A_922 : i32 to vector<16xi32>
        %rem3A_924 = arith.remsi %add3A_886, %rem3A_923 : vector<16xi32>
        %ne3A_925 = arith.constant 0 : i32
        %ne3A_926 = vector.broadcast %ne3A_925 : i32 to vector<16xi32>
        %ne3A_927 = arith.cmpi ne, %rem3A_924, %ne3A_926 : vector<16xi32>
        %lt3A_928 = arith.constant 0 : i32
        %lt3A_929 = vector.broadcast %lt3A_928 : i32 to vector<16xi32>
        %lt3A_930 = arith.cmpi slt, %rem3A_924, %lt3A_929 : vector<16xi32>
        %lt3A_931 = arith.constant 0 : i32
        %lt3A_932 = arith.cmpi slt, %select_n3A_922, %lt3A_931 : i32
        %ne3A_933 = vector.broadcast %lt3A_932 : i1 to vector<16xi1>
        %ne3A_934 = vector.broadcast %ne3A_933 : vector<16xi1> to vector<16xi1>
        %ne3A_935 = arith.xori %lt3A_930, %ne3A_934 : vector<16xi1>
        %and3A_936 = arith.andi %ne3A_935, %ne3A_927 : vector<16xi1>
        %add3A_937 = vector.broadcast %select_n3A_922 : i32 to vector<16xi32>
        %add3A_938 = arith.addi %rem3A_924, %add3A_937 : vector<16xi32>
        %select_n3A_939 = arith.select %and3A_936, %add3A_938, %rem3A_924 : vector<16xi1>, vector<16xi32>
        %gather3A_940 = tpu.vector_load_idx %arg10[%select_n3A_917, %select_n3A_939] : memref<1152x16xi32, #tpu.memory_space<vmem>>[vector<16xi32>, vector<16xi32>], vector<16xi32>,
        %jit3A_941 = arith.constant 8 : i32
        %div3A_942 = arith.divsi %scan3A_881, %jit3A_941 : i32
        %sign3A_943 = arith.constant 0 : i32
        %sign3A_944 = arith.cmpi sgt, %scan3A_881, %sign3A_943 : i32
        %sign3A_945 = arith.extui %sign3A_944 : i1 to i32
        %sign3A_946 = arith.constant 0 : i32
        %sign3A_947 = arith.cmpi slt, %scan3A_881, %sign3A_946 : i32
        %sign3A_948 = arith.extui %sign3A_947 : i1 to i32
        %sign3A_949 = arith.subi %sign3A_945, %sign3A_948 : i32
        %sign3A_950 = arith.constant 0 : i32
        %sign3A_951 = arith.cmpi sgt, %jit3A_941, %sign3A_950 : i32
        %sign3A_952 = arith.extui %sign3A_951 : i1 to i32
        %sign3A_953 = arith.constant 0 : i32
        %sign3A_954 = arith.cmpi slt, %jit3A_941, %sign3A_953 : i32
        %sign3A_955 = arith.extui %sign3A_954 : i1 to i32
        %sign3A_956 = arith.subi %sign3A_952, %sign3A_955 : i32
        %ne3A_957 = arith.cmpi ne, %sign3A_949, %sign3A_956 : i32
        %rem3A_958 = arith.remsi %scan3A_881, %jit3A_941 : i32
        %ne3A_959 = arith.constant 0 : i32
        %ne3A_960 = arith.cmpi ne, %rem3A_958, %ne3A_959 : i32
        %and3A_961 = arith.andi %ne3A_957, %ne3A_960 : i1
        %sub3A_962 = arith.constant 1 : i32
        %sub3A_963 = arith.subi %div3A_942, %sub3A_962 : i32
        %select_n3A_964 = arith.select %and3A_961, %sub3A_963, %div3A_942 : i32
        %jit3A_965 = arith.constant 8 : i32
        %eq3A_966 = arith.constant 0 : i32
        %eq3A_967 = arith.cmpi eq, %jit3A_965, %eq3A_966 : i32
        %jit3A_968 = arith.constant 1 : i32
        %select_n3A_969 = arith.select %eq3A_967, %jit3A_968, %jit3A_965 : i32
        %rem3A_970 = arith.remsi %scan3A_881, %select_n3A_969 : i32
        %ne3A_971 = arith.constant 0 : i32
        %ne3A_972 = arith.cmpi ne, %rem3A_970, %ne3A_971 : i32
        %lt3A_973 = arith.constant 0 : i32
        %lt3A_974 = arith.cmpi slt, %rem3A_970, %lt3A_973 : i32
        %lt3A_975 = arith.constant 0 : i32
        %lt3A_976 = arith.cmpi slt, %select_n3A_969, %lt3A_975 : i32
        %ne3A_977 = arith.xori %lt3A_974, %lt3A_976 : i1
        %and3A_978 = arith.andi %ne3A_977, %ne3A_972 : i1
        %add3A_979 = arith.addi %rem3A_970, %select_n3A_969 : i32
        %select_n3A_980 = arith.select %and3A_978, %add3A_979, %rem3A_970 : i32
        %mul3A_981 = arith.constant 16 : i32
        %mul3A_982 = arith.muli %select_n3A_980, %mul3A_981 : i32
        %swap3A_983 = arith.index_cast %select_n3A_964 : i32 to index
        %swap3A_984 = arith.index_cast %mul3A_982 : i32 to index
        %swap3A_985 = tpu.vector_load %arg11[%swap3A_983, %swap3A_984] {strides = array<i32>} : memref<27x128xi32, #tpu.memory_space<vmem>>, vector<16xi32>,
        tpu.vector_store %arg11[%swap3A_983, %swap3A_984], %gather3A_940 {strides = array<i32>} : memref<27x128xi32, #tpu.memory_space<vmem>>, vector<16xi32>,
        %scan3A_986 = arith.constant 2 : i32
        %scan3A_987 = arith.addi %scan3A_780, %scan3A_986 : i32
        %mul3A_988 = arith.constant 16 : i32
        %mul3A_989 = arith.muli %mul3A_988, %scan3A_987 : i32
        %iota3A_990 = tpu.iota {dimensions = array<i32: 0>} : vector<16xi32>
        %add3A_991 = vector.broadcast %mul3A_989 : i32 to vector<16xi32>
        %add3A_992 = arith.addi %add3A_991, %iota3A_990 : vector<16xi32>
        %jit3A_993 = arith.constant 3 : i32
        %div3A_994 = vector.broadcast %jit3A_993 : i32 to vector<16xi32>
        %div3A_995 = arith.divsi %add3A_992, %div3A_994 : vector<16xi32>
        %sign3A_996 = arith.constant 0 : i32
        %sign3A_997 = vector.broadcast %sign3A_996 : i32 to vector<16xi32>
        %sign3A_998 = arith.cmpi sgt, %add3A_992, %sign3A_997 : vector<16xi32>
        %sign3A_999 = arith.extui %sign3A_998 : vector<16xi1> to vector<16xi32>
        %sign3A_1000 = arith.constant 0 : i32
        %sign3A_1001 = vector.broadcast %sign3A_1000 : i32 to vector<16xi32>
        %sign3A_1002 = arith.cmpi slt, %add3A_992, %sign3A_1001 : vector<16xi32>
        %sign3A_1003 = arith.extui %sign3A_1002 : vector<16xi1> to vector<16xi32>
        %sign3A_1004 = arith.subi %sign3A_999, %sign3A_1003 : vector<16xi32>
        %sign3A_1005 = arith.constant 0 : i32
        %sign3A_1006 = arith.cmpi sgt, %jit3A_993, %sign3A_1005 : i32
        %sign3A_1007 = arith.extui %sign3A_1006 : i1 to i32
        %sign3A_1008 = arith.constant 0 : i32
        %sign3A_1009 = arith.cmpi slt, %jit3A_993, %sign3A_1008 : i32
        %sign3A_1010 = arith.extui %sign3A_1009 : i1 to i32
        %sign3A_1011 = arith.subi %sign3A_1007, %sign3A_1010 : i32
        %ne3A_1012 = vector.broadcast %sign3A_1011 : i32 to vector<16xi32>
        %ne3A_1013 = arith.cmpi ne, %sign3A_1004, %ne3A_1012 : vector<16xi32>
        %rem3A_1014 = vector.broadcast %jit3A_993 : i32 to vector<16xi32>
        %rem3A_1015 = arith.remsi %add3A_992, %rem3A_1014 : vector<16xi32>
        %ne3A_1016 = arith.constant 0 : i32
        %ne3A_1017 = vector.broadcast %ne3A_1016 : i32 to vector<16xi32>
        %ne3A_1018 = arith.cmpi ne, %rem3A_1015, %ne3A_1017 : vector<16xi32>
        %and3A_1019 = arith.andi %ne3A_1013, %ne3A_1018 : vector<16xi1>
        %sub3A_1020 = arith.constant 1 : i32
        %sub3A_1021 = vector.broadcast %sub3A_1020 : i32 to vector<16xi32>
        %sub3A_1022 = arith.subi %div3A_995, %sub3A_1021 : vector<16xi32>
        %select_n3A_1023 = arith.select %and3A_1019, %sub3A_1022, %div3A_995 : vector<16xi1>, vector<16xi32>
        %jit3A_1024 = arith.constant 3 : i32
        %eq3A_1025 = arith.constant 0 : i32
        %eq3A_1026 = arith.cmpi eq, %jit3A_1024, %eq3A_1025 : i32
        %jit3A_1027 = arith.constant 1 : i32
        %select_n3A_1028 = arith.select %eq3A_1026, %jit3A_1027, %jit3A_1024 : i32
        %rem3A_1029 = vector.broadcast %select_n3A_1028 : i32 to vector<16xi32>
        %rem3A_1030 = arith.remsi %add3A_992, %rem3A_1029 : vector<16xi32>
        %ne3A_1031 = arith.constant 0 : i32
        %ne3A_1032 = vector.broadcast %ne3A_1031 : i32 to vector<16xi32>
        %ne3A_1033 = arith.cmpi ne, %rem3A_1030, %ne3A_1032 : vector<16xi32>
        %lt3A_1034 = arith.constant 0 : i32
        %lt3A_1035 = vector.broadcast %lt3A_1034 : i32 to vector<16xi32>
        %lt3A_1036 = arith.cmpi slt, %rem3A_1030, %lt3A_1035 : vector<16xi32>
        %lt3A_1037 = arith.constant 0 : i32
        %lt3A_1038 = arith.cmpi slt, %select_n3A_1028, %lt3A_1037 : i32
        %ne3A_1039 = vector.broadcast %lt3A_1038 : i1 to vector<16xi1>
        %ne3A_1040 = vector.broadcast %ne3A_1039 : vector<16xi1> to vector<16xi1>
        %ne3A_1041 = arith.xori %lt3A_1036, %ne3A_1040 : vector<16xi1>
        %and3A_1042 = arith.andi %ne3A_1041, %ne3A_1033 : vector<16xi1>
        %add3A_1043 = vector.broadcast %select_n3A_1028 : i32 to vector<16xi32>
        %add3A_1044 = arith.addi %rem3A_1030, %add3A_1043 : vector<16xi32>
        %select_n3A_1045 = arith.select %and3A_1042, %add3A_1044, %rem3A_1030 : vector<16xi1>, vector<16xi32>
        %gather3A_1046 = tpu.vector_load_idx %arg10[%select_n3A_1023, %select_n3A_1045] : memref<1152x16xi32, #tpu.memory_space<vmem>>[vector<16xi32>, vector<16xi32>], vector<16xi32>,
        %jit3A_1047 = arith.constant 8 : i32
        %div3A_1048 = arith.divsi %scan3A_987, %jit3A_1047 : i32
        %sign3A_1049 = arith.constant 0 : i32
        %sign3A_1050 = arith.cmpi sgt, %scan3A_987, %sign3A_1049 : i32
        %sign3A_1051 = arith.extui %sign3A_1050 : i1 to i32
        %sign3A_1052 = arith.constant 0 : i32
        %sign3A_1053 = arith.cmpi slt, %scan3A_987, %sign3A_1052 : i32
        %sign3A_1054 = arith.extui %sign3A_1053 : i1 to i32
        %sign3A_1055 = arith.subi %sign3A_1051, %sign3A_1054 : i32
        %sign3A_1056 = arith.constant 0 : i32
        %sign3A_1057 = arith.cmpi sgt, %jit3A_1047, %sign3A_1056 : i32
        %sign3A_1058 = arith.extui %sign3A_1057 : i1 to i32
        %sign3A_1059 = arith.constant 0 : i32
        %sign3A_1060 = arith.cmpi slt, %jit3A_1047, %sign3A_1059 : i32
        %sign3A_1061 = arith.extui %sign3A_1060 : i1 to i32
        %sign3A_1062 = arith.subi %sign3A_1058, %sign3A_1061 : i32
        %ne3A_1063 = arith.cmpi ne, %sign3A_1055, %sign3A_1062 : i32
        %rem3A_1064 = arith.remsi %scan3A_987, %jit3A_1047 : i32
        %ne3A_1065 = arith.constant 0 : i32
        %ne3A_1066 = arith.cmpi ne, %rem3A_1064, %ne3A_1065 : i32
        %and3A_1067 = arith.andi %ne3A_1063, %ne3A_1066 : i1
        %sub3A_1068 = arith.constant 1 : i32
        %sub3A_1069 = arith.subi %div3A_1048, %sub3A_1068 : i32
        %select_n3A_1070 = arith.select %and3A_1067, %sub3A_1069, %div3A_1048 : i32
        %jit3A_1071 = arith.constant 8 : i32
        %eq3A_1072 = arith.constant 0 : i32
        %eq3A_1073 = arith.cmpi eq, %jit3A_1071, %eq3A_1072 : i32
        %jit3A_1074 = arith.constant 1 : i32
        %select_n3A_1075 = arith.select %eq3A_1073, %jit3A_1074, %jit3A_1071 : i32
        %rem3A_1076 = arith.remsi %scan3A_987, %select_n3A_1075 : i32
        %ne3A_1077 = arith.constant 0 : i32
        %ne3A_1078 = arith.cmpi ne, %rem3A_1076, %ne3A_1077 : i32
        %lt3A_1079 = arith.constant 0 : i32
        %lt3A_1080 = arith.cmpi slt, %rem3A_1076, %lt3A_1079 : i32
        %lt3A_1081 = arith.constant 0 : i32
        %lt3A_1082 = arith.cmpi slt, %select_n3A_1075, %lt3A_1081 : i32
        %ne3A_1083 = arith.xori %lt3A_1080, %lt3A_1082 : i1
        %and3A_1084 = arith.andi %ne3A_1083, %ne3A_1078 : i1
        %add3A_1085 = arith.addi %rem3A_1076, %select_n3A_1075 : i32
        %select_n3A_1086 = arith.select %and3A_1084, %add3A_1085, %rem3A_1076 : i32
        %mul3A_1087 = arith.constant 16 : i32
        %mul3A_1088 = arith.muli %select_n3A_1086, %mul3A_1087 : i32
        %swap3A_1089 = arith.index_cast %select_n3A_1070 : i32 to index
        %swap3A_1090 = arith.index_cast %mul3A_1088 : i32 to index
        %swap3A_1091 = tpu.vector_load %arg11[%swap3A_1089, %swap3A_1090] {strides = array<i32>} : memref<27x128xi32, #tpu.memory_space<vmem>>, vector<16xi32>,
        tpu.vector_store %arg11[%swap3A_1089, %swap3A_1090], %gather3A_1046 {strides = array<i32>} : memref<27x128xi32, #tpu.memory_space<vmem>>, vector<16xi32>,
        %scan3A_1092 = arith.constant 3 : i32
        %scan3A_1093 = arith.addi %scan3A_780, %scan3A_1092 : i32
        %mul3A_1094 = arith.constant 16 : i32
        %mul3A_1095 = arith.muli %mul3A_1094, %scan3A_1093 : i32
        %iota3A_1096 = tpu.iota {dimensions = array<i32: 0>} : vector<16xi32>
        %add3A_1097 = vector.broadcast %mul3A_1095 : i32 to vector<16xi32>
        %add3A_1098 = arith.addi %add3A_1097, %iota3A_1096 : vector<16xi32>
        %jit3A_1099 = arith.constant 3 : i32
        %div3A_1100 = vector.broadcast %jit3A_1099 : i32 to vector<16xi32>
        %div3A_1101 = arith.divsi %add3A_1098, %div3A_1100 : vector<16xi32>
        %sign3A_1102 = arith.constant 0 : i32
        %sign3A_1103 = vector.broadcast %sign3A_1102 : i32 to vector<16xi32>
        %sign3A_1104 = arith.cmpi sgt, %add3A_1098, %sign3A_1103 : vector<16xi32>
        %sign3A_1105 = arith.extui %sign3A_1104 : vector<16xi1> to vector<16xi32>
        %sign3A_1106 = arith.constant 0 : i32
        %sign3A_1107 = vector.broadcast %sign3A_1106 : i32 to vector<16xi32>
        %sign3A_1108 = arith.cmpi slt, %add3A_1098, %sign3A_1107 : vector<16xi32>
        %sign3A_1109 = arith.extui %sign3A_1108 : vector<16xi1> to vector<16xi32>
        %sign3A_1110 = arith.subi %sign3A_1105, %sign3A_1109 : vector<16xi32>
        %sign3A_1111 = arith.constant 0 : i32
        %sign3A_1112 = arith.cmpi sgt, %jit3A_1099, %sign3A_1111 : i32
        %sign3A_1113 = arith.extui %sign3A_1112 : i1 to i32
        %sign3A_1114 = arith.constant 0 : i32
        %sign3A_1115 = arith.cmpi slt, %jit3A_1099, %sign3A_1114 : i32
        %sign3A_1116 = arith.extui %sign3A_1115 : i1 to i32
        %sign3A_1117 = arith.subi %sign3A_1113, %sign3A_1116 : i32
        %ne3A_1118 = vector.broadcast %sign3A_1117 : i32 to vector<16xi32>
        %ne3A_1119 = arith.cmpi ne, %sign3A_1110, %ne3A_1118 : vector<16xi32>
        %rem3A_1120 = vector.broadcast %jit3A_1099 : i32 to vector<16xi32>
        %rem3A_1121 = arith.remsi %add3A_1098, %rem3A_1120 : vector<16xi32>
        %ne3A_1122 = arith.constant 0 : i32
        %ne3A_1123 = vector.broadcast %ne3A_1122 : i32 to vector<16xi32>
        %ne3A_1124 = arith.cmpi ne, %rem3A_1121, %ne3A_1123 : vector<16xi32>
        %and3A_1125 = arith.andi %ne3A_1119, %ne3A_1124 : vector<16xi1>
        %sub3A_1126 = arith.constant 1 : i32
        %sub3A_1127 = vector.broadcast %sub3A_1126 : i32 to vector<16xi32>
        %sub3A_1128 = arith.subi %div3A_1101, %sub3A_1127 : vector<16xi32>
        %select_n3A_1129 = arith.select %and3A_1125, %sub3A_1128, %div3A_1101 : vector<16xi1>, vector<16xi32>
        %jit3A_1130 = arith.constant 3 : i32
        %eq3A_1131 = arith.constant 0 : i32
        %eq3A_1132 = arith.cmpi eq, %jit3A_1130, %eq3A_1131 : i32
        %jit3A_1133 = arith.constant 1 : i32
        %select_n3A_1134 = arith.select %eq3A_1132, %jit3A_1133, %jit3A_1130 : i32
        %rem3A_1135 = vector.broadcast %select_n3A_1134 : i32 to vector<16xi32>
        %rem3A_1136 = arith.remsi %add3A_1098, %rem3A_1135 : vector<16xi32>
        %ne3A_1137 = arith.constant 0 : i32
        %ne3A_1138 = vector.broadcast %ne3A_1137 : i32 to vector<16xi32>
        %ne3A_1139 = arith.cmpi ne, %rem3A_1136, %ne3A_1138 : vector<16xi32>
        %lt3A_1140 = arith.constant 0 : i32
        %lt3A_1141 = vector.broadcast %lt3A_1140 : i32 to vector<16xi32>
        %lt3A_1142 = arith.cmpi slt, %rem3A_1136, %lt3A_1141 : vector<16xi32>
        %lt3A_1143 = arith.constant 0 : i32
        %lt3A_1144 = arith.cmpi slt, %select_n3A_1134, %lt3A_1143 : i32
        %ne3A_1145 = vector.broadcast %lt3A_1144 : i1 to vector<16xi1>
        %ne3A_1146 = vector.broadcast %ne3A_1145 : vector<16xi1> to vector<16xi1>
        %ne3A_1147 = arith.xori %lt3A_1142, %ne3A_1146 : vector<16xi1>
        %and3A_1148 = arith.andi %ne3A_1147, %ne3A_1139 : vector<16xi1>
        %add3A_1149 = vector.broadcast %select_n3A_1134 : i32 to vector<16xi32>
        %add3A_1150 = arith.addi %rem3A_1136, %add3A_1149 : vector<16xi32>
        %select_n3A_1151 = arith.select %and3A_1148, %add3A_1150, %rem3A_1136 : vector<16xi1>, vector<16xi32>
        %gather3A_1152 = tpu.vector_load_idx %arg10[%select_n3A_1129, %select_n3A_1151] : memref<1152x16xi32, #tpu.memory_space<vmem>>[vector<16xi32>, vector<16xi32>], vector<16xi32>,
        %jit3A_1153 = arith.constant 8 : i32
        %div3A_1154 = arith.divsi %scan3A_1093, %jit3A_1153 : i32
        %sign3A_1155 = arith.constant 0 : i32
        %sign3A_1156 = arith.cmpi sgt, %scan3A_1093, %sign3A_1155 : i32
        %sign3A_1157 = arith.extui %sign3A_1156 : i1 to i32
        %sign3A_1158 = arith.constant 0 : i32
        %sign3A_1159 = arith.cmpi slt, %scan3A_1093, %sign3A_1158 : i32
        %sign3A_1160 = arith.extui %sign3A_1159 : i1 to i32
        %sign3A_1161 = arith.subi %sign3A_1157, %sign3A_1160 : i32
        %sign3A_1162 = arith.constant 0 : i32
        %sign3A_1163 = arith.cmpi sgt, %jit3A_1153, %sign3A_1162 : i32
        %sign3A_1164 = arith.extui %sign3A_1163 : i1 to i32
        %sign3A_1165 = arith.constant 0 : i32
        %sign3A_1166 = arith.cmpi slt, %jit3A_1153, %sign3A_1165 : i32
        %sign3A_1167 = arith.extui %sign3A_1166 : i1 to i32
        %sign3A_1168 = arith.subi %sign3A_1164, %sign3A_1167 : i32
        %ne3A_1169 = arith.cmpi ne, %sign3A_1161, %sign3A_1168 : i32
        %rem3A_1170 = arith.remsi %scan3A_1093, %jit3A_1153 : i32
        %ne3A_1171 = arith.constant 0 : i32
        %ne3A_1172 = arith.cmpi ne, %rem3A_1170, %ne3A_1171 : i32
        %and3A_1173 = arith.andi %ne3A_1169, %ne3A_1172 : i1
        %sub3A_1174 = arith.constant 1 : i32
        %sub3A_1175 = arith.subi %div3A_1154, %sub3A_1174 : i32
        %select_n3A_1176 = arith.select %and3A_1173, %sub3A_1175, %div3A_1154 : i32
        %jit3A_1177 = arith.constant 8 : i32
        %eq3A_1178 = arith.constant 0 : i32
        %eq3A_1179 = arith.cmpi eq, %jit3A_1177, %eq3A_1178 : i32
        %jit3A_1180 = arith.constant 1 : i32
        %select_n3A_1181 = arith.select %eq3A_1179, %jit3A_1180, %jit3A_1177 : i32
        %rem3A_1182 = arith.remsi %scan3A_1093, %select_n3A_1181 : i32
        %ne3A_1183 = arith.constant 0 : i32
        %ne3A_1184 = arith.cmpi ne, %rem3A_1182, %ne3A_1183 : i32
        %lt3A_1185 = arith.constant 0 : i32
        %lt3A_1186 = arith.cmpi slt, %rem3A_1182, %lt3A_1185 : i32
        %lt3A_1187 = arith.constant 0 : i32
        %lt3A_1188 = arith.cmpi slt, %select_n3A_1181, %lt3A_1187 : i32
        %ne3A_1189 = arith.xori %lt3A_1186, %lt3A_1188 : i1
        %and3A_1190 = arith.andi %ne3A_1189, %ne3A_1184 : i1
        %add3A_1191 = arith.addi %rem3A_1182, %select_n3A_1181 : i32
        %select_n3A_1192 = arith.select %and3A_1190, %add3A_1191, %rem3A_1182 : i32
        %mul3A_1193 = arith.constant 16 : i32
        %mul3A_1194 = arith.muli %select_n3A_1192, %mul3A_1193 : i32
        %swap3A_1195 = arith.index_cast %select_n3A_1176 : i32 to index
        %swap3A_1196 = arith.index_cast %mul3A_1194 : i32 to index
        %swap3A_1197 = tpu.vector_load %arg11[%swap3A_1195, %swap3A_1196] {strides = array<i32>} : memref<27x128xi32, #tpu.memory_space<vmem>>, vector<16xi32>,
        tpu.vector_store %arg11[%swap3A_1195, %swap3A_1196], %gather3A_1152 {strides = array<i32>} : memref<27x128xi32, #tpu.memory_space<vmem>>, vector<16xi32>,
      }
      %scan3A_404 = arith.constant 72 : i32
      %dma_start3A_405 = arith.constant 18 : i32
      %dma_start3A_406 = arith.constant 2304 : i32
      %dma_start3A_407 = arith.constant 0 : i32
      %dma_start3A_408 = tpu.memref_slice %arg12[%dma_start3A_406, %dma_start3A_407] : memref<3456x16xf32, #tpu.memory_space<vmem>> -> memref<128x16xf32, #tpu.memory_space<vmem>>
      %dma_start3A_409 = arith.constant 0 : i32
      %dma_start3A_410 = tpu.memref_slice %arg11[%dma_start3A_405, %dma_start3A_409] : memref<27x128xi32, #tpu.memory_space<vmem>> -> memref<1x128xi32, #tpu.memory_space<vmem>>
      %dma_start3A_411 = tpu.memref_squeeze %dma_start3A_410 : memref<1x128xi32, #tpu.memory_space<vmem>> -> memref<128xi32, #tpu.memory_space<vmem>>
      %dma_start3A_412 = arith.constant 0 : i32
      %dma_start3A_413 = arith.constant 0 : i32
      %dma_start3A_414 = tpu.memref_slice %arg4[%dma_start3A_412, %dma_start3A_413] : memref<100000x16xf32, #tpu.memory_space<hbm>> -> memref<100000x16xf32, #tpu.memory_space<hbm>>
      tpu.enqueue_indirect_dma source(%dma_start3A_414 : memref<100000x16xf32, #tpu.memory_space<hbm>>) target(%dma_start3A_408 : memref<128x16xf32, #tpu.memory_space<vmem>>) offsets(%dma_start3A_411 : memref<128xi32, #tpu.memory_space<vmem>>) semaphore(%arg19 : memref<!tpu.dma_semaphore, #tpu.memory_space<semaphore_mem>>)
      %dma_start3A_415 = arith.constant 19 : i32
      %dma_start3A_416 = arith.constant 2432 : i32
      %dma_start3A_417 = arith.constant 0 : i32
      %dma_start3A_418 = tpu.memref_slice %arg12[%dma_start3A_416, %dma_start3A_417] : memref<3456x16xf32, #tpu.memory_space<vmem>> -> memref<128x16xf32, #tpu.memory_space<vmem>>
      %dma_start3A_419 = arith.constant 0 : i32
      %dma_start3A_420 = tpu.memref_slice %arg11[%dma_start3A_415, %dma_start3A_419] : memref<27x128xi32, #tpu.memory_space<vmem>> -> memref<1x128xi32, #tpu.memory_space<vmem>>
      %dma_start3A_421 = tpu.memref_squeeze %dma_start3A_420 : memref<1x128xi32, #tpu.memory_space<vmem>> -> memref<128xi32, #tpu.memory_space<vmem>>
      %dma_start3A_422 = arith.constant 0 : i32
      %dma_start3A_423 = arith.constant 0 : i32
      %dma_start3A_424 = tpu.memref_slice %arg4[%dma_start3A_422, %dma_start3A_423] : memref<100000x16xf32, #tpu.memory_space<hbm>> -> memref<100000x16xf32, #tpu.memory_space<hbm>>
      tpu.enqueue_indirect_dma source(%dma_start3A_424 : memref<100000x16xf32, #tpu.memory_space<hbm>>) target(%dma_start3A_418 : memref<128x16xf32, #tpu.memory_space<vmem>>) offsets(%dma_start3A_421 : memref<128xi32, #tpu.memory_space<vmem>>) semaphore(%arg19 : memref<!tpu.dma_semaphore, #tpu.memory_space<semaphore_mem>>)
      %dma_start3A_425 = arith.constant 20 : i32
      %dma_start3A_426 = arith.constant 2560 : i32
      %dma_start3A_427 = arith.constant 0 : i32
      %dma_start3A_428 = tpu.memref_slice %arg12[%dma_start3A_426, %dma_start3A_427] : memref<3456x16xf32, #tpu.memory_space<vmem>> -> memref<128x16xf32, #tpu.memory_space<vmem>>
      %dma_start3A_429 = arith.constant 0 : i32
      %dma_start3A_430 = tpu.memref_slice %arg11[%dma_start3A_425, %dma_start3A_429] : memref<27x128xi32, #tpu.memory_space<vmem>> -> memref<1x128xi32, #tpu.memory_space<vmem>>
      %dma_start3A_431 = tpu.memref_squeeze %dma_start3A_430 : memref<1x128xi32, #tpu.memory_space<vmem>> -> memref<128xi32, #tpu.memory_space<vmem>>
      %dma_start3A_432 = arith.constant 0 : i32
      %dma_start3A_433 = arith.constant 0 : i32
      %dma_start3A_434 = tpu.memref_slice %arg4[%dma_start3A_432, %dma_start3A_433] : memref<100000x16xf32, #tpu.memory_space<hbm>> -> memref<100000x16xf32, #tpu.memory_space<hbm>>
      tpu.enqueue_indirect_dma source(%dma_start3A_434 : memref<100000x16xf32, #tpu.memory_space<hbm>>) target(%dma_start3A_428 : memref<128x16xf32, #tpu.memory_space<vmem>>) offsets(%dma_start3A_431 : memref<128xi32, #tpu.memory_space<vmem>>) semaphore(%arg19 : memref<!tpu.dma_semaphore, #tpu.memory_space<semaphore_mem>>)
      %dma_start3A_435 = arith.constant 21 : i32
      %dma_start3A_436 = arith.constant 2688 : i32
      %dma_start3A_437 = arith.constant 0 : i32
      %dma_start3A_438 = tpu.memref_slice %arg12[%dma_start3A_436, %dma_start3A_437] : memref<3456x16xf32, #tpu.memory_space<vmem>> -> memref<128x16xf32, #tpu.memory_space<vmem>>
      %dma_start3A_439 = arith.constant 0 : i32
      %dma_start3A_440 = tpu.memref_slice %arg11[%dma_start3A_435, %dma_start3A_439] : memref<27x128xi32, #tpu.memory_space<vmem>> -> memref<1x128xi32, #tpu.memory_space<vmem>>
      %dma_start3A_441 = tpu.memref_squeeze %dma_start3A_440 : memref<1x128xi32, #tpu.memory_space<vmem>> -> memref<128xi32, #tpu.memory_space<vmem>>
      %dma_start3A_442 = arith.constant 0 : i32
      %dma_start3A_443 = arith.constant 0 : i32
      %dma_start3A_444 = tpu.memref_slice %arg4[%dma_start3A_442, %dma_start3A_443] : memref<100000x16xf32, #tpu.memory_space<hbm>> -> memref<100000x16xf32, #tpu.memory_space<hbm>>
      tpu.enqueue_indirect_dma source(%dma_start3A_444 : memref<100000x16xf32, #tpu.memory_space<hbm>>) target(%dma_start3A_438 : memref<128x16xf32, #tpu.memory_space<vmem>>) offsets(%dma_start3A_441 : memref<128xi32, #tpu.memory_space<vmem>>) semaphore(%arg19 : memref<!tpu.dma_semaphore, #tpu.memory_space<semaphore_mem>>)
      %dma_start3A_445 = arith.constant 22 : i32
      %dma_start3A_446 = arith.constant 2816 : i32
      %dma_start3A_447 = arith.constant 0 : i32
      %dma_start3A_448 = tpu.memref_slice %arg12[%dma_start3A_446, %dma_start3A_447] : memref<3456x16xf32, #tpu.memory_space<vmem>> -> memref<128x16xf32, #tpu.memory_space<vmem>>
      %dma_start3A_449 = arith.constant 0 : i32
      %dma_start3A_450 = tpu.memref_slice %arg11[%dma_start3A_445, %dma_start3A_449] : memref<27x128xi32, #tpu.memory_space<vmem>> -> memref<1x128xi32, #tpu.memory_space<vmem>>
      %dma_start3A_451 = tpu.memref_squeeze %dma_start3A_450 : memref<1x128xi32, #tpu.memory_space<vmem>> -> memref<128xi32, #tpu.memory_space<vmem>>
      %dma_start3A_452 = arith.constant 0 : i32
      %dma_start3A_453 = arith.constant 0 : i32
      %dma_start3A_454 = tpu.memref_slice %arg4[%dma_start3A_452, %dma_start3A_453] : memref<100000x16xf32, #tpu.memory_space<hbm>> -> memref<100000x16xf32, #tpu.memory_space<hbm>>
      tpu.enqueue_indirect_dma source(%dma_start3A_454 : memref<100000x16xf32, #tpu.memory_space<hbm>>) target(%dma_start3A_448 : memref<128x16xf32, #tpu.memory_space<vmem>>) offsets(%dma_start3A_451 : memref<128xi32, #tpu.memory_space<vmem>>) semaphore(%arg19 : memref<!tpu.dma_semaphore, #tpu.memory_space<semaphore_mem>>)
      %dma_start3A_455 = arith.constant 23 : i32
      %dma_start3A_456 = arith.constant 2944 : i32
      %dma_start3A_457 = arith.constant 0 : i32
      %dma_start3A_458 = tpu.memref_slice %arg12[%dma_start3A_456, %dma_start3A_457] : memref<3456x16xf32, #tpu.memory_space<vmem>> -> memref<128x16xf32, #tpu.memory_space<vmem>>
      %dma_start3A_459 = arith.constant 0 : i32
      %dma_start3A_460 = tpu.memref_slice %arg11[%dma_start3A_455, %dma_start3A_459] : memref<27x128xi32, #tpu.memory_space<vmem>> -> memref<1x128xi32, #tpu.memory_space<vmem>>
      %dma_start3A_461 = tpu.memref_squeeze %dma_start3A_460 : memref<1x128xi32, #tpu.memory_space<vmem>> -> memref<128xi32, #tpu.memory_space<vmem>>
      %dma_start3A_462 = arith.constant 0 : i32
      %dma_start3A_463 = arith.constant 0 : i32
      %dma_start3A_464 = tpu.memref_slice %arg4[%dma_start3A_462, %dma_start3A_463] : memref<100000x16xf32, #tpu.memory_space<hbm>> -> memref<100000x16xf32, #tpu.memory_space<hbm>>
      tpu.enqueue_indirect_dma source(%dma_start3A_464 : memref<100000x16xf32, #tpu.memory_space<hbm>>) target(%dma_start3A_458 : memref<128x16xf32, #tpu.memory_space<vmem>>) offsets(%dma_start3A_461 : memref<128xi32, #tpu.memory_space<vmem>>) semaphore(%arg19 : memref<!tpu.dma_semaphore, #tpu.memory_space<semaphore_mem>>)
      %dma_start3A_465 = arith.constant 24 : i32
      %dma_start3A_466 = arith.constant 3072 : i32
      %dma_start3A_467 = arith.constant 0 : i32
      %dma_start3A_468 = tpu.memref_slice %arg12[%dma_start3A_466, %dma_start3A_467] : memref<3456x16xf32, #tpu.memory_space<vmem>> -> memref<128x16xf32, #tpu.memory_space<vmem>>
      %dma_start3A_469 = arith.constant 0 : i32
      %dma_start3A_470 = tpu.memref_slice %arg11[%dma_start3A_465, %dma_start3A_469] : memref<27x128xi32, #tpu.memory_space<vmem>> -> memref<1x128xi32, #tpu.memory_space<vmem>>
      %dma_start3A_471 = tpu.memref_squeeze %dma_start3A_470 : memref<1x128xi32, #tpu.memory_space<vmem>> -> memref<128xi32, #tpu.memory_space<vmem>>
      %dma_start3A_472 = arith.constant 0 : i32
      %dma_start3A_473 = arith.constant 0 : i32
      %dma_start3A_474 = tpu.memref_slice %arg4[%dma_start3A_472, %dma_start3A_473] : memref<100000x16xf32, #tpu.memory_space<hbm>> -> memref<100000x16xf32, #tpu.memory_space<hbm>>
      tpu.enqueue_indirect_dma source(%dma_start3A_474 : memref<100000x16xf32, #tpu.memory_space<hbm>>) target(%dma_start3A_468 : memref<128x16xf32, #tpu.memory_space<vmem>>) offsets(%dma_start3A_471 : memref<128xi32, #tpu.memory_space<vmem>>) semaphore(%arg19 : memref<!tpu.dma_semaphore, #tpu.memory_space<semaphore_mem>>)
      %dma_start3A_475 = arith.constant 25 : i32
      %dma_start3A_476 = arith.constant 3200 : i32
      %dma_start3A_477 = arith.constant 0 : i32
      %dma_start3A_478 = tpu.memref_slice %arg12[%dma_start3A_476, %dma_start3A_477] : memref<3456x16xf32, #tpu.memory_space<vmem>> -> memref<128x16xf32, #tpu.memory_space<vmem>>
      %dma_start3A_479 = arith.constant 0 : i32
      %dma_start3A_480 = tpu.memref_slice %arg11[%dma_start3A_475, %dma_start3A_479] : memref<27x128xi32, #tpu.memory_space<vmem>> -> memref<1x128xi32, #tpu.memory_space<vmem>>
      %dma_start3A_481 = tpu.memref_squeeze %dma_start3A_480 : memref<1x128xi32, #tpu.memory_space<vmem>> -> memref<128xi32, #tpu.memory_space<vmem>>
      %dma_start3A_482 = arith.constant 0 : i32
      %dma_start3A_483 = arith.constant 0 : i32
      %dma_start3A_484 = tpu.memref_slice %arg4[%dma_start3A_482, %dma_start3A_483] : memref<100000x16xf32, #tpu.memory_space<hbm>> -> memref<100000x16xf32, #tpu.memory_space<hbm>>
      tpu.enqueue_indirect_dma source(%dma_start3A_484 : memref<100000x16xf32, #tpu.memory_space<hbm>>) target(%dma_start3A_478 : memref<128x16xf32, #tpu.memory_space<vmem>>) offsets(%dma_start3A_481 : memref<128xi32, #tpu.memory_space<vmem>>) semaphore(%arg19 : memref<!tpu.dma_semaphore, #tpu.memory_space<semaphore_mem>>)
      %dma_start3A_485 = arith.constant 26 : i32
      %dma_start3A_486 = arith.constant 3328 : i32
      %dma_start3A_487 = arith.constant 0 : i32
      %dma_start3A_488 = tpu.memref_slice %arg12[%dma_start3A_486, %dma_start3A_487] : memref<3456x16xf32, #tpu.memory_space<vmem>> -> memref<128x16xf32, #tpu.memory_space<vmem>>
      %dma_start3A_489 = arith.constant 0 : i32
      %dma_start3A_490 = tpu.memref_slice %arg11[%dma_start3A_485, %dma_start3A_489] : memref<27x128xi32, #tpu.memory_space<vmem>> -> memref<1x128xi32, #tpu.memory_space<vmem>>
      %dma_start3A_491 = tpu.memref_squeeze %dma_start3A_490 : memref<1x128xi32, #tpu.memory_space<vmem>> -> memref<128xi32, #tpu.memory_space<vmem>>
      %dma_start3A_492 = arith.constant 0 : i32
      %dma_start3A_493 = arith.constant 0 : i32
      %dma_start3A_494 = tpu.memref_slice %arg4[%dma_start3A_492, %dma_start3A_493] : memref<100000x16xf32, #tpu.memory_space<hbm>> -> memref<100000x16xf32, #tpu.memory_space<hbm>>
      tpu.enqueue_indirect_dma source(%dma_start3A_494 : memref<100000x16xf32, #tpu.memory_space<hbm>>) target(%dma_start3A_488 : memref<128x16xf32, #tpu.memory_space<vmem>>) offsets(%dma_start3A_491 : memref<128xi32, #tpu.memory_space<vmem>>) semaphore(%arg19 : memref<!tpu.dma_semaphore, #tpu.memory_space<semaphore_mem>>)
      %dma_wait3A_495 = arith.constant 0 : i32
      %dma_wait3A_496 = arith.constant 0 : i32
      %dma_wait3A_497 = arith.constant 0 : i32
      %dma_wait3A_498 = tpu.memref_slice %arg12[%dma_wait3A_496, %dma_wait3A_497] : memref<3456x16xf32, #tpu.memory_space<vmem>> -> memref<128x16xf32, #tpu.memory_space<vmem>>
      %dma_wait3A_499 = arith.constant 0 : i32
      %dma_wait3A_500 = tpu.memref_slice %arg11[%dma_wait3A_495, %dma_wait3A_499] : memref<27x128xi32, #tpu.memory_space<vmem>> -> memref<1x128xi32, #tpu.memory_space<vmem>>
      %dma_wait3A_501 = tpu.memref_squeeze %dma_wait3A_500 : memref<1x128xi32, #tpu.memory_space<vmem>> -> memref<128xi32, #tpu.memory_space<vmem>>
      %dma_wait3A_502 = arith.constant 0 : i32
      %dma_wait3A_503 = arith.constant 0 : i32
      %dma_wait3A_504 = tpu.memref_slice %arg4[%dma_wait3A_502, %dma_wait3A_503] : memref<100000x16xf32, #tpu.memory_space<hbm>> -> memref<100000x16xf32, #tpu.memory_space<hbm>>
      tpu.wait_indirect_dma semaphore(%arg17 : memref<!tpu.dma_semaphore, #tpu.memory_space<semaphore_mem>>) src(%dma_wait3A_504 : memref<100000x16xf32, #tpu.memory_space<hbm>>) dst(%dma_wait3A_498 : memref<128x16xf32, #tpu.memory_space<vmem>>)
      %dma_wait3A_505 = arith.constant 1 : i32
      %dma_wait3A_506 = arith.constant 128 : i32
      %dma_wait3A_507 = arith.constant 0 : i32
      %dma_wait3A_508 = tpu.memref_slice %arg12[%dma_wait3A_506, %dma_wait3A_507] : memref<3456x16xf32, #tpu.memory_space<vmem>> -> memref<128x16xf32, #tpu.memory_space<vmem>>
      %dma_wait3A_509 = arith.constant 0 : i32
      %dma_wait3A_510 = tpu.memref_slice %arg11[%dma_wait3A_505, %dma_wait3A_509] : memref<27x128xi32, #tpu.memory_space<vmem>> -> memref<1x128xi32, #tpu.memory_space<vmem>>
      %dma_wait3A_511 = tpu.memref_squeeze %dma_wait3A_510 : memref<1x128xi32, #tpu.memory_space<vmem>> -> memref<128xi32, #tpu.memory_space<vmem>>
      %dma_wait3A_512 = arith.constant 0 : i32
      %dma_wait3A_513 = arith.constant 0 : i32
      %dma_wait3A_514 = tpu.memref_slice %arg4[%dma_wait3A_512, %dma_wait3A_513] : memref<100000x16xf32, #tpu.memory_space<hbm>> -> memref<100000x16xf32, #tpu.memory_space<hbm>>
      tpu.wait_indirect_dma semaphore(%arg17 : memref<!tpu.dma_semaphore, #tpu.memory_space<semaphore_mem>>) src(%dma_wait3A_514 : memref<100000x16xf32, #tpu.memory_space<hbm>>) dst(%dma_wait3A_508 : memref<128x16xf32, #tpu.memory_space<vmem>>)
      %dma_wait3A_515 = arith.constant 2 : i32
      %dma_wait3A_516 = arith.constant 256 : i32
      %dma_wait3A_517 = arith.constant 0 : i32
      %dma_wait3A_518 = tpu.memref_slice %arg12[%dma_wait3A_516, %dma_wait3A_517] : memref<3456x16xf32, #tpu.memory_space<vmem>> -> memref<128x16xf32, #tpu.memory_space<vmem>>
      %dma_wait3A_519 = arith.constant 0 : i32
      %dma_wait3A_520 = tpu.memref_slice %arg11[%dma_wait3A_515, %dma_wait3A_519] : memref<27x128xi32, #tpu.memory_space<vmem>> -> memref<1x128xi32, #tpu.memory_space<vmem>>
      %dma_wait3A_521 = tpu.memref_squeeze %dma_wait3A_520 : memref<1x128xi32, #tpu.memory_space<vmem>> -> memref<128xi32, #tpu.memory_space<vmem>>
      %dma_wait3A_522 = arith.constant 0 : i32
      %dma_wait3A_523 = arith.constant 0 : i32
      %dma_wait3A_524 = tpu.memref_slice %arg4[%dma_wait3A_522, %dma_wait3A_523] : memref<100000x16xf32, #tpu.memory_space<hbm>> -> memref<100000x16xf32, #tpu.memory_space<hbm>>
      tpu.wait_indirect_dma semaphore(%arg17 : memref<!tpu.dma_semaphore, #tpu.memory_space<semaphore_mem>>) src(%dma_wait3A_524 : memref<100000x16xf32, #tpu.memory_space<hbm>>) dst(%dma_wait3A_518 : memref<128x16xf32, #tpu.memory_space<vmem>>)
      %dma_wait3A_525 = arith.constant 3 : i32
      %dma_wait3A_526 = arith.constant 384 : i32
      %dma_wait3A_527 = arith.constant 0 : i32
      %dma_wait3A_528 = tpu.memref_slice %arg12[%dma_wait3A_526, %dma_wait3A_527] : memref<3456x16xf32, #tpu.memory_space<vmem>> -> memref<128x16xf32, #tpu.memory_space<vmem>>
      %dma_wait3A_529 = arith.constant 0 : i32
      %dma_wait3A_530 = tpu.memref_slice %arg11[%dma_wait3A_525, %dma_wait3A_529] : memref<27x128xi32, #tpu.memory_space<vmem>> -> memref<1x128xi32, #tpu.memory_space<vmem>>
      %dma_wait3A_531 = tpu.memref_squeeze %dma_wait3A_530 : memref<1x128xi32, #tpu.memory_space<vmem>> -> memref<128xi32, #tpu.memory_space<vmem>>
      %dma_wait3A_532 = arith.constant 0 : i32
      %dma_wait3A_533 = arith.constant 0 : i32
      %dma_wait3A_534 = tpu.memref_slice %arg4[%dma_wait3A_532, %dma_wait3A_533] : memref<100000x16xf32, #tpu.memory_space<hbm>> -> memref<100000x16xf32, #tpu.memory_space<hbm>>
      tpu.wait_indirect_dma semaphore(%arg17 : memref<!tpu.dma_semaphore, #tpu.memory_space<semaphore_mem>>) src(%dma_wait3A_534 : memref<100000x16xf32, #tpu.memory_space<hbm>>) dst(%dma_wait3A_528 : memref<128x16xf32, #tpu.memory_space<vmem>>)
      %dma_wait3A_535 = arith.constant 4 : i32
      %dma_wait3A_536 = arith.constant 512 : i32
      %dma_wait3A_537 = arith.constant 0 : i32
      %dma_wait3A_538 = tpu.memref_slice %arg12[%dma_wait3A_536, %dma_wait3A_537] : memref<3456x16xf32, #tpu.memory_space<vmem>> -> memref<128x16xf32, #tpu.memory_space<vmem>>
      %dma_wait3A_539 = arith.constant 0 : i32
      %dma_wait3A_540 = tpu.memref_slice %arg11[%dma_wait3A_535, %dma_wait3A_539] : memref<27x128xi32, #tpu.memory_space<vmem>> -> memref<1x128xi32, #tpu.memory_space<vmem>>
      %dma_wait3A_541 = tpu.memref_squeeze %dma_wait3A_540 : memref<1x128xi32, #tpu.memory_space<vmem>> -> memref<128xi32, #tpu.memory_space<vmem>>
      %dma_wait3A_542 = arith.constant 0 : i32
      %dma_wait3A_543 = arith.constant 0 : i32
      %dma_wait3A_544 = tpu.memref_slice %arg4[%dma_wait3A_542, %dma_wait3A_543] : memref<100000x16xf32, #tpu.memory_space<hbm>> -> memref<100000x16xf32, #tpu.memory_space<hbm>>
      tpu.wait_indirect_dma semaphore(%arg17 : memref<!tpu.dma_semaphore, #tpu.memory_space<semaphore_mem>>) src(%dma_wait3A_544 : memref<100000x16xf32, #tpu.memory_space<hbm>>) dst(%dma_wait3A_538 : memref<128x16xf32, #tpu.memory_space<vmem>>)
      %dma_wait3A_545 = arith.constant 5 : i32
      %dma_wait3A_546 = arith.constant 640 : i32
      %dma_wait3A_547 = arith.constant 0 : i32
      %dma_wait3A_548 = tpu.memref_slice %arg12[%dma_wait3A_546, %dma_wait3A_547] : memref<3456x16xf32, #tpu.memory_space<vmem>> -> memref<128x16xf32, #tpu.memory_space<vmem>>
      %dma_wait3A_549 = arith.constant 0 : i32
      %dma_wait3A_550 = tpu.memref_slice %arg11[%dma_wait3A_545, %dma_wait3A_549] : memref<27x128xi32, #tpu.memory_space<vmem>> -> memref<1x128xi32, #tpu.memory_space<vmem>>
      %dma_wait3A_551 = tpu.memref_squeeze %dma_wait3A_550 : memref<1x128xi32, #tpu.memory_space<vmem>> -> memref<128xi32, #tpu.memory_space<vmem>>
      %dma_wait3A_552 = arith.constant 0 : i32
      %dma_wait3A_553 = arith.constant 0 : i32
      %dma_wait3A_554 = tpu.memref_slice %arg4[%dma_wait3A_552, %dma_wait3A_553] : memref<100000x16xf32, #tpu.memory_space<hbm>> -> memref<100000x16xf32, #tpu.memory_space<hbm>>
      tpu.wait_indirect_dma semaphore(%arg17 : memref<!tpu.dma_semaphore, #tpu.memory_space<semaphore_mem>>) src(%dma_wait3A_554 : memref<100000x16xf32, #tpu.memory_space<hbm>>) dst(%dma_wait3A_548 : memref<128x16xf32, #tpu.memory_space<vmem>>)
      %dma_wait3A_555 = arith.constant 6 : i32
      %dma_wait3A_556 = arith.constant 768 : i32
      %dma_wait3A_557 = arith.constant 0 : i32
      %dma_wait3A_558 = tpu.memref_slice %arg12[%dma_wait3A_556, %dma_wait3A_557] : memref<3456x16xf32, #tpu.memory_space<vmem>> -> memref<128x16xf32, #tpu.memory_space<vmem>>
      %dma_wait3A_559 = arith.constant 0 : i32
      %dma_wait3A_560 = tpu.memref_slice %arg11[%dma_wait3A_555, %dma_wait3A_559] : memref<27x128xi32, #tpu.memory_space<vmem>> -> memref<1x128xi32, #tpu.memory_space<vmem>>
      %dma_wait3A_561 = tpu.memref_squeeze %dma_wait3A_560 : memref<1x128xi32, #tpu.memory_space<vmem>> -> memref<128xi32, #tpu.memory_space<vmem>>
      %dma_wait3A_562 = arith.constant 0 : i32
      %dma_wait3A_563 = arith.constant 0 : i32
      %dma_wait3A_564 = tpu.memref_slice %arg4[%dma_wait3A_562, %dma_wait3A_563] : memref<100000x16xf32, #tpu.memory_space<hbm>> -> memref<100000x16xf32, #tpu.memory_space<hbm>>
      tpu.wait_indirect_dma semaphore(%arg17 : memref<!tpu.dma_semaphore, #tpu.memory_space<semaphore_mem>>) src(%dma_wait3A_564 : memref<100000x16xf32, #tpu.memory_space<hbm>>) dst(%dma_wait3A_558 : memref<128x16xf32, #tpu.memory_space<vmem>>)
      %dma_wait3A_565 = arith.constant 7 : i32
      %dma_wait3A_566 = arith.constant 896 : i32
      %dma_wait3A_567 = arith.constant 0 : i32
      %dma_wait3A_568 = tpu.memref_slice %arg12[%dma_wait3A_566, %dma_wait3A_567] : memref<3456x16xf32, #tpu.memory_space<vmem>> -> memref<128x16xf32, #tpu.memory_space<vmem>>
      %dma_wait3A_569 = arith.constant 0 : i32
      %dma_wait3A_570 = tpu.memref_slice %arg11[%dma_wait3A_565, %dma_wait3A_569] : memref<27x128xi32, #tpu.memory_space<vmem>> -> memref<1x128xi32, #tpu.memory_space<vmem>>
      %dma_wait3A_571 = tpu.memref_squeeze %dma_wait3A_570 : memref<1x128xi32, #tpu.memory_space<vmem>> -> memref<128xi32, #tpu.memory_space<vmem>>
      %dma_wait3A_572 = arith.constant 0 : i32
      %dma_wait3A_573 = arith.constant 0 : i32
      %dma_wait3A_574 = tpu.memref_slice %arg4[%dma_wait3A_572, %dma_wait3A_573] : memref<100000x16xf32, #tpu.memory_space<hbm>> -> memref<100000x16xf32, #tpu.memory_space<hbm>>
      tpu.wait_indirect_dma semaphore(%arg17 : memref<!tpu.dma_semaphore, #tpu.memory_space<semaphore_mem>>) src(%dma_wait3A_574 : memref<100000x16xf32, #tpu.memory_space<hbm>>) dst(%dma_wait3A_568 : memref<128x16xf32, #tpu.memory_space<vmem>>)
      %dma_wait3A_575 = arith.constant 8 : i32
      %dma_wait3A_576 = arith.constant 1024 : i32
      %dma_wait3A_577 = arith.constant 0 : i32
      %dma_wait3A_578 = tpu.memref_slice %arg12[%dma_wait3A_576, %dma_wait3A_577] : memref<3456x16xf32, #tpu.memory_space<vmem>> -> memref<128x16xf32, #tpu.memory_space<vmem>>
      %dma_wait3A_579 = arith.constant 0 : i32
      %dma_wait3A_580 = tpu.memref_slice %arg11[%dma_wait3A_575, %dma_wait3A_579] : memref<27x128xi32, #tpu.memory_space<vmem>> -> memref<1x128xi32, #tpu.memory_space<vmem>>
      %dma_wait3A_581 = tpu.memref_squeeze %dma_wait3A_580 : memref<1x128xi32, #tpu.memory_space<vmem>> -> memref<128xi32, #tpu.memory_space<vmem>>
      %dma_wait3A_582 = arith.constant 0 : i32
      %dma_wait3A_583 = arith.constant 0 : i32
      %dma_wait3A_584 = tpu.memref_slice %arg4[%dma_wait3A_582, %dma_wait3A_583] : memref<100000x16xf32, #tpu.memory_space<hbm>> -> memref<100000x16xf32, #tpu.memory_space<hbm>>
      tpu.wait_indirect_dma semaphore(%arg17 : memref<!tpu.dma_semaphore, #tpu.memory_space<semaphore_mem>>) src(%dma_wait3A_584 : memref<100000x16xf32, #tpu.memory_space<hbm>>) dst(%dma_wait3A_578 : memref<128x16xf32, #tpu.memory_space<vmem>>)
      %scan3A_585 = arith.constant 0 : i32
      %scan3A_586 = arith.constant 24 : i32
      %scan3A_587 = arith.addi %scan3A_585, %scan3A_586 : i32
      %scan3A_588 = arith.constant 2 : i32
      scf.for %scan3A_780 = %scan3A_585 to %scan3A_587 step %scan3A_588  : i32 {
        %jit3A_781 = arith.constant 24 : i32
        %div3A_782 = arith.divsi %scan3A_780, %jit3A_781 : i32
        %sign3A_783 = arith.constant 0 : i32
        %sign3A_784 = arith.cmpi sgt, %scan3A_780, %sign3A_783 : i32
        %sign3A_785 = arith.extui %sign3A_784 : i1 to i32
        %sign3A_786 = arith.constant 0 : i32
        %sign3A_787 = arith.cmpi slt, %scan3A_780, %sign3A_786 : i32
        %sign3A_788 = arith.extui %sign3A_787 : i1 to i32
        %sign3A_789 = arith.subi %sign3A_785, %sign3A_788 : i32
        %sign3A_790 = arith.constant 0 : i32
        %sign3A_791 = arith.cmpi sgt, %jit3A_781, %sign3A_790 : i32
        %sign3A_792 = arith.extui %sign3A_791 : i1 to i32
        %sign3A_793 = arith.constant 0 : i32
        %sign3A_794 = arith.cmpi slt, %jit3A_781, %sign3A_793 : i32
        %sign3A_795 = arith.extui %sign3A_794 : i1 to i32
        %sign3A_796 = arith.subi %sign3A_792, %sign3A_795 : i32
        %ne3A_797 = arith.cmpi ne, %sign3A_789, %sign3A_796 : i32
        %rem3A_798 = arith.remsi %scan3A_780, %jit3A_781 : i32
        %ne3A_799 = arith.constant 0 : i32
        %ne3A_800 = arith.cmpi ne, %rem3A_798, %ne3A_799 : i32
        %and3A_801 = arith.andi %ne3A_797, %ne3A_800 : i1
        %sub3A_802 = arith.constant 1 : i32
        %sub3A_803 = arith.subi %div3A_782, %sub3A_802 : i32
        %select_n3A_804 = arith.select %and3A_801, %sub3A_803, %div3A_782 : i32
        %jit3A_805 = arith.constant 24 : i32
        %eq3A = arith.constant 0 : i32
        %eq3A_806 = arith.cmpi eq, %jit3A_805, %eq3A : i32
        %jit3A_807 = arith.constant 1 : i32
        %select_n3A_808 = arith.select %eq3A_806, %jit3A_807, %jit3A_805 : i32
        %rem3A_809 = arith.remsi %scan3A_780, %select_n3A_808 : i32
        %ne3A_810 = arith.constant 0 : i32
        %ne3A_811 = arith.cmpi ne, %rem3A_809, %ne3A_810 : i32
        %lt3A = arith.constant 0 : i32
        %lt3A_812 = arith.cmpi slt, %rem3A_809, %lt3A : i32
        %lt3A_813 = arith.constant 0 : i32
        %lt3A_814 = arith.cmpi slt, %select_n3A_808, %lt3A_813 : i32
        %ne3A_815 = arith.xori %lt3A_812, %lt3A_814 : i1
        %and3A_816 = arith.andi %ne3A_815, %ne3A_811 : i1
        %add3A_817 = arith.addi %rem3A_809, %select_n3A_808 : i32
        %select_n3A_818 = arith.select %and3A_816, %add3A_817, %rem3A_809 : i32
        %mul3A_819 = arith.constant 16 : i32
        %mul3A_820 = arith.muli %select_n3A_818, %mul3A_819 : i32
        %mul3A_821 = arith.constant 16 : i32
        %mul3A_822 = arith.muli %scan3A_780, %mul3A_821 : i32
        %iota3A = tpu.iota {dimensions = array<i32: 0>} : vector<16xi32>
        %add3A_823 = vector.broadcast %mul3A_822 : i32 to vector<16xi32>
        %add3A_824 = arith.addi %add3A_823, %iota3A : vector<16xi32>
        %mul3A_825 = arith.constant 16 : i32
        %mul3A_826 = arith.muli %scan3A_780, %mul3A_825 : i32
        %get3A = arith.index_cast %mul3A_826 : i32 to index
        %get3A_827 = tpu.vector_load %arg7[%get3A] {strides = array<i32>} : memref<1152xi32, #tpu.memory_space<vmem>>, vector<16xi32>,
        %ge3A = arith.constant 0 : i32
        %ge3A_828 = vector.broadcast %ge3A : i32 to vector<16xi32>
        %ge3A_829 = arith.cmpi sge, %get3A_827, %ge3A_828 : vector<16xi32>
        %jit3A_830 = arith.constant 1.000000e+00 : f32
        %jit3A_831 = arith.constant 0.000000e+00 : f32
        %broadcast_in_dim3A = vector.broadcast %jit3A_830 : f32 to vector<16xf32>
        %broadcast_in_dim3A_832 = vector.broadcast %jit3A_831 : f32 to vector<16xf32>
        %select_n3A_833 = arith.select %ge3A_829, %broadcast_in_dim3A, %broadcast_in_dim3A_832 : vector<16xi1>, vector<16xf32>
        %get3A_834 = arith.constant 0 : i32
        %get3A_835 = arith.constant 0 : i32
        %get3A_836 = arith.index_cast %select_n3A_804 : i32 to index
        %get3A_837 = arith.index_cast %get3A_834 : i32 to index
        %get3A_838 = arith.index_cast %get3A_835 : i32 to index
        %get3A_839 = arith.index_cast %mul3A_820 : i32 to index
        %get3A_840 = tpu.vector_load %arg9[%get3A_836, %get3A_837, %get3A_838, %get3A_839] {strides = array<i32>} : memref<3x3x2x384xf32, #tpu.memory_space<vmem>>, vector<16xf32>,
        %mul3A_841 = arith.mulf %get3A_840, %select_n3A_833 : vector<16xf32>
        %get3A_842 = arith.constant 1 : i32
        %get3A_843 = arith.constant 0 : i32
        %get3A_844 = arith.index_cast %select_n3A_804 : i32 to index
        %get3A_845 = arith.index_cast %get3A_842 : i32 to index
        %get3A_846 = arith.index_cast %get3A_843 : i32 to index
        %get3A_847 = arith.index_cast %mul3A_820 : i32 to index
        %get3A_848 = tpu.vector_load %arg9[%get3A_844, %get3A_845, %get3A_846, %get3A_847] {strides = array<i32>} : memref<3x3x2x384xf32, #tpu.memory_space<vmem>>, vector<16xf32>,
        %mul3A_849 = arith.mulf %get3A_848, %select_n3A_833 : vector<16xf32>
        %get3A_850 = arith.constant 2 : i32
        %get3A_851 = arith.constant 0 : i32
        %get3A_852 = arith.index_cast %select_n3A_804 : i32 to index
        %get3A_853 = arith.index_cast %get3A_850 : i32 to index
        %get3A_854 = arith.index_cast %get3A_851 : i32 to index
        %get3A_855 = arith.index_cast %mul3A_820 : i32 to index
        %get3A_856 = tpu.vector_load %arg9[%get3A_852, %get3A_853, %get3A_854, %get3A_855] {strides = array<i32>} : memref<3x3x2x384xf32, #tpu.memory_space<vmem>>, vector<16xf32>,
        %mul3A_857 = arith.mulf %get3A_856, %select_n3A_833 : vector<16xf32>
        %mul3A_858 = arith.constant 3 : i32
        %mul3A_859 = vector.broadcast %mul3A_858 : i32 to vector<16xi32>
        %mul3A_860 = arith.muli %mul3A_859, %add3A_824 : vector<16xi32>
        %add3A_861 = arith.constant 0 : i32
        %add3A_862 = vector.broadcast %add3A_861 : i32 to vector<16xi32>
        %add3A_863 = arith.addi %mul3A_860, %add3A_862 : vector<16xi32>
        %mul3A_864 = arith.constant 3 : i32
        %mul3A_865 = vector.broadcast %mul3A_864 : i32 to vector<16xi32>
        %mul3A_866 = arith.muli %mul3A_865, %add3A_824 : vector<16xi32>
        %add3A_867 = arith.constant 1 : i32
        %add3A_868 = vector.broadcast %add3A_867 : i32 to vector<16xi32>
        %add3A_869 = arith.addi %mul3A_866, %add3A_868 : vector<16xi32>
        %mul3A_870 = arith.constant 3 : i32
        %mul3A_871 = vector.broadcast %mul3A_870 : i32 to vector<16xi32>
        %mul3A_872 = arith.muli %mul3A_871, %add3A_824 : vector<16xi32>
        %add3A_873 = arith.constant 2 : i32
        %add3A_874 = vector.broadcast %add3A_873 : i32 to vector<16xi32>
        %add3A_875 = arith.addi %mul3A_872, %add3A_874 : vector<16xi32>
        %broadcast_in_dim3A_876 = arith.constant 0 : i32
        %broadcast_in_dim3A_877 = vector.broadcast %broadcast_in_dim3A_876 : i32 to vector<16xi32>
        %gather3A = tpu.vector_load_idx %arg12[%add3A_863, %broadcast_in_dim3A_877] : memref<3456x16xf32, #tpu.memory_space<vmem>>[vector<16xi32>, vector<16xi32>], vector<16xf32>,
        %mul3A_878 = arith.mulf %mul3A_841, %gather3A : vector<16xf32>
        %gather3A_879 = tpu.vector_load_idx %arg12[%add3A_869, %broadcast_in_dim3A_877] : memref<3456x16xf32, #tpu.memory_space<vmem>>[vector<16xi32>, vector<16xi32>], vector<16xf32>,
        %mul3A_880 = arith.mulf %mul3A_849, %gather3A_879 : vector<16xf32>
        %add3A_881 = arith.addf %mul3A_878, %mul3A_880 : vector<16xf32>
        %gather3A_882 = tpu.vector_load_idx %arg12[%add3A_875, %broadcast_in_dim3A_877] : memref<3456x16xf32, #tpu.memory_space<vmem>>[vector<16xi32>, vector<16xi32>], vector<16xf32>,
        %mul3A_883 = arith.mulf %mul3A_857, %gather3A_882 : vector<16xf32>
        %add3A_884 = arith.addf %add3A_881, %mul3A_883 : vector<16xf32>
        %swap3A = arith.constant 0 : i32
        %swap3A_885 = arith.index_cast %select_n3A_804 : i32 to index
        %swap3A_886 = arith.index_cast %swap3A : i32 to index
        %swap3A_887 = arith.index_cast %mul3A_820 : i32 to index
        %swap3A_888 = tpu.vector_load %arg13[%swap3A_885, %swap3A_886, %swap3A_887] {strides = array<i32>} : memref<3x16x384xf32, #tpu.memory_space<vmem>>, vector<16xf32>,
        tpu.vector_store %arg13[%swap3A_885, %swap3A_886, %swap3A_887], %add3A_884 {strides = array<i32>} : memref<3x16x384xf32, #tpu.memory_space<vmem>>, vector<16xf32>,
        %broadcast_in_dim3A_889 = arith.constant 1 : i32
        %broadcast_in_dim3A_890 = vector.broadcast %broadcast_in_dim3A_889 : i32 to vector<16xi32>
        %gather3A_891 = tpu.vector_load_idx %arg12[%add3A_863, %broadcast_in_dim3A_890] : memref<3456x16xf32, #tpu.memory_space<vmem>>[vector<16xi32>, vector<16xi32>], vector<16xf32>,
        %mul3A_892 = arith.mulf %mul3A_841, %gather3A_891 : vector<16xf32>
        %gather3A_893 = tpu.vector_load_idx %arg12[%add3A_869, %broadcast_in_dim3A_890] : memref<3456x16xf32, #tpu.memory_space<vmem>>[vector<16xi32>, vector<16xi32>], vector<16xf32>,
        %mul3A_894 = arith.mulf %mul3A_849, %gather3A_893 : vector<16xf32>
        %add3A_895 = arith.addf %mul3A_892, %mul3A_894 : vector<16xf32>
        %gather3A_896 = tpu.vector_load_idx %arg12[%add3A_875, %broadcast_in_dim3A_890] : memref<3456x16xf32, #tpu.memory_space<vmem>>[vector<16xi32>, vector<16xi32>], vector<16xf32>,
        %mul3A_897 = arith.mulf %mul3A_857, %gather3A_896 : vector<16xf32>
        %add3A_898 = arith.addf %add3A_895, %mul3A_897 : vector<16xf32>
        %swap3A_899 = arith.constant 1 : i32
        %swap3A_900 = arith.index_cast %select_n3A_804 : i32 to index
        %swap3A_901 = arith.index_cast %swap3A_899 : i32 to index
        %swap3A_902 = arith.index_cast %mul3A_820 : i32 to index
        %swap3A_903 = tpu.vector_load %arg13[%swap3A_900, %swap3A_901, %swap3A_902] {strides = array<i32>} : memref<3x16x384xf32, #tpu.memory_space<vmem>>, vector<16xf32>,
        tpu.vector_store %arg13[%swap3A_900, %swap3A_901, %swap3A_902], %add3A_898 {strides = array<i32>} : memref<3x16x384xf32, #tpu.memory_space<vmem>>, vector<16xf32>,
        %broadcast_in_dim3A_904 = arith.constant 2 : i32
        %broadcast_in_dim3A_905 = vector.broadcast %broadcast_in_dim3A_904 : i32 to vector<16xi32>
        %gather3A_906 = tpu.vector_load_idx %arg12[%add3A_863, %broadcast_in_dim3A_905] : memref<3456x16xf32, #tpu.memory_space<vmem>>[vector<16xi32>, vector<16xi32>], vector<16xf32>,
        %mul3A_907 = arith.mulf %mul3A_841, %gather3A_906 : vector<16xf32>
        %gather3A_908 = tpu.vector_load_idx %arg12[%add3A_869, %broadcast_in_dim3A_905] : memref<3456x16xf32, #tpu.memory_space<vmem>>[vector<16xi32>, vector<16xi32>], vector<16xf32>,
        %mul3A_909 = arith.mulf %mul3A_849, %gather3A_908 : vector<16xf32>
        %add3A_910 = arith.addf %mul3A_907, %mul3A_909 : vector<16xf32>
        %gather3A_911 = tpu.vector_load_idx %arg12[%add3A_875, %broadcast_in_dim3A_905] : memref<3456x16xf32, #tpu.memory_space<vmem>>[vector<16xi32>, vector<16xi32>], vector<16xf32>,
        %mul3A_912 = arith.mulf %mul3A_857, %gather3A_911 : vector<16xf32>
        %add3A_913 = arith.addf %add3A_910, %mul3A_912 : vector<16xf32>
        %swap3A_914 = arith.constant 2 : i32
        %swap3A_915 = arith.index_cast %select_n3A_804 : i32 to index
        %swap3A_916 = arith.index_cast %swap3A_914 : i32 to index
        %swap3A_917 = arith.index_cast %mul3A_820 : i32 to index
        %swap3A_918 = tpu.vector_load %arg13[%swap3A_915, %swap3A_916, %swap3A_917] {strides = array<i32>} : memref<3x16x384xf32, #tpu.memory_space<vmem>>, vector<16xf32>,
        tpu.vector_store %arg13[%swap3A_915, %swap3A_916, %swap3A_917], %add3A_913 {strides = array<i32>} : memref<3x16x384xf32, #tpu.memory_space<vmem>>, vector<16xf32>,
        %broadcast_in_dim3A_919 = arith.constant 3 : i32
        %broadcast_in_dim3A_920 = vector.broadcast %broadcast_in_dim3A_919 : i32 to vector<16xi32>
        %gather3A_921 = tpu.vector_load_idx %arg12[%add3A_863, %broadcast_in_dim3A_920] : memref<3456x16xf32, #tpu.memory_space<vmem>>[vector<16xi32>, vector<16xi32>], vector<16xf32>,
        %mul3A_922 = arith.mulf %mul3A_841, %gather3A_921 : vector<16xf32>
        %gather3A_923 = tpu.vector_load_idx %arg12[%add3A_869, %broadcast_in_dim3A_920] : memref<3456x16xf32, #tpu.memory_space<vmem>>[vector<16xi32>, vector<16xi32>], vector<16xf32>,
        %mul3A_924 = arith.mulf %mul3A_849, %gather3A_923 : vector<16xf32>
        %add3A_925 = arith.addf %mul3A_922, %mul3A_924 : vector<16xf32>
        %gather3A_926 = tpu.vector_load_idx %arg12[%add3A_875, %broadcast_in_dim3A_920] : memref<3456x16xf32, #tpu.memory_space<vmem>>[vector<16xi32>, vector<16xi32>], vector<16xf32>,
        %mul3A_927 = arith.mulf %mul3A_857, %gather3A_926 : vector<16xf32>
        %add3A_928 = arith.addf %add3A_925, %mul3A_927 : vector<16xf32>
        %swap3A_929 = arith.constant 3 : i32
        %swap3A_930 = arith.index_cast %select_n3A_804 : i32 to index
        %swap3A_931 = arith.index_cast %swap3A_929 : i32 to index
        %swap3A_932 = arith.index_cast %mul3A_820 : i32 to index
        %swap3A_933 = tpu.vector_load %arg13[%swap3A_930, %swap3A_931, %swap3A_932] {strides = array<i32>} : memref<3x16x384xf32, #tpu.memory_space<vmem>>, vector<16xf32>,
        tpu.vector_store %arg13[%swap3A_930, %swap3A_931, %swap3A_932], %add3A_928 {strides = array<i32>} : memref<3x16x384xf32, #tpu.memory_space<vmem>>, vector<16xf32>,
        %broadcast_in_dim3A_934 = arith.constant 4 : i32
        %broadcast_in_dim3A_935 = vector.broadcast %broadcast_in_dim3A_934 : i32 to vector<16xi32>
        %gather3A_936 = tpu.vector_load_idx %arg12[%add3A_863, %broadcast_in_dim3A_935] : memref<3456x16xf32, #tpu.memory_space<vmem>>[vector<16xi32>, vector<16xi32>], vector<16xf32>,
        %mul3A_937 = arith.mulf %mul3A_841, %gather3A_936 : vector<16xf32>
        %gather3A_938 = tpu.vector_load_idx %arg12[%add3A_869, %broadcast_in_dim3A_935] : memref<3456x16xf32, #tpu.memory_space<vmem>>[vector<16xi32>, vector<16xi32>], vector<16xf32>,
        %mul3A_939 = arith.mulf %mul3A_849, %gather3A_938 : vector<16xf32>
        %add3A_940 = arith.addf %mul3A_937, %mul3A_939 : vector<16xf32>
        %gather3A_941 = tpu.vector_load_idx %arg12[%add3A_875, %broadcast_in_dim3A_935] : memref<3456x16xf32, #tpu.memory_space<vmem>>[vector<16xi32>, vector<16xi32>], vector<16xf32>,
        %mul3A_942 = arith.mulf %mul3A_857, %gather3A_941 : vector<16xf32>
        %add3A_943 = arith.addf %add3A_940, %mul3A_942 : vector<16xf32>
        %swap3A_944 = arith.constant 4 : i32
        %swap3A_945 = arith.index_cast %select_n3A_804 : i32 to index
        %swap3A_946 = arith.index_cast %swap3A_944 : i32 to index
        %swap3A_947 = arith.index_cast %mul3A_820 : i32 to index
        %swap3A_948 = tpu.vector_load %arg13[%swap3A_945, %swap3A_946, %swap3A_947] {strides = array<i32>} : memref<3x16x384xf32, #tpu.memory_space<vmem>>, vector<16xf32>,
        tpu.vector_store %arg13[%swap3A_945, %swap3A_946, %swap3A_947], %add3A_943 {strides = array<i32>} : memref<3x16x384xf32, #tpu.memory_space<vmem>>, vector<16xf32>,
        %broadcast_in_dim3A_949 = arith.constant 5 : i32
        %broadcast_in_dim3A_950 = vector.broadcast %broadcast_in_dim3A_949 : i32 to vector<16xi32>
        %gather3A_951 = tpu.vector_load_idx %arg12[%add3A_863, %broadcast_in_dim3A_950] : memref<3456x16xf32, #tpu.memory_space<vmem>>[vector<16xi32>, vector<16xi32>], vector<16xf32>,
        %mul3A_952 = arith.mulf %mul3A_841, %gather3A_951 : vector<16xf32>
        %gather3A_953 = tpu.vector_load_idx %arg12[%add3A_869, %broadcast_in_dim3A_950] : memref<3456x16xf32, #tpu.memory_space<vmem>>[vector<16xi32>, vector<16xi32>], vector<16xf32>,
        %mul3A_954 = arith.mulf %mul3A_849, %gather3A_953 : vector<16xf32>
        %add3A_955 = arith.addf %mul3A_952, %mul3A_954 : vector<16xf32>
        %gather3A_956 = tpu.vector_load_idx %arg12[%add3A_875, %broadcast_in_dim3A_950] : memref<3456x16xf32, #tpu.memory_space<vmem>>[vector<16xi32>, vector<16xi32>], vector<16xf32>,
        %mul3A_957 = arith.mulf %mul3A_857, %gather3A_956 : vector<16xf32>
        %add3A_958 = arith.addf %add3A_955, %mul3A_957 : vector<16xf32>
        %swap3A_959 = arith.constant 5 : i32
        %swap3A_960 = arith.index_cast %select_n3A_804 : i32 to index
        %swap3A_961 = arith.index_cast %swap3A_959 : i32 to index
        %swap3A_962 = arith.index_cast %mul3A_820 : i32 to index
        %swap3A_963 = tpu.vector_load %arg13[%swap3A_960, %swap3A_961, %swap3A_962] {strides = array<i32>} : memref<3x16x384xf32, #tpu.memory_space<vmem>>, vector<16xf32>,
        tpu.vector_store %arg13[%swap3A_960, %swap3A_961, %swap3A_962], %add3A_958 {strides = array<i32>} : memref<3x16x384xf32, #tpu.memory_space<vmem>>, vector<16xf32>,
        %broadcast_in_dim3A_964 = arith.constant 6 : i32
        %broadcast_in_dim3A_965 = vector.broadcast %broadcast_in_dim3A_964 : i32 to vector<16xi32>
        %gather3A_966 = tpu.vector_load_idx %arg12[%add3A_863, %broadcast_in_dim3A_965] : memref<3456x16xf32, #tpu.memory_space<vmem>>[vector<16xi32>, vector<16xi32>], vector<16xf32>,
        %mul3A_967 = arith.mulf %mul3A_841, %gather3A_966 : vector<16xf32>
        %gather3A_968 = tpu.vector_load_idx %arg12[%add3A_869, %broadcast_in_dim3A_965] : memref<3456x16xf32, #tpu.memory_space<vmem>>[vector<16xi32>, vector<16xi32>], vector<16xf32>,
        %mul3A_969 = arith.mulf %mul3A_849, %gather3A_968 : vector<16xf32>
        %add3A_970 = arith.addf %mul3A_967, %mul3A_969 : vector<16xf32>
        %gather3A_971 = tpu.vector_load_idx %arg12[%add3A_875, %broadcast_in_dim3A_965] : memref<3456x16xf32, #tpu.memory_space<vmem>>[vector<16xi32>, vector<16xi32>], vector<16xf32>,
        %mul3A_972 = arith.mulf %mul3A_857, %gather3A_971 : vector<16xf32>
        %add3A_973 = arith.addf %add3A_970, %mul3A_972 : vector<16xf32>
        %swap3A_974 = arith.constant 6 : i32
        %swap3A_975 = arith.index_cast %select_n3A_804 : i32 to index
        %swap3A_976 = arith.index_cast %swap3A_974 : i32 to index
        %swap3A_977 = arith.index_cast %mul3A_820 : i32 to index
        %swap3A_978 = tpu.vector_load %arg13[%swap3A_975, %swap3A_976, %swap3A_977] {strides = array<i32>} : memref<3x16x384xf32, #tpu.memory_space<vmem>>, vector<16xf32>,
        tpu.vector_store %arg13[%swap3A_975, %swap3A_976, %swap3A_977], %add3A_973 {strides = array<i32>} : memref<3x16x384xf32, #tpu.memory_space<vmem>>, vector<16xf32>,
        %broadcast_in_dim3A_979 = arith.constant 7 : i32
        %broadcast_in_dim3A_980 = vector.broadcast %broadcast_in_dim3A_979 : i32 to vector<16xi32>
        %gather3A_981 = tpu.vector_load_idx %arg12[%add3A_863, %broadcast_in_dim3A_980] : memref<3456x16xf32, #tpu.memory_space<vmem>>[vector<16xi32>, vector<16xi32>], vector<16xf32>,
        %mul3A_982 = arith.mulf %mul3A_841, %gather3A_981 : vector<16xf32>
        %gather3A_983 = tpu.vector_load_idx %arg12[%add3A_869, %broadcast_in_dim3A_980] : memref<3456x16xf32, #tpu.memory_space<vmem>>[vector<16xi32>, vector<16xi32>], vector<16xf32>,
        %mul3A_984 = arith.mulf %mul3A_849, %gather3A_983 : vector<16xf32>
        %add3A_985 = arith.addf %mul3A_982, %mul3A_984 : vector<16xf32>
        %gather3A_986 = tpu.vector_load_idx %arg12[%add3A_875, %broadcast_in_dim3A_980] : memref<3456x16xf32, #tpu.memory_space<vmem>>[vector<16xi32>, vector<16xi32>], vector<16xf32>,
        %mul3A_987 = arith.mulf %mul3A_857, %gather3A_986 : vector<16xf32>
        %add3A_988 = arith.addf %add3A_985, %mul3A_987 : vector<16xf32>
        %swap3A_989 = arith.constant 7 : i32
        %swap3A_990 = arith.index_cast %select_n3A_804 : i32 to index
        %swap3A_991 = arith.index_cast %swap3A_989 : i32 to index
        %swap3A_992 = arith.index_cast %mul3A_820 : i32 to index
        %swap3A_993 = tpu.vector_load %arg13[%swap3A_990, %swap3A_991, %swap3A_992] {strides = array<i32>} : memref<3x16x384xf32, #tpu.memory_space<vmem>>, vector<16xf32>,
        tpu.vector_store %arg13[%swap3A_990, %swap3A_991, %swap3A_992], %add3A_988 {strides = array<i32>} : memref<3x16x384xf32, #tpu.memory_space<vmem>>, vector<16xf32>,
        %broadcast_in_dim3A_994 = arith.constant 8 : i32
        %broadcast_in_dim3A_995 = vector.broadcast %broadcast_in_dim3A_994 : i32 to vector<16xi32>
        %gather3A_996 = tpu.vector_load_idx %arg12[%add3A_863, %broadcast_in_dim3A_995] : memref<3456x16xf32, #tpu.memory_space<vmem>>[vector<16xi32>, vector<16xi32>], vector<16xf32>,
        %mul3A_997 = arith.mulf %mul3A_841, %gather3A_996 : vector<16xf32>
        %gather3A_998 = tpu.vector_load_idx %arg12[%add3A_869, %broadcast_in_dim3A_995] : memref<3456x16xf32, #tpu.memory_space<vmem>>[vector<16xi32>, vector<16xi32>], vector<16xf32>,
        %mul3A_999 = arith.mulf %mul3A_849, %gather3A_998 : vector<16xf32>
        %add3A_1000 = arith.addf %mul3A_997, %mul3A_999 : vector<16xf32>
        %gather3A_1001 = tpu.vector_load_idx %arg12[%add3A_875, %broadcast_in_dim3A_995] : memref<3456x16xf32, #tpu.memory_space<vmem>>[vector<16xi32>, vector<16xi32>], vector<16xf32>,
        %mul3A_1002 = arith.mulf %mul3A_857, %gather3A_1001 : vector<16xf32>
        %add3A_1003 = arith.addf %add3A_1000, %mul3A_1002 : vector<16xf32>
        %swap3A_1004 = arith.constant 8 : i32
        %swap3A_1005 = arith.index_cast %select_n3A_804 : i32 to index
        %swap3A_1006 = arith.index_cast %swap3A_1004 : i32 to index
        %swap3A_1007 = arith.index_cast %mul3A_820 : i32 to index
        %swap3A_1008 = tpu.vector_load %arg13[%swap3A_1005, %swap3A_1006, %swap3A_1007] {strides = array<i32>} : memref<3x16x384xf32, #tpu.memory_space<vmem>>, vector<16xf32>,
        tpu.vector_store %arg13[%swap3A_1005, %swap3A_1006, %swap3A_1007], %add3A_1003 {strides = array<i32>} : memref<3x16x384xf32, #tpu.memory_space<vmem>>, vector<16xf32>,
        %broadcast_in_dim3A_1009 = arith.constant 9 : i32
        %broadcast_in_dim3A_1010 = vector.broadcast %broadcast_in_dim3A_1009 : i32 to vector<16xi32>
        %gather3A_1011 = tpu.vector_load_idx %arg12[%add3A_863, %broadcast_in_dim3A_1010] : memref<3456x16xf32, #tpu.memory_space<vmem>>[vector<16xi32>, vector<16xi32>], vector<16xf32>,
        %mul3A_1012 = arith.mulf %mul3A_841, %gather3A_1011 : vector<16xf32>
        %gather3A_1013 = tpu.vector_load_idx %arg12[%add3A_869, %broadcast_in_dim3A_1010] : memref<3456x16xf32, #tpu.memory_space<vmem>>[vector<16xi32>, vector<16xi32>], vector<16xf32>,
        %mul3A_1014 = arith.mulf %mul3A_849, %gather3A_1013 : vector<16xf32>
        %add3A_1015 = arith.addf %mul3A_1012, %mul3A_1014 : vector<16xf32>
        %gather3A_1016 = tpu.vector_load_idx %arg12[%add3A_875, %broadcast_in_dim3A_1010] : memref<3456x16xf32, #tpu.memory_space<vmem>>[vector<16xi32>, vector<16xi32>], vector<16xf32>,
        %mul3A_1017 = arith.mulf %mul3A_857, %gather3A_1016 : vector<16xf32>
        %add3A_1018 = arith.addf %add3A_1015, %mul3A_1017 : vector<16xf32>
        %swap3A_1019 = arith.constant 9 : i32
        %swap3A_1020 = arith.index_cast %select_n3A_804 : i32 to index
        %swap3A_1021 = arith.index_cast %swap3A_1019 : i32 to index
        %swap3A_1022 = arith.index_cast %mul3A_820 : i32 to index
        %swap3A_1023 = tpu.vector_load %arg13[%swap3A_1020, %swap3A_1021, %swap3A_1022] {strides = array<i32>} : memref<3x16x384xf32, #tpu.memory_space<vmem>>, vector<16xf32>,
        tpu.vector_store %arg13[%swap3A_1020, %swap3A_1021, %swap3A_1022], %add3A_1018 {strides = array<i32>} : memref<3x16x384xf32, #tpu.memory_space<vmem>>, vector<16xf32>,
        %broadcast_in_dim3A_1024 = arith.constant 10 : i32
        %broadcast_in_dim3A_1025 = vector.broadcast %broadcast_in_dim3A_1024 : i32 to vector<16xi32>
        %gather3A_1026 = tpu.vector_load_idx %arg12[%add3A_863, %broadcast_in_dim3A_1025] : memref<3456x16xf32, #tpu.memory_space<vmem>>[vector<16xi32>, vector<16xi32>], vector<16xf32>,
        %mul3A_1027 = arith.mulf %mul3A_841, %gather3A_1026 : vector<16xf32>
        %gather3A_1028 = tpu.vector_load_idx %arg12[%add3A_869, %broadcast_in_dim3A_1025] : memref<3456x16xf32, #tpu.memory_space<vmem>>[vector<16xi32>, vector<16xi32>], vector<16xf32>,
        %mul3A_1029 = arith.mulf %mul3A_849, %gather3A_1028 : vector<16xf32>
        %add3A_1030 = arith.addf %mul3A_1027, %mul3A_1029 : vector<16xf32>
        %gather3A_1031 = tpu.vector_load_idx %arg12[%add3A_875, %broadcast_in_dim3A_1025] : memref<3456x16xf32, #tpu.memory_space<vmem>>[vector<16xi32>, vector<16xi32>], vector<16xf32>,
        %mul3A_1032 = arith.mulf %mul3A_857, %gather3A_1031 : vector<16xf32>
        %add3A_1033 = arith.addf %add3A_1030, %mul3A_1032 : vector<16xf32>
        %swap3A_1034 = arith.constant 10 : i32
        %swap3A_1035 = arith.index_cast %select_n3A_804 : i32 to index
        %swap3A_1036 = arith.index_cast %swap3A_1034 : i32 to index
        %swap3A_1037 = arith.index_cast %mul3A_820 : i32 to index
        %swap3A_1038 = tpu.vector_load %arg13[%swap3A_1035, %swap3A_1036, %swap3A_1037] {strides = array<i32>} : memref<3x16x384xf32, #tpu.memory_space<vmem>>, vector<16xf32>,
        tpu.vector_store %arg13[%swap3A_1035, %swap3A_1036, %swap3A_1037], %add3A_1033 {strides = array<i32>} : memref<3x16x384xf32, #tpu.memory_space<vmem>>, vector<16xf32>,
        %broadcast_in_dim3A_1039 = arith.constant 11 : i32
        %broadcast_in_dim3A_1040 = vector.broadcast %broadcast_in_dim3A_1039 : i32 to vector<16xi32>
        %gather3A_1041 = tpu.vector_load_idx %arg12[%add3A_863, %broadcast_in_dim3A_1040] : memref<3456x16xf32, #tpu.memory_space<vmem>>[vector<16xi32>, vector<16xi32>], vector<16xf32>,
        %mul3A_1042 = arith.mulf %mul3A_841, %gather3A_1041 : vector<16xf32>
        %gather3A_1043 = tpu.vector_load_idx %arg12[%add3A_869, %broadcast_in_dim3A_1040] : memref<3456x16xf32, #tpu.memory_space<vmem>>[vector<16xi32>, vector<16xi32>], vector<16xf32>,
        %mul3A_1044 = arith.mulf %mul3A_849, %gather3A_1043 : vector<16xf32>
        %add3A_1045 = arith.addf %mul3A_1042, %mul3A_1044 : vector<16xf32>
        %gather3A_1046 = tpu.vector_load_idx %arg12[%add3A_875, %broadcast_in_dim3A_1040] : memref<3456x16xf32, #tpu.memory_space<vmem>>[vector<16xi32>, vector<16xi32>], vector<16xf32>,
        %mul3A_1047 = arith.mulf %mul3A_857, %gather3A_1046 : vector<16xf32>
        %add3A_1048 = arith.addf %add3A_1045, %mul3A_1047 : vector<16xf32>
        %swap3A_1049 = arith.constant 11 : i32
        %swap3A_1050 = arith.index_cast %select_n3A_804 : i32 to index
        %swap3A_1051 = arith.index_cast %swap3A_1049 : i32 to index
        %swap3A_1052 = arith.index_cast %mul3A_820 : i32 to index
        %swap3A_1053 = tpu.vector_load %arg13[%swap3A_1050, %swap3A_1051, %swap3A_1052] {strides = array<i32>} : memref<3x16x384xf32, #tpu.memory_space<vmem>>, vector<16xf32>,
        tpu.vector_store %arg13[%swap3A_1050, %swap3A_1051, %swap3A_1052], %add3A_1048 {strides = array<i32>} : memref<3x16x384xf32, #tpu.memory_space<vmem>>, vector<16xf32>,
        %broadcast_in_dim3A_1054 = arith.constant 12 : i32
        %broadcast_in_dim3A_1055 = vector.broadcast %broadcast_in_dim3A_1054 : i32 to vector<16xi32>
        %gather3A_1056 = tpu.vector_load_idx %arg12[%add3A_863, %broadcast_in_dim3A_1055] : memref<3456x16xf32, #tpu.memory_space<vmem>>[vector<16xi32>, vector<16xi32>], vector<16xf32>,
        %mul3A_1057 = arith.mulf %mul3A_841, %gather3A_1056 : vector<16xf32>
        %gather3A_1058 = tpu.vector_load_idx %arg12[%add3A_869, %broadcast_in_dim3A_1055] : memref<3456x16xf32, #tpu.memory_space<vmem>>[vector<16xi32>, vector<16xi32>], vector<16xf32>,
        %mul3A_1059 = arith.mulf %mul3A_849, %gather3A_1058 : vector<16xf32>
        %add3A_1060 = arith.addf %mul3A_1057, %mul3A_1059 : vector<16xf32>
        %gather3A_1061 = tpu.vector_load_idx %arg12[%add3A_875, %broadcast_in_dim3A_1055] : memref<3456x16xf32, #tpu.memory_space<vmem>>[vector<16xi32>, vector<16xi32>], vector<16xf32>,
        %mul3A_1062 = arith.mulf %mul3A_857, %gather3A_1061 : vector<16xf32>
        %add3A_1063 = arith.addf %add3A_1060, %mul3A_1062 : vector<16xf32>
        %swap3A_1064 = arith.constant 12 : i32
        %swap3A_1065 = arith.index_cast %select_n3A_804 : i32 to index
        %swap3A_1066 = arith.index_cast %swap3A_1064 : i32 to index
        %swap3A_1067 = arith.index_cast %mul3A_820 : i32 to index
        %swap3A_1068 = tpu.vector_load %arg13[%swap3A_1065, %swap3A_1066, %swap3A_1067] {strides = array<i32>} : memref<3x16x384xf32, #tpu.memory_space<vmem>>, vector<16xf32>,
        tpu.vector_store %arg13[%swap3A_1065, %swap3A_1066, %swap3A_1067], %add3A_1063 {strides = array<i32>} : memref<3x16x384xf32, #tpu.memory_space<vmem>>, vector<16xf32>,
        %broadcast_in_dim3A_1069 = arith.constant 13 : i32
        %broadcast_in_dim3A_1070 = vector.broadcast %broadcast_in_dim3A_1069 : i32 to vector<16xi32>
        %gather3A_1071 = tpu.vector_load_idx %arg12[%add3A_863, %broadcast_in_dim3A_1070] : memref<3456x16xf32, #tpu.memory_space<vmem>>[vector<16xi32>, vector<16xi32>], vector<16xf32>,
        %mul3A_1072 = arith.mulf %mul3A_841, %gather3A_1071 : vector<16xf32>
        %gather3A_1073 = tpu.vector_load_idx %arg12[%add3A_869, %broadcast_in_dim3A_1070] : memref<3456x16xf32, #tpu.memory_space<vmem>>[vector<16xi32>, vector<16xi32>], vector<16xf32>,
        %mul3A_1074 = arith.mulf %mul3A_849, %gather3A_1073 : vector<16xf32>
        %add3A_1075 = arith.addf %mul3A_1072, %mul3A_1074 : vector<16xf32>
        %gather3A_1076 = tpu.vector_load_idx %arg12[%add3A_875, %broadcast_in_dim3A_1070] : memref<3456x16xf32, #tpu.memory_space<vmem>>[vector<16xi32>, vector<16xi32>], vector<16xf32>,
        %mul3A_1077 = arith.mulf %mul3A_857, %gather3A_1076 : vector<16xf32>
        %add3A_1078 = arith.addf %add3A_1075, %mul3A_1077 : vector<16xf32>
        %swap3A_1079 = arith.constant 13 : i32
        %swap3A_1080 = arith.index_cast %select_n3A_804 : i32 to index
        %swap3A_1081 = arith.index_cast %swap3A_1079 : i32 to index
        %swap3A_1082 = arith.index_cast %mul3A_820 : i32 to index
        %swap3A_1083 = tpu.vector_load %arg13[%swap3A_1080, %swap3A_1081, %swap3A_1082] {strides = array<i32>} : memref<3x16x384xf32, #tpu.memory_space<vmem>>, vector<16xf32>,
        tpu.vector_store %arg13[%swap3A_1080, %swap3A_1081, %swap3A_1082], %add3A_1078 {strides = array<i32>} : memref<3x16x384xf32, #tpu.memory_space<vmem>>, vector<16xf32>,
        %broadcast_in_dim3A_1084 = arith.constant 14 : i32
        %broadcast_in_dim3A_1085 = vector.broadcast %broadcast_in_dim3A_1084 : i32 to vector<16xi32>
        %gather3A_1086 = tpu.vector_load_idx %arg12[%add3A_863, %broadcast_in_dim3A_1085] : memref<3456x16xf32, #tpu.memory_space<vmem>>[vector<16xi32>, vector<16xi32>], vector<16xf32>,
        %mul3A_1087 = arith.mulf %mul3A_841, %gather3A_1086 : vector<16xf32>
        %gather3A_1088 = tpu.vector_load_idx %arg12[%add3A_869, %broadcast_in_dim3A_1085] : memref<3456x16xf32, #tpu.memory_space<vmem>>[vector<16xi32>, vector<16xi32>], vector<16xf32>,
        %mul3A_1089 = arith.mulf %mul3A_849, %gather3A_1088 : vector<16xf32>
        %add3A_1090 = arith.addf %mul3A_1087, %mul3A_1089 : vector<16xf32>
        %gather3A_1091 = tpu.vector_load_idx %arg12[%add3A_875, %broadcast_in_dim3A_1085] : memref<3456x16xf32, #tpu.memory_space<vmem>>[vector<16xi32>, vector<16xi32>], vector<16xf32>,
        %mul3A_1092 = arith.mulf %mul3A_857, %gather3A_1091 : vector<16xf32>
        %add3A_1093 = arith.addf %add3A_1090, %mul3A_1092 : vector<16xf32>
        %swap3A_1094 = arith.constant 14 : i32
        %swap3A_1095 = arith.index_cast %select_n3A_804 : i32 to index
        %swap3A_1096 = arith.index_cast %swap3A_1094 : i32 to index
        %swap3A_1097 = arith.index_cast %mul3A_820 : i32 to index
        %swap3A_1098 = tpu.vector_load %arg13[%swap3A_1095, %swap3A_1096, %swap3A_1097] {strides = array<i32>} : memref<3x16x384xf32, #tpu.memory_space<vmem>>, vector<16xf32>,
        tpu.vector_store %arg13[%swap3A_1095, %swap3A_1096, %swap3A_1097], %add3A_1093 {strides = array<i32>} : memref<3x16x384xf32, #tpu.memory_space<vmem>>, vector<16xf32>,
        %broadcast_in_dim3A_1099 = arith.constant 15 : i32
        %broadcast_in_dim3A_1100 = vector.broadcast %broadcast_in_dim3A_1099 : i32 to vector<16xi32>
        %gather3A_1101 = tpu.vector_load_idx %arg12[%add3A_863, %broadcast_in_dim3A_1100] : memref<3456x16xf32, #tpu.memory_space<vmem>>[vector<16xi32>, vector<16xi32>], vector<16xf32>,
        %mul3A_1102 = arith.mulf %mul3A_841, %gather3A_1101 : vector<16xf32>
        %gather3A_1103 = tpu.vector_load_idx %arg12[%add3A_869, %broadcast_in_dim3A_1100] : memref<3456x16xf32, #tpu.memory_space<vmem>>[vector<16xi32>, vector<16xi32>], vector<16xf32>,
        %mul3A_1104 = arith.mulf %mul3A_849, %gather3A_1103 : vector<16xf32>
        %add3A_1105 = arith.addf %mul3A_1102, %mul3A_1104 : vector<16xf32>
        %gather3A_1106 = tpu.vector_load_idx %arg12[%add3A_875, %broadcast_in_dim3A_1100] : memref<3456x16xf32, #tpu.memory_space<vmem>>[vector<16xi32>, vector<16xi32>], vector<16xf32>,
        %mul3A_1107 = arith.mulf %mul3A_857, %gather3A_1106 : vector<16xf32>
        %add3A_1108 = arith.addf %add3A_1105, %mul3A_1107 : vector<16xf32>
        %swap3A_1109 = arith.constant 15 : i32
        %swap3A_1110 = arith.index_cast %select_n3A_804 : i32 to index
        %swap3A_1111 = arith.index_cast %swap3A_1109 : i32 to index
        %swap3A_1112 = arith.index_cast %mul3A_820 : i32 to index
        %swap3A_1113 = tpu.vector_load %arg13[%swap3A_1110, %swap3A_1111, %swap3A_1112] {strides = array<i32>} : memref<3x16x384xf32, #tpu.memory_space<vmem>>, vector<16xf32>,
        tpu.vector_store %arg13[%swap3A_1110, %swap3A_1111, %swap3A_1112], %add3A_1108 {strides = array<i32>} : memref<3x16x384xf32, #tpu.memory_space<vmem>>, vector<16xf32>,
        %scan3A_1114 = arith.constant 1 : i32
        %scan3A_1115 = arith.addi %scan3A_780, %scan3A_1114 : i32
        %jit3A_1116 = arith.constant 24 : i32
        %div3A_1117 = arith.divsi %scan3A_1115, %jit3A_1116 : i32
        %sign3A_1118 = arith.constant 0 : i32
        %sign3A_1119 = arith.cmpi sgt, %scan3A_1115, %sign3A_1118 : i32
        %sign3A_1120 = arith.extui %sign3A_1119 : i1 to i32
        %sign3A_1121 = arith.constant 0 : i32
        %sign3A_1122 = arith.cmpi slt, %scan3A_1115, %sign3A_1121 : i32
        %sign3A_1123 = arith.extui %sign3A_1122 : i1 to i32
        %sign3A_1124 = arith.subi %sign3A_1120, %sign3A_1123 : i32
        %sign3A_1125 = arith.constant 0 : i32
        %sign3A_1126 = arith.cmpi sgt, %jit3A_1116, %sign3A_1125 : i32
        %sign3A_1127 = arith.extui %sign3A_1126 : i1 to i32
        %sign3A_1128 = arith.constant 0 : i32
        %sign3A_1129 = arith.cmpi slt, %jit3A_1116, %sign3A_1128 : i32
        %sign3A_1130 = arith.extui %sign3A_1129 : i1 to i32
        %sign3A_1131 = arith.subi %sign3A_1127, %sign3A_1130 : i32
        %ne3A_1132 = arith.cmpi ne, %sign3A_1124, %sign3A_1131 : i32
        %rem3A_1133 = arith.remsi %scan3A_1115, %jit3A_1116 : i32
        %ne3A_1134 = arith.constant 0 : i32
        %ne3A_1135 = arith.cmpi ne, %rem3A_1133, %ne3A_1134 : i32
        %and3A_1136 = arith.andi %ne3A_1132, %ne3A_1135 : i1
        %sub3A_1137 = arith.constant 1 : i32
        %sub3A_1138 = arith.subi %div3A_1117, %sub3A_1137 : i32
        %select_n3A_1139 = arith.select %and3A_1136, %sub3A_1138, %div3A_1117 : i32
        %jit3A_1140 = arith.constant 24 : i32
        %eq3A_1141 = arith.constant 0 : i32
        %eq3A_1142 = arith.cmpi eq, %jit3A_1140, %eq3A_1141 : i32
        %jit3A_1143 = arith.constant 1 : i32
        %select_n3A_1144 = arith.select %eq3A_1142, %jit3A_1143, %jit3A_1140 : i32
        %rem3A_1145 = arith.remsi %scan3A_1115, %select_n3A_1144 : i32
        %ne3A_1146 = arith.constant 0 : i32
        %ne3A_1147 = arith.cmpi ne, %rem3A_1145, %ne3A_1146 : i32
        %lt3A_1148 = arith.constant 0 : i32
        %lt3A_1149 = arith.cmpi slt, %rem3A_1145, %lt3A_1148 : i32
        %lt3A_1150 = arith.constant 0 : i32
        %lt3A_1151 = arith.cmpi slt, %select_n3A_1144, %lt3A_1150 : i32
        %ne3A_1152 = arith.xori %lt3A_1149, %lt3A_1151 : i1
        %and3A_1153 = arith.andi %ne3A_1152, %ne3A_1147 : i1
        %add3A_1154 = arith.addi %rem3A_1145, %select_n3A_1144 : i32
        %select_n3A_1155 = arith.select %and3A_1153, %add3A_1154, %rem3A_1145 : i32
        %mul3A_1156 = arith.constant 16 : i32
        %mul3A_1157 = arith.muli %select_n3A_1155, %mul3A_1156 : i32
        %mul3A_1158 = arith.constant 16 : i32
        %mul3A_1159 = arith.muli %scan3A_1115, %mul3A_1158 : i32
        %iota3A_1160 = tpu.iota {dimensions = array<i32: 0>} : vector<16xi32>
        %add3A_1161 = vector.broadcast %mul3A_1159 : i32 to vector<16xi32>
        %add3A_1162 = arith.addi %add3A_1161, %iota3A_1160 : vector<16xi32>
        %mul3A_1163 = arith.constant 16 : i32
        %mul3A_1164 = arith.muli %scan3A_1115, %mul3A_1163 : i32
        %get3A_1165 = arith.index_cast %mul3A_1164 : i32 to index
        %get3A_1166 = tpu.vector_load %arg7[%get3A_1165] {strides = array<i32>} : memref<1152xi32, #tpu.memory_space<vmem>>, vector<16xi32>,
        %ge3A_1167 = arith.constant 0 : i32
        %ge3A_1168 = vector.broadcast %ge3A_1167 : i32 to vector<16xi32>
        %ge3A_1169 = arith.cmpi sge, %get3A_1166, %ge3A_1168 : vector<16xi32>
        %jit3A_1170 = arith.constant 1.000000e+00 : f32
        %jit3A_1171 = arith.constant 0.000000e+00 : f32
        %broadcast_in_dim3A_1172 = vector.broadcast %jit3A_1170 : f32 to vector<16xf32>
        %broadcast_in_dim3A_1173 = vector.broadcast %jit3A_1171 : f32 to vector<16xf32>
        %select_n3A_1174 = arith.select %ge3A_1169, %broadcast_in_dim3A_1172, %broadcast_in_dim3A_1173 : vector<16xi1>, vector<16xf32>
        %get3A_1175 = arith.constant 0 : i32
        %get3A_1176 = arith.constant 0 : i32
        %get3A_1177 = arith.index_cast %select_n3A_1139 : i32 to index
        %get3A_1178 = arith.index_cast %get3A_1175 : i32 to index
        %get3A_1179 = arith.index_cast %get3A_1176 : i32 to index
        %get3A_1180 = arith.index_cast %mul3A_1157 : i32 to index
        %get3A_1181 = tpu.vector_load %arg9[%get3A_1177, %get3A_1178, %get3A_1179, %get3A_1180] {strides = array<i32>} : memref<3x3x2x384xf32, #tpu.memory_space<vmem>>, vector<16xf32>,
        %mul3A_1182 = arith.mulf %get3A_1181, %select_n3A_1174 : vector<16xf32>
        %get3A_1183 = arith.constant 1 : i32
        %get3A_1184 = arith.constant 0 : i32
        %get3A_1185 = arith.index_cast %select_n3A_1139 : i32 to index
        %get3A_1186 = arith.index_cast %get3A_1183 : i32 to index
        %get3A_1187 = arith.index_cast %get3A_1184 : i32 to index
        %get3A_1188 = arith.index_cast %mul3A_1157 : i32 to index
        %get3A_1189 = tpu.vector_load %arg9[%get3A_1185, %get3A_1186, %get3A_1187, %get3A_1188] {strides = array<i32>} : memref<3x3x2x384xf32, #tpu.memory_space<vmem>>, vector<16xf32>,
        %mul3A_1190 = arith.mulf %get3A_1189, %select_n3A_1174 : vector<16xf32>
        %get3A_1191 = arith.constant 2 : i32
        %get3A_1192 = arith.constant 0 : i32
        %get3A_1193 = arith.index_cast %select_n3A_1139 : i32 to index
        %get3A_1194 = arith.index_cast %get3A_1191 : i32 to index
        %get3A_1195 = arith.index_cast %get3A_1192 : i32 to index
        %get3A_1196 = arith.index_cast %mul3A_1157 : i32 to index
        %get3A_1197 = tpu.vector_load %arg9[%get3A_1193, %get3A_1194, %get3A_1195, %get3A_1196] {strides = array<i32>} : memref<3x3x2x384xf32, #tpu.memory_space<vmem>>, vector<16xf32>,
        %mul3A_1198 = arith.mulf %get3A_1197, %select_n3A_1174 : vector<16xf32>
        %mul3A_1199 = arith.constant 3 : i32
        %mul3A_1200 = vector.broadcast %mul3A_1199 : i32 to vector<16xi32>
        %mul3A_1201 = arith.muli %mul3A_1200, %add3A_1162 : vector<16xi32>
        %add3A_1202 = arith.constant 0 : i32
        %add3A_1203 = vector.broadcast %add3A_1202 : i32 to vector<16xi32>
        %add3A_1204 = arith.addi %mul3A_1201, %add3A_1203 : vector<16xi32>
        %mul3A_1205 = arith.constant 3 : i32
        %mul3A_1206 = vector.broadcast %mul3A_1205 : i32 to vector<16xi32>
        %mul3A_1207 = arith.muli %mul3A_1206, %add3A_1162 : vector<16xi32>
        %add3A_1208 = arith.constant 1 : i32
        %add3A_1209 = vector.broadcast %add3A_1208 : i32 to vector<16xi32>
        %add3A_1210 = arith.addi %mul3A_1207, %add3A_1209 : vector<16xi32>
        %mul3A_1211 = arith.constant 3 : i32
        %mul3A_1212 = vector.broadcast %mul3A_1211 : i32 to vector<16xi32>
        %mul3A_1213 = arith.muli %mul3A_1212, %add3A_1162 : vector<16xi32>
        %add3A_1214 = arith.constant 2 : i32
        %add3A_1215 = vector.broadcast %add3A_1214 : i32 to vector<16xi32>
        %add3A_1216 = arith.addi %mul3A_1213, %add3A_1215 : vector<16xi32>
        %broadcast_in_dim3A_1217 = arith.constant 0 : i32
        %broadcast_in_dim3A_1218 = vector.broadcast %broadcast_in_dim3A_1217 : i32 to vector<16xi32>
        %gather3A_1219 = tpu.vector_load_idx %arg12[%add3A_1204, %broadcast_in_dim3A_1218] : memref<3456x16xf32, #tpu.memory_space<vmem>>[vector<16xi32>, vector<16xi32>], vector<16xf32>,
        %mul3A_1220 = arith.mulf %mul3A_1182, %gather3A_1219 : vector<16xf32>
        %gather3A_1221 = tpu.vector_load_idx %arg12[%add3A_1210, %broadcast_in_dim3A_1218] : memref<3456x16xf32, #tpu.memory_space<vmem>>[vector<16xi32>, vector<16xi32>], vector<16xf32>,
        %mul3A_1222 = arith.mulf %mul3A_1190, %gather3A_1221 : vector<16xf32>
        %add3A_1223 = arith.addf %mul3A_1220, %mul3A_1222 : vector<16xf32>
        %gather3A_1224 = tpu.vector_load_idx %arg12[%add3A_1216, %broadcast_in_dim3A_1218] : memref<3456x16xf32, #tpu.memory_space<vmem>>[vector<16xi32>, vector<16xi32>], vector<16xf32>,
        %mul3A_1225 = arith.mulf %mul3A_1198, %gather3A_1224 : vector<16xf32>
        %add3A_1226 = arith.addf %add3A_1223, %mul3A_1225 : vector<16xf32>
        %swap3A_1227 = arith.constant 0 : i32
        %swap3A_1228 = arith.index_cast %select_n3A_1139 : i32 to index
        %swap3A_1229 = arith.index_cast %swap3A_1227 : i32 to index
        %swap3A_1230 = arith.index_cast %mul3A_1157 : i32 to index
        %swap3A_1231 = tpu.vector_load %arg13[%swap3A_1228, %swap3A_1229, %swap3A_1230] {strides = array<i32>} : memref<3x16x384xf32, #tpu.memory_space<vmem>>, vector<16xf32>,
        tpu.vector_store %arg13[%swap3A_1228, %swap3A_1229, %swap3A_1230], %add3A_1226 {strides = array<i32>} : memref<3x16x384xf32, #tpu.memory_space<vmem>>, vector<16xf32>,
        %broadcast_in_dim3A_1232 = arith.constant 1 : i32
        %broadcast_in_dim3A_1233 = vector.broadcast %broadcast_in_dim3A_1232 : i32 to vector<16xi32>
        %gather3A_1234 = tpu.vector_load_idx %arg12[%add3A_1204, %broadcast_in_dim3A_1233] : memref<3456x16xf32, #tpu.memory_space<vmem>>[vector<16xi32>, vector<16xi32>], vector<16xf32>,
        %mul3A_1235 = arith.mulf %mul3A_1182, %gather3A_1234 : vector<16xf32>
        %gather3A_1236 = tpu.vector_load_idx %arg12[%add3A_1210, %broadcast_in_dim3A_1233] : memref<3456x16xf32, #tpu.memory_space<vmem>>[vector<16xi32>, vector<16xi32>], vector<16xf32>,
        %mul3A_1237 = arith.mulf %mul3A_1190, %gather3A_1236 : vector<16xf32>
        %add3A_1238 = arith.addf %mul3A_1235, %mul3A_1237 : vector<16xf32>
        %gather3A_1239 = tpu.vector_load_idx %arg12[%add3A_1216, %broadcast_in_dim3A_1233] : memref<3456x16xf32, #tpu.memory_space<vmem>>[vector<16xi32>, vector<16xi32>], vector<16xf32>,
        %mul3A_1240 = arith.mulf %mul3A_1198, %gather3A_1239 : vector<16xf32>
        %add3A_1241 = arith.addf %add3A_1238, %mul3A_1240 : vector<16xf32>
        %swap3A_1242 = arith.constant 1 : i32
        %swap3A_1243 = arith.index_cast %select_n3A_1139 : i32 to index
        %swap3A_1244 = arith.index_cast %swap3A_1242 : i32 to index
        %swap3A_1245 = arith.index_cast %mul3A_1157 : i32 to index
        %swap3A_1246 = tpu.vector_load %arg13[%swap3A_1243, %swap3A_1244, %swap3A_1245] {strides = array<i32>} : memref<3x16x384xf32, #tpu.memory_space<vmem>>, vector<16xf32>,
        tpu.vector_store %arg13[%swap3A_1243, %swap3A_1244, %swap3A_1245], %add3A_1241 {strides = array<i32>} : memref<3x16x384xf32, #tpu.memory_space<vmem>>, vector<16xf32>,
        %broadcast_in_dim3A_1247 = arith.constant 2 : i32
        %broadcast_in_dim3A_1248 = vector.broadcast %broadcast_in_dim3A_1247 : i32 to vector<16xi32>
        %gather3A_1249 = tpu.vector_load_idx %arg12[%add3A_1204, %broadcast_in_dim3A_1248] : memref<3456x16xf32, #tpu.memory_space<vmem>>[vector<16xi32>, vector<16xi32>], vector<16xf32>,
        %mul3A_1250 = arith.mulf %mul3A_1182, %gather3A_1249 : vector<16xf32>
        %gather3A_1251 = tpu.vector_load_idx %arg12[%add3A_1210, %broadcast_in_dim3A_1248] : memref<3456x16xf32, #tpu.memory_space<vmem>>[vector<16xi32>, vector<16xi32>], vector<16xf32>,
        %mul3A_1252 = arith.mulf %mul3A_1190, %gather3A_1251 : vector<16xf32>
        %add3A_1253 = arith.addf %mul3A_1250, %mul3A_1252 : vector<16xf32>
        %gather3A_1254 = tpu.vector_load_idx %arg12[%add3A_1216, %broadcast_in_dim3A_1248] : memref<3456x16xf32, #tpu.memory_space<vmem>>[vector<16xi32>, vector<16xi32>], vector<16xf32>,
        %mul3A_1255 = arith.mulf %mul3A_1198, %gather3A_1254 : vector<16xf32>
        %add3A_1256 = arith.addf %add3A_1253, %mul3A_1255 : vector<16xf32>
        %swap3A_1257 = arith.constant 2 : i32
        %swap3A_1258 = arith.index_cast %select_n3A_1139 : i32 to index
        %swap3A_1259 = arith.index_cast %swap3A_1257 : i32 to index
        %swap3A_1260 = arith.index_cast %mul3A_1157 : i32 to index
        %swap3A_1261 = tpu.vector_load %arg13[%swap3A_1258, %swap3A_1259, %swap3A_1260] {strides = array<i32>} : memref<3x16x384xf32, #tpu.memory_space<vmem>>, vector<16xf32>,
        tpu.vector_store %arg13[%swap3A_1258, %swap3A_1259, %swap3A_1260], %add3A_1256 {strides = array<i32>} : memref<3x16x384xf32, #tpu.memory_space<vmem>>, vector<16xf32>,
        %broadcast_in_dim3A_1262 = arith.constant 3 : i32
        %broadcast_in_dim3A_1263 = vector.broadcast %broadcast_in_dim3A_1262 : i32 to vector<16xi32>
        %gather3A_1264 = tpu.vector_load_idx %arg12[%add3A_1204, %broadcast_in_dim3A_1263] : memref<3456x16xf32, #tpu.memory_space<vmem>>[vector<16xi32>, vector<16xi32>], vector<16xf32>,
        %mul3A_1265 = arith.mulf %mul3A_1182, %gather3A_1264 : vector<16xf32>
        %gather3A_1266 = tpu.vector_load_idx %arg12[%add3A_1210, %broadcast_in_dim3A_1263] : memref<3456x16xf32, #tpu.memory_space<vmem>>[vector<16xi32>, vector<16xi32>], vector<16xf32>,
        %mul3A_1267 = arith.mulf %mul3A_1190, %gather3A_1266 : vector<16xf32>
        %add3A_1268 = arith.addf %mul3A_1265, %mul3A_1267 : vector<16xf32>
        %gather3A_1269 = tpu.vector_load_idx %arg12[%add3A_1216, %broadcast_in_dim3A_1263] : memref<3456x16xf32, #tpu.memory_space<vmem>>[vector<16xi32>, vector<16xi32>], vector<16xf32>,
        %mul3A_1270 = arith.mulf %mul3A_1198, %gather3A_1269 : vector<16xf32>
        %add3A_1271 = arith.addf %add3A_1268, %mul3A_1270 : vector<16xf32>
        %swap3A_1272 = arith.constant 3 : i32
        %swap3A_1273 = arith.index_cast %select_n3A_1139 : i32 to index
        %swap3A_1274 = arith.index_cast %swap3A_1272 : i32 to index
        %swap3A_1275 = arith.index_cast %mul3A_1157 : i32 to index
        %swap3A_1276 = tpu.vector_load %arg13[%swap3A_1273, %swap3A_1274, %swap3A_1275] {strides = array<i32>} : memref<3x16x384xf32, #tpu.memory_space<vmem>>, vector<16xf32>,
        tpu.vector_store %arg13[%swap3A_1273, %swap3A_1274, %swap3A_1275], %add3A_1271 {strides = array<i32>} : memref<3x16x384xf32, #tpu.memory_space<vmem>>, vector<16xf32>,
        %broadcast_in_dim3A_1277 = arith.constant 4 : i32
        %broadcast_in_dim3A_1278 = vector.broadcast %broadcast_in_dim3A_1277 : i32 to vector<16xi32>
        %gather3A_1279 = tpu.vector_load_idx %arg12[%add3A_1204, %broadcast_in_dim3A_1278] : memref<3456x16xf32, #tpu.memory_space<vmem>>[vector<16xi32>, vector<16xi32>], vector<16xf32>,
        %mul3A_1280 = arith.mulf %mul3A_1182, %gather3A_1279 : vector<16xf32>
        %gather3A_1281 = tpu.vector_load_idx %arg12[%add3A_1210, %broadcast_in_dim3A_1278] : memref<3456x16xf32, #tpu.memory_space<vmem>>[vector<16xi32>, vector<16xi32>], vector<16xf32>,
        %mul3A_1282 = arith.mulf %mul3A_1190, %gather3A_1281 : vector<16xf32>
        %add3A_1283 = arith.addf %mul3A_1280, %mul3A_1282 : vector<16xf32>
        %gather3A_1284 = tpu.vector_load_idx %arg12[%add3A_1216, %broadcast_in_dim3A_1278] : memref<3456x16xf32, #tpu.memory_space<vmem>>[vector<16xi32>, vector<16xi32>], vector<16xf32>,
        %mul3A_1285 = arith.mulf %mul3A_1198, %gather3A_1284 : vector<16xf32>
        %add3A_1286 = arith.addf %add3A_1283, %mul3A_1285 : vector<16xf32>
        %swap3A_1287 = arith.constant 4 : i32
        %swap3A_1288 = arith.index_cast %select_n3A_1139 : i32 to index
        %swap3A_1289 = arith.index_cast %swap3A_1287 : i32 to index
        %swap3A_1290 = arith.index_cast %mul3A_1157 : i32 to index
        %swap3A_1291 = tpu.vector_load %arg13[%swap3A_1288, %swap3A_1289, %swap3A_1290] {strides = array<i32>} : memref<3x16x384xf32, #tpu.memory_space<vmem>>, vector<16xf32>,
        tpu.vector_store %arg13[%swap3A_1288, %swap3A_1289, %swap3A_1290], %add3A_1286 {strides = array<i32>} : memref<3x16x384xf32, #tpu.memory_space<vmem>>, vector<16xf32>,
        %broadcast_in_dim3A_1292 = arith.constant 5 : i32
        %broadcast_in_dim3A_1293 = vector.broadcast %broadcast_in_dim3A_1292 : i32 to vector<16xi32>
        %gather3A_1294 = tpu.vector_load_idx %arg12[%add3A_1204, %broadcast_in_dim3A_1293] : memref<3456x16xf32, #tpu.memory_space<vmem>>[vector<16xi32>, vector<16xi32>], vector<16xf32>,
        %mul3A_1295 = arith.mulf %mul3A_1182, %gather3A_1294 : vector<16xf32>
        %gather3A_1296 = tpu.vector_load_idx %arg12[%add3A_1210, %broadcast_in_dim3A_1293] : memref<3456x16xf32, #tpu.memory_space<vmem>>[vector<16xi32>, vector<16xi32>], vector<16xf32>,
        %mul3A_1297 = arith.mulf %mul3A_1190, %gather3A_1296 : vector<16xf32>
        %add3A_1298 = arith.addf %mul3A_1295, %mul3A_1297 : vector<16xf32>
        %gather3A_1299 = tpu.vector_load_idx %arg12[%add3A_1216, %broadcast_in_dim3A_1293] : memref<3456x16xf32, #tpu.memory_space<vmem>>[vector<16xi32>, vector<16xi32>], vector<16xf32>,
        %mul3A_1300 = arith.mulf %mul3A_1198, %gather3A_1299 : vector<16xf32>
        %add3A_1301 = arith.addf %add3A_1298, %mul3A_1300 : vector<16xf32>
        %swap3A_1302 = arith.constant 5 : i32
        %swap3A_1303 = arith.index_cast %select_n3A_1139 : i32 to index
        %swap3A_1304 = arith.index_cast %swap3A_1302 : i32 to index
        %swap3A_1305 = arith.index_cast %mul3A_1157 : i32 to index
        %swap3A_1306 = tpu.vector_load %arg13[%swap3A_1303, %swap3A_1304, %swap3A_1305] {strides = array<i32>} : memref<3x16x384xf32, #tpu.memory_space<vmem>>, vector<16xf32>,
        tpu.vector_store %arg13[%swap3A_1303, %swap3A_1304, %swap3A_1305], %add3A_1301 {strides = array<i32>} : memref<3x16x384xf32, #tpu.memory_space<vmem>>, vector<16xf32>,
        %broadcast_in_dim3A_1307 = arith.constant 6 : i32
        %broadcast_in_dim3A_1308 = vector.broadcast %broadcast_in_dim3A_1307 : i32 to vector<16xi32>
        %gather3A_1309 = tpu.vector_load_idx %arg12[%add3A_1204, %broadcast_in_dim3A_1308] : memref<3456x16xf32, #tpu.memory_space<vmem>>[vector<16xi32>, vector<16xi32>], vector<16xf32>,
        %mul3A_1310 = arith.mulf %mul3A_1182, %gather3A_1309 : vector<16xf32>
        %gather3A_1311 = tpu.vector_load_idx %arg12[%add3A_1210, %broadcast_in_dim3A_1308] : memref<3456x16xf32, #tpu.memory_space<vmem>>[vector<16xi32>, vector<16xi32>], vector<16xf32>,
        %mul3A_1312 = arith.mulf %mul3A_1190, %gather3A_1311 : vector<16xf32>
        %add3A_1313 = arith.addf %mul3A_1310, %mul3A_1312 : vector<16xf32>
        %gather3A_1314 = tpu.vector_load_idx %arg12[%add3A_1216, %broadcast_in_dim3A_1308] : memref<3456x16xf32, #tpu.memory_space<vmem>>[vector<16xi32>, vector<16xi32>], vector<16xf32>,
        %mul3A_1315 = arith.mulf %mul3A_1198, %gather3A_1314 : vector<16xf32>
        %add3A_1316 = arith.addf %add3A_1313, %mul3A_1315 : vector<16xf32>
        %swap3A_1317 = arith.constant 6 : i32
        %swap3A_1318 = arith.index_cast %select_n3A_1139 : i32 to index
        %swap3A_1319 = arith.index_cast %swap3A_1317 : i32 to index
        %swap3A_1320 = arith.index_cast %mul3A_1157 : i32 to index
        %swap3A_1321 = tpu.vector_load %arg13[%swap3A_1318, %swap3A_1319, %swap3A_1320] {strides = array<i32>} : memref<3x16x384xf32, #tpu.memory_space<vmem>>, vector<16xf32>,
        tpu.vector_store %arg13[%swap3A_1318, %swap3A_1319, %swap3A_1320], %add3A_1316 {strides = array<i32>} : memref<3x16x384xf32, #tpu.memory_space<vmem>>, vector<16xf32>,
        %broadcast_in_dim3A_1322 = arith.constant 7 : i32
        %broadcast_in_dim3A_1323 = vector.broadcast %broadcast_in_dim3A_1322 : i32 to vector<16xi32>
        %gather3A_1324 = tpu.vector_load_idx %arg12[%add3A_1204, %broadcast_in_dim3A_1323] : memref<3456x16xf32, #tpu.memory_space<vmem>>[vector<16xi32>, vector<16xi32>], vector<16xf32>,
        %mul3A_1325 = arith.mulf %mul3A_1182, %gather3A_1324 : vector<16xf32>
        %gather3A_1326 = tpu.vector_load_idx %arg12[%add3A_1210, %broadcast_in_dim3A_1323] : memref<3456x16xf32, #tpu.memory_space<vmem>>[vector<16xi32>, vector<16xi32>], vector<16xf32>,
        %mul3A_1327 = arith.mulf %mul3A_1190, %gather3A_1326 : vector<16xf32>
        %add3A_1328 = arith.addf %mul3A_1325, %mul3A_1327 : vector<16xf32>
        %gather3A_1329 = tpu.vector_load_idx %arg12[%add3A_1216, %broadcast_in_dim3A_1323] : memref<3456x16xf32, #tpu.memory_space<vmem>>[vector<16xi32>, vector<16xi32>], vector<16xf32>,
        %mul3A_1330 = arith.mulf %mul3A_1198, %gather3A_1329 : vector<16xf32>
        %add3A_1331 = arith.addf %add3A_1328, %mul3A_1330 : vector<16xf32>
        %swap3A_1332 = arith.constant 7 : i32
        %swap3A_1333 = arith.index_cast %select_n3A_1139 : i32 to index
        %swap3A_1334 = arith.index_cast %swap3A_1332 : i32 to index
        %swap3A_1335 = arith.index_cast %mul3A_1157 : i32 to index
        %swap3A_1336 = tpu.vector_load %arg13[%swap3A_1333, %swap3A_1334, %swap3A_1335] {strides = array<i32>} : memref<3x16x384xf32, #tpu.memory_space<vmem>>, vector<16xf32>,
        tpu.vector_store %arg13[%swap3A_1333, %swap3A_1334, %swap3A_1335], %add3A_1331 {strides = array<i32>} : memref<3x16x384xf32, #tpu.memory_space<vmem>>, vector<16xf32>,
        %broadcast_in_dim3A_1337 = arith.constant 8 : i32
        %broadcast_in_dim3A_1338 = vector.broadcast %broadcast_in_dim3A_1337 : i32 to vector<16xi32>
        %gather3A_1339 = tpu.vector_load_idx %arg12[%add3A_1204, %broadcast_in_dim3A_1338] : memref<3456x16xf32, #tpu.memory_space<vmem>>[vector<16xi32>, vector<16xi32>], vector<16xf32>,
        %mul3A_1340 = arith.mulf %mul3A_1182, %gather3A_1339 : vector<16xf32>
        %gather3A_1341 = tpu.vector_load_idx %arg12[%add3A_1210, %broadcast_in_dim3A_1338] : memref<3456x16xf32, #tpu.memory_space<vmem>>[vector<16xi32>, vector<16xi32>], vector<16xf32>,
        %mul3A_1342 = arith.mulf %mul3A_1190, %gather3A_1341 : vector<16xf32>
        %add3A_1343 = arith.addf %mul3A_1340, %mul3A_1342 : vector<16xf32>
        %gather3A_1344 = tpu.vector_load_idx %arg12[%add3A_1216, %broadcast_in_dim3A_1338] : memref<3456x16xf32, #tpu.memory_space<vmem>>[vector<16xi32>, vector<16xi32>], vector<16xf32>,
        %mul3A_1345 = arith.mulf %mul3A_1198, %gather3A_1344 : vector<16xf32>
        %add3A_1346 = arith.addf %add3A_1343, %mul3A_1345 : vector<16xf32>
        %swap3A_1347 = arith.constant 8 : i32
        %swap3A_1348 = arith.index_cast %select_n3A_1139 : i32 to index
        %swap3A_1349 = arith.index_cast %swap3A_1347 : i32 to index
        %swap3A_1350 = arith.index_cast %mul3A_1157 : i32 to index
        %swap3A_1351 = tpu.vector_load %arg13[%swap3A_1348, %swap3A_1349, %swap3A_1350] {strides = array<i32>} : memref<3x16x384xf32, #tpu.memory_space<vmem>>, vector<16xf32>,
        tpu.vector_store %arg13[%swap3A_1348, %swap3A_1349, %swap3A_1350], %add3A_1346 {strides = array<i32>} : memref<3x16x384xf32, #tpu.memory_space<vmem>>, vector<16xf32>,
        %broadcast_in_dim3A_1352 = arith.constant 9 : i32
        %broadcast_in_dim3A_1353 = vector.broadcast %broadcast_in_dim3A_1352 : i32 to vector<16xi32>
        %gather3A_1354 = tpu.vector_load_idx %arg12[%add3A_1204, %broadcast_in_dim3A_1353] : memref<3456x16xf32, #tpu.memory_space<vmem>>[vector<16xi32>, vector<16xi32>], vector<16xf32>,
        %mul3A_1355 = arith.mulf %mul3A_1182, %gather3A_1354 : vector<16xf32>
        %gather3A_1356 = tpu.vector_load_idx %arg12[%add3A_1210, %broadcast_in_dim3A_1353] : memref<3456x16xf32, #tpu.memory_space<vmem>>[vector<16xi32>, vector<16xi32>], vector<16xf32>,
        %mul3A_1357 = arith.mulf %mul3A_1190, %gather3A_1356 : vector<16xf32>
        %add3A_1358 = arith.addf %mul3A_1355, %mul3A_1357 : vector<16xf32>
        %gather3A_1359 = tpu.vector_load_idx %arg12[%add3A_1216, %broadcast_in_dim3A_1353] : memref<3456x16xf32, #tpu.memory_space<vmem>>[vector<16xi32>, vector<16xi32>], vector<16xf32>,
        %mul3A_1360 = arith.mulf %mul3A_1198, %gather3A_1359 : vector<16xf32>
        %add3A_1361 = arith.addf %add3A_1358, %mul3A_1360 : vector<16xf32>
        %swap3A_1362 = arith.constant 9 : i32
        %swap3A_1363 = arith.index_cast %select_n3A_1139 : i32 to index
        %swap3A_1364 = arith.index_cast %swap3A_1362 : i32 to index
        %swap3A_1365 = arith.index_cast %mul3A_1157 : i32 to index
        %swap3A_1366 = tpu.vector_load %arg13[%swap3A_1363, %swap3A_1364, %swap3A_1365] {strides = array<i32>} : memref<3x16x384xf32, #tpu.memory_space<vmem>>, vector<16xf32>,
        tpu.vector_store %arg13[%swap3A_1363, %swap3A_1364, %swap3A_1365], %add3A_1361 {strides = array<i32>} : memref<3x16x384xf32, #tpu.memory_space<vmem>>, vector<16xf32>,
        %broadcast_in_dim3A_1367 = arith.constant 10 : i32
        %broadcast_in_dim3A_1368 = vector.broadcast %broadcast_in_dim3A_1367 : i32 to vector<16xi32>
        %gather3A_1369 = tpu.vector_load_idx %arg12[%add3A_1204, %broadcast_in_dim3A_1368] : memref<3456x16xf32, #tpu.memory_space<vmem>>[vector<16xi32>, vector<16xi32>], vector<16xf32>,
        %mul3A_1370 = arith.mulf %mul3A_1182, %gather3A_1369 : vector<16xf32>
        %gather3A_1371 = tpu.vector_load_idx %arg12[%add3A_1210, %broadcast_in_dim3A_1368] : memref<3456x16xf32, #tpu.memory_space<vmem>>[vector<16xi32>, vector<16xi32>], vector<16xf32>,
        %mul3A_1372 = arith.mulf %mul3A_1190, %gather3A_1371 : vector<16xf32>
        %add3A_1373 = arith.addf %mul3A_1370, %mul3A_1372 : vector<16xf32>
        %gather3A_1374 = tpu.vector_load_idx %arg12[%add3A_1216, %broadcast_in_dim3A_1368] : memref<3456x16xf32, #tpu.memory_space<vmem>>[vector<16xi32>, vector<16xi32>], vector<16xf32>,
        %mul3A_1375 = arith.mulf %mul3A_1198, %gather3A_1374 : vector<16xf32>
        %add3A_1376 = arith.addf %add3A_1373, %mul3A_1375 : vector<16xf32>
        %swap3A_1377 = arith.constant 10 : i32
        %swap3A_1378 = arith.index_cast %select_n3A_1139 : i32 to index
        %swap3A_1379 = arith.index_cast %swap3A_1377 : i32 to index
        %swap3A_1380 = arith.index_cast %mul3A_1157 : i32 to index
        %swap3A_1381 = tpu.vector_load %arg13[%swap3A_1378, %swap3A_1379, %swap3A_1380] {strides = array<i32>} : memref<3x16x384xf32, #tpu.memory_space<vmem>>, vector<16xf32>,
        tpu.vector_store %arg13[%swap3A_1378, %swap3A_1379, %swap3A_1380], %add3A_1376 {strides = array<i32>} : memref<3x16x384xf32, #tpu.memory_space<vmem>>, vector<16xf32>,
        %broadcast_in_dim3A_1382 = arith.constant 11 : i32
        %broadcast_in_dim3A_1383 = vector.broadcast %broadcast_in_dim3A_1382 : i32 to vector<16xi32>
        %gather3A_1384 = tpu.vector_load_idx %arg12[%add3A_1204, %broadcast_in_dim3A_1383] : memref<3456x16xf32, #tpu.memory_space<vmem>>[vector<16xi32>, vector<16xi32>], vector<16xf32>,
        %mul3A_1385 = arith.mulf %mul3A_1182, %gather3A_1384 : vector<16xf32>
        %gather3A_1386 = tpu.vector_load_idx %arg12[%add3A_1210, %broadcast_in_dim3A_1383] : memref<3456x16xf32, #tpu.memory_space<vmem>>[vector<16xi32>, vector<16xi32>], vector<16xf32>,
        %mul3A_1387 = arith.mulf %mul3A_1190, %gather3A_1386 : vector<16xf32>
        %add3A_1388 = arith.addf %mul3A_1385, %mul3A_1387 : vector<16xf32>
        %gather3A_1389 = tpu.vector_load_idx %arg12[%add3A_1216, %broadcast_in_dim3A_1383] : memref<3456x16xf32, #tpu.memory_space<vmem>>[vector<16xi32>, vector<16xi32>], vector<16xf32>,
        %mul3A_1390 = arith.mulf %mul3A_1198, %gather3A_1389 : vector<16xf32>
        %add3A_1391 = arith.addf %add3A_1388, %mul3A_1390 : vector<16xf32>
        %swap3A_1392 = arith.constant 11 : i32
        %swap3A_1393 = arith.index_cast %select_n3A_1139 : i32 to index
        %swap3A_1394 = arith.index_cast %swap3A_1392 : i32 to index
        %swap3A_1395 = arith.index_cast %mul3A_1157 : i32 to index
        %swap3A_1396 = tpu.vector_load %arg13[%swap3A_1393, %swap3A_1394, %swap3A_1395] {strides = array<i32>} : memref<3x16x384xf32, #tpu.memory_space<vmem>>, vector<16xf32>,
        tpu.vector_store %arg13[%swap3A_1393, %swap3A_1394, %swap3A_1395], %add3A_1391 {strides = array<i32>} : memref<3x16x384xf32, #tpu.memory_space<vmem>>, vector<16xf32>,
        %broadcast_in_dim3A_1397 = arith.constant 12 : i32
        %broadcast_in_dim3A_1398 = vector.broadcast %broadcast_in_dim3A_1397 : i32 to vector<16xi32>
        %gather3A_1399 = tpu.vector_load_idx %arg12[%add3A_1204, %broadcast_in_dim3A_1398] : memref<3456x16xf32, #tpu.memory_space<vmem>>[vector<16xi32>, vector<16xi32>], vector<16xf32>,
        %mul3A_1400 = arith.mulf %mul3A_1182, %gather3A_1399 : vector<16xf32>
        %gather3A_1401 = tpu.vector_load_idx %arg12[%add3A_1210, %broadcast_in_dim3A_1398] : memref<3456x16xf32, #tpu.memory_space<vmem>>[vector<16xi32>, vector<16xi32>], vector<16xf32>,
        %mul3A_1402 = arith.mulf %mul3A_1190, %gather3A_1401 : vector<16xf32>
        %add3A_1403 = arith.addf %mul3A_1400, %mul3A_1402 : vector<16xf32>
        %gather3A_1404 = tpu.vector_load_idx %arg12[%add3A_1216, %broadcast_in_dim3A_1398] : memref<3456x16xf32, #tpu.memory_space<vmem>>[vector<16xi32>, vector<16xi32>], vector<16xf32>,
        %mul3A_1405 = arith.mulf %mul3A_1198, %gather3A_1404 : vector<16xf32>
        %add3A_1406 = arith.addf %add3A_1403, %mul3A_1405 : vector<16xf32>
        %swap3A_1407 = arith.constant 12 : i32
        %swap3A_1408 = arith.index_cast %select_n3A_1139 : i32 to index
        %swap3A_1409 = arith.index_cast %swap3A_1407 : i32 to index
        %swap3A_1410 = arith.index_cast %mul3A_1157 : i32 to index
        %swap3A_1411 = tpu.vector_load %arg13[%swap3A_1408, %swap3A_1409, %swap3A_1410] {strides = array<i32>} : memref<3x16x384xf32, #tpu.memory_space<vmem>>, vector<16xf32>,
        tpu.vector_store %arg13[%swap3A_1408, %swap3A_1409, %swap3A_1410], %add3A_1406 {strides = array<i32>} : memref<3x16x384xf32, #tpu.memory_space<vmem>>, vector<16xf32>,
        %broadcast_in_dim3A_1412 = arith.constant 13 : i32
        %broadcast_in_dim3A_1413 = vector.broadcast %broadcast_in_dim3A_1412 : i32 to vector<16xi32>
        %gather3A_1414 = tpu.vector_load_idx %arg12[%add3A_1204, %broadcast_in_dim3A_1413] : memref<3456x16xf32, #tpu.memory_space<vmem>>[vector<16xi32>, vector<16xi32>], vector<16xf32>,
        %mul3A_1415 = arith.mulf %mul3A_1182, %gather3A_1414 : vector<16xf32>
        %gather3A_1416 = tpu.vector_load_idx %arg12[%add3A_1210, %broadcast_in_dim3A_1413] : memref<3456x16xf32, #tpu.memory_space<vmem>>[vector<16xi32>, vector<16xi32>], vector<16xf32>,
        %mul3A_1417 = arith.mulf %mul3A_1190, %gather3A_1416 : vector<16xf32>
        %add3A_1418 = arith.addf %mul3A_1415, %mul3A_1417 : vector<16xf32>
        %gather3A_1419 = tpu.vector_load_idx %arg12[%add3A_1216, %broadcast_in_dim3A_1413] : memref<3456x16xf32, #tpu.memory_space<vmem>>[vector<16xi32>, vector<16xi32>], vector<16xf32>,
        %mul3A_1420 = arith.mulf %mul3A_1198, %gather3A_1419 : vector<16xf32>
        %add3A_1421 = arith.addf %add3A_1418, %mul3A_1420 : vector<16xf32>
        %swap3A_1422 = arith.constant 13 : i32
        %swap3A_1423 = arith.index_cast %select_n3A_1139 : i32 to index
        %swap3A_1424 = arith.index_cast %swap3A_1422 : i32 to index
        %swap3A_1425 = arith.index_cast %mul3A_1157 : i32 to index
        %swap3A_1426 = tpu.vector_load %arg13[%swap3A_1423, %swap3A_1424, %swap3A_1425] {strides = array<i32>} : memref<3x16x384xf32, #tpu.memory_space<vmem>>, vector<16xf32>,
        tpu.vector_store %arg13[%swap3A_1423, %swap3A_1424, %swap3A_1425], %add3A_1421 {strides = array<i32>} : memref<3x16x384xf32, #tpu.memory_space<vmem>>, vector<16xf32>,
        %broadcast_in_dim3A_1427 = arith.constant 14 : i32
        %broadcast_in_dim3A_1428 = vector.broadcast %broadcast_in_dim3A_1427 : i32 to vector<16xi32>
        %gather3A_1429 = tpu.vector_load_idx %arg12[%add3A_1204, %broadcast_in_dim3A_1428] : memref<3456x16xf32, #tpu.memory_space<vmem>>[vector<16xi32>, vector<16xi32>], vector<16xf32>,
        %mul3A_1430 = arith.mulf %mul3A_1182, %gather3A_1429 : vector<16xf32>
        %gather3A_1431 = tpu.vector_load_idx %arg12[%add3A_1210, %broadcast_in_dim3A_1428] : memref<3456x16xf32, #tpu.memory_space<vmem>>[vector<16xi32>, vector<16xi32>], vector<16xf32>,
        %mul3A_1432 = arith.mulf %mul3A_1190, %gather3A_1431 : vector<16xf32>
        %add3A_1433 = arith.addf %mul3A_1430, %mul3A_1432 : vector<16xf32>
        %gather3A_1434 = tpu.vector_load_idx %arg12[%add3A_1216, %broadcast_in_dim3A_1428] : memref<3456x16xf32, #tpu.memory_space<vmem>>[vector<16xi32>, vector<16xi32>], vector<16xf32>,
        %mul3A_1435 = arith.mulf %mul3A_1198, %gather3A_1434 : vector<16xf32>
        %add3A_1436 = arith.addf %add3A_1433, %mul3A_1435 : vector<16xf32>
        %swap3A_1437 = arith.constant 14 : i32
        %swap3A_1438 = arith.index_cast %select_n3A_1139 : i32 to index
        %swap3A_1439 = arith.index_cast %swap3A_1437 : i32 to index
        %swap3A_1440 = arith.index_cast %mul3A_1157 : i32 to index
        %swap3A_1441 = tpu.vector_load %arg13[%swap3A_1438, %swap3A_1439, %swap3A_1440] {strides = array<i32>} : memref<3x16x384xf32, #tpu.memory_space<vmem>>, vector<16xf32>,
        tpu.vector_store %arg13[%swap3A_1438, %swap3A_1439, %swap3A_1440], %add3A_1436 {strides = array<i32>} : memref<3x16x384xf32, #tpu.memory_space<vmem>>, vector<16xf32>,
        %broadcast_in_dim3A_1442 = arith.constant 15 : i32
        %broadcast_in_dim3A_1443 = vector.broadcast %broadcast_in_dim3A_1442 : i32 to vector<16xi32>
        %gather3A_1444 = tpu.vector_load_idx %arg12[%add3A_1204, %broadcast_in_dim3A_1443] : memref<3456x16xf32, #tpu.memory_space<vmem>>[vector<16xi32>, vector<16xi32>], vector<16xf32>,
        %mul3A_1445 = arith.mulf %mul3A_1182, %gather3A_1444 : vector<16xf32>
        %gather3A_1446 = tpu.vector_load_idx %arg12[%add3A_1210, %broadcast_in_dim3A_1443] : memref<3456x16xf32, #tpu.memory_space<vmem>>[vector<16xi32>, vector<16xi32>], vector<16xf32>,
        %mul3A_1447 = arith.mulf %mul3A_1190, %gather3A_1446 : vector<16xf32>
        %add3A_1448 = arith.addf %mul3A_1445, %mul3A_1447 : vector<16xf32>
        %gather3A_1449 = tpu.vector_load_idx %arg12[%add3A_1216, %broadcast_in_dim3A_1443] : memref<3456x16xf32, #tpu.memory_space<vmem>>[vector<16xi32>, vector<16xi32>], vector<16xf32>,
        %mul3A_1450 = arith.mulf %mul3A_1198, %gather3A_1449 : vector<16xf32>
        %add3A_1451 = arith.addf %add3A_1448, %mul3A_1450 : vector<16xf32>
        %swap3A_1452 = arith.constant 15 : i32
        %swap3A_1453 = arith.index_cast %select_n3A_1139 : i32 to index
        %swap3A_1454 = arith.index_cast %swap3A_1452 : i32 to index
        %swap3A_1455 = arith.index_cast %mul3A_1157 : i32 to index
        %swap3A_1456 = tpu.vector_load %arg13[%swap3A_1453, %swap3A_1454, %swap3A_1455] {strides = array<i32>} : memref<3x16x384xf32, #tpu.memory_space<vmem>>, vector<16xf32>,
        tpu.vector_store %arg13[%swap3A_1453, %swap3A_1454, %swap3A_1455], %add3A_1451 {strides = array<i32>} : memref<3x16x384xf32, #tpu.memory_space<vmem>>, vector<16xf32>,
      }
      %scan3A_589 = arith.constant 24 : i32
      %dma_wait3A_590 = arith.constant 9 : i32
      %dma_wait3A_591 = arith.constant 1152 : i32
      %dma_wait3A_592 = arith.constant 0 : i32
      %dma_wait3A_593 = tpu.memref_slice %arg12[%dma_wait3A_591, %dma_wait3A_592] : memref<3456x16xf32, #tpu.memory_space<vmem>> -> memref<128x16xf32, #tpu.memory_space<vmem>>
      %dma_wait3A_594 = arith.constant 0 : i32
      %dma_wait3A_595 = tpu.memref_slice %arg11[%dma_wait3A_590, %dma_wait3A_594] : memref<27x128xi32, #tpu.memory_space<vmem>> -> memref<1x128xi32, #tpu.memory_space<vmem>>
      %dma_wait3A_596 = tpu.memref_squeeze %dma_wait3A_595 : memref<1x128xi32, #tpu.memory_space<vmem>> -> memref<128xi32, #tpu.memory_space<vmem>>
      %dma_wait3A_597 = arith.constant 0 : i32
      %dma_wait3A_598 = arith.constant 0 : i32
      %dma_wait3A_599 = tpu.memref_slice %arg4[%dma_wait3A_597, %dma_wait3A_598] : memref<100000x16xf32, #tpu.memory_space<hbm>> -> memref<100000x16xf32, #tpu.memory_space<hbm>>
      tpu.wait_indirect_dma semaphore(%arg18 : memref<!tpu.dma_semaphore, #tpu.memory_space<semaphore_mem>>) src(%dma_wait3A_599 : memref<100000x16xf32, #tpu.memory_space<hbm>>) dst(%dma_wait3A_593 : memref<128x16xf32, #tpu.memory_space<vmem>>)
      %dma_wait3A_600 = arith.constant 10 : i32
      %dma_wait3A_601 = arith.constant 1280 : i32
      %dma_wait3A_602 = arith.constant 0 : i32
      %dma_wait3A_603 = tpu.memref_slice %arg12[%dma_wait3A_601, %dma_wait3A_602] : memref<3456x16xf32, #tpu.memory_space<vmem>> -> memref<128x16xf32, #tpu.memory_space<vmem>>
      %dma_wait3A_604 = arith.constant 0 : i32
      %dma_wait3A_605 = tpu.memref_slice %arg11[%dma_wait3A_600, %dma_wait3A_604] : memref<27x128xi32, #tpu.memory_space<vmem>> -> memref<1x128xi32, #tpu.memory_space<vmem>>
      %dma_wait3A_606 = tpu.memref_squeeze %dma_wait3A_605 : memref<1x128xi32, #tpu.memory_space<vmem>> -> memref<128xi32, #tpu.memory_space<vmem>>
      %dma_wait3A_607 = arith.constant 0 : i32
      %dma_wait3A_608 = arith.constant 0 : i32
      %dma_wait3A_609 = tpu.memref_slice %arg4[%dma_wait3A_607, %dma_wait3A_608] : memref<100000x16xf32, #tpu.memory_space<hbm>> -> memref<100000x16xf32, #tpu.memory_space<hbm>>
      tpu.wait_indirect_dma semaphore(%arg18 : memref<!tpu.dma_semaphore, #tpu.memory_space<semaphore_mem>>) src(%dma_wait3A_609 : memref<100000x16xf32, #tpu.memory_space<hbm>>) dst(%dma_wait3A_603 : memref<128x16xf32, #tpu.memory_space<vmem>>)
      %dma_wait3A_610 = arith.constant 11 : i32
      %dma_wait3A_611 = arith.constant 1408 : i32
      %dma_wait3A_612 = arith.constant 0 : i32
      %dma_wait3A_613 = tpu.memref_slice %arg12[%dma_wait3A_611, %dma_wait3A_612] : memref<3456x16xf32, #tpu.memory_space<vmem>> -> memref<128x16xf32, #tpu.memory_space<vmem>>
      %dma_wait3A_614 = arith.constant 0 : i32
      %dma_wait3A_615 = tpu.memref_slice %arg11[%dma_wait3A_610, %dma_wait3A_614] : memref<27x128xi32, #tpu.memory_space<vmem>> -> memref<1x128xi32, #tpu.memory_space<vmem>>
      %dma_wait3A_616 = tpu.memref_squeeze %dma_wait3A_615 : memref<1x128xi32, #tpu.memory_space<vmem>> -> memref<128xi32, #tpu.memory_space<vmem>>
      %dma_wait3A_617 = arith.constant 0 : i32
      %dma_wait3A_618 = arith.constant 0 : i32
      %dma_wait3A_619 = tpu.memref_slice %arg4[%dma_wait3A_617, %dma_wait3A_618] : memref<100000x16xf32, #tpu.memory_space<hbm>> -> memref<100000x16xf32, #tpu.memory_space<hbm>>
      tpu.wait_indirect_dma semaphore(%arg18 : memref<!tpu.dma_semaphore, #tpu.memory_space<semaphore_mem>>) src(%dma_wait3A_619 : memref<100000x16xf32, #tpu.memory_space<hbm>>) dst(%dma_wait3A_613 : memref<128x16xf32, #tpu.memory_space<vmem>>)
      %dma_wait3A_620 = arith.constant 12 : i32
      %dma_wait3A_621 = arith.constant 1536 : i32
      %dma_wait3A_622 = arith.constant 0 : i32
      %dma_wait3A_623 = tpu.memref_slice %arg12[%dma_wait3A_621, %dma_wait3A_622] : memref<3456x16xf32, #tpu.memory_space<vmem>> -> memref<128x16xf32, #tpu.memory_space<vmem>>
      %dma_wait3A_624 = arith.constant 0 : i32
      %dma_wait3A_625 = tpu.memref_slice %arg11[%dma_wait3A_620, %dma_wait3A_624] : memref<27x128xi32, #tpu.memory_space<vmem>> -> memref<1x128xi32, #tpu.memory_space<vmem>>
      %dma_wait3A_626 = tpu.memref_squeeze %dma_wait3A_625 : memref<1x128xi32, #tpu.memory_space<vmem>> -> memref<128xi32, #tpu.memory_space<vmem>>
      %dma_wait3A_627 = arith.constant 0 : i32
      %dma_wait3A_628 = arith.constant 0 : i32
      %dma_wait3A_629 = tpu.memref_slice %arg4[%dma_wait3A_627, %dma_wait3A_628] : memref<100000x16xf32, #tpu.memory_space<hbm>> -> memref<100000x16xf32, #tpu.memory_space<hbm>>
      tpu.wait_indirect_dma semaphore(%arg18 : memref<!tpu.dma_semaphore, #tpu.memory_space<semaphore_mem>>) src(%dma_wait3A_629 : memref<100000x16xf32, #tpu.memory_space<hbm>>) dst(%dma_wait3A_623 : memref<128x16xf32, #tpu.memory_space<vmem>>)
      %dma_wait3A_630 = arith.constant 13 : i32
      %dma_wait3A_631 = arith.constant 1664 : i32
      %dma_wait3A_632 = arith.constant 0 : i32
      %dma_wait3A_633 = tpu.memref_slice %arg12[%dma_wait3A_631, %dma_wait3A_632] : memref<3456x16xf32, #tpu.memory_space<vmem>> -> memref<128x16xf32, #tpu.memory_space<vmem>>
      %dma_wait3A_634 = arith.constant 0 : i32
      %dma_wait3A_635 = tpu.memref_slice %arg11[%dma_wait3A_630, %dma_wait3A_634] : memref<27x128xi32, #tpu.memory_space<vmem>> -> memref<1x128xi32, #tpu.memory_space<vmem>>
      %dma_wait3A_636 = tpu.memref_squeeze %dma_wait3A_635 : memref<1x128xi32, #tpu.memory_space<vmem>> -> memref<128xi32, #tpu.memory_space<vmem>>
      %dma_wait3A_637 = arith.constant 0 : i32
      %dma_wait3A_638 = arith.constant 0 : i32
      %dma_wait3A_639 = tpu.memref_slice %arg4[%dma_wait3A_637, %dma_wait3A_638] : memref<100000x16xf32, #tpu.memory_space<hbm>> -> memref<100000x16xf32, #tpu.memory_space<hbm>>
      tpu.wait_indirect_dma semaphore(%arg18 : memref<!tpu.dma_semaphore, #tpu.memory_space<semaphore_mem>>) src(%dma_wait3A_639 : memref<100000x16xf32, #tpu.memory_space<hbm>>) dst(%dma_wait3A_633 : memref<128x16xf32, #tpu.memory_space<vmem>>)
      %dma_wait3A_640 = arith.constant 14 : i32
      %dma_wait3A_641 = arith.constant 1792 : i32
      %dma_wait3A_642 = arith.constant 0 : i32
      %dma_wait3A_643 = tpu.memref_slice %arg12[%dma_wait3A_641, %dma_wait3A_642] : memref<3456x16xf32, #tpu.memory_space<vmem>> -> memref<128x16xf32, #tpu.memory_space<vmem>>
      %dma_wait3A_644 = arith.constant 0 : i32
      %dma_wait3A_645 = tpu.memref_slice %arg11[%dma_wait3A_640, %dma_wait3A_644] : memref<27x128xi32, #tpu.memory_space<vmem>> -> memref<1x128xi32, #tpu.memory_space<vmem>>
      %dma_wait3A_646 = tpu.memref_squeeze %dma_wait3A_645 : memref<1x128xi32, #tpu.memory_space<vmem>> -> memref<128xi32, #tpu.memory_space<vmem>>
      %dma_wait3A_647 = arith.constant 0 : i32
      %dma_wait3A_648 = arith.constant 0 : i32
      %dma_wait3A_649 = tpu.memref_slice %arg4[%dma_wait3A_647, %dma_wait3A_648] : memref<100000x16xf32, #tpu.memory_space<hbm>> -> memref<100000x16xf32, #tpu.memory_space<hbm>>
      tpu.wait_indirect_dma semaphore(%arg18 : memref<!tpu.dma_semaphore, #tpu.memory_space<semaphore_mem>>) src(%dma_wait3A_649 : memref<100000x16xf32, #tpu.memory_space<hbm>>) dst(%dma_wait3A_643 : memref<128x16xf32, #tpu.memory_space<vmem>>)
      %dma_wait3A_650 = arith.constant 15 : i32
      %dma_wait3A_651 = arith.constant 1920 : i32
      %dma_wait3A_652 = arith.constant 0 : i32
      %dma_wait3A_653 = tpu.memref_slice %arg12[%dma_wait3A_651, %dma_wait3A_652] : memref<3456x16xf32, #tpu.memory_space<vmem>> -> memref<128x16xf32, #tpu.memory_space<vmem>>
      %dma_wait3A_654 = arith.constant 0 : i32
      %dma_wait3A_655 = tpu.memref_slice %arg11[%dma_wait3A_650, %dma_wait3A_654] : memref<27x128xi32, #tpu.memory_space<vmem>> -> memref<1x128xi32, #tpu.memory_space<vmem>>
      %dma_wait3A_656 = tpu.memref_squeeze %dma_wait3A_655 : memref<1x128xi32, #tpu.memory_space<vmem>> -> memref<128xi32, #tpu.memory_space<vmem>>
      %dma_wait3A_657 = arith.constant 0 : i32
      %dma_wait3A_658 = arith.constant 0 : i32
      %dma_wait3A_659 = tpu.memref_slice %arg4[%dma_wait3A_657, %dma_wait3A_658] : memref<100000x16xf32, #tpu.memory_space<hbm>> -> memref<100000x16xf32, #tpu.memory_space<hbm>>
      tpu.wait_indirect_dma semaphore(%arg18 : memref<!tpu.dma_semaphore, #tpu.memory_space<semaphore_mem>>) src(%dma_wait3A_659 : memref<100000x16xf32, #tpu.memory_space<hbm>>) dst(%dma_wait3A_653 : memref<128x16xf32, #tpu.memory_space<vmem>>)
      %dma_wait3A_660 = arith.constant 16 : i32
      %dma_wait3A_661 = arith.constant 2048 : i32
      %dma_wait3A_662 = arith.constant 0 : i32
      %dma_wait3A_663 = tpu.memref_slice %arg12[%dma_wait3A_661, %dma_wait3A_662] : memref<3456x16xf32, #tpu.memory_space<vmem>> -> memref<128x16xf32, #tpu.memory_space<vmem>>
      %dma_wait3A_664 = arith.constant 0 : i32
      %dma_wait3A_665 = tpu.memref_slice %arg11[%dma_wait3A_660, %dma_wait3A_664] : memref<27x128xi32, #tpu.memory_space<vmem>> -> memref<1x128xi32, #tpu.memory_space<vmem>>
      %dma_wait3A_666 = tpu.memref_squeeze %dma_wait3A_665 : memref<1x128xi32, #tpu.memory_space<vmem>> -> memref<128xi32, #tpu.memory_space<vmem>>
      %dma_wait3A_667 = arith.constant 0 : i32
      %dma_wait3A_668 = arith.constant 0 : i32
      %dma_wait3A_669 = tpu.memref_slice %arg4[%dma_wait3A_667, %dma_wait3A_668] : memref<100000x16xf32, #tpu.memory_space<hbm>> -> memref<100000x16xf32, #tpu.memory_space<hbm>>
      tpu.wait_indirect_dma semaphore(%arg18 : memref<!tpu.dma_semaphore, #tpu.memory_space<semaphore_mem>>) src(%dma_wait3A_669 : memref<100000x16xf32, #tpu.memory_space<hbm>>) dst(%dma_wait3A_663 : memref<128x16xf32, #tpu.memory_space<vmem>>)
      %dma_wait3A_670 = arith.constant 17 : i32
      %dma_wait3A_671 = arith.constant 2176 : i32
      %dma_wait3A_672 = arith.constant 0 : i32
      %dma_wait3A_673 = tpu.memref_slice %arg12[%dma_wait3A_671, %dma_wait3A_672] : memref<3456x16xf32, #tpu.memory_space<vmem>> -> memref<128x16xf32, #tpu.memory_space<vmem>>
      %dma_wait3A_674 = arith.constant 0 : i32
      %dma_wait3A_675 = tpu.memref_slice %arg11[%dma_wait3A_670, %dma_wait3A_674] : memref<27x128xi32, #tpu.memory_space<vmem>> -> memref<1x128xi32, #tpu.memory_space<vmem>>
      %dma_wait3A_676 = tpu.memref_squeeze %dma_wait3A_675 : memref<1x128xi32, #tpu.memory_space<vmem>> -> memref<128xi32, #tpu.memory_space<vmem>>
      %dma_wait3A_677 = arith.constant 0 : i32
      %dma_wait3A_678 = arith.constant 0 : i32
      %dma_wait3A_679 = tpu.memref_slice %arg4[%dma_wait3A_677, %dma_wait3A_678] : memref<100000x16xf32, #tpu.memory_space<hbm>> -> memref<100000x16xf32, #tpu.memory_space<hbm>>
      tpu.wait_indirect_dma semaphore(%arg18 : memref<!tpu.dma_semaphore, #tpu.memory_space<semaphore_mem>>) src(%dma_wait3A_679 : memref<100000x16xf32, #tpu.memory_space<hbm>>) dst(%dma_wait3A_673 : memref<128x16xf32, #tpu.memory_space<vmem>>)
      %scan3A_680 = arith.constant 24 : i32
      %scan3A_681 = arith.constant 24 : i32
      %scan3A_682 = arith.addi %scan3A_680, %scan3A_681 : i32
      %scan3A_683 = arith.constant 2 : i32
      scf.for %scan3A_780 = %scan3A_680 to %scan3A_682 step %scan3A_683  : i32 {
        %jit3A_781 = arith.constant 24 : i32
        %div3A_782 = arith.divsi %scan3A_780, %jit3A_781 : i32
        %sign3A_783 = arith.constant 0 : i32
        %sign3A_784 = arith.cmpi sgt, %scan3A_780, %sign3A_783 : i32
        %sign3A_785 = arith.extui %sign3A_784 : i1 to i32
        %sign3A_786 = arith.constant 0 : i32
        %sign3A_787 = arith.cmpi slt, %scan3A_780, %sign3A_786 : i32
        %sign3A_788 = arith.extui %sign3A_787 : i1 to i32
        %sign3A_789 = arith.subi %sign3A_785, %sign3A_788 : i32
        %sign3A_790 = arith.constant 0 : i32
        %sign3A_791 = arith.cmpi sgt, %jit3A_781, %sign3A_790 : i32
        %sign3A_792 = arith.extui %sign3A_791 : i1 to i32
        %sign3A_793 = arith.constant 0 : i32
        %sign3A_794 = arith.cmpi slt, %jit3A_781, %sign3A_793 : i32
        %sign3A_795 = arith.extui %sign3A_794 : i1 to i32
        %sign3A_796 = arith.subi %sign3A_792, %sign3A_795 : i32
        %ne3A_797 = arith.cmpi ne, %sign3A_789, %sign3A_796 : i32
        %rem3A_798 = arith.remsi %scan3A_780, %jit3A_781 : i32
        %ne3A_799 = arith.constant 0 : i32
        %ne3A_800 = arith.cmpi ne, %rem3A_798, %ne3A_799 : i32
        %and3A_801 = arith.andi %ne3A_797, %ne3A_800 : i1
        %sub3A_802 = arith.constant 1 : i32
        %sub3A_803 = arith.subi %div3A_782, %sub3A_802 : i32
        %select_n3A_804 = arith.select %and3A_801, %sub3A_803, %div3A_782 : i32
        %jit3A_805 = arith.constant 24 : i32
        %eq3A = arith.constant 0 : i32
        %eq3A_806 = arith.cmpi eq, %jit3A_805, %eq3A : i32
        %jit3A_807 = arith.constant 1 : i32
        %select_n3A_808 = arith.select %eq3A_806, %jit3A_807, %jit3A_805 : i32
        %rem3A_809 = arith.remsi %scan3A_780, %select_n3A_808 : i32
        %ne3A_810 = arith.constant 0 : i32
        %ne3A_811 = arith.cmpi ne, %rem3A_809, %ne3A_810 : i32
        %lt3A = arith.constant 0 : i32
        %lt3A_812 = arith.cmpi slt, %rem3A_809, %lt3A : i32
        %lt3A_813 = arith.constant 0 : i32
        %lt3A_814 = arith.cmpi slt, %select_n3A_808, %lt3A_813 : i32
        %ne3A_815 = arith.xori %lt3A_812, %lt3A_814 : i1
        %and3A_816 = arith.andi %ne3A_815, %ne3A_811 : i1
        %add3A_817 = arith.addi %rem3A_809, %select_n3A_808 : i32
        %select_n3A_818 = arith.select %and3A_816, %add3A_817, %rem3A_809 : i32
        %mul3A_819 = arith.constant 16 : i32
        %mul3A_820 = arith.muli %select_n3A_818, %mul3A_819 : i32
        %mul3A_821 = arith.constant 16 : i32
        %mul3A_822 = arith.muli %scan3A_780, %mul3A_821 : i32
        %iota3A = tpu.iota {dimensions = array<i32: 0>} : vector<16xi32>
        %add3A_823 = vector.broadcast %mul3A_822 : i32 to vector<16xi32>
        %add3A_824 = arith.addi %add3A_823, %iota3A : vector<16xi32>
        %mul3A_825 = arith.constant 16 : i32
        %mul3A_826 = arith.muli %scan3A_780, %mul3A_825 : i32
        %get3A = arith.index_cast %mul3A_826 : i32 to index
        %get3A_827 = tpu.vector_load %arg7[%get3A] {strides = array<i32>} : memref<1152xi32, #tpu.memory_space<vmem>>, vector<16xi32>,
        %ge3A = arith.constant 0 : i32
        %ge3A_828 = vector.broadcast %ge3A : i32 to vector<16xi32>
        %ge3A_829 = arith.cmpi sge, %get3A_827, %ge3A_828 : vector<16xi32>
        %jit3A_830 = arith.constant 1.000000e+00 : f32
        %jit3A_831 = arith.constant 0.000000e+00 : f32
        %broadcast_in_dim3A = vector.broadcast %jit3A_830 : f32 to vector<16xf32>
        %broadcast_in_dim3A_832 = vector.broadcast %jit3A_831 : f32 to vector<16xf32>
        %select_n3A_833 = arith.select %ge3A_829, %broadcast_in_dim3A, %broadcast_in_dim3A_832 : vector<16xi1>, vector<16xf32>
        %get3A_834 = arith.constant 0 : i32
        %get3A_835 = arith.constant 0 : i32
        %get3A_836 = arith.index_cast %select_n3A_804 : i32 to index
        %get3A_837 = arith.index_cast %get3A_834 : i32 to index
        %get3A_838 = arith.index_cast %get3A_835 : i32 to index
        %get3A_839 = arith.index_cast %mul3A_820 : i32 to index
        %get3A_840 = tpu.vector_load %arg9[%get3A_836, %get3A_837, %get3A_838, %get3A_839] {strides = array<i32>} : memref<3x3x2x384xf32, #tpu.memory_space<vmem>>, vector<16xf32>,
        %mul3A_841 = arith.mulf %get3A_840, %select_n3A_833 : vector<16xf32>
        %get3A_842 = arith.constant 1 : i32
        %get3A_843 = arith.constant 0 : i32
        %get3A_844 = arith.index_cast %select_n3A_804 : i32 to index
        %get3A_845 = arith.index_cast %get3A_842 : i32 to index
        %get3A_846 = arith.index_cast %get3A_843 : i32 to index
        %get3A_847 = arith.index_cast %mul3A_820 : i32 to index
        %get3A_848 = tpu.vector_load %arg9[%get3A_844, %get3A_845, %get3A_846, %get3A_847] {strides = array<i32>} : memref<3x3x2x384xf32, #tpu.memory_space<vmem>>, vector<16xf32>,
        %mul3A_849 = arith.mulf %get3A_848, %select_n3A_833 : vector<16xf32>
        %get3A_850 = arith.constant 2 : i32
        %get3A_851 = arith.constant 0 : i32
        %get3A_852 = arith.index_cast %select_n3A_804 : i32 to index
        %get3A_853 = arith.index_cast %get3A_850 : i32 to index
        %get3A_854 = arith.index_cast %get3A_851 : i32 to index
        %get3A_855 = arith.index_cast %mul3A_820 : i32 to index
        %get3A_856 = tpu.vector_load %arg9[%get3A_852, %get3A_853, %get3A_854, %get3A_855] {strides = array<i32>} : memref<3x3x2x384xf32, #tpu.memory_space<vmem>>, vector<16xf32>,
        %mul3A_857 = arith.mulf %get3A_856, %select_n3A_833 : vector<16xf32>
        %mul3A_858 = arith.constant 3 : i32
        %mul3A_859 = vector.broadcast %mul3A_858 : i32 to vector<16xi32>
        %mul3A_860 = arith.muli %mul3A_859, %add3A_824 : vector<16xi32>
        %add3A_861 = arith.constant 0 : i32
        %add3A_862 = vector.broadcast %add3A_861 : i32 to vector<16xi32>
        %add3A_863 = arith.addi %mul3A_860, %add3A_862 : vector<16xi32>
        %mul3A_864 = arith.constant 3 : i32
        %mul3A_865 = vector.broadcast %mul3A_864 : i32 to vector<16xi32>
        %mul3A_866 = arith.muli %mul3A_865, %add3A_824 : vector<16xi32>
        %add3A_867 = arith.constant 1 : i32
        %add3A_868 = vector.broadcast %add3A_867 : i32 to vector<16xi32>
        %add3A_869 = arith.addi %mul3A_866, %add3A_868 : vector<16xi32>
        %mul3A_870 = arith.constant 3 : i32
        %mul3A_871 = vector.broadcast %mul3A_870 : i32 to vector<16xi32>
        %mul3A_872 = arith.muli %mul3A_871, %add3A_824 : vector<16xi32>
        %add3A_873 = arith.constant 2 : i32
        %add3A_874 = vector.broadcast %add3A_873 : i32 to vector<16xi32>
        %add3A_875 = arith.addi %mul3A_872, %add3A_874 : vector<16xi32>
        %broadcast_in_dim3A_876 = arith.constant 0 : i32
        %broadcast_in_dim3A_877 = vector.broadcast %broadcast_in_dim3A_876 : i32 to vector<16xi32>
        %gather3A = tpu.vector_load_idx %arg12[%add3A_863, %broadcast_in_dim3A_877] : memref<3456x16xf32, #tpu.memory_space<vmem>>[vector<16xi32>, vector<16xi32>], vector<16xf32>,
        %mul3A_878 = arith.mulf %mul3A_841, %gather3A : vector<16xf32>
        %gather3A_879 = tpu.vector_load_idx %arg12[%add3A_869, %broadcast_in_dim3A_877] : memref<3456x16xf32, #tpu.memory_space<vmem>>[vector<16xi32>, vector<16xi32>], vector<16xf32>,
        %mul3A_880 = arith.mulf %mul3A_849, %gather3A_879 : vector<16xf32>
        %add3A_881 = arith.addf %mul3A_878, %mul3A_880 : vector<16xf32>
        %gather3A_882 = tpu.vector_load_idx %arg12[%add3A_875, %broadcast_in_dim3A_877] : memref<3456x16xf32, #tpu.memory_space<vmem>>[vector<16xi32>, vector<16xi32>], vector<16xf32>,
        %mul3A_883 = arith.mulf %mul3A_857, %gather3A_882 : vector<16xf32>
        %add3A_884 = arith.addf %add3A_881, %mul3A_883 : vector<16xf32>
        %swap3A = arith.constant 0 : i32
        %swap3A_885 = arith.index_cast %select_n3A_804 : i32 to index
        %swap3A_886 = arith.index_cast %swap3A : i32 to index
        %swap3A_887 = arith.index_cast %mul3A_820 : i32 to index
        %swap3A_888 = tpu.vector_load %arg13[%swap3A_885, %swap3A_886, %swap3A_887] {strides = array<i32>} : memref<3x16x384xf32, #tpu.memory_space<vmem>>, vector<16xf32>,
        tpu.vector_store %arg13[%swap3A_885, %swap3A_886, %swap3A_887], %add3A_884 {strides = array<i32>} : memref<3x16x384xf32, #tpu.memory_space<vmem>>, vector<16xf32>,
        %broadcast_in_dim3A_889 = arith.constant 1 : i32
        %broadcast_in_dim3A_890 = vector.broadcast %broadcast_in_dim3A_889 : i32 to vector<16xi32>
        %gather3A_891 = tpu.vector_load_idx %arg12[%add3A_863, %broadcast_in_dim3A_890] : memref<3456x16xf32, #tpu.memory_space<vmem>>[vector<16xi32>, vector<16xi32>], vector<16xf32>,
        %mul3A_892 = arith.mulf %mul3A_841, %gather3A_891 : vector<16xf32>
        %gather3A_893 = tpu.vector_load_idx %arg12[%add3A_869, %broadcast_in_dim3A_890] : memref<3456x16xf32, #tpu.memory_space<vmem>>[vector<16xi32>, vector<16xi32>], vector<16xf32>,
        %mul3A_894 = arith.mulf %mul3A_849, %gather3A_893 : vector<16xf32>
        %add3A_895 = arith.addf %mul3A_892, %mul3A_894 : vector<16xf32>
        %gather3A_896 = tpu.vector_load_idx %arg12[%add3A_875, %broadcast_in_dim3A_890] : memref<3456x16xf32, #tpu.memory_space<vmem>>[vector<16xi32>, vector<16xi32>], vector<16xf32>,
        %mul3A_897 = arith.mulf %mul3A_857, %gather3A_896 : vector<16xf32>
        %add3A_898 = arith.addf %add3A_895, %mul3A_897 : vector<16xf32>
        %swap3A_899 = arith.constant 1 : i32
        %swap3A_900 = arith.index_cast %select_n3A_804 : i32 to index
        %swap3A_901 = arith.index_cast %swap3A_899 : i32 to index
        %swap3A_902 = arith.index_cast %mul3A_820 : i32 to index
        %swap3A_903 = tpu.vector_load %arg13[%swap3A_900, %swap3A_901, %swap3A_902] {strides = array<i32>} : memref<3x16x384xf32, #tpu.memory_space<vmem>>, vector<16xf32>,
        tpu.vector_store %arg13[%swap3A_900, %swap3A_901, %swap3A_902], %add3A_898 {strides = array<i32>} : memref<3x16x384xf32, #tpu.memory_space<vmem>>, vector<16xf32>,
        %broadcast_in_dim3A_904 = arith.constant 2 : i32
        %broadcast_in_dim3A_905 = vector.broadcast %broadcast_in_dim3A_904 : i32 to vector<16xi32>
        %gather3A_906 = tpu.vector_load_idx %arg12[%add3A_863, %broadcast_in_dim3A_905] : memref<3456x16xf32, #tpu.memory_space<vmem>>[vector<16xi32>, vector<16xi32>], vector<16xf32>,
        %mul3A_907 = arith.mulf %mul3A_841, %gather3A_906 : vector<16xf32>
        %gather3A_908 = tpu.vector_load_idx %arg12[%add3A_869, %broadcast_in_dim3A_905] : memref<3456x16xf32, #tpu.memory_space<vmem>>[vector<16xi32>, vector<16xi32>], vector<16xf32>,
        %mul3A_909 = arith.mulf %mul3A_849, %gather3A_908 : vector<16xf32>
        %add3A_910 = arith.addf %mul3A_907, %mul3A_909 : vector<16xf32>
        %gather3A_911 = tpu.vector_load_idx %arg12[%add3A_875, %broadcast_in_dim3A_905] : memref<3456x16xf32, #tpu.memory_space<vmem>>[vector<16xi32>, vector<16xi32>], vector<16xf32>,
        %mul3A_912 = arith.mulf %mul3A_857, %gather3A_911 : vector<16xf32>
        %add3A_913 = arith.addf %add3A_910, %mul3A_912 : vector<16xf32>
        %swap3A_914 = arith.constant 2 : i32
        %swap3A_915 = arith.index_cast %select_n3A_804 : i32 to index
        %swap3A_916 = arith.index_cast %swap3A_914 : i32 to index
        %swap3A_917 = arith.index_cast %mul3A_820 : i32 to index
        %swap3A_918 = tpu.vector_load %arg13[%swap3A_915, %swap3A_916, %swap3A_917] {strides = array<i32>} : memref<3x16x384xf32, #tpu.memory_space<vmem>>, vector<16xf32>,
        tpu.vector_store %arg13[%swap3A_915, %swap3A_916, %swap3A_917], %add3A_913 {strides = array<i32>} : memref<3x16x384xf32, #tpu.memory_space<vmem>>, vector<16xf32>,
        %broadcast_in_dim3A_919 = arith.constant 3 : i32
        %broadcast_in_dim3A_920 = vector.broadcast %broadcast_in_dim3A_919 : i32 to vector<16xi32>
        %gather3A_921 = tpu.vector_load_idx %arg12[%add3A_863, %broadcast_in_dim3A_920] : memref<3456x16xf32, #tpu.memory_space<vmem>>[vector<16xi32>, vector<16xi32>], vector<16xf32>,
        %mul3A_922 = arith.mulf %mul3A_841, %gather3A_921 : vector<16xf32>
        %gather3A_923 = tpu.vector_load_idx %arg12[%add3A_869, %broadcast_in_dim3A_920] : memref<3456x16xf32, #tpu.memory_space<vmem>>[vector<16xi32>, vector<16xi32>], vector<16xf32>,
        %mul3A_924 = arith.mulf %mul3A_849, %gather3A_923 : vector<16xf32>
        %add3A_925 = arith.addf %mul3A_922, %mul3A_924 : vector<16xf32>
        %gather3A_926 = tpu.vector_load_idx %arg12[%add3A_875, %broadcast_in_dim3A_920] : memref<3456x16xf32, #tpu.memory_space<vmem>>[vector<16xi32>, vector<16xi32>], vector<16xf32>,
        %mul3A_927 = arith.mulf %mul3A_857, %gather3A_926 : vector<16xf32>
        %add3A_928 = arith.addf %add3A_925, %mul3A_927 : vector<16xf32>
        %swap3A_929 = arith.constant 3 : i32
        %swap3A_930 = arith.index_cast %select_n3A_804 : i32 to index
        %swap3A_931 = arith.index_cast %swap3A_929 : i32 to index
        %swap3A_932 = arith.index_cast %mul3A_820 : i32 to index
        %swap3A_933 = tpu.vector_load %arg13[%swap3A_930, %swap3A_931, %swap3A_932] {strides = array<i32>} : memref<3x16x384xf32, #tpu.memory_space<vmem>>, vector<16xf32>,
        tpu.vector_store %arg13[%swap3A_930, %swap3A_931, %swap3A_932], %add3A_928 {strides = array<i32>} : memref<3x16x384xf32, #tpu.memory_space<vmem>>, vector<16xf32>,
        %broadcast_in_dim3A_934 = arith.constant 4 : i32
        %broadcast_in_dim3A_935 = vector.broadcast %broadcast_in_dim3A_934 : i32 to vector<16xi32>
        %gather3A_936 = tpu.vector_load_idx %arg12[%add3A_863, %broadcast_in_dim3A_935] : memref<3456x16xf32, #tpu.memory_space<vmem>>[vector<16xi32>, vector<16xi32>], vector<16xf32>,
        %mul3A_937 = arith.mulf %mul3A_841, %gather3A_936 : vector<16xf32>
        %gather3A_938 = tpu.vector_load_idx %arg12[%add3A_869, %broadcast_in_dim3A_935] : memref<3456x16xf32, #tpu.memory_space<vmem>>[vector<16xi32>, vector<16xi32>], vector<16xf32>,
        %mul3A_939 = arith.mulf %mul3A_849, %gather3A_938 : vector<16xf32>
        %add3A_940 = arith.addf %mul3A_937, %mul3A_939 : vector<16xf32>
        %gather3A_941 = tpu.vector_load_idx %arg12[%add3A_875, %broadcast_in_dim3A_935] : memref<3456x16xf32, #tpu.memory_space<vmem>>[vector<16xi32>, vector<16xi32>], vector<16xf32>,
        %mul3A_942 = arith.mulf %mul3A_857, %gather3A_941 : vector<16xf32>
        %add3A_943 = arith.addf %add3A_940, %mul3A_942 : vector<16xf32>
        %swap3A_944 = arith.constant 4 : i32
        %swap3A_945 = arith.index_cast %select_n3A_804 : i32 to index
        %swap3A_946 = arith.index_cast %swap3A_944 : i32 to index
        %swap3A_947 = arith.index_cast %mul3A_820 : i32 to index
        %swap3A_948 = tpu.vector_load %arg13[%swap3A_945, %swap3A_946, %swap3A_947] {strides = array<i32>} : memref<3x16x384xf32, #tpu.memory_space<vmem>>, vector<16xf32>,
        tpu.vector_store %arg13[%swap3A_945, %swap3A_946, %swap3A_947], %add3A_943 {strides = array<i32>} : memref<3x16x384xf32, #tpu.memory_space<vmem>>, vector<16xf32>,
        %broadcast_in_dim3A_949 = arith.constant 5 : i32
        %broadcast_in_dim3A_950 = vector.broadcast %broadcast_in_dim3A_949 : i32 to vector<16xi32>
        %gather3A_951 = tpu.vector_load_idx %arg12[%add3A_863, %broadcast_in_dim3A_950] : memref<3456x16xf32, #tpu.memory_space<vmem>>[vector<16xi32>, vector<16xi32>], vector<16xf32>,
        %mul3A_952 = arith.mulf %mul3A_841, %gather3A_951 : vector<16xf32>
        %gather3A_953 = tpu.vector_load_idx %arg12[%add3A_869, %broadcast_in_dim3A_950] : memref<3456x16xf32, #tpu.memory_space<vmem>>[vector<16xi32>, vector<16xi32>], vector<16xf32>,
        %mul3A_954 = arith.mulf %mul3A_849, %gather3A_953 : vector<16xf32>
        %add3A_955 = arith.addf %mul3A_952, %mul3A_954 : vector<16xf32>
        %gather3A_956 = tpu.vector_load_idx %arg12[%add3A_875, %broadcast_in_dim3A_950] : memref<3456x16xf32, #tpu.memory_space<vmem>>[vector<16xi32>, vector<16xi32>], vector<16xf32>,
        %mul3A_957 = arith.mulf %mul3A_857, %gather3A_956 : vector<16xf32>
        %add3A_958 = arith.addf %add3A_955, %mul3A_957 : vector<16xf32>
        %swap3A_959 = arith.constant 5 : i32
        %swap3A_960 = arith.index_cast %select_n3A_804 : i32 to index
        %swap3A_961 = arith.index_cast %swap3A_959 : i32 to index
        %swap3A_962 = arith.index_cast %mul3A_820 : i32 to index
        %swap3A_963 = tpu.vector_load %arg13[%swap3A_960, %swap3A_961, %swap3A_962] {strides = array<i32>} : memref<3x16x384xf32, #tpu.memory_space<vmem>>, vector<16xf32>,
        tpu.vector_store %arg13[%swap3A_960, %swap3A_961, %swap3A_962], %add3A_958 {strides = array<i32>} : memref<3x16x384xf32, #tpu.memory_space<vmem>>, vector<16xf32>,
        %broadcast_in_dim3A_964 = arith.constant 6 : i32
        %broadcast_in_dim3A_965 = vector.broadcast %broadcast_in_dim3A_964 : i32 to vector<16xi32>
        %gather3A_966 = tpu.vector_load_idx %arg12[%add3A_863, %broadcast_in_dim3A_965] : memref<3456x16xf32, #tpu.memory_space<vmem>>[vector<16xi32>, vector<16xi32>], vector<16xf32>,
        %mul3A_967 = arith.mulf %mul3A_841, %gather3A_966 : vector<16xf32>
        %gather3A_968 = tpu.vector_load_idx %arg12[%add3A_869, %broadcast_in_dim3A_965] : memref<3456x16xf32, #tpu.memory_space<vmem>>[vector<16xi32>, vector<16xi32>], vector<16xf32>,
        %mul3A_969 = arith.mulf %mul3A_849, %gather3A_968 : vector<16xf32>
        %add3A_970 = arith.addf %mul3A_967, %mul3A_969 : vector<16xf32>
        %gather3A_971 = tpu.vector_load_idx %arg12[%add3A_875, %broadcast_in_dim3A_965] : memref<3456x16xf32, #tpu.memory_space<vmem>>[vector<16xi32>, vector<16xi32>], vector<16xf32>,
        %mul3A_972 = arith.mulf %mul3A_857, %gather3A_971 : vector<16xf32>
        %add3A_973 = arith.addf %add3A_970, %mul3A_972 : vector<16xf32>
        %swap3A_974 = arith.constant 6 : i32
        %swap3A_975 = arith.index_cast %select_n3A_804 : i32 to index
        %swap3A_976 = arith.index_cast %swap3A_974 : i32 to index
        %swap3A_977 = arith.index_cast %mul3A_820 : i32 to index
        %swap3A_978 = tpu.vector_load %arg13[%swap3A_975, %swap3A_976, %swap3A_977] {strides = array<i32>} : memref<3x16x384xf32, #tpu.memory_space<vmem>>, vector<16xf32>,
        tpu.vector_store %arg13[%swap3A_975, %swap3A_976, %swap3A_977], %add3A_973 {strides = array<i32>} : memref<3x16x384xf32, #tpu.memory_space<vmem>>, vector<16xf32>,
        %broadcast_in_dim3A_979 = arith.constant 7 : i32
        %broadcast_in_dim3A_980 = vector.broadcast %broadcast_in_dim3A_979 : i32 to vector<16xi32>
        %gather3A_981 = tpu.vector_load_idx %arg12[%add3A_863, %broadcast_in_dim3A_980] : memref<3456x16xf32, #tpu.memory_space<vmem>>[vector<16xi32>, vector<16xi32>], vector<16xf32>,
        %mul3A_982 = arith.mulf %mul3A_841, %gather3A_981 : vector<16xf32>
        %gather3A_983 = tpu.vector_load_idx %arg12[%add3A_869, %broadcast_in_dim3A_980] : memref<3456x16xf32, #tpu.memory_space<vmem>>[vector<16xi32>, vector<16xi32>], vector<16xf32>,
        %mul3A_984 = arith.mulf %mul3A_849, %gather3A_983 : vector<16xf32>
        %add3A_985 = arith.addf %mul3A_982, %mul3A_984 : vector<16xf32>
        %gather3A_986 = tpu.vector_load_idx %arg12[%add3A_875, %broadcast_in_dim3A_980] : memref<3456x16xf32, #tpu.memory_space<vmem>>[vector<16xi32>, vector<16xi32>], vector<16xf32>,
        %mul3A_987 = arith.mulf %mul3A_857, %gather3A_986 : vector<16xf32>
        %add3A_988 = arith.addf %add3A_985, %mul3A_987 : vector<16xf32>
        %swap3A_989 = arith.constant 7 : i32
        %swap3A_990 = arith.index_cast %select_n3A_804 : i32 to index
        %swap3A_991 = arith.index_cast %swap3A_989 : i32 to index
        %swap3A_992 = arith.index_cast %mul3A_820 : i32 to index
        %swap3A_993 = tpu.vector_load %arg13[%swap3A_990, %swap3A_991, %swap3A_992] {strides = array<i32>} : memref<3x16x384xf32, #tpu.memory_space<vmem>>, vector<16xf32>,
        tpu.vector_store %arg13[%swap3A_990, %swap3A_991, %swap3A_992], %add3A_988 {strides = array<i32>} : memref<3x16x384xf32, #tpu.memory_space<vmem>>, vector<16xf32>,
        %broadcast_in_dim3A_994 = arith.constant 8 : i32
        %broadcast_in_dim3A_995 = vector.broadcast %broadcast_in_dim3A_994 : i32 to vector<16xi32>
        %gather3A_996 = tpu.vector_load_idx %arg12[%add3A_863, %broadcast_in_dim3A_995] : memref<3456x16xf32, #tpu.memory_space<vmem>>[vector<16xi32>, vector<16xi32>], vector<16xf32>,
        %mul3A_997 = arith.mulf %mul3A_841, %gather3A_996 : vector<16xf32>
        %gather3A_998 = tpu.vector_load_idx %arg12[%add3A_869, %broadcast_in_dim3A_995] : memref<3456x16xf32, #tpu.memory_space<vmem>>[vector<16xi32>, vector<16xi32>], vector<16xf32>,
        %mul3A_999 = arith.mulf %mul3A_849, %gather3A_998 : vector<16xf32>
        %add3A_1000 = arith.addf %mul3A_997, %mul3A_999 : vector<16xf32>
        %gather3A_1001 = tpu.vector_load_idx %arg12[%add3A_875, %broadcast_in_dim3A_995] : memref<3456x16xf32, #tpu.memory_space<vmem>>[vector<16xi32>, vector<16xi32>], vector<16xf32>,
        %mul3A_1002 = arith.mulf %mul3A_857, %gather3A_1001 : vector<16xf32>
        %add3A_1003 = arith.addf %add3A_1000, %mul3A_1002 : vector<16xf32>
        %swap3A_1004 = arith.constant 8 : i32
        %swap3A_1005 = arith.index_cast %select_n3A_804 : i32 to index
        %swap3A_1006 = arith.index_cast %swap3A_1004 : i32 to index
        %swap3A_1007 = arith.index_cast %mul3A_820 : i32 to index
        %swap3A_1008 = tpu.vector_load %arg13[%swap3A_1005, %swap3A_1006, %swap3A_1007] {strides = array<i32>} : memref<3x16x384xf32, #tpu.memory_space<vmem>>, vector<16xf32>,
        tpu.vector_store %arg13[%swap3A_1005, %swap3A_1006, %swap3A_1007], %add3A_1003 {strides = array<i32>} : memref<3x16x384xf32, #tpu.memory_space<vmem>>, vector<16xf32>,
        %broadcast_in_dim3A_1009 = arith.constant 9 : i32
        %broadcast_in_dim3A_1010 = vector.broadcast %broadcast_in_dim3A_1009 : i32 to vector<16xi32>
        %gather3A_1011 = tpu.vector_load_idx %arg12[%add3A_863, %broadcast_in_dim3A_1010] : memref<3456x16xf32, #tpu.memory_space<vmem>>[vector<16xi32>, vector<16xi32>], vector<16xf32>,
        %mul3A_1012 = arith.mulf %mul3A_841, %gather3A_1011 : vector<16xf32>
        %gather3A_1013 = tpu.vector_load_idx %arg12[%add3A_869, %broadcast_in_dim3A_1010] : memref<3456x16xf32, #tpu.memory_space<vmem>>[vector<16xi32>, vector<16xi32>], vector<16xf32>,
        %mul3A_1014 = arith.mulf %mul3A_849, %gather3A_1013 : vector<16xf32>
        %add3A_1015 = arith.addf %mul3A_1012, %mul3A_1014 : vector<16xf32>
        %gather3A_1016 = tpu.vector_load_idx %arg12[%add3A_875, %broadcast_in_dim3A_1010] : memref<3456x16xf32, #tpu.memory_space<vmem>>[vector<16xi32>, vector<16xi32>], vector<16xf32>,
        %mul3A_1017 = arith.mulf %mul3A_857, %gather3A_1016 : vector<16xf32>
        %add3A_1018 = arith.addf %add3A_1015, %mul3A_1017 : vector<16xf32>
        %swap3A_1019 = arith.constant 9 : i32
        %swap3A_1020 = arith.index_cast %select_n3A_804 : i32 to index
        %swap3A_1021 = arith.index_cast %swap3A_1019 : i32 to index
        %swap3A_1022 = arith.index_cast %mul3A_820 : i32 to index
        %swap3A_1023 = tpu.vector_load %arg13[%swap3A_1020, %swap3A_1021, %swap3A_1022] {strides = array<i32>} : memref<3x16x384xf32, #tpu.memory_space<vmem>>, vector<16xf32>,
        tpu.vector_store %arg13[%swap3A_1020, %swap3A_1021, %swap3A_1022], %add3A_1018 {strides = array<i32>} : memref<3x16x384xf32, #tpu.memory_space<vmem>>, vector<16xf32>,
        %broadcast_in_dim3A_1024 = arith.constant 10 : i32
        %broadcast_in_dim3A_1025 = vector.broadcast %broadcast_in_dim3A_1024 : i32 to vector<16xi32>
        %gather3A_1026 = tpu.vector_load_idx %arg12[%add3A_863, %broadcast_in_dim3A_1025] : memref<3456x16xf32, #tpu.memory_space<vmem>>[vector<16xi32>, vector<16xi32>], vector<16xf32>,
        %mul3A_1027 = arith.mulf %mul3A_841, %gather3A_1026 : vector<16xf32>
        %gather3A_1028 = tpu.vector_load_idx %arg12[%add3A_869, %broadcast_in_dim3A_1025] : memref<3456x16xf32, #tpu.memory_space<vmem>>[vector<16xi32>, vector<16xi32>], vector<16xf32>,
        %mul3A_1029 = arith.mulf %mul3A_849, %gather3A_1028 : vector<16xf32>
        %add3A_1030 = arith.addf %mul3A_1027, %mul3A_1029 : vector<16xf32>
        %gather3A_1031 = tpu.vector_load_idx %arg12[%add3A_875, %broadcast_in_dim3A_1025] : memref<3456x16xf32, #tpu.memory_space<vmem>>[vector<16xi32>, vector<16xi32>], vector<16xf32>,
        %mul3A_1032 = arith.mulf %mul3A_857, %gather3A_1031 : vector<16xf32>
        %add3A_1033 = arith.addf %add3A_1030, %mul3A_1032 : vector<16xf32>
        %swap3A_1034 = arith.constant 10 : i32
        %swap3A_1035 = arith.index_cast %select_n3A_804 : i32 to index
        %swap3A_1036 = arith.index_cast %swap3A_1034 : i32 to index
        %swap3A_1037 = arith.index_cast %mul3A_820 : i32 to index
        %swap3A_1038 = tpu.vector_load %arg13[%swap3A_1035, %swap3A_1036, %swap3A_1037] {strides = array<i32>} : memref<3x16x384xf32, #tpu.memory_space<vmem>>, vector<16xf32>,
        tpu.vector_store %arg13[%swap3A_1035, %swap3A_1036, %swap3A_1037], %add3A_1033 {strides = array<i32>} : memref<3x16x384xf32, #tpu.memory_space<vmem>>, vector<16xf32>,
        %broadcast_in_dim3A_1039 = arith.constant 11 : i32
        %broadcast_in_dim3A_1040 = vector.broadcast %broadcast_in_dim3A_1039 : i32 to vector<16xi32>
        %gather3A_1041 = tpu.vector_load_idx %arg12[%add3A_863, %broadcast_in_dim3A_1040] : memref<3456x16xf32, #tpu.memory_space<vmem>>[vector<16xi32>, vector<16xi32>], vector<16xf32>,
        %mul3A_1042 = arith.mulf %mul3A_841, %gather3A_1041 : vector<16xf32>
        %gather3A_1043 = tpu.vector_load_idx %arg12[%add3A_869, %broadcast_in_dim3A_1040] : memref<3456x16xf32, #tpu.memory_space<vmem>>[vector<16xi32>, vector<16xi32>], vector<16xf32>,
        %mul3A_1044 = arith.mulf %mul3A_849, %gather3A_1043 : vector<16xf32>
        %add3A_1045 = arith.addf %mul3A_1042, %mul3A_1044 : vector<16xf32>
        %gather3A_1046 = tpu.vector_load_idx %arg12[%add3A_875, %broadcast_in_dim3A_1040] : memref<3456x16xf32, #tpu.memory_space<vmem>>[vector<16xi32>, vector<16xi32>], vector<16xf32>,
        %mul3A_1047 = arith.mulf %mul3A_857, %gather3A_1046 : vector<16xf32>
        %add3A_1048 = arith.addf %add3A_1045, %mul3A_1047 : vector<16xf32>
        %swap3A_1049 = arith.constant 11 : i32
        %swap3A_1050 = arith.index_cast %select_n3A_804 : i32 to index
        %swap3A_1051 = arith.index_cast %swap3A_1049 : i32 to index
        %swap3A_1052 = arith.index_cast %mul3A_820 : i32 to index
        %swap3A_1053 = tpu.vector_load %arg13[%swap3A_1050, %swap3A_1051, %swap3A_1052] {strides = array<i32>} : memref<3x16x384xf32, #tpu.memory_space<vmem>>, vector<16xf32>,
        tpu.vector_store %arg13[%swap3A_1050, %swap3A_1051, %swap3A_1052], %add3A_1048 {strides = array<i32>} : memref<3x16x384xf32, #tpu.memory_space<vmem>>, vector<16xf32>,
        %broadcast_in_dim3A_1054 = arith.constant 12 : i32
        %broadcast_in_dim3A_1055 = vector.broadcast %broadcast_in_dim3A_1054 : i32 to vector<16xi32>
        %gather3A_1056 = tpu.vector_load_idx %arg12[%add3A_863, %broadcast_in_dim3A_1055] : memref<3456x16xf32, #tpu.memory_space<vmem>>[vector<16xi32>, vector<16xi32>], vector<16xf32>,
        %mul3A_1057 = arith.mulf %mul3A_841, %gather3A_1056 : vector<16xf32>
        %gather3A_1058 = tpu.vector_load_idx %arg12[%add3A_869, %broadcast_in_dim3A_1055] : memref<3456x16xf32, #tpu.memory_space<vmem>>[vector<16xi32>, vector<16xi32>], vector<16xf32>,
        %mul3A_1059 = arith.mulf %mul3A_849, %gather3A_1058 : vector<16xf32>
        %add3A_1060 = arith.addf %mul3A_1057, %mul3A_1059 : vector<16xf32>
        %gather3A_1061 = tpu.vector_load_idx %arg12[%add3A_875, %broadcast_in_dim3A_1055] : memref<3456x16xf32, #tpu.memory_space<vmem>>[vector<16xi32>, vector<16xi32>], vector<16xf32>,
        %mul3A_1062 = arith.mulf %mul3A_857, %gather3A_1061 : vector<16xf32>
        %add3A_1063 = arith.addf %add3A_1060, %mul3A_1062 : vector<16xf32>
        %swap3A_1064 = arith.constant 12 : i32
        %swap3A_1065 = arith.index_cast %select_n3A_804 : i32 to index
        %swap3A_1066 = arith.index_cast %swap3A_1064 : i32 to index
        %swap3A_1067 = arith.index_cast %mul3A_820 : i32 to index
        %swap3A_1068 = tpu.vector_load %arg13[%swap3A_1065, %swap3A_1066, %swap3A_1067] {strides = array<i32>} : memref<3x16x384xf32, #tpu.memory_space<vmem>>, vector<16xf32>,
        tpu.vector_store %arg13[%swap3A_1065, %swap3A_1066, %swap3A_1067], %add3A_1063 {strides = array<i32>} : memref<3x16x384xf32, #tpu.memory_space<vmem>>, vector<16xf32>,
        %broadcast_in_dim3A_1069 = arith.constant 13 : i32
        %broadcast_in_dim3A_1070 = vector.broadcast %broadcast_in_dim3A_1069 : i32 to vector<16xi32>
        %gather3A_1071 = tpu.vector_load_idx %arg12[%add3A_863, %broadcast_in_dim3A_1070] : memref<3456x16xf32, #tpu.memory_space<vmem>>[vector<16xi32>, vector<16xi32>], vector<16xf32>,
        %mul3A_1072 = arith.mulf %mul3A_841, %gather3A_1071 : vector<16xf32>
        %gather3A_1073 = tpu.vector_load_idx %arg12[%add3A_869, %broadcast_in_dim3A_1070] : memref<3456x16xf32, #tpu.memory_space<vmem>>[vector<16xi32>, vector<16xi32>], vector<16xf32>,
        %mul3A_1074 = arith.mulf %mul3A_849, %gather3A_1073 : vector<16xf32>
        %add3A_1075 = arith.addf %mul3A_1072, %mul3A_1074 : vector<16xf32>
        %gather3A_1076 = tpu.vector_load_idx %arg12[%add3A_875, %broadcast_in_dim3A_1070] : memref<3456x16xf32, #tpu.memory_space<vmem>>[vector<16xi32>, vector<16xi32>], vector<16xf32>,
        %mul3A_1077 = arith.mulf %mul3A_857, %gather3A_1076 : vector<16xf32>
        %add3A_1078 = arith.addf %add3A_1075, %mul3A_1077 : vector<16xf32>
        %swap3A_1079 = arith.constant 13 : i32
        %swap3A_1080 = arith.index_cast %select_n3A_804 : i32 to index
        %swap3A_1081 = arith.index_cast %swap3A_1079 : i32 to index
        %swap3A_1082 = arith.index_cast %mul3A_820 : i32 to index
        %swap3A_1083 = tpu.vector_load %arg13[%swap3A_1080, %swap3A_1081, %swap3A_1082] {strides = array<i32>} : memref<3x16x384xf32, #tpu.memory_space<vmem>>, vector<16xf32>,
        tpu.vector_store %arg13[%swap3A_1080, %swap3A_1081, %swap3A_1082], %add3A_1078 {strides = array<i32>} : memref<3x16x384xf32, #tpu.memory_space<vmem>>, vector<16xf32>,
        %broadcast_in_dim3A_1084 = arith.constant 14 : i32
        %broadcast_in_dim3A_1085 = vector.broadcast %broadcast_in_dim3A_1084 : i32 to vector<16xi32>
        %gather3A_1086 = tpu.vector_load_idx %arg12[%add3A_863, %broadcast_in_dim3A_1085] : memref<3456x16xf32, #tpu.memory_space<vmem>>[vector<16xi32>, vector<16xi32>], vector<16xf32>,
        %mul3A_1087 = arith.mulf %mul3A_841, %gather3A_1086 : vector<16xf32>
        %gather3A_1088 = tpu.vector_load_idx %arg12[%add3A_869, %broadcast_in_dim3A_1085] : memref<3456x16xf32, #tpu.memory_space<vmem>>[vector<16xi32>, vector<16xi32>], vector<16xf32>,
        %mul3A_1089 = arith.mulf %mul3A_849, %gather3A_1088 : vector<16xf32>
        %add3A_1090 = arith.addf %mul3A_1087, %mul3A_1089 : vector<16xf32>
        %gather3A_1091 = tpu.vector_load_idx %arg12[%add3A_875, %broadcast_in_dim3A_1085] : memref<3456x16xf32, #tpu.memory_space<vmem>>[vector<16xi32>, vector<16xi32>], vector<16xf32>,
        %mul3A_1092 = arith.mulf %mul3A_857, %gather3A_1091 : vector<16xf32>
        %add3A_1093 = arith.addf %add3A_1090, %mul3A_1092 : vector<16xf32>
        %swap3A_1094 = arith.constant 14 : i32
        %swap3A_1095 = arith.index_cast %select_n3A_804 : i32 to index
        %swap3A_1096 = arith.index_cast %swap3A_1094 : i32 to index
        %swap3A_1097 = arith.index_cast %mul3A_820 : i32 to index
        %swap3A_1098 = tpu.vector_load %arg13[%swap3A_1095, %swap3A_1096, %swap3A_1097] {strides = array<i32>} : memref<3x16x384xf32, #tpu.memory_space<vmem>>, vector<16xf32>,
        tpu.vector_store %arg13[%swap3A_1095, %swap3A_1096, %swap3A_1097], %add3A_1093 {strides = array<i32>} : memref<3x16x384xf32, #tpu.memory_space<vmem>>, vector<16xf32>,
        %broadcast_in_dim3A_1099 = arith.constant 15 : i32
        %broadcast_in_dim3A_1100 = vector.broadcast %broadcast_in_dim3A_1099 : i32 to vector<16xi32>
        %gather3A_1101 = tpu.vector_load_idx %arg12[%add3A_863, %broadcast_in_dim3A_1100] : memref<3456x16xf32, #tpu.memory_space<vmem>>[vector<16xi32>, vector<16xi32>], vector<16xf32>,
        %mul3A_1102 = arith.mulf %mul3A_841, %gather3A_1101 : vector<16xf32>
        %gather3A_1103 = tpu.vector_load_idx %arg12[%add3A_869, %broadcast_in_dim3A_1100] : memref<3456x16xf32, #tpu.memory_space<vmem>>[vector<16xi32>, vector<16xi32>], vector<16xf32>,
        %mul3A_1104 = arith.mulf %mul3A_849, %gather3A_1103 : vector<16xf32>
        %add3A_1105 = arith.addf %mul3A_1102, %mul3A_1104 : vector<16xf32>
        %gather3A_1106 = tpu.vector_load_idx %arg12[%add3A_875, %broadcast_in_dim3A_1100] : memref<3456x16xf32, #tpu.memory_space<vmem>>[vector<16xi32>, vector<16xi32>], vector<16xf32>,
        %mul3A_1107 = arith.mulf %mul3A_857, %gather3A_1106 : vector<16xf32>
        %add3A_1108 = arith.addf %add3A_1105, %mul3A_1107 : vector<16xf32>
        %swap3A_1109 = arith.constant 15 : i32
        %swap3A_1110 = arith.index_cast %select_n3A_804 : i32 to index
        %swap3A_1111 = arith.index_cast %swap3A_1109 : i32 to index
        %swap3A_1112 = arith.index_cast %mul3A_820 : i32 to index
        %swap3A_1113 = tpu.vector_load %arg13[%swap3A_1110, %swap3A_1111, %swap3A_1112] {strides = array<i32>} : memref<3x16x384xf32, #tpu.memory_space<vmem>>, vector<16xf32>,
        tpu.vector_store %arg13[%swap3A_1110, %swap3A_1111, %swap3A_1112], %add3A_1108 {strides = array<i32>} : memref<3x16x384xf32, #tpu.memory_space<vmem>>, vector<16xf32>,
        %scan3A_1114 = arith.constant 1 : i32
        %scan3A_1115 = arith.addi %scan3A_780, %scan3A_1114 : i32
        %jit3A_1116 = arith.constant 24 : i32
        %div3A_1117 = arith.divsi %scan3A_1115, %jit3A_1116 : i32
        %sign3A_1118 = arith.constant 0 : i32
        %sign3A_1119 = arith.cmpi sgt, %scan3A_1115, %sign3A_1118 : i32
        %sign3A_1120 = arith.extui %sign3A_1119 : i1 to i32
        %sign3A_1121 = arith.constant 0 : i32
        %sign3A_1122 = arith.cmpi slt, %scan3A_1115, %sign3A_1121 : i32
        %sign3A_1123 = arith.extui %sign3A_1122 : i1 to i32
        %sign3A_1124 = arith.subi %sign3A_1120, %sign3A_1123 : i32
        %sign3A_1125 = arith.constant 0 : i32
        %sign3A_1126 = arith.cmpi sgt, %jit3A_1116, %sign3A_1125 : i32
        %sign3A_1127 = arith.extui %sign3A_1126 : i1 to i32
        %sign3A_1128 = arith.constant 0 : i32
        %sign3A_1129 = arith.cmpi slt, %jit3A_1116, %sign3A_1128 : i32
        %sign3A_1130 = arith.extui %sign3A_1129 : i1 to i32
        %sign3A_1131 = arith.subi %sign3A_1127, %sign3A_1130 : i32
        %ne3A_1132 = arith.cmpi ne, %sign3A_1124, %sign3A_1131 : i32
        %rem3A_1133 = arith.remsi %scan3A_1115, %jit3A_1116 : i32
        %ne3A_1134 = arith.constant 0 : i32
        %ne3A_1135 = arith.cmpi ne, %rem3A_1133, %ne3A_1134 : i32
        %and3A_1136 = arith.andi %ne3A_1132, %ne3A_1135 : i1
        %sub3A_1137 = arith.constant 1 : i32
        %sub3A_1138 = arith.subi %div3A_1117, %sub3A_1137 : i32
        %select_n3A_1139 = arith.select %and3A_1136, %sub3A_1138, %div3A_1117 : i32
        %jit3A_1140 = arith.constant 24 : i32
        %eq3A_1141 = arith.constant 0 : i32
        %eq3A_1142 = arith.cmpi eq, %jit3A_1140, %eq3A_1141 : i32
        %jit3A_1143 = arith.constant 1 : i32
        %select_n3A_1144 = arith.select %eq3A_1142, %jit3A_1143, %jit3A_1140 : i32
        %rem3A_1145 = arith.remsi %scan3A_1115, %select_n3A_1144 : i32
        %ne3A_1146 = arith.constant 0 : i32
        %ne3A_1147 = arith.cmpi ne, %rem3A_1145, %ne3A_1146 : i32
        %lt3A_1148 = arith.constant 0 : i32
        %lt3A_1149 = arith.cmpi slt, %rem3A_1145, %lt3A_1148 : i32
        %lt3A_1150 = arith.constant 0 : i32
        %lt3A_1151 = arith.cmpi slt, %select_n3A_1144, %lt3A_1150 : i32
        %ne3A_1152 = arith.xori %lt3A_1149, %lt3A_1151 : i1
        %and3A_1153 = arith.andi %ne3A_1152, %ne3A_1147 : i1
        %add3A_1154 = arith.addi %rem3A_1145, %select_n3A_1144 : i32
        %select_n3A_1155 = arith.select %and3A_1153, %add3A_1154, %rem3A_1145 : i32
        %mul3A_1156 = arith.constant 16 : i32
        %mul3A_1157 = arith.muli %select_n3A_1155, %mul3A_1156 : i32
        %mul3A_1158 = arith.constant 16 : i32
        %mul3A_1159 = arith.muli %scan3A_1115, %mul3A_1158 : i32
        %iota3A_1160 = tpu.iota {dimensions = array<i32: 0>} : vector<16xi32>
        %add3A_1161 = vector.broadcast %mul3A_1159 : i32 to vector<16xi32>
        %add3A_1162 = arith.addi %add3A_1161, %iota3A_1160 : vector<16xi32>
        %mul3A_1163 = arith.constant 16 : i32
        %mul3A_1164 = arith.muli %scan3A_1115, %mul3A_1163 : i32
        %get3A_1165 = arith.index_cast %mul3A_1164 : i32 to index
        %get3A_1166 = tpu.vector_load %arg7[%get3A_1165] {strides = array<i32>} : memref<1152xi32, #tpu.memory_space<vmem>>, vector<16xi32>,
        %ge3A_1167 = arith.constant 0 : i32
        %ge3A_1168 = vector.broadcast %ge3A_1167 : i32 to vector<16xi32>
        %ge3A_1169 = arith.cmpi sge, %get3A_1166, %ge3A_1168 : vector<16xi32>
        %jit3A_1170 = arith.constant 1.000000e+00 : f32
        %jit3A_1171 = arith.constant 0.000000e+00 : f32
        %broadcast_in_dim3A_1172 = vector.broadcast %jit3A_1170 : f32 to vector<16xf32>
        %broadcast_in_dim3A_1173 = vector.broadcast %jit3A_1171 : f32 to vector<16xf32>
        %select_n3A_1174 = arith.select %ge3A_1169, %broadcast_in_dim3A_1172, %broadcast_in_dim3A_1173 : vector<16xi1>, vector<16xf32>
        %get3A_1175 = arith.constant 0 : i32
        %get3A_1176 = arith.constant 0 : i32
        %get3A_1177 = arith.index_cast %select_n3A_1139 : i32 to index
        %get3A_1178 = arith.index_cast %get3A_1175 : i32 to index
        %get3A_1179 = arith.index_cast %get3A_1176 : i32 to index
        %get3A_1180 = arith.index_cast %mul3A_1157 : i32 to index
        %get3A_1181 = tpu.vector_load %arg9[%get3A_1177, %get3A_1178, %get3A_1179, %get3A_1180] {strides = array<i32>} : memref<3x3x2x384xf32, #tpu.memory_space<vmem>>, vector<16xf32>,
        %mul3A_1182 = arith.mulf %get3A_1181, %select_n3A_1174 : vector<16xf32>
        %get3A_1183 = arith.constant 1 : i32
        %get3A_1184 = arith.constant 0 : i32
        %get3A_1185 = arith.index_cast %select_n3A_1139 : i32 to index
        %get3A_1186 = arith.index_cast %get3A_1183 : i32 to index
        %get3A_1187 = arith.index_cast %get3A_1184 : i32 to index
        %get3A_1188 = arith.index_cast %mul3A_1157 : i32 to index
        %get3A_1189 = tpu.vector_load %arg9[%get3A_1185, %get3A_1186, %get3A_1187, %get3A_1188] {strides = array<i32>} : memref<3x3x2x384xf32, #tpu.memory_space<vmem>>, vector<16xf32>,
        %mul3A_1190 = arith.mulf %get3A_1189, %select_n3A_1174 : vector<16xf32>
        %get3A_1191 = arith.constant 2 : i32
        %get3A_1192 = arith.constant 0 : i32
        %get3A_1193 = arith.index_cast %select_n3A_1139 : i32 to index
        %get3A_1194 = arith.index_cast %get3A_1191 : i32 to index
        %get3A_1195 = arith.index_cast %get3A_1192 : i32 to index
        %get3A_1196 = arith.index_cast %mul3A_1157 : i32 to index
        %get3A_1197 = tpu.vector_load %arg9[%get3A_1193, %get3A_1194, %get3A_1195, %get3A_1196] {strides = array<i32>} : memref<3x3x2x384xf32, #tpu.memory_space<vmem>>, vector<16xf32>,
        %mul3A_1198 = arith.mulf %get3A_1197, %select_n3A_1174 : vector<16xf32>
        %mul3A_1199 = arith.constant 3 : i32
        %mul3A_1200 = vector.broadcast %mul3A_1199 : i32 to vector<16xi32>
        %mul3A_1201 = arith.muli %mul3A_1200, %add3A_1162 : vector<16xi32>
        %add3A_1202 = arith.constant 0 : i32
        %add3A_1203 = vector.broadcast %add3A_1202 : i32 to vector<16xi32>
        %add3A_1204 = arith.addi %mul3A_1201, %add3A_1203 : vector<16xi32>
        %mul3A_1205 = arith.constant 3 : i32
        %mul3A_1206 = vector.broadcast %mul3A_1205 : i32 to vector<16xi32>
        %mul3A_1207 = arith.muli %mul3A_1206, %add3A_1162 : vector<16xi32>
        %add3A_1208 = arith.constant 1 : i32
        %add3A_1209 = vector.broadcast %add3A_1208 : i32 to vector<16xi32>
        %add3A_1210 = arith.addi %mul3A_1207, %add3A_1209 : vector<16xi32>
        %mul3A_1211 = arith.constant 3 : i32
        %mul3A_1212 = vector.broadcast %mul3A_1211 : i32 to vector<16xi32>
        %mul3A_1213 = arith.muli %mul3A_1212, %add3A_1162 : vector<16xi32>
        %add3A_1214 = arith.constant 2 : i32
        %add3A_1215 = vector.broadcast %add3A_1214 : i32 to vector<16xi32>
        %add3A_1216 = arith.addi %mul3A_1213, %add3A_1215 : vector<16xi32>
        %broadcast_in_dim3A_1217 = arith.constant 0 : i32
        %broadcast_in_dim3A_1218 = vector.broadcast %broadcast_in_dim3A_1217 : i32 to vector<16xi32>
        %gather3A_1219 = tpu.vector_load_idx %arg12[%add3A_1204, %broadcast_in_dim3A_1218] : memref<3456x16xf32, #tpu.memory_space<vmem>>[vector<16xi32>, vector<16xi32>], vector<16xf32>,
        %mul3A_1220 = arith.mulf %mul3A_1182, %gather3A_1219 : vector<16xf32>
        %gather3A_1221 = tpu.vector_load_idx %arg12[%add3A_1210, %broadcast_in_dim3A_1218] : memref<3456x16xf32, #tpu.memory_space<vmem>>[vector<16xi32>, vector<16xi32>], vector<16xf32>,
        %mul3A_1222 = arith.mulf %mul3A_1190, %gather3A_1221 : vector<16xf32>
        %add3A_1223 = arith.addf %mul3A_1220, %mul3A_1222 : vector<16xf32>
        %gather3A_1224 = tpu.vector_load_idx %arg12[%add3A_1216, %broadcast_in_dim3A_1218] : memref<3456x16xf32, #tpu.memory_space<vmem>>[vector<16xi32>, vector<16xi32>], vector<16xf32>,
        %mul3A_1225 = arith.mulf %mul3A_1198, %gather3A_1224 : vector<16xf32>
        %add3A_1226 = arith.addf %add3A_1223, %mul3A_1225 : vector<16xf32>
        %swap3A_1227 = arith.constant 0 : i32
        %swap3A_1228 = arith.index_cast %select_n3A_1139 : i32 to index
        %swap3A_1229 = arith.index_cast %swap3A_1227 : i32 to index
        %swap3A_1230 = arith.index_cast %mul3A_1157 : i32 to index
        %swap3A_1231 = tpu.vector_load %arg13[%swap3A_1228, %swap3A_1229, %swap3A_1230] {strides = array<i32>} : memref<3x16x384xf32, #tpu.memory_space<vmem>>, vector<16xf32>,
        tpu.vector_store %arg13[%swap3A_1228, %swap3A_1229, %swap3A_1230], %add3A_1226 {strides = array<i32>} : memref<3x16x384xf32, #tpu.memory_space<vmem>>, vector<16xf32>,
        %broadcast_in_dim3A_1232 = arith.constant 1 : i32
        %broadcast_in_dim3A_1233 = vector.broadcast %broadcast_in_dim3A_1232 : i32 to vector<16xi32>
        %gather3A_1234 = tpu.vector_load_idx %arg12[%add3A_1204, %broadcast_in_dim3A_1233] : memref<3456x16xf32, #tpu.memory_space<vmem>>[vector<16xi32>, vector<16xi32>], vector<16xf32>,
        %mul3A_1235 = arith.mulf %mul3A_1182, %gather3A_1234 : vector<16xf32>
        %gather3A_1236 = tpu.vector_load_idx %arg12[%add3A_1210, %broadcast_in_dim3A_1233] : memref<3456x16xf32, #tpu.memory_space<vmem>>[vector<16xi32>, vector<16xi32>], vector<16xf32>,
        %mul3A_1237 = arith.mulf %mul3A_1190, %gather3A_1236 : vector<16xf32>
        %add3A_1238 = arith.addf %mul3A_1235, %mul3A_1237 : vector<16xf32>
        %gather3A_1239 = tpu.vector_load_idx %arg12[%add3A_1216, %broadcast_in_dim3A_1233] : memref<3456x16xf32, #tpu.memory_space<vmem>>[vector<16xi32>, vector<16xi32>], vector<16xf32>,
        %mul3A_1240 = arith.mulf %mul3A_1198, %gather3A_1239 : vector<16xf32>
        %add3A_1241 = arith.addf %add3A_1238, %mul3A_1240 : vector<16xf32>
        %swap3A_1242 = arith.constant 1 : i32
        %swap3A_1243 = arith.index_cast %select_n3A_1139 : i32 to index
        %swap3A_1244 = arith.index_cast %swap3A_1242 : i32 to index
        %swap3A_1245 = arith.index_cast %mul3A_1157 : i32 to index
        %swap3A_1246 = tpu.vector_load %arg13[%swap3A_1243, %swap3A_1244, %swap3A_1245] {strides = array<i32>} : memref<3x16x384xf32, #tpu.memory_space<vmem>>, vector<16xf32>,
        tpu.vector_store %arg13[%swap3A_1243, %swap3A_1244, %swap3A_1245], %add3A_1241 {strides = array<i32>} : memref<3x16x384xf32, #tpu.memory_space<vmem>>, vector<16xf32>,
        %broadcast_in_dim3A_1247 = arith.constant 2 : i32
        %broadcast_in_dim3A_1248 = vector.broadcast %broadcast_in_dim3A_1247 : i32 to vector<16xi32>
        %gather3A_1249 = tpu.vector_load_idx %arg12[%add3A_1204, %broadcast_in_dim3A_1248] : memref<3456x16xf32, #tpu.memory_space<vmem>>[vector<16xi32>, vector<16xi32>], vector<16xf32>,
        %mul3A_1250 = arith.mulf %mul3A_1182, %gather3A_1249 : vector<16xf32>
        %gather3A_1251 = tpu.vector_load_idx %arg12[%add3A_1210, %broadcast_in_dim3A_1248] : memref<3456x16xf32, #tpu.memory_space<vmem>>[vector<16xi32>, vector<16xi32>], vector<16xf32>,
        %mul3A_1252 = arith.mulf %mul3A_1190, %gather3A_1251 : vector<16xf32>
        %add3A_1253 = arith.addf %mul3A_1250, %mul3A_1252 : vector<16xf32>
        %gather3A_1254 = tpu.vector_load_idx %arg12[%add3A_1216, %broadcast_in_dim3A_1248] : memref<3456x16xf32, #tpu.memory_space<vmem>>[vector<16xi32>, vector<16xi32>], vector<16xf32>,
        %mul3A_1255 = arith.mulf %mul3A_1198, %gather3A_1254 : vector<16xf32>
        %add3A_1256 = arith.addf %add3A_1253, %mul3A_1255 : vector<16xf32>
        %swap3A_1257 = arith.constant 2 : i32
        %swap3A_1258 = arith.index_cast %select_n3A_1139 : i32 to index
        %swap3A_1259 = arith.index_cast %swap3A_1257 : i32 to index
        %swap3A_1260 = arith.index_cast %mul3A_1157 : i32 to index
        %swap3A_1261 = tpu.vector_load %arg13[%swap3A_1258, %swap3A_1259, %swap3A_1260] {strides = array<i32>} : memref<3x16x384xf32, #tpu.memory_space<vmem>>, vector<16xf32>,
        tpu.vector_store %arg13[%swap3A_1258, %swap3A_1259, %swap3A_1260], %add3A_1256 {strides = array<i32>} : memref<3x16x384xf32, #tpu.memory_space<vmem>>, vector<16xf32>,
        %broadcast_in_dim3A_1262 = arith.constant 3 : i32
        %broadcast_in_dim3A_1263 = vector.broadcast %broadcast_in_dim3A_1262 : i32 to vector<16xi32>
        %gather3A_1264 = tpu.vector_load_idx %arg12[%add3A_1204, %broadcast_in_dim3A_1263] : memref<3456x16xf32, #tpu.memory_space<vmem>>[vector<16xi32>, vector<16xi32>], vector<16xf32>,
        %mul3A_1265 = arith.mulf %mul3A_1182, %gather3A_1264 : vector<16xf32>
        %gather3A_1266 = tpu.vector_load_idx %arg12[%add3A_1210, %broadcast_in_dim3A_1263] : memref<3456x16xf32, #tpu.memory_space<vmem>>[vector<16xi32>, vector<16xi32>], vector<16xf32>,
        %mul3A_1267 = arith.mulf %mul3A_1190, %gather3A_1266 : vector<16xf32>
        %add3A_1268 = arith.addf %mul3A_1265, %mul3A_1267 : vector<16xf32>
        %gather3A_1269 = tpu.vector_load_idx %arg12[%add3A_1216, %broadcast_in_dim3A_1263] : memref<3456x16xf32, #tpu.memory_space<vmem>>[vector<16xi32>, vector<16xi32>], vector<16xf32>,
        %mul3A_1270 = arith.mulf %mul3A_1198, %gather3A_1269 : vector<16xf32>
        %add3A_1271 = arith.addf %add3A_1268, %mul3A_1270 : vector<16xf32>
        %swap3A_1272 = arith.constant 3 : i32
        %swap3A_1273 = arith.index_cast %select_n3A_1139 : i32 to index
        %swap3A_1274 = arith.index_cast %swap3A_1272 : i32 to index
        %swap3A_1275 = arith.index_cast %mul3A_1157 : i32 to index
        %swap3A_1276 = tpu.vector_load %arg13[%swap3A_1273, %swap3A_1274, %swap3A_1275] {strides = array<i32>} : memref<3x16x384xf32, #tpu.memory_space<vmem>>, vector<16xf32>,
        tpu.vector_store %arg13[%swap3A_1273, %swap3A_1274, %swap3A_1275], %add3A_1271 {strides = array<i32>} : memref<3x16x384xf32, #tpu.memory_space<vmem>>, vector<16xf32>,
        %broadcast_in_dim3A_1277 = arith.constant 4 : i32
        %broadcast_in_dim3A_1278 = vector.broadcast %broadcast_in_dim3A_1277 : i32 to vector<16xi32>
        %gather3A_1279 = tpu.vector_load_idx %arg12[%add3A_1204, %broadcast_in_dim3A_1278] : memref<3456x16xf32, #tpu.memory_space<vmem>>[vector<16xi32>, vector<16xi32>], vector<16xf32>,
        %mul3A_1280 = arith.mulf %mul3A_1182, %gather3A_1279 : vector<16xf32>
        %gather3A_1281 = tpu.vector_load_idx %arg12[%add3A_1210, %broadcast_in_dim3A_1278] : memref<3456x16xf32, #tpu.memory_space<vmem>>[vector<16xi32>, vector<16xi32>], vector<16xf32>,
        %mul3A_1282 = arith.mulf %mul3A_1190, %gather3A_1281 : vector<16xf32>
        %add3A_1283 = arith.addf %mul3A_1280, %mul3A_1282 : vector<16xf32>
        %gather3A_1284 = tpu.vector_load_idx %arg12[%add3A_1216, %broadcast_in_dim3A_1278] : memref<3456x16xf32, #tpu.memory_space<vmem>>[vector<16xi32>, vector<16xi32>], vector<16xf32>,
        %mul3A_1285 = arith.mulf %mul3A_1198, %gather3A_1284 : vector<16xf32>
        %add3A_1286 = arith.addf %add3A_1283, %mul3A_1285 : vector<16xf32>
        %swap3A_1287 = arith.constant 4 : i32
        %swap3A_1288 = arith.index_cast %select_n3A_1139 : i32 to index
        %swap3A_1289 = arith.index_cast %swap3A_1287 : i32 to index
        %swap3A_1290 = arith.index_cast %mul3A_1157 : i32 to index
        %swap3A_1291 = tpu.vector_load %arg13[%swap3A_1288, %swap3A_1289, %swap3A_1290] {strides = array<i32>} : memref<3x16x384xf32, #tpu.memory_space<vmem>>, vector<16xf32>,
        tpu.vector_store %arg13[%swap3A_1288, %swap3A_1289, %swap3A_1290], %add3A_1286 {strides = array<i32>} : memref<3x16x384xf32, #tpu.memory_space<vmem>>, vector<16xf32>,
        %broadcast_in_dim3A_1292 = arith.constant 5 : i32
        %broadcast_in_dim3A_1293 = vector.broadcast %broadcast_in_dim3A_1292 : i32 to vector<16xi32>
        %gather3A_1294 = tpu.vector_load_idx %arg12[%add3A_1204, %broadcast_in_dim3A_1293] : memref<3456x16xf32, #tpu.memory_space<vmem>>[vector<16xi32>, vector<16xi32>], vector<16xf32>,
        %mul3A_1295 = arith.mulf %mul3A_1182, %gather3A_1294 : vector<16xf32>
        %gather3A_1296 = tpu.vector_load_idx %arg12[%add3A_1210, %broadcast_in_dim3A_1293] : memref<3456x16xf32, #tpu.memory_space<vmem>>[vector<16xi32>, vector<16xi32>], vector<16xf32>,
        %mul3A_1297 = arith.mulf %mul3A_1190, %gather3A_1296 : vector<16xf32>
        %add3A_1298 = arith.addf %mul3A_1295, %mul3A_1297 : vector<16xf32>
        %gather3A_1299 = tpu.vector_load_idx %arg12[%add3A_1216, %broadcast_in_dim3A_1293] : memref<3456x16xf32, #tpu.memory_space<vmem>>[vector<16xi32>, vector<16xi32>], vector<16xf32>,
        %mul3A_1300 = arith.mulf %mul3A_1198, %gather3A_1299 : vector<16xf32>
        %add3A_1301 = arith.addf %add3A_1298, %mul3A_1300 : vector<16xf32>
        %swap3A_1302 = arith.constant 5 : i32
        %swap3A_1303 = arith.index_cast %select_n3A_1139 : i32 to index
        %swap3A_1304 = arith.index_cast %swap3A_1302 : i32 to index
        %swap3A_1305 = arith.index_cast %mul3A_1157 : i32 to index
        %swap3A_1306 = tpu.vector_load %arg13[%swap3A_1303, %swap3A_1304, %swap3A_1305] {strides = array<i32>} : memref<3x16x384xf32, #tpu.memory_space<vmem>>, vector<16xf32>,
        tpu.vector_store %arg13[%swap3A_1303, %swap3A_1304, %swap3A_1305], %add3A_1301 {strides = array<i32>} : memref<3x16x384xf32, #tpu.memory_space<vmem>>, vector<16xf32>,
        %broadcast_in_dim3A_1307 = arith.constant 6 : i32
        %broadcast_in_dim3A_1308 = vector.broadcast %broadcast_in_dim3A_1307 : i32 to vector<16xi32>
        %gather3A_1309 = tpu.vector_load_idx %arg12[%add3A_1204, %broadcast_in_dim3A_1308] : memref<3456x16xf32, #tpu.memory_space<vmem>>[vector<16xi32>, vector<16xi32>], vector<16xf32>,
        %mul3A_1310 = arith.mulf %mul3A_1182, %gather3A_1309 : vector<16xf32>
        %gather3A_1311 = tpu.vector_load_idx %arg12[%add3A_1210, %broadcast_in_dim3A_1308] : memref<3456x16xf32, #tpu.memory_space<vmem>>[vector<16xi32>, vector<16xi32>], vector<16xf32>,
        %mul3A_1312 = arith.mulf %mul3A_1190, %gather3A_1311 : vector<16xf32>
        %add3A_1313 = arith.addf %mul3A_1310, %mul3A_1312 : vector<16xf32>
        %gather3A_1314 = tpu.vector_load_idx %arg12[%add3A_1216, %broadcast_in_dim3A_1308] : memref<3456x16xf32, #tpu.memory_space<vmem>>[vector<16xi32>, vector<16xi32>], vector<16xf32>,
        %mul3A_1315 = arith.mulf %mul3A_1198, %gather3A_1314 : vector<16xf32>
        %add3A_1316 = arith.addf %add3A_1313, %mul3A_1315 : vector<16xf32>
        %swap3A_1317 = arith.constant 6 : i32
        %swap3A_1318 = arith.index_cast %select_n3A_1139 : i32 to index
        %swap3A_1319 = arith.index_cast %swap3A_1317 : i32 to index
        %swap3A_1320 = arith.index_cast %mul3A_1157 : i32 to index
        %swap3A_1321 = tpu.vector_load %arg13[%swap3A_1318, %swap3A_1319, %swap3A_1320] {strides = array<i32>} : memref<3x16x384xf32, #tpu.memory_space<vmem>>, vector<16xf32>,
        tpu.vector_store %arg13[%swap3A_1318, %swap3A_1319, %swap3A_1320], %add3A_1316 {strides = array<i32>} : memref<3x16x384xf32, #tpu.memory_space<vmem>>, vector<16xf32>,
        %broadcast_in_dim3A_1322 = arith.constant 7 : i32
        %broadcast_in_dim3A_1323 = vector.broadcast %broadcast_in_dim3A_1322 : i32 to vector<16xi32>
        %gather3A_1324 = tpu.vector_load_idx %arg12[%add3A_1204, %broadcast_in_dim3A_1323] : memref<3456x16xf32, #tpu.memory_space<vmem>>[vector<16xi32>, vector<16xi32>], vector<16xf32>,
        %mul3A_1325 = arith.mulf %mul3A_1182, %gather3A_1324 : vector<16xf32>
        %gather3A_1326 = tpu.vector_load_idx %arg12[%add3A_1210, %broadcast_in_dim3A_1323] : memref<3456x16xf32, #tpu.memory_space<vmem>>[vector<16xi32>, vector<16xi32>], vector<16xf32>,
        %mul3A_1327 = arith.mulf %mul3A_1190, %gather3A_1326 : vector<16xf32>
        %add3A_1328 = arith.addf %mul3A_1325, %mul3A_1327 : vector<16xf32>
        %gather3A_1329 = tpu.vector_load_idx %arg12[%add3A_1216, %broadcast_in_dim3A_1323] : memref<3456x16xf32, #tpu.memory_space<vmem>>[vector<16xi32>, vector<16xi32>], vector<16xf32>,
        %mul3A_1330 = arith.mulf %mul3A_1198, %gather3A_1329 : vector<16xf32>
        %add3A_1331 = arith.addf %add3A_1328, %mul3A_1330 : vector<16xf32>
        %swap3A_1332 = arith.constant 7 : i32
        %swap3A_1333 = arith.index_cast %select_n3A_1139 : i32 to index
        %swap3A_1334 = arith.index_cast %swap3A_1332 : i32 to index
        %swap3A_1335 = arith.index_cast %mul3A_1157 : i32 to index
        %swap3A_1336 = tpu.vector_load %arg13[%swap3A_1333, %swap3A_1334, %swap3A_1335] {strides = array<i32>} : memref<3x16x384xf32, #tpu.memory_space<vmem>>, vector<16xf32>,
        tpu.vector_store %arg13[%swap3A_1333, %swap3A_1334, %swap3A_1335], %add3A_1331 {strides = array<i32>} : memref<3x16x384xf32, #tpu.memory_space<vmem>>, vector<16xf32>,
        %broadcast_in_dim3A_1337 = arith.constant 8 : i32
        %broadcast_in_dim3A_1338 = vector.broadcast %broadcast_in_dim3A_1337 : i32 to vector<16xi32>
        %gather3A_1339 = tpu.vector_load_idx %arg12[%add3A_1204, %broadcast_in_dim3A_1338] : memref<3456x16xf32, #tpu.memory_space<vmem>>[vector<16xi32>, vector<16xi32>], vector<16xf32>,
        %mul3A_1340 = arith.mulf %mul3A_1182, %gather3A_1339 : vector<16xf32>
        %gather3A_1341 = tpu.vector_load_idx %arg12[%add3A_1210, %broadcast_in_dim3A_1338] : memref<3456x16xf32, #tpu.memory_space<vmem>>[vector<16xi32>, vector<16xi32>], vector<16xf32>,
        %mul3A_1342 = arith.mulf %mul3A_1190, %gather3A_1341 : vector<16xf32>
        %add3A_1343 = arith.addf %mul3A_1340, %mul3A_1342 : vector<16xf32>
        %gather3A_1344 = tpu.vector_load_idx %arg12[%add3A_1216, %broadcast_in_dim3A_1338] : memref<3456x16xf32, #tpu.memory_space<vmem>>[vector<16xi32>, vector<16xi32>], vector<16xf32>,
        %mul3A_1345 = arith.mulf %mul3A_1198, %gather3A_1344 : vector<16xf32>
        %add3A_1346 = arith.addf %add3A_1343, %mul3A_1345 : vector<16xf32>
        %swap3A_1347 = arith.constant 8 : i32
        %swap3A_1348 = arith.index_cast %select_n3A_1139 : i32 to index
        %swap3A_1349 = arith.index_cast %swap3A_1347 : i32 to index
        %swap3A_1350 = arith.index_cast %mul3A_1157 : i32 to index
        %swap3A_1351 = tpu.vector_load %arg13[%swap3A_1348, %swap3A_1349, %swap3A_1350] {strides = array<i32>} : memref<3x16x384xf32, #tpu.memory_space<vmem>>, vector<16xf32>,
        tpu.vector_store %arg13[%swap3A_1348, %swap3A_1349, %swap3A_1350], %add3A_1346 {strides = array<i32>} : memref<3x16x384xf32, #tpu.memory_space<vmem>>, vector<16xf32>,
        %broadcast_in_dim3A_1352 = arith.constant 9 : i32
        %broadcast_in_dim3A_1353 = vector.broadcast %broadcast_in_dim3A_1352 : i32 to vector<16xi32>
        %gather3A_1354 = tpu.vector_load_idx %arg12[%add3A_1204, %broadcast_in_dim3A_1353] : memref<3456x16xf32, #tpu.memory_space<vmem>>[vector<16xi32>, vector<16xi32>], vector<16xf32>,
        %mul3A_1355 = arith.mulf %mul3A_1182, %gather3A_1354 : vector<16xf32>
        %gather3A_1356 = tpu.vector_load_idx %arg12[%add3A_1210, %broadcast_in_dim3A_1353] : memref<3456x16xf32, #tpu.memory_space<vmem>>[vector<16xi32>, vector<16xi32>], vector<16xf32>,
        %mul3A_1357 = arith.mulf %mul3A_1190, %gather3A_1356 : vector<16xf32>
        %add3A_1358 = arith.addf %mul3A_1355, %mul3A_1357 : vector<16xf32>
        %gather3A_1359 = tpu.vector_load_idx %arg12[%add3A_1216, %broadcast_in_dim3A_1353] : memref<3456x16xf32, #tpu.memory_space<vmem>>[vector<16xi32>, vector<16xi32>], vector<16xf32>,
        %mul3A_1360 = arith.mulf %mul3A_1198, %gather3A_1359 : vector<16xf32>
        %add3A_1361 = arith.addf %add3A_1358, %mul3A_1360 : vector<16xf32>
        %swap3A_1362 = arith.constant 9 : i32
        %swap3A_1363 = arith.index_cast %select_n3A_1139 : i32 to index
        %swap3A_1364 = arith.index_cast %swap3A_1362 : i32 to index
        %swap3A_1365 = arith.index_cast %mul3A_1157 : i32 to index
        %swap3A_1366 = tpu.vector_load %arg13[%swap3A_1363, %swap3A_1364, %swap3A_1365] {strides = array<i32>} : memref<3x16x384xf32, #tpu.memory_space<vmem>>, vector<16xf32>,
        tpu.vector_store %arg13[%swap3A_1363, %swap3A_1364, %swap3A_1365], %add3A_1361 {strides = array<i32>} : memref<3x16x384xf32, #tpu.memory_space<vmem>>, vector<16xf32>,
        %broadcast_in_dim3A_1367 = arith.constant 10 : i32
        %broadcast_in_dim3A_1368 = vector.broadcast %broadcast_in_dim3A_1367 : i32 to vector<16xi32>
        %gather3A_1369 = tpu.vector_load_idx %arg12[%add3A_1204, %broadcast_in_dim3A_1368] : memref<3456x16xf32, #tpu.memory_space<vmem>>[vector<16xi32>, vector<16xi32>], vector<16xf32>,
        %mul3A_1370 = arith.mulf %mul3A_1182, %gather3A_1369 : vector<16xf32>
        %gather3A_1371 = tpu.vector_load_idx %arg12[%add3A_1210, %broadcast_in_dim3A_1368] : memref<3456x16xf32, #tpu.memory_space<vmem>>[vector<16xi32>, vector<16xi32>], vector<16xf32>,
        %mul3A_1372 = arith.mulf %mul3A_1190, %gather3A_1371 : vector<16xf32>
        %add3A_1373 = arith.addf %mul3A_1370, %mul3A_1372 : vector<16xf32>
        %gather3A_1374 = tpu.vector_load_idx %arg12[%add3A_1216, %broadcast_in_dim3A_1368] : memref<3456x16xf32, #tpu.memory_space<vmem>>[vector<16xi32>, vector<16xi32>], vector<16xf32>,
        %mul3A_1375 = arith.mulf %mul3A_1198, %gather3A_1374 : vector<16xf32>
        %add3A_1376 = arith.addf %add3A_1373, %mul3A_1375 : vector<16xf32>
        %swap3A_1377 = arith.constant 10 : i32
        %swap3A_1378 = arith.index_cast %select_n3A_1139 : i32 to index
        %swap3A_1379 = arith.index_cast %swap3A_1377 : i32 to index
        %swap3A_1380 = arith.index_cast %mul3A_1157 : i32 to index
        %swap3A_1381 = tpu.vector_load %arg13[%swap3A_1378, %swap3A_1379, %swap3A_1380] {strides = array<i32>} : memref<3x16x384xf32, #tpu.memory_space<vmem>>, vector<16xf32>,
        tpu.vector_store %arg13[%swap3A_1378, %swap3A_1379, %swap3A_1380], %add3A_1376 {strides = array<i32>} : memref<3x16x384xf32, #tpu.memory_space<vmem>>, vector<16xf32>,
        %broadcast_in_dim3A_1382 = arith.constant 11 : i32
        %broadcast_in_dim3A_1383 = vector.broadcast %broadcast_in_dim3A_1382 : i32 to vector<16xi32>
        %gather3A_1384 = tpu.vector_load_idx %arg12[%add3A_1204, %broadcast_in_dim3A_1383] : memref<3456x16xf32, #tpu.memory_space<vmem>>[vector<16xi32>, vector<16xi32>], vector<16xf32>,
        %mul3A_1385 = arith.mulf %mul3A_1182, %gather3A_1384 : vector<16xf32>
        %gather3A_1386 = tpu.vector_load_idx %arg12[%add3A_1210, %broadcast_in_dim3A_1383] : memref<3456x16xf32, #tpu.memory_space<vmem>>[vector<16xi32>, vector<16xi32>], vector<16xf32>,
        %mul3A_1387 = arith.mulf %mul3A_1190, %gather3A_1386 : vector<16xf32>
        %add3A_1388 = arith.addf %mul3A_1385, %mul3A_1387 : vector<16xf32>
        %gather3A_1389 = tpu.vector_load_idx %arg12[%add3A_1216, %broadcast_in_dim3A_1383] : memref<3456x16xf32, #tpu.memory_space<vmem>>[vector<16xi32>, vector<16xi32>], vector<16xf32>,
        %mul3A_1390 = arith.mulf %mul3A_1198, %gather3A_1389 : vector<16xf32>
        %add3A_1391 = arith.addf %add3A_1388, %mul3A_1390 : vector<16xf32>
        %swap3A_1392 = arith.constant 11 : i32
        %swap3A_1393 = arith.index_cast %select_n3A_1139 : i32 to index
        %swap3A_1394 = arith.index_cast %swap3A_1392 : i32 to index
        %swap3A_1395 = arith.index_cast %mul3A_1157 : i32 to index
        %swap3A_1396 = tpu.vector_load %arg13[%swap3A_1393, %swap3A_1394, %swap3A_1395] {strides = array<i32>} : memref<3x16x384xf32, #tpu.memory_space<vmem>>, vector<16xf32>,
        tpu.vector_store %arg13[%swap3A_1393, %swap3A_1394, %swap3A_1395], %add3A_1391 {strides = array<i32>} : memref<3x16x384xf32, #tpu.memory_space<vmem>>, vector<16xf32>,
        %broadcast_in_dim3A_1397 = arith.constant 12 : i32
        %broadcast_in_dim3A_1398 = vector.broadcast %broadcast_in_dim3A_1397 : i32 to vector<16xi32>
        %gather3A_1399 = tpu.vector_load_idx %arg12[%add3A_1204, %broadcast_in_dim3A_1398] : memref<3456x16xf32, #tpu.memory_space<vmem>>[vector<16xi32>, vector<16xi32>], vector<16xf32>,
        %mul3A_1400 = arith.mulf %mul3A_1182, %gather3A_1399 : vector<16xf32>
        %gather3A_1401 = tpu.vector_load_idx %arg12[%add3A_1210, %broadcast_in_dim3A_1398] : memref<3456x16xf32, #tpu.memory_space<vmem>>[vector<16xi32>, vector<16xi32>], vector<16xf32>,
        %mul3A_1402 = arith.mulf %mul3A_1190, %gather3A_1401 : vector<16xf32>
        %add3A_1403 = arith.addf %mul3A_1400, %mul3A_1402 : vector<16xf32>
        %gather3A_1404 = tpu.vector_load_idx %arg12[%add3A_1216, %broadcast_in_dim3A_1398] : memref<3456x16xf32, #tpu.memory_space<vmem>>[vector<16xi32>, vector<16xi32>], vector<16xf32>,
        %mul3A_1405 = arith.mulf %mul3A_1198, %gather3A_1404 : vector<16xf32>
        %add3A_1406 = arith.addf %add3A_1403, %mul3A_1405 : vector<16xf32>
        %swap3A_1407 = arith.constant 12 : i32
        %swap3A_1408 = arith.index_cast %select_n3A_1139 : i32 to index
        %swap3A_1409 = arith.index_cast %swap3A_1407 : i32 to index
        %swap3A_1410 = arith.index_cast %mul3A_1157 : i32 to index
        %swap3A_1411 = tpu.vector_load %arg13[%swap3A_1408, %swap3A_1409, %swap3A_1410] {strides = array<i32>} : memref<3x16x384xf32, #tpu.memory_space<vmem>>, vector<16xf32>,
        tpu.vector_store %arg13[%swap3A_1408, %swap3A_1409, %swap3A_1410], %add3A_1406 {strides = array<i32>} : memref<3x16x384xf32, #tpu.memory_space<vmem>>, vector<16xf32>,
        %broadcast_in_dim3A_1412 = arith.constant 13 : i32
        %broadcast_in_dim3A_1413 = vector.broadcast %broadcast_in_dim3A_1412 : i32 to vector<16xi32>
        %gather3A_1414 = tpu.vector_load_idx %arg12[%add3A_1204, %broadcast_in_dim3A_1413] : memref<3456x16xf32, #tpu.memory_space<vmem>>[vector<16xi32>, vector<16xi32>], vector<16xf32>,
        %mul3A_1415 = arith.mulf %mul3A_1182, %gather3A_1414 : vector<16xf32>
        %gather3A_1416 = tpu.vector_load_idx %arg12[%add3A_1210, %broadcast_in_dim3A_1413] : memref<3456x16xf32, #tpu.memory_space<vmem>>[vector<16xi32>, vector<16xi32>], vector<16xf32>,
        %mul3A_1417 = arith.mulf %mul3A_1190, %gather3A_1416 : vector<16xf32>
        %add3A_1418 = arith.addf %mul3A_1415, %mul3A_1417 : vector<16xf32>
        %gather3A_1419 = tpu.vector_load_idx %arg12[%add3A_1216, %broadcast_in_dim3A_1413] : memref<3456x16xf32, #tpu.memory_space<vmem>>[vector<16xi32>, vector<16xi32>], vector<16xf32>,
        %mul3A_1420 = arith.mulf %mul3A_1198, %gather3A_1419 : vector<16xf32>
        %add3A_1421 = arith.addf %add3A_1418, %mul3A_1420 : vector<16xf32>
        %swap3A_1422 = arith.constant 13 : i32
        %swap3A_1423 = arith.index_cast %select_n3A_1139 : i32 to index
        %swap3A_1424 = arith.index_cast %swap3A_1422 : i32 to index
        %swap3A_1425 = arith.index_cast %mul3A_1157 : i32 to index
        %swap3A_1426 = tpu.vector_load %arg13[%swap3A_1423, %swap3A_1424, %swap3A_1425] {strides = array<i32>} : memref<3x16x384xf32, #tpu.memory_space<vmem>>, vector<16xf32>,
        tpu.vector_store %arg13[%swap3A_1423, %swap3A_1424, %swap3A_1425], %add3A_1421 {strides = array<i32>} : memref<3x16x384xf32, #tpu.memory_space<vmem>>, vector<16xf32>,
        %broadcast_in_dim3A_1427 = arith.constant 14 : i32
        %broadcast_in_dim3A_1428 = vector.broadcast %broadcast_in_dim3A_1427 : i32 to vector<16xi32>
        %gather3A_1429 = tpu.vector_load_idx %arg12[%add3A_1204, %broadcast_in_dim3A_1428] : memref<3456x16xf32, #tpu.memory_space<vmem>>[vector<16xi32>, vector<16xi32>], vector<16xf32>,
        %mul3A_1430 = arith.mulf %mul3A_1182, %gather3A_1429 : vector<16xf32>
        %gather3A_1431 = tpu.vector_load_idx %arg12[%add3A_1210, %broadcast_in_dim3A_1428] : memref<3456x16xf32, #tpu.memory_space<vmem>>[vector<16xi32>, vector<16xi32>], vector<16xf32>,
        %mul3A_1432 = arith.mulf %mul3A_1190, %gather3A_1431 : vector<16xf32>
        %add3A_1433 = arith.addf %mul3A_1430, %mul3A_1432 : vector<16xf32>
        %gather3A_1434 = tpu.vector_load_idx %arg12[%add3A_1216, %broadcast_in_dim3A_1428] : memref<3456x16xf32, #tpu.memory_space<vmem>>[vector<16xi32>, vector<16xi32>], vector<16xf32>,
        %mul3A_1435 = arith.mulf %mul3A_1198, %gather3A_1434 : vector<16xf32>
        %add3A_1436 = arith.addf %add3A_1433, %mul3A_1435 : vector<16xf32>
        %swap3A_1437 = arith.constant 14 : i32
        %swap3A_1438 = arith.index_cast %select_n3A_1139 : i32 to index
        %swap3A_1439 = arith.index_cast %swap3A_1437 : i32 to index
        %swap3A_1440 = arith.index_cast %mul3A_1157 : i32 to index
        %swap3A_1441 = tpu.vector_load %arg13[%swap3A_1438, %swap3A_1439, %swap3A_1440] {strides = array<i32>} : memref<3x16x384xf32, #tpu.memory_space<vmem>>, vector<16xf32>,
        tpu.vector_store %arg13[%swap3A_1438, %swap3A_1439, %swap3A_1440], %add3A_1436 {strides = array<i32>} : memref<3x16x384xf32, #tpu.memory_space<vmem>>, vector<16xf32>,
        %broadcast_in_dim3A_1442 = arith.constant 15 : i32
        %broadcast_in_dim3A_1443 = vector.broadcast %broadcast_in_dim3A_1442 : i32 to vector<16xi32>
        %gather3A_1444 = tpu.vector_load_idx %arg12[%add3A_1204, %broadcast_in_dim3A_1443] : memref<3456x16xf32, #tpu.memory_space<vmem>>[vector<16xi32>, vector<16xi32>], vector<16xf32>,
        %mul3A_1445 = arith.mulf %mul3A_1182, %gather3A_1444 : vector<16xf32>
        %gather3A_1446 = tpu.vector_load_idx %arg12[%add3A_1210, %broadcast_in_dim3A_1443] : memref<3456x16xf32, #tpu.memory_space<vmem>>[vector<16xi32>, vector<16xi32>], vector<16xf32>,
        %mul3A_1447 = arith.mulf %mul3A_1190, %gather3A_1446 : vector<16xf32>
        %add3A_1448 = arith.addf %mul3A_1445, %mul3A_1447 : vector<16xf32>
        %gather3A_1449 = tpu.vector_load_idx %arg12[%add3A_1216, %broadcast_in_dim3A_1443] : memref<3456x16xf32, #tpu.memory_space<vmem>>[vector<16xi32>, vector<16xi32>], vector<16xf32>,
        %mul3A_1450 = arith.mulf %mul3A_1198, %gather3A_1449 : vector<16xf32>
        %add3A_1451 = arith.addf %add3A_1448, %mul3A_1450 : vector<16xf32>
        %swap3A_1452 = arith.constant 15 : i32
        %swap3A_1453 = arith.index_cast %select_n3A_1139 : i32 to index
        %swap3A_1454 = arith.index_cast %swap3A_1452 : i32 to index
        %swap3A_1455 = arith.index_cast %mul3A_1157 : i32 to index
        %swap3A_1456 = tpu.vector_load %arg13[%swap3A_1453, %swap3A_1454, %swap3A_1455] {strides = array<i32>} : memref<3x16x384xf32, #tpu.memory_space<vmem>>, vector<16xf32>,
        tpu.vector_store %arg13[%swap3A_1453, %swap3A_1454, %swap3A_1455], %add3A_1451 {strides = array<i32>} : memref<3x16x384xf32, #tpu.memory_space<vmem>>, vector<16xf32>,
      }
      %scan3A_684 = arith.constant 24 : i32
      %dma_wait3A_685 = arith.constant 18 : i32
      %dma_wait3A_686 = arith.constant 2304 : i32
      %dma_wait3A_687 = arith.constant 0 : i32
      %dma_wait3A_688 = tpu.memref_slice %arg12[%dma_wait3A_686, %dma_wait3A_687] : memref<3456x16xf32, #tpu.memory_space<vmem>> -> memref<128x16xf32, #tpu.memory_space<vmem>>
      %dma_wait3A_689 = arith.constant 0 : i32
      %dma_wait3A_690 = tpu.memref_slice %arg11[%dma_wait3A_685, %dma_wait3A_689] : memref<27x128xi32, #tpu.memory_space<vmem>> -> memref<1x128xi32, #tpu.memory_space<vmem>>
      %dma_wait3A_691 = tpu.memref_squeeze %dma_wait3A_690 : memref<1x128xi32, #tpu.memory_space<vmem>> -> memref<128xi32, #tpu.memory_space<vmem>>
      %dma_wait3A_692 = arith.constant 0 : i32
      %dma_wait3A_693 = arith.constant 0 : i32
      %dma_wait3A_694 = tpu.memref_slice %arg4[%dma_wait3A_692, %dma_wait3A_693] : memref<100000x16xf32, #tpu.memory_space<hbm>> -> memref<100000x16xf32, #tpu.memory_space<hbm>>
      tpu.wait_indirect_dma semaphore(%arg19 : memref<!tpu.dma_semaphore, #tpu.memory_space<semaphore_mem>>) src(%dma_wait3A_694 : memref<100000x16xf32, #tpu.memory_space<hbm>>) dst(%dma_wait3A_688 : memref<128x16xf32, #tpu.memory_space<vmem>>)
      %dma_wait3A_695 = arith.constant 19 : i32
      %dma_wait3A_696 = arith.constant 2432 : i32
      %dma_wait3A_697 = arith.constant 0 : i32
      %dma_wait3A_698 = tpu.memref_slice %arg12[%dma_wait3A_696, %dma_wait3A_697] : memref<3456x16xf32, #tpu.memory_space<vmem>> -> memref<128x16xf32, #tpu.memory_space<vmem>>
      %dma_wait3A_699 = arith.constant 0 : i32
      %dma_wait3A_700 = tpu.memref_slice %arg11[%dma_wait3A_695, %dma_wait3A_699] : memref<27x128xi32, #tpu.memory_space<vmem>> -> memref<1x128xi32, #tpu.memory_space<vmem>>
      %dma_wait3A_701 = tpu.memref_squeeze %dma_wait3A_700 : memref<1x128xi32, #tpu.memory_space<vmem>> -> memref<128xi32, #tpu.memory_space<vmem>>
      %dma_wait3A_702 = arith.constant 0 : i32
      %dma_wait3A_703 = arith.constant 0 : i32
      %dma_wait3A_704 = tpu.memref_slice %arg4[%dma_wait3A_702, %dma_wait3A_703] : memref<100000x16xf32, #tpu.memory_space<hbm>> -> memref<100000x16xf32, #tpu.memory_space<hbm>>
      tpu.wait_indirect_dma semaphore(%arg19 : memref<!tpu.dma_semaphore, #tpu.memory_space<semaphore_mem>>) src(%dma_wait3A_704 : memref<100000x16xf32, #tpu.memory_space<hbm>>) dst(%dma_wait3A_698 : memref<128x16xf32, #tpu.memory_space<vmem>>)
      %dma_wait3A_705 = arith.constant 20 : i32
      %dma_wait3A_706 = arith.constant 2560 : i32
      %dma_wait3A_707 = arith.constant 0 : i32
      %dma_wait3A_708 = tpu.memref_slice %arg12[%dma_wait3A_706, %dma_wait3A_707] : memref<3456x16xf32, #tpu.memory_space<vmem>> -> memref<128x16xf32, #tpu.memory_space<vmem>>
      %dma_wait3A_709 = arith.constant 0 : i32
      %dma_wait3A_710 = tpu.memref_slice %arg11[%dma_wait3A_705, %dma_wait3A_709] : memref<27x128xi32, #tpu.memory_space<vmem>> -> memref<1x128xi32, #tpu.memory_space<vmem>>
      %dma_wait3A_711 = tpu.memref_squeeze %dma_wait3A_710 : memref<1x128xi32, #tpu.memory_space<vmem>> -> memref<128xi32, #tpu.memory_space<vmem>>
      %dma_wait3A_712 = arith.constant 0 : i32
      %dma_wait3A_713 = arith.constant 0 : i32
      %dma_wait3A_714 = tpu.memref_slice %arg4[%dma_wait3A_712, %dma_wait3A_713] : memref<100000x16xf32, #tpu.memory_space<hbm>> -> memref<100000x16xf32, #tpu.memory_space<hbm>>
      tpu.wait_indirect_dma semaphore(%arg19 : memref<!tpu.dma_semaphore, #tpu.memory_space<semaphore_mem>>) src(%dma_wait3A_714 : memref<100000x16xf32, #tpu.memory_space<hbm>>) dst(%dma_wait3A_708 : memref<128x16xf32, #tpu.memory_space<vmem>>)
      %dma_wait3A_715 = arith.constant 21 : i32
      %dma_wait3A_716 = arith.constant 2688 : i32
      %dma_wait3A_717 = arith.constant 0 : i32
      %dma_wait3A_718 = tpu.memref_slice %arg12[%dma_wait3A_716, %dma_wait3A_717] : memref<3456x16xf32, #tpu.memory_space<vmem>> -> memref<128x16xf32, #tpu.memory_space<vmem>>
      %dma_wait3A_719 = arith.constant 0 : i32
      %dma_wait3A_720 = tpu.memref_slice %arg11[%dma_wait3A_715, %dma_wait3A_719] : memref<27x128xi32, #tpu.memory_space<vmem>> -> memref<1x128xi32, #tpu.memory_space<vmem>>
      %dma_wait3A_721 = tpu.memref_squeeze %dma_wait3A_720 : memref<1x128xi32, #tpu.memory_space<vmem>> -> memref<128xi32, #tpu.memory_space<vmem>>
      %dma_wait3A_722 = arith.constant 0 : i32
      %dma_wait3A_723 = arith.constant 0 : i32
      %dma_wait3A_724 = tpu.memref_slice %arg4[%dma_wait3A_722, %dma_wait3A_723] : memref<100000x16xf32, #tpu.memory_space<hbm>> -> memref<100000x16xf32, #tpu.memory_space<hbm>>
      tpu.wait_indirect_dma semaphore(%arg19 : memref<!tpu.dma_semaphore, #tpu.memory_space<semaphore_mem>>) src(%dma_wait3A_724 : memref<100000x16xf32, #tpu.memory_space<hbm>>) dst(%dma_wait3A_718 : memref<128x16xf32, #tpu.memory_space<vmem>>)
      %dma_wait3A_725 = arith.constant 22 : i32
      %dma_wait3A_726 = arith.constant 2816 : i32
      %dma_wait3A_727 = arith.constant 0 : i32
      %dma_wait3A_728 = tpu.memref_slice %arg12[%dma_wait3A_726, %dma_wait3A_727] : memref<3456x16xf32, #tpu.memory_space<vmem>> -> memref<128x16xf32, #tpu.memory_space<vmem>>
      %dma_wait3A_729 = arith.constant 0 : i32
      %dma_wait3A_730 = tpu.memref_slice %arg11[%dma_wait3A_725, %dma_wait3A_729] : memref<27x128xi32, #tpu.memory_space<vmem>> -> memref<1x128xi32, #tpu.memory_space<vmem>>
      %dma_wait3A_731 = tpu.memref_squeeze %dma_wait3A_730 : memref<1x128xi32, #tpu.memory_space<vmem>> -> memref<128xi32, #tpu.memory_space<vmem>>
      %dma_wait3A_732 = arith.constant 0 : i32
      %dma_wait3A_733 = arith.constant 0 : i32
      %dma_wait3A_734 = tpu.memref_slice %arg4[%dma_wait3A_732, %dma_wait3A_733] : memref<100000x16xf32, #tpu.memory_space<hbm>> -> memref<100000x16xf32, #tpu.memory_space<hbm>>
      tpu.wait_indirect_dma semaphore(%arg19 : memref<!tpu.dma_semaphore, #tpu.memory_space<semaphore_mem>>) src(%dma_wait3A_734 : memref<100000x16xf32, #tpu.memory_space<hbm>>) dst(%dma_wait3A_728 : memref<128x16xf32, #tpu.memory_space<vmem>>)
      %dma_wait3A_735 = arith.constant 23 : i32
      %dma_wait3A_736 = arith.constant 2944 : i32
      %dma_wait3A_737 = arith.constant 0 : i32
      %dma_wait3A_738 = tpu.memref_slice %arg12[%dma_wait3A_736, %dma_wait3A_737] : memref<3456x16xf32, #tpu.memory_space<vmem>> -> memref<128x16xf32, #tpu.memory_space<vmem>>
      %dma_wait3A_739 = arith.constant 0 : i32
      %dma_wait3A_740 = tpu.memref_slice %arg11[%dma_wait3A_735, %dma_wait3A_739] : memref<27x128xi32, #tpu.memory_space<vmem>> -> memref<1x128xi32, #tpu.memory_space<vmem>>
      %dma_wait3A_741 = tpu.memref_squeeze %dma_wait3A_740 : memref<1x128xi32, #tpu.memory_space<vmem>> -> memref<128xi32, #tpu.memory_space<vmem>>
      %dma_wait3A_742 = arith.constant 0 : i32
      %dma_wait3A_743 = arith.constant 0 : i32
      %dma_wait3A_744 = tpu.memref_slice %arg4[%dma_wait3A_742, %dma_wait3A_743] : memref<100000x16xf32, #tpu.memory_space<hbm>> -> memref<100000x16xf32, #tpu.memory_space<hbm>>
      tpu.wait_indirect_dma semaphore(%arg19 : memref<!tpu.dma_semaphore, #tpu.memory_space<semaphore_mem>>) src(%dma_wait3A_744 : memref<100000x16xf32, #tpu.memory_space<hbm>>) dst(%dma_wait3A_738 : memref<128x16xf32, #tpu.memory_space<vmem>>)
      %dma_wait3A_745 = arith.constant 24 : i32
      %dma_wait3A_746 = arith.constant 3072 : i32
      %dma_wait3A_747 = arith.constant 0 : i32
      %dma_wait3A_748 = tpu.memref_slice %arg12[%dma_wait3A_746, %dma_wait3A_747] : memref<3456x16xf32, #tpu.memory_space<vmem>> -> memref<128x16xf32, #tpu.memory_space<vmem>>
      %dma_wait3A_749 = arith.constant 0 : i32
      %dma_wait3A_750 = tpu.memref_slice %arg11[%dma_wait3A_745, %dma_wait3A_749] : memref<27x128xi32, #tpu.memory_space<vmem>> -> memref<1x128xi32, #tpu.memory_space<vmem>>
      %dma_wait3A_751 = tpu.memref_squeeze %dma_wait3A_750 : memref<1x128xi32, #tpu.memory_space<vmem>> -> memref<128xi32, #tpu.memory_space<vmem>>
      %dma_wait3A_752 = arith.constant 0 : i32
      %dma_wait3A_753 = arith.constant 0 : i32
      %dma_wait3A_754 = tpu.memref_slice %arg4[%dma_wait3A_752, %dma_wait3A_753] : memref<100000x16xf32, #tpu.memory_space<hbm>> -> memref<100000x16xf32, #tpu.memory_space<hbm>>
      tpu.wait_indirect_dma semaphore(%arg19 : memref<!tpu.dma_semaphore, #tpu.memory_space<semaphore_mem>>) src(%dma_wait3A_754 : memref<100000x16xf32, #tpu.memory_space<hbm>>) dst(%dma_wait3A_748 : memref<128x16xf32, #tpu.memory_space<vmem>>)
      %dma_wait3A_755 = arith.constant 25 : i32
      %dma_wait3A_756 = arith.constant 3200 : i32
      %dma_wait3A_757 = arith.constant 0 : i32
      %dma_wait3A_758 = tpu.memref_slice %arg12[%dma_wait3A_756, %dma_wait3A_757] : memref<3456x16xf32, #tpu.memory_space<vmem>> -> memref<128x16xf32, #tpu.memory_space<vmem>>
      %dma_wait3A_759 = arith.constant 0 : i32
      %dma_wait3A_760 = tpu.memref_slice %arg11[%dma_wait3A_755, %dma_wait3A_759] : memref<27x128xi32, #tpu.memory_space<vmem>> -> memref<1x128xi32, #tpu.memory_space<vmem>>
      %dma_wait3A_761 = tpu.memref_squeeze %dma_wait3A_760 : memref<1x128xi32, #tpu.memory_space<vmem>> -> memref<128xi32, #tpu.memory_space<vmem>>
      %dma_wait3A_762 = arith.constant 0 : i32
      %dma_wait3A_763 = arith.constant 0 : i32
      %dma_wait3A_764 = tpu.memref_slice %arg4[%dma_wait3A_762, %dma_wait3A_763] : memref<100000x16xf32, #tpu.memory_space<hbm>> -> memref<100000x16xf32, #tpu.memory_space<hbm>>
      tpu.wait_indirect_dma semaphore(%arg19 : memref<!tpu.dma_semaphore, #tpu.memory_space<semaphore_mem>>) src(%dma_wait3A_764 : memref<100000x16xf32, #tpu.memory_space<hbm>>) dst(%dma_wait3A_758 : memref<128x16xf32, #tpu.memory_space<vmem>>)
      %dma_wait3A_765 = arith.constant 26 : i32
      %dma_wait3A_766 = arith.constant 3328 : i32
      %dma_wait3A_767 = arith.constant 0 : i32
      %dma_wait3A_768 = tpu.memref_slice %arg12[%dma_wait3A_766, %dma_wait3A_767] : memref<3456x16xf32, #tpu.memory_space<vmem>> -> memref<128x16xf32, #tpu.memory_space<vmem>>
      %dma_wait3A_769 = arith.constant 0 : i32
      %dma_wait3A_770 = tpu.memref_slice %arg11[%dma_wait3A_765, %dma_wait3A_769] : memref<27x128xi32, #tpu.memory_space<vmem>> -> memref<1x128xi32, #tpu.memory_space<vmem>>
      %dma_wait3A_771 = tpu.memref_squeeze %dma_wait3A_770 : memref<1x128xi32, #tpu.memory_space<vmem>> -> memref<128xi32, #tpu.memory_space<vmem>>
      %dma_wait3A_772 = arith.constant 0 : i32
      %dma_wait3A_773 = arith.constant 0 : i32
      %dma_wait3A_774 = tpu.memref_slice %arg4[%dma_wait3A_772, %dma_wait3A_773] : memref<100000x16xf32, #tpu.memory_space<hbm>> -> memref<100000x16xf32, #tpu.memory_space<hbm>>
      tpu.wait_indirect_dma semaphore(%arg19 : memref<!tpu.dma_semaphore, #tpu.memory_space<semaphore_mem>>) src(%dma_wait3A_774 : memref<100000x16xf32, #tpu.memory_space<hbm>>) dst(%dma_wait3A_768 : memref<128x16xf32, #tpu.memory_space<vmem>>)
      %scan3A_775 = arith.constant 48 : i32
      %scan3A_776 = arith.constant 24 : i32
      %scan3A_777 = arith.addi %scan3A_775, %scan3A_776 : i32
      %scan3A_778 = arith.constant 2 : i32
      scf.for %scan3A_780 = %scan3A_775 to %scan3A_777 step %scan3A_778  : i32 {
        %jit3A_781 = arith.constant 24 : i32
        %div3A_782 = arith.divsi %scan3A_780, %jit3A_781 : i32
        %sign3A_783 = arith.constant 0 : i32
        %sign3A_784 = arith.cmpi sgt, %scan3A_780, %sign3A_783 : i32
        %sign3A_785 = arith.extui %sign3A_784 : i1 to i32
        %sign3A_786 = arith.constant 0 : i32
        %sign3A_787 = arith.cmpi slt, %scan3A_780, %sign3A_786 : i32
        %sign3A_788 = arith.extui %sign3A_787 : i1 to i32
        %sign3A_789 = arith.subi %sign3A_785, %sign3A_788 : i32
        %sign3A_790 = arith.constant 0 : i32
        %sign3A_791 = arith.cmpi sgt, %jit3A_781, %sign3A_790 : i32
        %sign3A_792 = arith.extui %sign3A_791 : i1 to i32
        %sign3A_793 = arith.constant 0 : i32
        %sign3A_794 = arith.cmpi slt, %jit3A_781, %sign3A_793 : i32
        %sign3A_795 = arith.extui %sign3A_794 : i1 to i32
        %sign3A_796 = arith.subi %sign3A_792, %sign3A_795 : i32
        %ne3A_797 = arith.cmpi ne, %sign3A_789, %sign3A_796 : i32
        %rem3A_798 = arith.remsi %scan3A_780, %jit3A_781 : i32
        %ne3A_799 = arith.constant 0 : i32
        %ne3A_800 = arith.cmpi ne, %rem3A_798, %ne3A_799 : i32
        %and3A_801 = arith.andi %ne3A_797, %ne3A_800 : i1
        %sub3A_802 = arith.constant 1 : i32
        %sub3A_803 = arith.subi %div3A_782, %sub3A_802 : i32
        %select_n3A_804 = arith.select %and3A_801, %sub3A_803, %div3A_782 : i32
        %jit3A_805 = arith.constant 24 : i32
        %eq3A = arith.constant 0 : i32
        %eq3A_806 = arith.cmpi eq, %jit3A_805, %eq3A : i32
        %jit3A_807 = arith.constant 1 : i32
        %select_n3A_808 = arith.select %eq3A_806, %jit3A_807, %jit3A_805 : i32
        %rem3A_809 = arith.remsi %scan3A_780, %select_n3A_808 : i32
        %ne3A_810 = arith.constant 0 : i32
        %ne3A_811 = arith.cmpi ne, %rem3A_809, %ne3A_810 : i32
        %lt3A = arith.constant 0 : i32
        %lt3A_812 = arith.cmpi slt, %rem3A_809, %lt3A : i32
        %lt3A_813 = arith.constant 0 : i32
        %lt3A_814 = arith.cmpi slt, %select_n3A_808, %lt3A_813 : i32
        %ne3A_815 = arith.xori %lt3A_812, %lt3A_814 : i1
        %and3A_816 = arith.andi %ne3A_815, %ne3A_811 : i1
        %add3A_817 = arith.addi %rem3A_809, %select_n3A_808 : i32
        %select_n3A_818 = arith.select %and3A_816, %add3A_817, %rem3A_809 : i32
        %mul3A_819 = arith.constant 16 : i32
        %mul3A_820 = arith.muli %select_n3A_818, %mul3A_819 : i32
        %mul3A_821 = arith.constant 16 : i32
        %mul3A_822 = arith.muli %scan3A_780, %mul3A_821 : i32
        %iota3A = tpu.iota {dimensions = array<i32: 0>} : vector<16xi32>
        %add3A_823 = vector.broadcast %mul3A_822 : i32 to vector<16xi32>
        %add3A_824 = arith.addi %add3A_823, %iota3A : vector<16xi32>
        %mul3A_825 = arith.constant 16 : i32
        %mul3A_826 = arith.muli %scan3A_780, %mul3A_825 : i32
        %get3A = arith.index_cast %mul3A_826 : i32 to index
        %get3A_827 = tpu.vector_load %arg7[%get3A] {strides = array<i32>} : memref<1152xi32, #tpu.memory_space<vmem>>, vector<16xi32>,
        %ge3A = arith.constant 0 : i32
        %ge3A_828 = vector.broadcast %ge3A : i32 to vector<16xi32>
        %ge3A_829 = arith.cmpi sge, %get3A_827, %ge3A_828 : vector<16xi32>
        %jit3A_830 = arith.constant 1.000000e+00 : f32
        %jit3A_831 = arith.constant 0.000000e+00 : f32
        %broadcast_in_dim3A = vector.broadcast %jit3A_830 : f32 to vector<16xf32>
        %broadcast_in_dim3A_832 = vector.broadcast %jit3A_831 : f32 to vector<16xf32>
        %select_n3A_833 = arith.select %ge3A_829, %broadcast_in_dim3A, %broadcast_in_dim3A_832 : vector<16xi1>, vector<16xf32>
        %get3A_834 = arith.constant 0 : i32
        %get3A_835 = arith.constant 0 : i32
        %get3A_836 = arith.index_cast %select_n3A_804 : i32 to index
        %get3A_837 = arith.index_cast %get3A_834 : i32 to index
        %get3A_838 = arith.index_cast %get3A_835 : i32 to index
        %get3A_839 = arith.index_cast %mul3A_820 : i32 to index
        %get3A_840 = tpu.vector_load %arg9[%get3A_836, %get3A_837, %get3A_838, %get3A_839] {strides = array<i32>} : memref<3x3x2x384xf32, #tpu.memory_space<vmem>>, vector<16xf32>,
        %mul3A_841 = arith.mulf %get3A_840, %select_n3A_833 : vector<16xf32>
        %get3A_842 = arith.constant 1 : i32
        %get3A_843 = arith.constant 0 : i32
        %get3A_844 = arith.index_cast %select_n3A_804 : i32 to index
        %get3A_845 = arith.index_cast %get3A_842 : i32 to index
        %get3A_846 = arith.index_cast %get3A_843 : i32 to index
        %get3A_847 = arith.index_cast %mul3A_820 : i32 to index
        %get3A_848 = tpu.vector_load %arg9[%get3A_844, %get3A_845, %get3A_846, %get3A_847] {strides = array<i32>} : memref<3x3x2x384xf32, #tpu.memory_space<vmem>>, vector<16xf32>,
        %mul3A_849 = arith.mulf %get3A_848, %select_n3A_833 : vector<16xf32>
        %get3A_850 = arith.constant 2 : i32
        %get3A_851 = arith.constant 0 : i32
        %get3A_852 = arith.index_cast %select_n3A_804 : i32 to index
        %get3A_853 = arith.index_cast %get3A_850 : i32 to index
        %get3A_854 = arith.index_cast %get3A_851 : i32 to index
        %get3A_855 = arith.index_cast %mul3A_820 : i32 to index
        %get3A_856 = tpu.vector_load %arg9[%get3A_852, %get3A_853, %get3A_854, %get3A_855] {strides = array<i32>} : memref<3x3x2x384xf32, #tpu.memory_space<vmem>>, vector<16xf32>,
        %mul3A_857 = arith.mulf %get3A_856, %select_n3A_833 : vector<16xf32>
        %mul3A_858 = arith.constant 3 : i32
        %mul3A_859 = vector.broadcast %mul3A_858 : i32 to vector<16xi32>
        %mul3A_860 = arith.muli %mul3A_859, %add3A_824 : vector<16xi32>
        %add3A_861 = arith.constant 0 : i32
        %add3A_862 = vector.broadcast %add3A_861 : i32 to vector<16xi32>
        %add3A_863 = arith.addi %mul3A_860, %add3A_862 : vector<16xi32>
        %mul3A_864 = arith.constant 3 : i32
        %mul3A_865 = vector.broadcast %mul3A_864 : i32 to vector<16xi32>
        %mul3A_866 = arith.muli %mul3A_865, %add3A_824 : vector<16xi32>
        %add3A_867 = arith.constant 1 : i32
        %add3A_868 = vector.broadcast %add3A_867 : i32 to vector<16xi32>
        %add3A_869 = arith.addi %mul3A_866, %add3A_868 : vector<16xi32>
        %mul3A_870 = arith.constant 3 : i32
        %mul3A_871 = vector.broadcast %mul3A_870 : i32 to vector<16xi32>
        %mul3A_872 = arith.muli %mul3A_871, %add3A_824 : vector<16xi32>
        %add3A_873 = arith.constant 2 : i32
        %add3A_874 = vector.broadcast %add3A_873 : i32 to vector<16xi32>
        %add3A_875 = arith.addi %mul3A_872, %add3A_874 : vector<16xi32>
        %broadcast_in_dim3A_876 = arith.constant 0 : i32
        %broadcast_in_dim3A_877 = vector.broadcast %broadcast_in_dim3A_876 : i32 to vector<16xi32>
        %gather3A = tpu.vector_load_idx %arg12[%add3A_863, %broadcast_in_dim3A_877] : memref<3456x16xf32, #tpu.memory_space<vmem>>[vector<16xi32>, vector<16xi32>], vector<16xf32>,
        %mul3A_878 = arith.mulf %mul3A_841, %gather3A : vector<16xf32>
        %gather3A_879 = tpu.vector_load_idx %arg12[%add3A_869, %broadcast_in_dim3A_877] : memref<3456x16xf32, #tpu.memory_space<vmem>>[vector<16xi32>, vector<16xi32>], vector<16xf32>,
        %mul3A_880 = arith.mulf %mul3A_849, %gather3A_879 : vector<16xf32>
        %add3A_881 = arith.addf %mul3A_878, %mul3A_880 : vector<16xf32>
        %gather3A_882 = tpu.vector_load_idx %arg12[%add3A_875, %broadcast_in_dim3A_877] : memref<3456x16xf32, #tpu.memory_space<vmem>>[vector<16xi32>, vector<16xi32>], vector<16xf32>,
        %mul3A_883 = arith.mulf %mul3A_857, %gather3A_882 : vector<16xf32>
        %add3A_884 = arith.addf %add3A_881, %mul3A_883 : vector<16xf32>
        %swap3A = arith.constant 0 : i32
        %swap3A_885 = arith.index_cast %select_n3A_804 : i32 to index
        %swap3A_886 = arith.index_cast %swap3A : i32 to index
        %swap3A_887 = arith.index_cast %mul3A_820 : i32 to index
        %swap3A_888 = tpu.vector_load %arg13[%swap3A_885, %swap3A_886, %swap3A_887] {strides = array<i32>} : memref<3x16x384xf32, #tpu.memory_space<vmem>>, vector<16xf32>,
        tpu.vector_store %arg13[%swap3A_885, %swap3A_886, %swap3A_887], %add3A_884 {strides = array<i32>} : memref<3x16x384xf32, #tpu.memory_space<vmem>>, vector<16xf32>,
        %broadcast_in_dim3A_889 = arith.constant 1 : i32
        %broadcast_in_dim3A_890 = vector.broadcast %broadcast_in_dim3A_889 : i32 to vector<16xi32>
        %gather3A_891 = tpu.vector_load_idx %arg12[%add3A_863, %broadcast_in_dim3A_890] : memref<3456x16xf32, #tpu.memory_space<vmem>>[vector<16xi32>, vector<16xi32>], vector<16xf32>,
        %mul3A_892 = arith.mulf %mul3A_841, %gather3A_891 : vector<16xf32>
        %gather3A_893 = tpu.vector_load_idx %arg12[%add3A_869, %broadcast_in_dim3A_890] : memref<3456x16xf32, #tpu.memory_space<vmem>>[vector<16xi32>, vector<16xi32>], vector<16xf32>,
        %mul3A_894 = arith.mulf %mul3A_849, %gather3A_893 : vector<16xf32>
        %add3A_895 = arith.addf %mul3A_892, %mul3A_894 : vector<16xf32>
        %gather3A_896 = tpu.vector_load_idx %arg12[%add3A_875, %broadcast_in_dim3A_890] : memref<3456x16xf32, #tpu.memory_space<vmem>>[vector<16xi32>, vector<16xi32>], vector<16xf32>,
        %mul3A_897 = arith.mulf %mul3A_857, %gather3A_896 : vector<16xf32>
        %add3A_898 = arith.addf %add3A_895, %mul3A_897 : vector<16xf32>
        %swap3A_899 = arith.constant 1 : i32
        %swap3A_900 = arith.index_cast %select_n3A_804 : i32 to index
        %swap3A_901 = arith.index_cast %swap3A_899 : i32 to index
        %swap3A_902 = arith.index_cast %mul3A_820 : i32 to index
        %swap3A_903 = tpu.vector_load %arg13[%swap3A_900, %swap3A_901, %swap3A_902] {strides = array<i32>} : memref<3x16x384xf32, #tpu.memory_space<vmem>>, vector<16xf32>,
        tpu.vector_store %arg13[%swap3A_900, %swap3A_901, %swap3A_902], %add3A_898 {strides = array<i32>} : memref<3x16x384xf32, #tpu.memory_space<vmem>>, vector<16xf32>,
        %broadcast_in_dim3A_904 = arith.constant 2 : i32
        %broadcast_in_dim3A_905 = vector.broadcast %broadcast_in_dim3A_904 : i32 to vector<16xi32>
        %gather3A_906 = tpu.vector_load_idx %arg12[%add3A_863, %broadcast_in_dim3A_905] : memref<3456x16xf32, #tpu.memory_space<vmem>>[vector<16xi32>, vector<16xi32>], vector<16xf32>,
        %mul3A_907 = arith.mulf %mul3A_841, %gather3A_906 : vector<16xf32>
        %gather3A_908 = tpu.vector_load_idx %arg12[%add3A_869, %broadcast_in_dim3A_905] : memref<3456x16xf32, #tpu.memory_space<vmem>>[vector<16xi32>, vector<16xi32>], vector<16xf32>,
        %mul3A_909 = arith.mulf %mul3A_849, %gather3A_908 : vector<16xf32>
        %add3A_910 = arith.addf %mul3A_907, %mul3A_909 : vector<16xf32>
        %gather3A_911 = tpu.vector_load_idx %arg12[%add3A_875, %broadcast_in_dim3A_905] : memref<3456x16xf32, #tpu.memory_space<vmem>>[vector<16xi32>, vector<16xi32>], vector<16xf32>,
        %mul3A_912 = arith.mulf %mul3A_857, %gather3A_911 : vector<16xf32>
        %add3A_913 = arith.addf %add3A_910, %mul3A_912 : vector<16xf32>
        %swap3A_914 = arith.constant 2 : i32
        %swap3A_915 = arith.index_cast %select_n3A_804 : i32 to index
        %swap3A_916 = arith.index_cast %swap3A_914 : i32 to index
        %swap3A_917 = arith.index_cast %mul3A_820 : i32 to index
        %swap3A_918 = tpu.vector_load %arg13[%swap3A_915, %swap3A_916, %swap3A_917] {strides = array<i32>} : memref<3x16x384xf32, #tpu.memory_space<vmem>>, vector<16xf32>,
        tpu.vector_store %arg13[%swap3A_915, %swap3A_916, %swap3A_917], %add3A_913 {strides = array<i32>} : memref<3x16x384xf32, #tpu.memory_space<vmem>>, vector<16xf32>,
        %broadcast_in_dim3A_919 = arith.constant 3 : i32
        %broadcast_in_dim3A_920 = vector.broadcast %broadcast_in_dim3A_919 : i32 to vector<16xi32>
        %gather3A_921 = tpu.vector_load_idx %arg12[%add3A_863, %broadcast_in_dim3A_920] : memref<3456x16xf32, #tpu.memory_space<vmem>>[vector<16xi32>, vector<16xi32>], vector<16xf32>,
        %mul3A_922 = arith.mulf %mul3A_841, %gather3A_921 : vector<16xf32>
        %gather3A_923 = tpu.vector_load_idx %arg12[%add3A_869, %broadcast_in_dim3A_920] : memref<3456x16xf32, #tpu.memory_space<vmem>>[vector<16xi32>, vector<16xi32>], vector<16xf32>,
        %mul3A_924 = arith.mulf %mul3A_849, %gather3A_923 : vector<16xf32>
        %add3A_925 = arith.addf %mul3A_922, %mul3A_924 : vector<16xf32>
        %gather3A_926 = tpu.vector_load_idx %arg12[%add3A_875, %broadcast_in_dim3A_920] : memref<3456x16xf32, #tpu.memory_space<vmem>>[vector<16xi32>, vector<16xi32>], vector<16xf32>,
        %mul3A_927 = arith.mulf %mul3A_857, %gather3A_926 : vector<16xf32>
        %add3A_928 = arith.addf %add3A_925, %mul3A_927 : vector<16xf32>
        %swap3A_929 = arith.constant 3 : i32
        %swap3A_930 = arith.index_cast %select_n3A_804 : i32 to index
        %swap3A_931 = arith.index_cast %swap3A_929 : i32 to index
        %swap3A_932 = arith.index_cast %mul3A_820 : i32 to index
        %swap3A_933 = tpu.vector_load %arg13[%swap3A_930, %swap3A_931, %swap3A_932] {strides = array<i32>} : memref<3x16x384xf32, #tpu.memory_space<vmem>>, vector<16xf32>,
        tpu.vector_store %arg13[%swap3A_930, %swap3A_931, %swap3A_932], %add3A_928 {strides = array<i32>} : memref<3x16x384xf32, #tpu.memory_space<vmem>>, vector<16xf32>,
        %broadcast_in_dim3A_934 = arith.constant 4 : i32
        %broadcast_in_dim3A_935 = vector.broadcast %broadcast_in_dim3A_934 : i32 to vector<16xi32>
        %gather3A_936 = tpu.vector_load_idx %arg12[%add3A_863, %broadcast_in_dim3A_935] : memref<3456x16xf32, #tpu.memory_space<vmem>>[vector<16xi32>, vector<16xi32>], vector<16xf32>,
        %mul3A_937 = arith.mulf %mul3A_841, %gather3A_936 : vector<16xf32>
        %gather3A_938 = tpu.vector_load_idx %arg12[%add3A_869, %broadcast_in_dim3A_935] : memref<3456x16xf32, #tpu.memory_space<vmem>>[vector<16xi32>, vector<16xi32>], vector<16xf32>,
        %mul3A_939 = arith.mulf %mul3A_849, %gather3A_938 : vector<16xf32>
        %add3A_940 = arith.addf %mul3A_937, %mul3A_939 : vector<16xf32>
        %gather3A_941 = tpu.vector_load_idx %arg12[%add3A_875, %broadcast_in_dim3A_935] : memref<3456x16xf32, #tpu.memory_space<vmem>>[vector<16xi32>, vector<16xi32>], vector<16xf32>,
        %mul3A_942 = arith.mulf %mul3A_857, %gather3A_941 : vector<16xf32>
        %add3A_943 = arith.addf %add3A_940, %mul3A_942 : vector<16xf32>
        %swap3A_944 = arith.constant 4 : i32
        %swap3A_945 = arith.index_cast %select_n3A_804 : i32 to index
        %swap3A_946 = arith.index_cast %swap3A_944 : i32 to index
        %swap3A_947 = arith.index_cast %mul3A_820 : i32 to index
        %swap3A_948 = tpu.vector_load %arg13[%swap3A_945, %swap3A_946, %swap3A_947] {strides = array<i32>} : memref<3x16x384xf32, #tpu.memory_space<vmem>>, vector<16xf32>,
        tpu.vector_store %arg13[%swap3A_945, %swap3A_946, %swap3A_947], %add3A_943 {strides = array<i32>} : memref<3x16x384xf32, #tpu.memory_space<vmem>>, vector<16xf32>,
        %broadcast_in_dim3A_949 = arith.constant 5 : i32
        %broadcast_in_dim3A_950 = vector.broadcast %broadcast_in_dim3A_949 : i32 to vector<16xi32>
        %gather3A_951 = tpu.vector_load_idx %arg12[%add3A_863, %broadcast_in_dim3A_950] : memref<3456x16xf32, #tpu.memory_space<vmem>>[vector<16xi32>, vector<16xi32>], vector<16xf32>,
        %mul3A_952 = arith.mulf %mul3A_841, %gather3A_951 : vector<16xf32>
        %gather3A_953 = tpu.vector_load_idx %arg12[%add3A_869, %broadcast_in_dim3A_950] : memref<3456x16xf32, #tpu.memory_space<vmem>>[vector<16xi32>, vector<16xi32>], vector<16xf32>,
        %mul3A_954 = arith.mulf %mul3A_849, %gather3A_953 : vector<16xf32>
        %add3A_955 = arith.addf %mul3A_952, %mul3A_954 : vector<16xf32>
        %gather3A_956 = tpu.vector_load_idx %arg12[%add3A_875, %broadcast_in_dim3A_950] : memref<3456x16xf32, #tpu.memory_space<vmem>>[vector<16xi32>, vector<16xi32>], vector<16xf32>,
        %mul3A_957 = arith.mulf %mul3A_857, %gather3A_956 : vector<16xf32>
        %add3A_958 = arith.addf %add3A_955, %mul3A_957 : vector<16xf32>
        %swap3A_959 = arith.constant 5 : i32
        %swap3A_960 = arith.index_cast %select_n3A_804 : i32 to index
        %swap3A_961 = arith.index_cast %swap3A_959 : i32 to index
        %swap3A_962 = arith.index_cast %mul3A_820 : i32 to index
        %swap3A_963 = tpu.vector_load %arg13[%swap3A_960, %swap3A_961, %swap3A_962] {strides = array<i32>} : memref<3x16x384xf32, #tpu.memory_space<vmem>>, vector<16xf32>,
        tpu.vector_store %arg13[%swap3A_960, %swap3A_961, %swap3A_962], %add3A_958 {strides = array<i32>} : memref<3x16x384xf32, #tpu.memory_space<vmem>>, vector<16xf32>,
        %broadcast_in_dim3A_964 = arith.constant 6 : i32
        %broadcast_in_dim3A_965 = vector.broadcast %broadcast_in_dim3A_964 : i32 to vector<16xi32>
        %gather3A_966 = tpu.vector_load_idx %arg12[%add3A_863, %broadcast_in_dim3A_965] : memref<3456x16xf32, #tpu.memory_space<vmem>>[vector<16xi32>, vector<16xi32>], vector<16xf32>,
        %mul3A_967 = arith.mulf %mul3A_841, %gather3A_966 : vector<16xf32>
        %gather3A_968 = tpu.vector_load_idx %arg12[%add3A_869, %broadcast_in_dim3A_965] : memref<3456x16xf32, #tpu.memory_space<vmem>>[vector<16xi32>, vector<16xi32>], vector<16xf32>,
        %mul3A_969 = arith.mulf %mul3A_849, %gather3A_968 : vector<16xf32>
        %add3A_970 = arith.addf %mul3A_967, %mul3A_969 : vector<16xf32>
        %gather3A_971 = tpu.vector_load_idx %arg12[%add3A_875, %broadcast_in_dim3A_965] : memref<3456x16xf32, #tpu.memory_space<vmem>>[vector<16xi32>, vector<16xi32>], vector<16xf32>,
        %mul3A_972 = arith.mulf %mul3A_857, %gather3A_971 : vector<16xf32>
        %add3A_973 = arith.addf %add3A_970, %mul3A_972 : vector<16xf32>
        %swap3A_974 = arith.constant 6 : i32
        %swap3A_975 = arith.index_cast %select_n3A_804 : i32 to index
        %swap3A_976 = arith.index_cast %swap3A_974 : i32 to index
        %swap3A_977 = arith.index_cast %mul3A_820 : i32 to index
        %swap3A_978 = tpu.vector_load %arg13[%swap3A_975, %swap3A_976, %swap3A_977] {strides = array<i32>} : memref<3x16x384xf32, #tpu.memory_space<vmem>>, vector<16xf32>,
        tpu.vector_store %arg13[%swap3A_975, %swap3A_976, %swap3A_977], %add3A_973 {strides = array<i32>} : memref<3x16x384xf32, #tpu.memory_space<vmem>>, vector<16xf32>,
        %broadcast_in_dim3A_979 = arith.constant 7 : i32
        %broadcast_in_dim3A_980 = vector.broadcast %broadcast_in_dim3A_979 : i32 to vector<16xi32>
        %gather3A_981 = tpu.vector_load_idx %arg12[%add3A_863, %broadcast_in_dim3A_980] : memref<3456x16xf32, #tpu.memory_space<vmem>>[vector<16xi32>, vector<16xi32>], vector<16xf32>,
        %mul3A_982 = arith.mulf %mul3A_841, %gather3A_981 : vector<16xf32>
        %gather3A_983 = tpu.vector_load_idx %arg12[%add3A_869, %broadcast_in_dim3A_980] : memref<3456x16xf32, #tpu.memory_space<vmem>>[vector<16xi32>, vector<16xi32>], vector<16xf32>,
        %mul3A_984 = arith.mulf %mul3A_849, %gather3A_983 : vector<16xf32>
        %add3A_985 = arith.addf %mul3A_982, %mul3A_984 : vector<16xf32>
        %gather3A_986 = tpu.vector_load_idx %arg12[%add3A_875, %broadcast_in_dim3A_980] : memref<3456x16xf32, #tpu.memory_space<vmem>>[vector<16xi32>, vector<16xi32>], vector<16xf32>,
        %mul3A_987 = arith.mulf %mul3A_857, %gather3A_986 : vector<16xf32>
        %add3A_988 = arith.addf %add3A_985, %mul3A_987 : vector<16xf32>
        %swap3A_989 = arith.constant 7 : i32
        %swap3A_990 = arith.index_cast %select_n3A_804 : i32 to index
        %swap3A_991 = arith.index_cast %swap3A_989 : i32 to index
        %swap3A_992 = arith.index_cast %mul3A_820 : i32 to index
        %swap3A_993 = tpu.vector_load %arg13[%swap3A_990, %swap3A_991, %swap3A_992] {strides = array<i32>} : memref<3x16x384xf32, #tpu.memory_space<vmem>>, vector<16xf32>,
        tpu.vector_store %arg13[%swap3A_990, %swap3A_991, %swap3A_992], %add3A_988 {strides = array<i32>} : memref<3x16x384xf32, #tpu.memory_space<vmem>>, vector<16xf32>,
        %broadcast_in_dim3A_994 = arith.constant 8 : i32
        %broadcast_in_dim3A_995 = vector.broadcast %broadcast_in_dim3A_994 : i32 to vector<16xi32>
        %gather3A_996 = tpu.vector_load_idx %arg12[%add3A_863, %broadcast_in_dim3A_995] : memref<3456x16xf32, #tpu.memory_space<vmem>>[vector<16xi32>, vector<16xi32>], vector<16xf32>,
        %mul3A_997 = arith.mulf %mul3A_841, %gather3A_996 : vector<16xf32>
        %gather3A_998 = tpu.vector_load_idx %arg12[%add3A_869, %broadcast_in_dim3A_995] : memref<3456x16xf32, #tpu.memory_space<vmem>>[vector<16xi32>, vector<16xi32>], vector<16xf32>,
        %mul3A_999 = arith.mulf %mul3A_849, %gather3A_998 : vector<16xf32>
        %add3A_1000 = arith.addf %mul3A_997, %mul3A_999 : vector<16xf32>
        %gather3A_1001 = tpu.vector_load_idx %arg12[%add3A_875, %broadcast_in_dim3A_995] : memref<3456x16xf32, #tpu.memory_space<vmem>>[vector<16xi32>, vector<16xi32>], vector<16xf32>,
        %mul3A_1002 = arith.mulf %mul3A_857, %gather3A_1001 : vector<16xf32>
        %add3A_1003 = arith.addf %add3A_1000, %mul3A_1002 : vector<16xf32>
        %swap3A_1004 = arith.constant 8 : i32
        %swap3A_1005 = arith.index_cast %select_n3A_804 : i32 to index
        %swap3A_1006 = arith.index_cast %swap3A_1004 : i32 to index
        %swap3A_1007 = arith.index_cast %mul3A_820 : i32 to index
        %swap3A_1008 = tpu.vector_load %arg13[%swap3A_1005, %swap3A_1006, %swap3A_1007] {strides = array<i32>} : memref<3x16x384xf32, #tpu.memory_space<vmem>>, vector<16xf32>,
        tpu.vector_store %arg13[%swap3A_1005, %swap3A_1006, %swap3A_1007], %add3A_1003 {strides = array<i32>} : memref<3x16x384xf32, #tpu.memory_space<vmem>>, vector<16xf32>,
        %broadcast_in_dim3A_1009 = arith.constant 9 : i32
        %broadcast_in_dim3A_1010 = vector.broadcast %broadcast_in_dim3A_1009 : i32 to vector<16xi32>
        %gather3A_1011 = tpu.vector_load_idx %arg12[%add3A_863, %broadcast_in_dim3A_1010] : memref<3456x16xf32, #tpu.memory_space<vmem>>[vector<16xi32>, vector<16xi32>], vector<16xf32>,
        %mul3A_1012 = arith.mulf %mul3A_841, %gather3A_1011 : vector<16xf32>
        %gather3A_1013 = tpu.vector_load_idx %arg12[%add3A_869, %broadcast_in_dim3A_1010] : memref<3456x16xf32, #tpu.memory_space<vmem>>[vector<16xi32>, vector<16xi32>], vector<16xf32>,
        %mul3A_1014 = arith.mulf %mul3A_849, %gather3A_1013 : vector<16xf32>
        %add3A_1015 = arith.addf %mul3A_1012, %mul3A_1014 : vector<16xf32>
        %gather3A_1016 = tpu.vector_load_idx %arg12[%add3A_875, %broadcast_in_dim3A_1010] : memref<3456x16xf32, #tpu.memory_space<vmem>>[vector<16xi32>, vector<16xi32>], vector<16xf32>,
        %mul3A_1017 = arith.mulf %mul3A_857, %gather3A_1016 : vector<16xf32>
        %add3A_1018 = arith.addf %add3A_1015, %mul3A_1017 : vector<16xf32>
        %swap3A_1019 = arith.constant 9 : i32
        %swap3A_1020 = arith.index_cast %select_n3A_804 : i32 to index
        %swap3A_1021 = arith.index_cast %swap3A_1019 : i32 to index
        %swap3A_1022 = arith.index_cast %mul3A_820 : i32 to index
        %swap3A_1023 = tpu.vector_load %arg13[%swap3A_1020, %swap3A_1021, %swap3A_1022] {strides = array<i32>} : memref<3x16x384xf32, #tpu.memory_space<vmem>>, vector<16xf32>,
        tpu.vector_store %arg13[%swap3A_1020, %swap3A_1021, %swap3A_1022], %add3A_1018 {strides = array<i32>} : memref<3x16x384xf32, #tpu.memory_space<vmem>>, vector<16xf32>,
        %broadcast_in_dim3A_1024 = arith.constant 10 : i32
        %broadcast_in_dim3A_1025 = vector.broadcast %broadcast_in_dim3A_1024 : i32 to vector<16xi32>
        %gather3A_1026 = tpu.vector_load_idx %arg12[%add3A_863, %broadcast_in_dim3A_1025] : memref<3456x16xf32, #tpu.memory_space<vmem>>[vector<16xi32>, vector<16xi32>], vector<16xf32>,
        %mul3A_1027 = arith.mulf %mul3A_841, %gather3A_1026 : vector<16xf32>
        %gather3A_1028 = tpu.vector_load_idx %arg12[%add3A_869, %broadcast_in_dim3A_1025] : memref<3456x16xf32, #tpu.memory_space<vmem>>[vector<16xi32>, vector<16xi32>], vector<16xf32>,
        %mul3A_1029 = arith.mulf %mul3A_849, %gather3A_1028 : vector<16xf32>
        %add3A_1030 = arith.addf %mul3A_1027, %mul3A_1029 : vector<16xf32>
        %gather3A_1031 = tpu.vector_load_idx %arg12[%add3A_875, %broadcast_in_dim3A_1025] : memref<3456x16xf32, #tpu.memory_space<vmem>>[vector<16xi32>, vector<16xi32>], vector<16xf32>,
        %mul3A_1032 = arith.mulf %mul3A_857, %gather3A_1031 : vector<16xf32>
        %add3A_1033 = arith.addf %add3A_1030, %mul3A_1032 : vector<16xf32>
        %swap3A_1034 = arith.constant 10 : i32
        %swap3A_1035 = arith.index_cast %select_n3A_804 : i32 to index
        %swap3A_1036 = arith.index_cast %swap3A_1034 : i32 to index
        %swap3A_1037 = arith.index_cast %mul3A_820 : i32 to index
        %swap3A_1038 = tpu.vector_load %arg13[%swap3A_1035, %swap3A_1036, %swap3A_1037] {strides = array<i32>} : memref<3x16x384xf32, #tpu.memory_space<vmem>>, vector<16xf32>,
        tpu.vector_store %arg13[%swap3A_1035, %swap3A_1036, %swap3A_1037], %add3A_1033 {strides = array<i32>} : memref<3x16x384xf32, #tpu.memory_space<vmem>>, vector<16xf32>,
        %broadcast_in_dim3A_1039 = arith.constant 11 : i32
        %broadcast_in_dim3A_1040 = vector.broadcast %broadcast_in_dim3A_1039 : i32 to vector<16xi32>
        %gather3A_1041 = tpu.vector_load_idx %arg12[%add3A_863, %broadcast_in_dim3A_1040] : memref<3456x16xf32, #tpu.memory_space<vmem>>[vector<16xi32>, vector<16xi32>], vector<16xf32>,
        %mul3A_1042 = arith.mulf %mul3A_841, %gather3A_1041 : vector<16xf32>
        %gather3A_1043 = tpu.vector_load_idx %arg12[%add3A_869, %broadcast_in_dim3A_1040] : memref<3456x16xf32, #tpu.memory_space<vmem>>[vector<16xi32>, vector<16xi32>], vector<16xf32>,
        %mul3A_1044 = arith.mulf %mul3A_849, %gather3A_1043 : vector<16xf32>
        %add3A_1045 = arith.addf %mul3A_1042, %mul3A_1044 : vector<16xf32>
        %gather3A_1046 = tpu.vector_load_idx %arg12[%add3A_875, %broadcast_in_dim3A_1040] : memref<3456x16xf32, #tpu.memory_space<vmem>>[vector<16xi32>, vector<16xi32>], vector<16xf32>,
        %mul3A_1047 = arith.mulf %mul3A_857, %gather3A_1046 : vector<16xf32>
        %add3A_1048 = arith.addf %add3A_1045, %mul3A_1047 : vector<16xf32>
        %swap3A_1049 = arith.constant 11 : i32
        %swap3A_1050 = arith.index_cast %select_n3A_804 : i32 to index
        %swap3A_1051 = arith.index_cast %swap3A_1049 : i32 to index
        %swap3A_1052 = arith.index_cast %mul3A_820 : i32 to index
        %swap3A_1053 = tpu.vector_load %arg13[%swap3A_1050, %swap3A_1051, %swap3A_1052] {strides = array<i32>} : memref<3x16x384xf32, #tpu.memory_space<vmem>>, vector<16xf32>,
        tpu.vector_store %arg13[%swap3A_1050, %swap3A_1051, %swap3A_1052], %add3A_1048 {strides = array<i32>} : memref<3x16x384xf32, #tpu.memory_space<vmem>>, vector<16xf32>,
        %broadcast_in_dim3A_1054 = arith.constant 12 : i32
        %broadcast_in_dim3A_1055 = vector.broadcast %broadcast_in_dim3A_1054 : i32 to vector<16xi32>
        %gather3A_1056 = tpu.vector_load_idx %arg12[%add3A_863, %broadcast_in_dim3A_1055] : memref<3456x16xf32, #tpu.memory_space<vmem>>[vector<16xi32>, vector<16xi32>], vector<16xf32>,
        %mul3A_1057 = arith.mulf %mul3A_841, %gather3A_1056 : vector<16xf32>
        %gather3A_1058 = tpu.vector_load_idx %arg12[%add3A_869, %broadcast_in_dim3A_1055] : memref<3456x16xf32, #tpu.memory_space<vmem>>[vector<16xi32>, vector<16xi32>], vector<16xf32>,
        %mul3A_1059 = arith.mulf %mul3A_849, %gather3A_1058 : vector<16xf32>
        %add3A_1060 = arith.addf %mul3A_1057, %mul3A_1059 : vector<16xf32>
        %gather3A_1061 = tpu.vector_load_idx %arg12[%add3A_875, %broadcast_in_dim3A_1055] : memref<3456x16xf32, #tpu.memory_space<vmem>>[vector<16xi32>, vector<16xi32>], vector<16xf32>,
        %mul3A_1062 = arith.mulf %mul3A_857, %gather3A_1061 : vector<16xf32>
        %add3A_1063 = arith.addf %add3A_1060, %mul3A_1062 : vector<16xf32>
        %swap3A_1064 = arith.constant 12 : i32
        %swap3A_1065 = arith.index_cast %select_n3A_804 : i32 to index
        %swap3A_1066 = arith.index_cast %swap3A_1064 : i32 to index
        %swap3A_1067 = arith.index_cast %mul3A_820 : i32 to index
        %swap3A_1068 = tpu.vector_load %arg13[%swap3A_1065, %swap3A_1066, %swap3A_1067] {strides = array<i32>} : memref<3x16x384xf32, #tpu.memory_space<vmem>>, vector<16xf32>,
        tpu.vector_store %arg13[%swap3A_1065, %swap3A_1066, %swap3A_1067], %add3A_1063 {strides = array<i32>} : memref<3x16x384xf32, #tpu.memory_space<vmem>>, vector<16xf32>,
        %broadcast_in_dim3A_1069 = arith.constant 13 : i32
        %broadcast_in_dim3A_1070 = vector.broadcast %broadcast_in_dim3A_1069 : i32 to vector<16xi32>
        %gather3A_1071 = tpu.vector_load_idx %arg12[%add3A_863, %broadcast_in_dim3A_1070] : memref<3456x16xf32, #tpu.memory_space<vmem>>[vector<16xi32>, vector<16xi32>], vector<16xf32>,
        %mul3A_1072 = arith.mulf %mul3A_841, %gather3A_1071 : vector<16xf32>
        %gather3A_1073 = tpu.vector_load_idx %arg12[%add3A_869, %broadcast_in_dim3A_1070] : memref<3456x16xf32, #tpu.memory_space<vmem>>[vector<16xi32>, vector<16xi32>], vector<16xf32>,
        %mul3A_1074 = arith.mulf %mul3A_849, %gather3A_1073 : vector<16xf32>
        %add3A_1075 = arith.addf %mul3A_1072, %mul3A_1074 : vector<16xf32>
        %gather3A_1076 = tpu.vector_load_idx %arg12[%add3A_875, %broadcast_in_dim3A_1070] : memref<3456x16xf32, #tpu.memory_space<vmem>>[vector<16xi32>, vector<16xi32>], vector<16xf32>,
        %mul3A_1077 = arith.mulf %mul3A_857, %gather3A_1076 : vector<16xf32>
        %add3A_1078 = arith.addf %add3A_1075, %mul3A_1077 : vector<16xf32>
        %swap3A_1079 = arith.constant 13 : i32
        %swap3A_1080 = arith.index_cast %select_n3A_804 : i32 to index
        %swap3A_1081 = arith.index_cast %swap3A_1079 : i32 to index
        %swap3A_1082 = arith.index_cast %mul3A_820 : i32 to index
        %swap3A_1083 = tpu.vector_load %arg13[%swap3A_1080, %swap3A_1081, %swap3A_1082] {strides = array<i32>} : memref<3x16x384xf32, #tpu.memory_space<vmem>>, vector<16xf32>,
        tpu.vector_store %arg13[%swap3A_1080, %swap3A_1081, %swap3A_1082], %add3A_1078 {strides = array<i32>} : memref<3x16x384xf32, #tpu.memory_space<vmem>>, vector<16xf32>,
        %broadcast_in_dim3A_1084 = arith.constant 14 : i32
        %broadcast_in_dim3A_1085 = vector.broadcast %broadcast_in_dim3A_1084 : i32 to vector<16xi32>
        %gather3A_1086 = tpu.vector_load_idx %arg12[%add3A_863, %broadcast_in_dim3A_1085] : memref<3456x16xf32, #tpu.memory_space<vmem>>[vector<16xi32>, vector<16xi32>], vector<16xf32>,
        %mul3A_1087 = arith.mulf %mul3A_841, %gather3A_1086 : vector<16xf32>
        %gather3A_1088 = tpu.vector_load_idx %arg12[%add3A_869, %broadcast_in_dim3A_1085] : memref<3456x16xf32, #tpu.memory_space<vmem>>[vector<16xi32>, vector<16xi32>], vector<16xf32>,
        %mul3A_1089 = arith.mulf %mul3A_849, %gather3A_1088 : vector<16xf32>
        %add3A_1090 = arith.addf %mul3A_1087, %mul3A_1089 : vector<16xf32>
        %gather3A_1091 = tpu.vector_load_idx %arg12[%add3A_875, %broadcast_in_dim3A_1085] : memref<3456x16xf32, #tpu.memory_space<vmem>>[vector<16xi32>, vector<16xi32>], vector<16xf32>,
        %mul3A_1092 = arith.mulf %mul3A_857, %gather3A_1091 : vector<16xf32>
        %add3A_1093 = arith.addf %add3A_1090, %mul3A_1092 : vector<16xf32>
        %swap3A_1094 = arith.constant 14 : i32
        %swap3A_1095 = arith.index_cast %select_n3A_804 : i32 to index
        %swap3A_1096 = arith.index_cast %swap3A_1094 : i32 to index
        %swap3A_1097 = arith.index_cast %mul3A_820 : i32 to index
        %swap3A_1098 = tpu.vector_load %arg13[%swap3A_1095, %swap3A_1096, %swap3A_1097] {strides = array<i32>} : memref<3x16x384xf32, #tpu.memory_space<vmem>>, vector<16xf32>,
        tpu.vector_store %arg13[%swap3A_1095, %swap3A_1096, %swap3A_1097], %add3A_1093 {strides = array<i32>} : memref<3x16x384xf32, #tpu.memory_space<vmem>>, vector<16xf32>,
        %broadcast_in_dim3A_1099 = arith.constant 15 : i32
        %broadcast_in_dim3A_1100 = vector.broadcast %broadcast_in_dim3A_1099 : i32 to vector<16xi32>
        %gather3A_1101 = tpu.vector_load_idx %arg12[%add3A_863, %broadcast_in_dim3A_1100] : memref<3456x16xf32, #tpu.memory_space<vmem>>[vector<16xi32>, vector<16xi32>], vector<16xf32>,
        %mul3A_1102 = arith.mulf %mul3A_841, %gather3A_1101 : vector<16xf32>
        %gather3A_1103 = tpu.vector_load_idx %arg12[%add3A_869, %broadcast_in_dim3A_1100] : memref<3456x16xf32, #tpu.memory_space<vmem>>[vector<16xi32>, vector<16xi32>], vector<16xf32>,
        %mul3A_1104 = arith.mulf %mul3A_849, %gather3A_1103 : vector<16xf32>
        %add3A_1105 = arith.addf %mul3A_1102, %mul3A_1104 : vector<16xf32>
        %gather3A_1106 = tpu.vector_load_idx %arg12[%add3A_875, %broadcast_in_dim3A_1100] : memref<3456x16xf32, #tpu.memory_space<vmem>>[vector<16xi32>, vector<16xi32>], vector<16xf32>,
        %mul3A_1107 = arith.mulf %mul3A_857, %gather3A_1106 : vector<16xf32>
        %add3A_1108 = arith.addf %add3A_1105, %mul3A_1107 : vector<16xf32>
        %swap3A_1109 = arith.constant 15 : i32
        %swap3A_1110 = arith.index_cast %select_n3A_804 : i32 to index
        %swap3A_1111 = arith.index_cast %swap3A_1109 : i32 to index
        %swap3A_1112 = arith.index_cast %mul3A_820 : i32 to index
        %swap3A_1113 = tpu.vector_load %arg13[%swap3A_1110, %swap3A_1111, %swap3A_1112] {strides = array<i32>} : memref<3x16x384xf32, #tpu.memory_space<vmem>>, vector<16xf32>,
        tpu.vector_store %arg13[%swap3A_1110, %swap3A_1111, %swap3A_1112], %add3A_1108 {strides = array<i32>} : memref<3x16x384xf32, #tpu.memory_space<vmem>>, vector<16xf32>,
        %scan3A_1114 = arith.constant 1 : i32
        %scan3A_1115 = arith.addi %scan3A_780, %scan3A_1114 : i32
        %jit3A_1116 = arith.constant 24 : i32
        %div3A_1117 = arith.divsi %scan3A_1115, %jit3A_1116 : i32
        %sign3A_1118 = arith.constant 0 : i32
        %sign3A_1119 = arith.cmpi sgt, %scan3A_1115, %sign3A_1118 : i32
        %sign3A_1120 = arith.extui %sign3A_1119 : i1 to i32
        %sign3A_1121 = arith.constant 0 : i32
        %sign3A_1122 = arith.cmpi slt, %scan3A_1115, %sign3A_1121 : i32
        %sign3A_1123 = arith.extui %sign3A_1122 : i1 to i32
        %sign3A_1124 = arith.subi %sign3A_1120, %sign3A_1123 : i32
        %sign3A_1125 = arith.constant 0 : i32
        %sign3A_1126 = arith.cmpi sgt, %jit3A_1116, %sign3A_1125 : i32
        %sign3A_1127 = arith.extui %sign3A_1126 : i1 to i32
        %sign3A_1128 = arith.constant 0 : i32
        %sign3A_1129 = arith.cmpi slt, %jit3A_1116, %sign3A_1128 : i32
        %sign3A_1130 = arith.extui %sign3A_1129 : i1 to i32
        %sign3A_1131 = arith.subi %sign3A_1127, %sign3A_1130 : i32
        %ne3A_1132 = arith.cmpi ne, %sign3A_1124, %sign3A_1131 : i32
        %rem3A_1133 = arith.remsi %scan3A_1115, %jit3A_1116 : i32
        %ne3A_1134 = arith.constant 0 : i32
        %ne3A_1135 = arith.cmpi ne, %rem3A_1133, %ne3A_1134 : i32
        %and3A_1136 = arith.andi %ne3A_1132, %ne3A_1135 : i1
        %sub3A_1137 = arith.constant 1 : i32
        %sub3A_1138 = arith.subi %div3A_1117, %sub3A_1137 : i32
        %select_n3A_1139 = arith.select %and3A_1136, %sub3A_1138, %div3A_1117 : i32
        %jit3A_1140 = arith.constant 24 : i32
        %eq3A_1141 = arith.constant 0 : i32
        %eq3A_1142 = arith.cmpi eq, %jit3A_1140, %eq3A_1141 : i32
        %jit3A_1143 = arith.constant 1 : i32
        %select_n3A_1144 = arith.select %eq3A_1142, %jit3A_1143, %jit3A_1140 : i32
        %rem3A_1145 = arith.remsi %scan3A_1115, %select_n3A_1144 : i32
        %ne3A_1146 = arith.constant 0 : i32
        %ne3A_1147 = arith.cmpi ne, %rem3A_1145, %ne3A_1146 : i32
        %lt3A_1148 = arith.constant 0 : i32
        %lt3A_1149 = arith.cmpi slt, %rem3A_1145, %lt3A_1148 : i32
        %lt3A_1150 = arith.constant 0 : i32
        %lt3A_1151 = arith.cmpi slt, %select_n3A_1144, %lt3A_1150 : i32
        %ne3A_1152 = arith.xori %lt3A_1149, %lt3A_1151 : i1
        %and3A_1153 = arith.andi %ne3A_1152, %ne3A_1147 : i1
        %add3A_1154 = arith.addi %rem3A_1145, %select_n3A_1144 : i32
        %select_n3A_1155 = arith.select %and3A_1153, %add3A_1154, %rem3A_1145 : i32
        %mul3A_1156 = arith.constant 16 : i32
        %mul3A_1157 = arith.muli %select_n3A_1155, %mul3A_1156 : i32
        %mul3A_1158 = arith.constant 16 : i32
        %mul3A_1159 = arith.muli %scan3A_1115, %mul3A_1158 : i32
        %iota3A_1160 = tpu.iota {dimensions = array<i32: 0>} : vector<16xi32>
        %add3A_1161 = vector.broadcast %mul3A_1159 : i32 to vector<16xi32>
        %add3A_1162 = arith.addi %add3A_1161, %iota3A_1160 : vector<16xi32>
        %mul3A_1163 = arith.constant 16 : i32
        %mul3A_1164 = arith.muli %scan3A_1115, %mul3A_1163 : i32
        %get3A_1165 = arith.index_cast %mul3A_1164 : i32 to index
        %get3A_1166 = tpu.vector_load %arg7[%get3A_1165] {strides = array<i32>} : memref<1152xi32, #tpu.memory_space<vmem>>, vector<16xi32>,
        %ge3A_1167 = arith.constant 0 : i32
        %ge3A_1168 = vector.broadcast %ge3A_1167 : i32 to vector<16xi32>
        %ge3A_1169 = arith.cmpi sge, %get3A_1166, %ge3A_1168 : vector<16xi32>
        %jit3A_1170 = arith.constant 1.000000e+00 : f32
        %jit3A_1171 = arith.constant 0.000000e+00 : f32
        %broadcast_in_dim3A_1172 = vector.broadcast %jit3A_1170 : f32 to vector<16xf32>
        %broadcast_in_dim3A_1173 = vector.broadcast %jit3A_1171 : f32 to vector<16xf32>
        %select_n3A_1174 = arith.select %ge3A_1169, %broadcast_in_dim3A_1172, %broadcast_in_dim3A_1173 : vector<16xi1>, vector<16xf32>
        %get3A_1175 = arith.constant 0 : i32
        %get3A_1176 = arith.constant 0 : i32
        %get3A_1177 = arith.index_cast %select_n3A_1139 : i32 to index
        %get3A_1178 = arith.index_cast %get3A_1175 : i32 to index
        %get3A_1179 = arith.index_cast %get3A_1176 : i32 to index
        %get3A_1180 = arith.index_cast %mul3A_1157 : i32 to index
        %get3A_1181 = tpu.vector_load %arg9[%get3A_1177, %get3A_1178, %get3A_1179, %get3A_1180] {strides = array<i32>} : memref<3x3x2x384xf32, #tpu.memory_space<vmem>>, vector<16xf32>,
        %mul3A_1182 = arith.mulf %get3A_1181, %select_n3A_1174 : vector<16xf32>
        %get3A_1183 = arith.constant 1 : i32
        %get3A_1184 = arith.constant 0 : i32
        %get3A_1185 = arith.index_cast %select_n3A_1139 : i32 to index
        %get3A_1186 = arith.index_cast %get3A_1183 : i32 to index
        %get3A_1187 = arith.index_cast %get3A_1184 : i32 to index
        %get3A_1188 = arith.index_cast %mul3A_1157 : i32 to index
        %get3A_1189 = tpu.vector_load %arg9[%get3A_1185, %get3A_1186, %get3A_1187, %get3A_1188] {strides = array<i32>} : memref<3x3x2x384xf32, #tpu.memory_space<vmem>>, vector<16xf32>,
        %mul3A_1190 = arith.mulf %get3A_1189, %select_n3A_1174 : vector<16xf32>
        %get3A_1191 = arith.constant 2 : i32
        %get3A_1192 = arith.constant 0 : i32
        %get3A_1193 = arith.index_cast %select_n3A_1139 : i32 to index
        %get3A_1194 = arith.index_cast %get3A_1191 : i32 to index
        %get3A_1195 = arith.index_cast %get3A_1192 : i32 to index
        %get3A_1196 = arith.index_cast %mul3A_1157 : i32 to index
        %get3A_1197 = tpu.vector_load %arg9[%get3A_1193, %get3A_1194, %get3A_1195, %get3A_1196] {strides = array<i32>} : memref<3x3x2x384xf32, #tpu.memory_space<vmem>>, vector<16xf32>,
        %mul3A_1198 = arith.mulf %get3A_1197, %select_n3A_1174 : vector<16xf32>
        %mul3A_1199 = arith.constant 3 : i32
        %mul3A_1200 = vector.broadcast %mul3A_1199 : i32 to vector<16xi32>
        %mul3A_1201 = arith.muli %mul3A_1200, %add3A_1162 : vector<16xi32>
        %add3A_1202 = arith.constant 0 : i32
        %add3A_1203 = vector.broadcast %add3A_1202 : i32 to vector<16xi32>
        %add3A_1204 = arith.addi %mul3A_1201, %add3A_1203 : vector<16xi32>
        %mul3A_1205 = arith.constant 3 : i32
        %mul3A_1206 = vector.broadcast %mul3A_1205 : i32 to vector<16xi32>
        %mul3A_1207 = arith.muli %mul3A_1206, %add3A_1162 : vector<16xi32>
        %add3A_1208 = arith.constant 1 : i32
        %add3A_1209 = vector.broadcast %add3A_1208 : i32 to vector<16xi32>
        %add3A_1210 = arith.addi %mul3A_1207, %add3A_1209 : vector<16xi32>
        %mul3A_1211 = arith.constant 3 : i32
        %mul3A_1212 = vector.broadcast %mul3A_1211 : i32 to vector<16xi32>
        %mul3A_1213 = arith.muli %mul3A_1212, %add3A_1162 : vector<16xi32>
        %add3A_1214 = arith.constant 2 : i32
        %add3A_1215 = vector.broadcast %add3A_1214 : i32 to vector<16xi32>
        %add3A_1216 = arith.addi %mul3A_1213, %add3A_1215 : vector<16xi32>
        %broadcast_in_dim3A_1217 = arith.constant 0 : i32
        %broadcast_in_dim3A_1218 = vector.broadcast %broadcast_in_dim3A_1217 : i32 to vector<16xi32>
        %gather3A_1219 = tpu.vector_load_idx %arg12[%add3A_1204, %broadcast_in_dim3A_1218] : memref<3456x16xf32, #tpu.memory_space<vmem>>[vector<16xi32>, vector<16xi32>], vector<16xf32>,
        %mul3A_1220 = arith.mulf %mul3A_1182, %gather3A_1219 : vector<16xf32>
        %gather3A_1221 = tpu.vector_load_idx %arg12[%add3A_1210, %broadcast_in_dim3A_1218] : memref<3456x16xf32, #tpu.memory_space<vmem>>[vector<16xi32>, vector<16xi32>], vector<16xf32>,
        %mul3A_1222 = arith.mulf %mul3A_1190, %gather3A_1221 : vector<16xf32>
        %add3A_1223 = arith.addf %mul3A_1220, %mul3A_1222 : vector<16xf32>
        %gather3A_1224 = tpu.vector_load_idx %arg12[%add3A_1216, %broadcast_in_dim3A_1218] : memref<3456x16xf32, #tpu.memory_space<vmem>>[vector<16xi32>, vector<16xi32>], vector<16xf32>,
        %mul3A_1225 = arith.mulf %mul3A_1198, %gather3A_1224 : vector<16xf32>
        %add3A_1226 = arith.addf %add3A_1223, %mul3A_1225 : vector<16xf32>
        %swap3A_1227 = arith.constant 0 : i32
        %swap3A_1228 = arith.index_cast %select_n3A_1139 : i32 to index
        %swap3A_1229 = arith.index_cast %swap3A_1227 : i32 to index
        %swap3A_1230 = arith.index_cast %mul3A_1157 : i32 to index
        %swap3A_1231 = tpu.vector_load %arg13[%swap3A_1228, %swap3A_1229, %swap3A_1230] {strides = array<i32>} : memref<3x16x384xf32, #tpu.memory_space<vmem>>, vector<16xf32>,
        tpu.vector_store %arg13[%swap3A_1228, %swap3A_1229, %swap3A_1230], %add3A_1226 {strides = array<i32>} : memref<3x16x384xf32, #tpu.memory_space<vmem>>, vector<16xf32>,
        %broadcast_in_dim3A_1232 = arith.constant 1 : i32
        %broadcast_in_dim3A_1233 = vector.broadcast %broadcast_in_dim3A_1232 : i32 to vector<16xi32>
        %gather3A_1234 = tpu.vector_load_idx %arg12[%add3A_1204, %broadcast_in_dim3A_1233] : memref<3456x16xf32, #tpu.memory_space<vmem>>[vector<16xi32>, vector<16xi32>], vector<16xf32>,
        %mul3A_1235 = arith.mulf %mul3A_1182, %gather3A_1234 : vector<16xf32>
        %gather3A_1236 = tpu.vector_load_idx %arg12[%add3A_1210, %broadcast_in_dim3A_1233] : memref<3456x16xf32, #tpu.memory_space<vmem>>[vector<16xi32>, vector<16xi32>], vector<16xf32>,
        %mul3A_1237 = arith.mulf %mul3A_1190, %gather3A_1236 : vector<16xf32>
        %add3A_1238 = arith.addf %mul3A_1235, %mul3A_1237 : vector<16xf32>
        %gather3A_1239 = tpu.vector_load_idx %arg12[%add3A_1216, %broadcast_in_dim3A_1233] : memref<3456x16xf32, #tpu.memory_space<vmem>>[vector<16xi32>, vector<16xi32>], vector<16xf32>,
        %mul3A_1240 = arith.mulf %mul3A_1198, %gather3A_1239 : vector<16xf32>
        %add3A_1241 = arith.addf %add3A_1238, %mul3A_1240 : vector<16xf32>
        %swap3A_1242 = arith.constant 1 : i32
        %swap3A_1243 = arith.index_cast %select_n3A_1139 : i32 to index
        %swap3A_1244 = arith.index_cast %swap3A_1242 : i32 to index
        %swap3A_1245 = arith.index_cast %mul3A_1157 : i32 to index
        %swap3A_1246 = tpu.vector_load %arg13[%swap3A_1243, %swap3A_1244, %swap3A_1245] {strides = array<i32>} : memref<3x16x384xf32, #tpu.memory_space<vmem>>, vector<16xf32>,
        tpu.vector_store %arg13[%swap3A_1243, %swap3A_1244, %swap3A_1245], %add3A_1241 {strides = array<i32>} : memref<3x16x384xf32, #tpu.memory_space<vmem>>, vector<16xf32>,
        %broadcast_in_dim3A_1247 = arith.constant 2 : i32
        %broadcast_in_dim3A_1248 = vector.broadcast %broadcast_in_dim3A_1247 : i32 to vector<16xi32>
        %gather3A_1249 = tpu.vector_load_idx %arg12[%add3A_1204, %broadcast_in_dim3A_1248] : memref<3456x16xf32, #tpu.memory_space<vmem>>[vector<16xi32>, vector<16xi32>], vector<16xf32>,
        %mul3A_1250 = arith.mulf %mul3A_1182, %gather3A_1249 : vector<16xf32>
        %gather3A_1251 = tpu.vector_load_idx %arg12[%add3A_1210, %broadcast_in_dim3A_1248] : memref<3456x16xf32, #tpu.memory_space<vmem>>[vector<16xi32>, vector<16xi32>], vector<16xf32>,
        %mul3A_1252 = arith.mulf %mul3A_1190, %gather3A_1251 : vector<16xf32>
        %add3A_1253 = arith.addf %mul3A_1250, %mul3A_1252 : vector<16xf32>
        %gather3A_1254 = tpu.vector_load_idx %arg12[%add3A_1216, %broadcast_in_dim3A_1248] : memref<3456x16xf32, #tpu.memory_space<vmem>>[vector<16xi32>, vector<16xi32>], vector<16xf32>,
        %mul3A_1255 = arith.mulf %mul3A_1198, %gather3A_1254 : vector<16xf32>
        %add3A_1256 = arith.addf %add3A_1253, %mul3A_1255 : vector<16xf32>
        %swap3A_1257 = arith.constant 2 : i32
        %swap3A_1258 = arith.index_cast %select_n3A_1139 : i32 to index
        %swap3A_1259 = arith.index_cast %swap3A_1257 : i32 to index
        %swap3A_1260 = arith.index_cast %mul3A_1157 : i32 to index
        %swap3A_1261 = tpu.vector_load %arg13[%swap3A_1258, %swap3A_1259, %swap3A_1260] {strides = array<i32>} : memref<3x16x384xf32, #tpu.memory_space<vmem>>, vector<16xf32>,
        tpu.vector_store %arg13[%swap3A_1258, %swap3A_1259, %swap3A_1260], %add3A_1256 {strides = array<i32>} : memref<3x16x384xf32, #tpu.memory_space<vmem>>, vector<16xf32>,
        %broadcast_in_dim3A_1262 = arith.constant 3 : i32
        %broadcast_in_dim3A_1263 = vector.broadcast %broadcast_in_dim3A_1262 : i32 to vector<16xi32>
        %gather3A_1264 = tpu.vector_load_idx %arg12[%add3A_1204, %broadcast_in_dim3A_1263] : memref<3456x16xf32, #tpu.memory_space<vmem>>[vector<16xi32>, vector<16xi32>], vector<16xf32>,
        %mul3A_1265 = arith.mulf %mul3A_1182, %gather3A_1264 : vector<16xf32>
        %gather3A_1266 = tpu.vector_load_idx %arg12[%add3A_1210, %broadcast_in_dim3A_1263] : memref<3456x16xf32, #tpu.memory_space<vmem>>[vector<16xi32>, vector<16xi32>], vector<16xf32>,
        %mul3A_1267 = arith.mulf %mul3A_1190, %gather3A_1266 : vector<16xf32>
        %add3A_1268 = arith.addf %mul3A_1265, %mul3A_1267 : vector<16xf32>
        %gather3A_1269 = tpu.vector_load_idx %arg12[%add3A_1216, %broadcast_in_dim3A_1263] : memref<3456x16xf32, #tpu.memory_space<vmem>>[vector<16xi32>, vector<16xi32>], vector<16xf32>,
        %mul3A_1270 = arith.mulf %mul3A_1198, %gather3A_1269 : vector<16xf32>
        %add3A_1271 = arith.addf %add3A_1268, %mul3A_1270 : vector<16xf32>
        %swap3A_1272 = arith.constant 3 : i32
        %swap3A_1273 = arith.index_cast %select_n3A_1139 : i32 to index
        %swap3A_1274 = arith.index_cast %swap3A_1272 : i32 to index
        %swap3A_1275 = arith.index_cast %mul3A_1157 : i32 to index
        %swap3A_1276 = tpu.vector_load %arg13[%swap3A_1273, %swap3A_1274, %swap3A_1275] {strides = array<i32>} : memref<3x16x384xf32, #tpu.memory_space<vmem>>, vector<16xf32>,
        tpu.vector_store %arg13[%swap3A_1273, %swap3A_1274, %swap3A_1275], %add3A_1271 {strides = array<i32>} : memref<3x16x384xf32, #tpu.memory_space<vmem>>, vector<16xf32>,
        %broadcast_in_dim3A_1277 = arith.constant 4 : i32
        %broadcast_in_dim3A_1278 = vector.broadcast %broadcast_in_dim3A_1277 : i32 to vector<16xi32>
        %gather3A_1279 = tpu.vector_load_idx %arg12[%add3A_1204, %broadcast_in_dim3A_1278] : memref<3456x16xf32, #tpu.memory_space<vmem>>[vector<16xi32>, vector<16xi32>], vector<16xf32>,
        %mul3A_1280 = arith.mulf %mul3A_1182, %gather3A_1279 : vector<16xf32>
        %gather3A_1281 = tpu.vector_load_idx %arg12[%add3A_1210, %broadcast_in_dim3A_1278] : memref<3456x16xf32, #tpu.memory_space<vmem>>[vector<16xi32>, vector<16xi32>], vector<16xf32>,
        %mul3A_1282 = arith.mulf %mul3A_1190, %gather3A_1281 : vector<16xf32>
        %add3A_1283 = arith.addf %mul3A_1280, %mul3A_1282 : vector<16xf32>
        %gather3A_1284 = tpu.vector_load_idx %arg12[%add3A_1216, %broadcast_in_dim3A_1278] : memref<3456x16xf32, #tpu.memory_space<vmem>>[vector<16xi32>, vector<16xi32>], vector<16xf32>,
        %mul3A_1285 = arith.mulf %mul3A_1198, %gather3A_1284 : vector<16xf32>
        %add3A_1286 = arith.addf %add3A_1283, %mul3A_1285 : vector<16xf32>
        %swap3A_1287 = arith.constant 4 : i32
        %swap3A_1288 = arith.index_cast %select_n3A_1139 : i32 to index
        %swap3A_1289 = arith.index_cast %swap3A_1287 : i32 to index
        %swap3A_1290 = arith.index_cast %mul3A_1157 : i32 to index
        %swap3A_1291 = tpu.vector_load %arg13[%swap3A_1288, %swap3A_1289, %swap3A_1290] {strides = array<i32>} : memref<3x16x384xf32, #tpu.memory_space<vmem>>, vector<16xf32>,
        tpu.vector_store %arg13[%swap3A_1288, %swap3A_1289, %swap3A_1290], %add3A_1286 {strides = array<i32>} : memref<3x16x384xf32, #tpu.memory_space<vmem>>, vector<16xf32>,
        %broadcast_in_dim3A_1292 = arith.constant 5 : i32
        %broadcast_in_dim3A_1293 = vector.broadcast %broadcast_in_dim3A_1292 : i32 to vector<16xi32>
        %gather3A_1294 = tpu.vector_load_idx %arg12[%add3A_1204, %broadcast_in_dim3A_1293] : memref<3456x16xf32, #tpu.memory_space<vmem>>[vector<16xi32>, vector<16xi32>], vector<16xf32>,
        %mul3A_1295 = arith.mulf %mul3A_1182, %gather3A_1294 : vector<16xf32>
        %gather3A_1296 = tpu.vector_load_idx %arg12[%add3A_1210, %broadcast_in_dim3A_1293] : memref<3456x16xf32, #tpu.memory_space<vmem>>[vector<16xi32>, vector<16xi32>], vector<16xf32>,
        %mul3A_1297 = arith.mulf %mul3A_1190, %gather3A_1296 : vector<16xf32>
        %add3A_1298 = arith.addf %mul3A_1295, %mul3A_1297 : vector<16xf32>
        %gather3A_1299 = tpu.vector_load_idx %arg12[%add3A_1216, %broadcast_in_dim3A_1293] : memref<3456x16xf32, #tpu.memory_space<vmem>>[vector<16xi32>, vector<16xi32>], vector<16xf32>,
        %mul3A_1300 = arith.mulf %mul3A_1198, %gather3A_1299 : vector<16xf32>
        %add3A_1301 = arith.addf %add3A_1298, %mul3A_1300 : vector<16xf32>
        %swap3A_1302 = arith.constant 5 : i32
        %swap3A_1303 = arith.index_cast %select_n3A_1139 : i32 to index
        %swap3A_1304 = arith.index_cast %swap3A_1302 : i32 to index
        %swap3A_1305 = arith.index_cast %mul3A_1157 : i32 to index
        %swap3A_1306 = tpu.vector_load %arg13[%swap3A_1303, %swap3A_1304, %swap3A_1305] {strides = array<i32>} : memref<3x16x384xf32, #tpu.memory_space<vmem>>, vector<16xf32>,
        tpu.vector_store %arg13[%swap3A_1303, %swap3A_1304, %swap3A_1305], %add3A_1301 {strides = array<i32>} : memref<3x16x384xf32, #tpu.memory_space<vmem>>, vector<16xf32>,
        %broadcast_in_dim3A_1307 = arith.constant 6 : i32
        %broadcast_in_dim3A_1308 = vector.broadcast %broadcast_in_dim3A_1307 : i32 to vector<16xi32>
        %gather3A_1309 = tpu.vector_load_idx %arg12[%add3A_1204, %broadcast_in_dim3A_1308] : memref<3456x16xf32, #tpu.memory_space<vmem>>[vector<16xi32>, vector<16xi32>], vector<16xf32>,
        %mul3A_1310 = arith.mulf %mul3A_1182, %gather3A_1309 : vector<16xf32>
        %gather3A_1311 = tpu.vector_load_idx %arg12[%add3A_1210, %broadcast_in_dim3A_1308] : memref<3456x16xf32, #tpu.memory_space<vmem>>[vector<16xi32>, vector<16xi32>], vector<16xf32>,
        %mul3A_1312 = arith.mulf %mul3A_1190, %gather3A_1311 : vector<16xf32>
        %add3A_1313 = arith.addf %mul3A_1310, %mul3A_1312 : vector<16xf32>
        %gather3A_1314 = tpu.vector_load_idx %arg12[%add3A_1216, %broadcast_in_dim3A_1308] : memref<3456x16xf32, #tpu.memory_space<vmem>>[vector<16xi32>, vector<16xi32>], vector<16xf32>,
        %mul3A_1315 = arith.mulf %mul3A_1198, %gather3A_1314 : vector<16xf32>
        %add3A_1316 = arith.addf %add3A_1313, %mul3A_1315 : vector<16xf32>
        %swap3A_1317 = arith.constant 6 : i32
        %swap3A_1318 = arith.index_cast %select_n3A_1139 : i32 to index
        %swap3A_1319 = arith.index_cast %swap3A_1317 : i32 to index
        %swap3A_1320 = arith.index_cast %mul3A_1157 : i32 to index
        %swap3A_1321 = tpu.vector_load %arg13[%swap3A_1318, %swap3A_1319, %swap3A_1320] {strides = array<i32>} : memref<3x16x384xf32, #tpu.memory_space<vmem>>, vector<16xf32>,
        tpu.vector_store %arg13[%swap3A_1318, %swap3A_1319, %swap3A_1320], %add3A_1316 {strides = array<i32>} : memref<3x16x384xf32, #tpu.memory_space<vmem>>, vector<16xf32>,
        %broadcast_in_dim3A_1322 = arith.constant 7 : i32
        %broadcast_in_dim3A_1323 = vector.broadcast %broadcast_in_dim3A_1322 : i32 to vector<16xi32>
        %gather3A_1324 = tpu.vector_load_idx %arg12[%add3A_1204, %broadcast_in_dim3A_1323] : memref<3456x16xf32, #tpu.memory_space<vmem>>[vector<16xi32>, vector<16xi32>], vector<16xf32>,
        %mul3A_1325 = arith.mulf %mul3A_1182, %gather3A_1324 : vector<16xf32>
        %gather3A_1326 = tpu.vector_load_idx %arg12[%add3A_1210, %broadcast_in_dim3A_1323] : memref<3456x16xf32, #tpu.memory_space<vmem>>[vector<16xi32>, vector<16xi32>], vector<16xf32>,
        %mul3A_1327 = arith.mulf %mul3A_1190, %gather3A_1326 : vector<16xf32>
        %add3A_1328 = arith.addf %mul3A_1325, %mul3A_1327 : vector<16xf32>
        %gather3A_1329 = tpu.vector_load_idx %arg12[%add3A_1216, %broadcast_in_dim3A_1323] : memref<3456x16xf32, #tpu.memory_space<vmem>>[vector<16xi32>, vector<16xi32>], vector<16xf32>,
        %mul3A_1330 = arith.mulf %mul3A_1198, %gather3A_1329 : vector<16xf32>
        %add3A_1331 = arith.addf %add3A_1328, %mul3A_1330 : vector<16xf32>
        %swap3A_1332 = arith.constant 7 : i32
        %swap3A_1333 = arith.index_cast %select_n3A_1139 : i32 to index
        %swap3A_1334 = arith.index_cast %swap3A_1332 : i32 to index
        %swap3A_1335 = arith.index_cast %mul3A_1157 : i32 to index
        %swap3A_1336 = tpu.vector_load %arg13[%swap3A_1333, %swap3A_1334, %swap3A_1335] {strides = array<i32>} : memref<3x16x384xf32, #tpu.memory_space<vmem>>, vector<16xf32>,
        tpu.vector_store %arg13[%swap3A_1333, %swap3A_1334, %swap3A_1335], %add3A_1331 {strides = array<i32>} : memref<3x16x384xf32, #tpu.memory_space<vmem>>, vector<16xf32>,
        %broadcast_in_dim3A_1337 = arith.constant 8 : i32
        %broadcast_in_dim3A_1338 = vector.broadcast %broadcast_in_dim3A_1337 : i32 to vector<16xi32>
        %gather3A_1339 = tpu.vector_load_idx %arg12[%add3A_1204, %broadcast_in_dim3A_1338] : memref<3456x16xf32, #tpu.memory_space<vmem>>[vector<16xi32>, vector<16xi32>], vector<16xf32>,
        %mul3A_1340 = arith.mulf %mul3A_1182, %gather3A_1339 : vector<16xf32>
        %gather3A_1341 = tpu.vector_load_idx %arg12[%add3A_1210, %broadcast_in_dim3A_1338] : memref<3456x16xf32, #tpu.memory_space<vmem>>[vector<16xi32>, vector<16xi32>], vector<16xf32>,
        %mul3A_1342 = arith.mulf %mul3A_1190, %gather3A_1341 : vector<16xf32>
        %add3A_1343 = arith.addf %mul3A_1340, %mul3A_1342 : vector<16xf32>
        %gather3A_1344 = tpu.vector_load_idx %arg12[%add3A_1216, %broadcast_in_dim3A_1338] : memref<3456x16xf32, #tpu.memory_space<vmem>>[vector<16xi32>, vector<16xi32>], vector<16xf32>,
        %mul3A_1345 = arith.mulf %mul3A_1198, %gather3A_1344 : vector<16xf32>
        %add3A_1346 = arith.addf %add3A_1343, %mul3A_1345 : vector<16xf32>
        %swap3A_1347 = arith.constant 8 : i32
        %swap3A_1348 = arith.index_cast %select_n3A_1139 : i32 to index
        %swap3A_1349 = arith.index_cast %swap3A_1347 : i32 to index
        %swap3A_1350 = arith.index_cast %mul3A_1157 : i32 to index
        %swap3A_1351 = tpu.vector_load %arg13[%swap3A_1348, %swap3A_1349, %swap3A_1350] {strides = array<i32>} : memref<3x16x384xf32, #tpu.memory_space<vmem>>, vector<16xf32>,
        tpu.vector_store %arg13[%swap3A_1348, %swap3A_1349, %swap3A_1350], %add3A_1346 {strides = array<i32>} : memref<3x16x384xf32, #tpu.memory_space<vmem>>, vector<16xf32>,
        %broadcast_in_dim3A_1352 = arith.constant 9 : i32
        %broadcast_in_dim3A_1353 = vector.broadcast %broadcast_in_dim3A_1352 : i32 to vector<16xi32>
        %gather3A_1354 = tpu.vector_load_idx %arg12[%add3A_1204, %broadcast_in_dim3A_1353] : memref<3456x16xf32, #tpu.memory_space<vmem>>[vector<16xi32>, vector<16xi32>], vector<16xf32>,
        %mul3A_1355 = arith.mulf %mul3A_1182, %gather3A_1354 : vector<16xf32>
        %gather3A_1356 = tpu.vector_load_idx %arg12[%add3A_1210, %broadcast_in_dim3A_1353] : memref<3456x16xf32, #tpu.memory_space<vmem>>[vector<16xi32>, vector<16xi32>], vector<16xf32>,
        %mul3A_1357 = arith.mulf %mul3A_1190, %gather3A_1356 : vector<16xf32>
        %add3A_1358 = arith.addf %mul3A_1355, %mul3A_1357 : vector<16xf32>
        %gather3A_1359 = tpu.vector_load_idx %arg12[%add3A_1216, %broadcast_in_dim3A_1353] : memref<3456x16xf32, #tpu.memory_space<vmem>>[vector<16xi32>, vector<16xi32>], vector<16xf32>,
        %mul3A_1360 = arith.mulf %mul3A_1198, %gather3A_1359 : vector<16xf32>
        %add3A_1361 = arith.addf %add3A_1358, %mul3A_1360 : vector<16xf32>
        %swap3A_1362 = arith.constant 9 : i32
        %swap3A_1363 = arith.index_cast %select_n3A_1139 : i32 to index
        %swap3A_1364 = arith.index_cast %swap3A_1362 : i32 to index
        %swap3A_1365 = arith.index_cast %mul3A_1157 : i32 to index
        %swap3A_1366 = tpu.vector_load %arg13[%swap3A_1363, %swap3A_1364, %swap3A_1365] {strides = array<i32>} : memref<3x16x384xf32, #tpu.memory_space<vmem>>, vector<16xf32>,
        tpu.vector_store %arg13[%swap3A_1363, %swap3A_1364, %swap3A_1365], %add3A_1361 {strides = array<i32>} : memref<3x16x384xf32, #tpu.memory_space<vmem>>, vector<16xf32>,
        %broadcast_in_dim3A_1367 = arith.constant 10 : i32
        %broadcast_in_dim3A_1368 = vector.broadcast %broadcast_in_dim3A_1367 : i32 to vector<16xi32>
        %gather3A_1369 = tpu.vector_load_idx %arg12[%add3A_1204, %broadcast_in_dim3A_1368] : memref<3456x16xf32, #tpu.memory_space<vmem>>[vector<16xi32>, vector<16xi32>], vector<16xf32>,
        %mul3A_1370 = arith.mulf %mul3A_1182, %gather3A_1369 : vector<16xf32>
        %gather3A_1371 = tpu.vector_load_idx %arg12[%add3A_1210, %broadcast_in_dim3A_1368] : memref<3456x16xf32, #tpu.memory_space<vmem>>[vector<16xi32>, vector<16xi32>], vector<16xf32>,
        %mul3A_1372 = arith.mulf %mul3A_1190, %gather3A_1371 : vector<16xf32>
        %add3A_1373 = arith.addf %mul3A_1370, %mul3A_1372 : vector<16xf32>
        %gather3A_1374 = tpu.vector_load_idx %arg12[%add3A_1216, %broadcast_in_dim3A_1368] : memref<3456x16xf32, #tpu.memory_space<vmem>>[vector<16xi32>, vector<16xi32>], vector<16xf32>,
        %mul3A_1375 = arith.mulf %mul3A_1198, %gather3A_1374 : vector<16xf32>
        %add3A_1376 = arith.addf %add3A_1373, %mul3A_1375 : vector<16xf32>
        %swap3A_1377 = arith.constant 10 : i32
        %swap3A_1378 = arith.index_cast %select_n3A_1139 : i32 to index
        %swap3A_1379 = arith.index_cast %swap3A_1377 : i32 to index
        %swap3A_1380 = arith.index_cast %mul3A_1157 : i32 to index
        %swap3A_1381 = tpu.vector_load %arg13[%swap3A_1378, %swap3A_1379, %swap3A_1380] {strides = array<i32>} : memref<3x16x384xf32, #tpu.memory_space<vmem>>, vector<16xf32>,
        tpu.vector_store %arg13[%swap3A_1378, %swap3A_1379, %swap3A_1380], %add3A_1376 {strides = array<i32>} : memref<3x16x384xf32, #tpu.memory_space<vmem>>, vector<16xf32>,
        %broadcast_in_dim3A_1382 = arith.constant 11 : i32
        %broadcast_in_dim3A_1383 = vector.broadcast %broadcast_in_dim3A_1382 : i32 to vector<16xi32>
        %gather3A_1384 = tpu.vector_load_idx %arg12[%add3A_1204, %broadcast_in_dim3A_1383] : memref<3456x16xf32, #tpu.memory_space<vmem>>[vector<16xi32>, vector<16xi32>], vector<16xf32>,
        %mul3A_1385 = arith.mulf %mul3A_1182, %gather3A_1384 : vector<16xf32>
        %gather3A_1386 = tpu.vector_load_idx %arg12[%add3A_1210, %broadcast_in_dim3A_1383] : memref<3456x16xf32, #tpu.memory_space<vmem>>[vector<16xi32>, vector<16xi32>], vector<16xf32>,
        %mul3A_1387 = arith.mulf %mul3A_1190, %gather3A_1386 : vector<16xf32>
        %add3A_1388 = arith.addf %mul3A_1385, %mul3A_1387 : vector<16xf32>
        %gather3A_1389 = tpu.vector_load_idx %arg12[%add3A_1216, %broadcast_in_dim3A_1383] : memref<3456x16xf32, #tpu.memory_space<vmem>>[vector<16xi32>, vector<16xi32>], vector<16xf32>,
        %mul3A_1390 = arith.mulf %mul3A_1198, %gather3A_1389 : vector<16xf32>
        %add3A_1391 = arith.addf %add3A_1388, %mul3A_1390 : vector<16xf32>
        %swap3A_1392 = arith.constant 11 : i32
        %swap3A_1393 = arith.index_cast %select_n3A_1139 : i32 to index
        %swap3A_1394 = arith.index_cast %swap3A_1392 : i32 to index
        %swap3A_1395 = arith.index_cast %mul3A_1157 : i32 to index
        %swap3A_1396 = tpu.vector_load %arg13[%swap3A_1393, %swap3A_1394, %swap3A_1395] {strides = array<i32>} : memref<3x16x384xf32, #tpu.memory_space<vmem>>, vector<16xf32>,
        tpu.vector_store %arg13[%swap3A_1393, %swap3A_1394, %swap3A_1395], %add3A_1391 {strides = array<i32>} : memref<3x16x384xf32, #tpu.memory_space<vmem>>, vector<16xf32>,
        %broadcast_in_dim3A_1397 = arith.constant 12 : i32
        %broadcast_in_dim3A_1398 = vector.broadcast %broadcast_in_dim3A_1397 : i32 to vector<16xi32>
        %gather3A_1399 = tpu.vector_load_idx %arg12[%add3A_1204, %broadcast_in_dim3A_1398] : memref<3456x16xf32, #tpu.memory_space<vmem>>[vector<16xi32>, vector<16xi32>], vector<16xf32>,
        %mul3A_1400 = arith.mulf %mul3A_1182, %gather3A_1399 : vector<16xf32>
        %gather3A_1401 = tpu.vector_load_idx %arg12[%add3A_1210, %broadcast_in_dim3A_1398] : memref<3456x16xf32, #tpu.memory_space<vmem>>[vector<16xi32>, vector<16xi32>], vector<16xf32>,
        %mul3A_1402 = arith.mulf %mul3A_1190, %gather3A_1401 : vector<16xf32>
        %add3A_1403 = arith.addf %mul3A_1400, %mul3A_1402 : vector<16xf32>
        %gather3A_1404 = tpu.vector_load_idx %arg12[%add3A_1216, %broadcast_in_dim3A_1398] : memref<3456x16xf32, #tpu.memory_space<vmem>>[vector<16xi32>, vector<16xi32>], vector<16xf32>,
        %mul3A_1405 = arith.mulf %mul3A_1198, %gather3A_1404 : vector<16xf32>
        %add3A_1406 = arith.addf %add3A_1403, %mul3A_1405 : vector<16xf32>
        %swap3A_1407 = arith.constant 12 : i32
        %swap3A_1408 = arith.index_cast %select_n3A_1139 : i32 to index
        %swap3A_1409 = arith.index_cast %swap3A_1407 : i32 to index
        %swap3A_1410 = arith.index_cast %mul3A_1157 : i32 to index
        %swap3A_1411 = tpu.vector_load %arg13[%swap3A_1408, %swap3A_1409, %swap3A_1410] {strides = array<i32>} : memref<3x16x384xf32, #tpu.memory_space<vmem>>, vector<16xf32>,
        tpu.vector_store %arg13[%swap3A_1408, %swap3A_1409, %swap3A_1410], %add3A_1406 {strides = array<i32>} : memref<3x16x384xf32, #tpu.memory_space<vmem>>, vector<16xf32>,
        %broadcast_in_dim3A_1412 = arith.constant 13 : i32
        %broadcast_in_dim3A_1413 = vector.broadcast %broadcast_in_dim3A_1412 : i32 to vector<16xi32>
        %gather3A_1414 = tpu.vector_load_idx %arg12[%add3A_1204, %broadcast_in_dim3A_1413] : memref<3456x16xf32, #tpu.memory_space<vmem>>[vector<16xi32>, vector<16xi32>], vector<16xf32>,
        %mul3A_1415 = arith.mulf %mul3A_1182, %gather3A_1414 : vector<16xf32>
        %gather3A_1416 = tpu.vector_load_idx %arg12[%add3A_1210, %broadcast_in_dim3A_1413] : memref<3456x16xf32, #tpu.memory_space<vmem>>[vector<16xi32>, vector<16xi32>], vector<16xf32>,
        %mul3A_1417 = arith.mulf %mul3A_1190, %gather3A_1416 : vector<16xf32>
        %add3A_1418 = arith.addf %mul3A_1415, %mul3A_1417 : vector<16xf32>
        %gather3A_1419 = tpu.vector_load_idx %arg12[%add3A_1216, %broadcast_in_dim3A_1413] : memref<3456x16xf32, #tpu.memory_space<vmem>>[vector<16xi32>, vector<16xi32>], vector<16xf32>,
        %mul3A_1420 = arith.mulf %mul3A_1198, %gather3A_1419 : vector<16xf32>
        %add3A_1421 = arith.addf %add3A_1418, %mul3A_1420 : vector<16xf32>
        %swap3A_1422 = arith.constant 13 : i32
        %swap3A_1423 = arith.index_cast %select_n3A_1139 : i32 to index
        %swap3A_1424 = arith.index_cast %swap3A_1422 : i32 to index
        %swap3A_1425 = arith.index_cast %mul3A_1157 : i32 to index
        %swap3A_1426 = tpu.vector_load %arg13[%swap3A_1423, %swap3A_1424, %swap3A_1425] {strides = array<i32>} : memref<3x16x384xf32, #tpu.memory_space<vmem>>, vector<16xf32>,
        tpu.vector_store %arg13[%swap3A_1423, %swap3A_1424, %swap3A_1425], %add3A_1421 {strides = array<i32>} : memref<3x16x384xf32, #tpu.memory_space<vmem>>, vector<16xf32>,
        %broadcast_in_dim3A_1427 = arith.constant 14 : i32
        %broadcast_in_dim3A_1428 = vector.broadcast %broadcast_in_dim3A_1427 : i32 to vector<16xi32>
        %gather3A_1429 = tpu.vector_load_idx %arg12[%add3A_1204, %broadcast_in_dim3A_1428] : memref<3456x16xf32, #tpu.memory_space<vmem>>[vector<16xi32>, vector<16xi32>], vector<16xf32>,
        %mul3A_1430 = arith.mulf %mul3A_1182, %gather3A_1429 : vector<16xf32>
        %gather3A_1431 = tpu.vector_load_idx %arg12[%add3A_1210, %broadcast_in_dim3A_1428] : memref<3456x16xf32, #tpu.memory_space<vmem>>[vector<16xi32>, vector<16xi32>], vector<16xf32>,
        %mul3A_1432 = arith.mulf %mul3A_1190, %gather3A_1431 : vector<16xf32>
        %add3A_1433 = arith.addf %mul3A_1430, %mul3A_1432 : vector<16xf32>
        %gather3A_1434 = tpu.vector_load_idx %arg12[%add3A_1216, %broadcast_in_dim3A_1428] : memref<3456x16xf32, #tpu.memory_space<vmem>>[vector<16xi32>, vector<16xi32>], vector<16xf32>,
        %mul3A_1435 = arith.mulf %mul3A_1198, %gather3A_1434 : vector<16xf32>
        %add3A_1436 = arith.addf %add3A_1433, %mul3A_1435 : vector<16xf32>
        %swap3A_1437 = arith.constant 14 : i32
        %swap3A_1438 = arith.index_cast %select_n3A_1139 : i32 to index
        %swap3A_1439 = arith.index_cast %swap3A_1437 : i32 to index
        %swap3A_1440 = arith.index_cast %mul3A_1157 : i32 to index
        %swap3A_1441 = tpu.vector_load %arg13[%swap3A_1438, %swap3A_1439, %swap3A_1440] {strides = array<i32>} : memref<3x16x384xf32, #tpu.memory_space<vmem>>, vector<16xf32>,
        tpu.vector_store %arg13[%swap3A_1438, %swap3A_1439, %swap3A_1440], %add3A_1436 {strides = array<i32>} : memref<3x16x384xf32, #tpu.memory_space<vmem>>, vector<16xf32>,
        %broadcast_in_dim3A_1442 = arith.constant 15 : i32
        %broadcast_in_dim3A_1443 = vector.broadcast %broadcast_in_dim3A_1442 : i32 to vector<16xi32>
        %gather3A_1444 = tpu.vector_load_idx %arg12[%add3A_1204, %broadcast_in_dim3A_1443] : memref<3456x16xf32, #tpu.memory_space<vmem>>[vector<16xi32>, vector<16xi32>], vector<16xf32>,
        %mul3A_1445 = arith.mulf %mul3A_1182, %gather3A_1444 : vector<16xf32>
        %gather3A_1446 = tpu.vector_load_idx %arg12[%add3A_1210, %broadcast_in_dim3A_1443] : memref<3456x16xf32, #tpu.memory_space<vmem>>[vector<16xi32>, vector<16xi32>], vector<16xf32>,
        %mul3A_1447 = arith.mulf %mul3A_1190, %gather3A_1446 : vector<16xf32>
        %add3A_1448 = arith.addf %mul3A_1445, %mul3A_1447 : vector<16xf32>
        %gather3A_1449 = tpu.vector_load_idx %arg12[%add3A_1216, %broadcast_in_dim3A_1443] : memref<3456x16xf32, #tpu.memory_space<vmem>>[vector<16xi32>, vector<16xi32>], vector<16xf32>,
        %mul3A_1450 = arith.mulf %mul3A_1198, %gather3A_1449 : vector<16xf32>
        %add3A_1451 = arith.addf %add3A_1448, %mul3A_1450 : vector<16xf32>
        %swap3A_1452 = arith.constant 15 : i32
        %swap3A_1453 = arith.index_cast %select_n3A_1139 : i32 to index
        %swap3A_1454 = arith.index_cast %swap3A_1452 : i32 to index
        %swap3A_1455 = arith.index_cast %mul3A_1157 : i32 to index
        %swap3A_1456 = tpu.vector_load %arg13[%swap3A_1453, %swap3A_1454, %swap3A_1455] {strides = array<i32>} : memref<3x16x384xf32, #tpu.memory_space<vmem>>, vector<16xf32>,
        tpu.vector_store %arg13[%swap3A_1453, %swap3A_1454, %swap3A_1455], %add3A_1451 {strides = array<i32>} : memref<3x16x384xf32, #tpu.memory_space<vmem>>, vector<16xf32>,
      }
      %scan3A_779 = arith.constant 24 : i32
      "tpu.region"() ({
        %run_scoped3A = tpu.sem_alloc : memref<!tpu.dma_semaphore, #tpu.memory_space<semaphore_mem>>
        %dma_start3A_780 = arith.constant 0 : i32
        %dma_start3A_781 = arith.constant 0 : i32
        %dma_start3A_782 = tpu.memref_slice %arg6[%select_n3A, %dma_start3A_780, %dma_start3A_781] : memref<768x16x384xf32, #tpu.memory_space<hbm>> -> memref<3x16x384xf32, #tpu.memory_space<hbm>>
        %dma_start3A_783 = arith.constant 0 : i32
        %dma_start3A_784 = arith.constant 0 : i32
        %dma_start3A_785 = tpu.memref_slice %arg6[%select_n3A, %dma_start3A_783, %dma_start3A_784] : memref<768x16x384xf32, #tpu.memory_space<hbm>> -> memref<3x16x384xf32, #tpu.memory_space<hbm>>
        tpu.enqueue_dma source(%arg13 : memref<3x16x384xf32, #tpu.memory_space<vmem>>) target(%dma_start3A_785 : memref<3x16x384xf32, #tpu.memory_space<hbm>>) target_semaphore(%run_scoped3A : memref<!tpu.dma_semaphore, #tpu.memory_space<semaphore_mem>>)
        %dma_wait3A_786 = arith.constant 0 : i32
        %dma_wait3A_787 = arith.constant 0 : i32
        %dma_wait3A_788 = tpu.memref_slice %arg6[%select_n3A, %dma_wait3A_786, %dma_wait3A_787] : memref<768x16x384xf32, #tpu.memory_space<hbm>> -> memref<3x16x384xf32, #tpu.memory_space<hbm>>
        %dma_wait3A_789 = arith.constant 0 : i32
        %dma_wait3A_790 = arith.constant 0 : i32
        %dma_wait3A_791 = tpu.memref_slice %arg6[%select_n3A, %dma_wait3A_789, %dma_wait3A_790] : memref<768x16x384xf32, #tpu.memory_space<hbm>> -> memref<3x16x384xf32, #tpu.memory_space<hbm>>
        tpu.wait_dma2 semaphore(%run_scoped3A : memref<!tpu.dma_semaphore, #tpu.memory_space<semaphore_mem>>) src(%arg13 : memref<3x16x384xf32, #tpu.memory_space<vmem>>) dst(%dma_wait3A_791 : memref<3x16x384xf32, #tpu.memory_space<hbm>>)
        tpu.yield
      }) : () -> ()
    }
    %scan3A_6 = arith.constant 8 : i32
    return
  }
}

</mosaic_0001>

<sc_bundles>
// kernel: kernel.3.cloned.1.call-start
scs
__scs_entry_jumppad:
0x0: {  	(pc) =	sbr.rel $0x88, $3  }
0x1: {  	(tag) =	ssettag $0x0;
	lr =	simm.s32 $0x1  }
0x2: {  	[smem:$0x3F9D] =	sst lr;
	_ =	strace $0xD0000000  }
0x3: {  	_ = 	snop  }
0x4: {  	_ = 	snop  }
0x5: {  	_ = 	snop  }
0x6: {  	_ = 	snop  }
0x7: {  	_ = 	snop  }
__scs_overlays_trampoline_lowered:
0x8: {  	[smem:$0x3FAC] =	sst s0  }
0x9: {  	[smem:$0x3FAD] =	sst s1  }
0xa: {  	[smem:$0x3FAE] =	sst s2  }
0xb: {  	[smem:$0x3FAF] =	sst s3  }
0xc: {  	[smem:$0x3FB0] =	sst s4  }
0xd: {  	[smem:$0x3FB1] =	sst s5  }
0xe: {  	[smem:$0x3FB2] =	sst s6  }
0xf: {  	[smem:$0x3FB3] =	sst s7  }
0x10: {  	[smem:$0x3FB4] =	sst s8  }
0x11: {  	[smem:$0x3FB5] =	sst s9;
	s0 =	simm.s32 @!p0 $0x0  }
0x12: {  	s1 =	sld [smem:$0x3F9B];
	s0 =	simm.s32 @p0 $0x1  }
0x13: {  	[smem:$0x3FB6] =	sst s0;
	s0 =	simm.s32 @!p1 $0x0  }
0x14: {  	s2 =	sld [smem:$0x3F9A];
	s0 =	simm.s32 @p1 $0x1  }
0x15: {  	[smem:$0x3FB7] =	sst s0;
	s0 =	simm.s32 @!p2 $0x0  }
0x16: {  	s3 =	sld [smem:$0x3FDB];
	s0 =	simm.s32 @p2 $0x1  }
0x17: {  	s4 =	simm.s32 $0x1BF5;
	[smem:$0x3FB9] =	sst s0  }
0x18: {  	s0 =	sld [smem:$0x3F9C];
	_ =	swait.ge [sflag:s4], $0x0  }
0x19: {  	s7 =	sld [smem:$0x3F9D]  }
0x1a: {  	s8 =	sadd.s32 $0xFFFFE003, lr  }
0x1b: {  	s9 =	sadd.s32 $0xFFFFFEF7, lr;
	s5 =	simm.s32 $0xFFFFFFFF;
	p2 =	slt.u32 s8, $0xFFFFF086  }
0x1c: {  	p1 =	slt.u32 s9, $0xF7A;
	s5 =	simm.s32 @!p2 $0x0  }
0x1d: {  	s5 =	simm.s32 @p1 $0x1;
	p0 =	seq.s32 s7, s2  }
0x1e: {  	s7 =	smul.u32 @!p0 $0xF7A, s2;
	p2 =	seq.s32 @!p0 s5, $0x0  }
0x1f: {  	s9 =	smul.u32 $0xF7A, s1;
	s8 =	simm.s32 @!p0 $0x1BF5;
	p2 =	por !p2, p0  }
0x20: {  	[sflag:s8] =	ssyncset.s32 @!p0 $0xFFFFF086;
	s6 =	sadd.s32 @!p0 s3, s7;
	s7 =	simm.s32 @!p0 $0x108  }
0x21: {  	s3 =	sadd.s32 s3, s9;
	s6 =	sadd.s32 @!p0 $0x88, s6;
	s7 =	simm.s32 @p2 $0x1082  }
0x22: {  	[simem:s7], [sflag:s8] =	dma.local @!p0 [hbm:s6], $0xF7A  }
0x23: {  	s9 =	sor.u32 $0xD0000000, s2;
	s6 =	simm.s32 $0x108;
	_ =	swait.ge @!p0 [sflag:s8], $0x0  }
0x24: {  	s3 =	sadd.s32 $0x88, s3;
	s6 =	simm.s32 @!p1 $0x1082;
	[sflag:s4] =	ssyncset.s32 $0xFFFFF086  }
0x25: {  	[simem:s6], [sflag:s4] =	dma.local [hbm:s3], $0xF7A  }
0x26: {  	[smem:$0x3F9D] =	sst s1;
	(tag) =	ssettag s2;
	_ =	strace s9  }
0x27: {  	s1 =	sld [smem:$0x3FAD]  }
0x28: {  	s2 =	sld [smem:$0x3FAE]  }
0x29: {  	s4 =	sld [smem:$0x3FB0]  }
0x2a: {  	p0 =	seq.s32 s5, $0x0;
	s5 =	sld [smem:$0x3FB1]  }
0x2b: {  	s6 =	sld [smem:$0x3FB2]  }
0x2c: {  	s7 =	sld [smem:$0x3FB3]  }
0x2d: {  	s3 =	simm.s32 $0x108;
	s8 =	sld [smem:$0x3FB4]  }
0x2e: {  	s3 =	simm.s32 @!p0 $0x1082;
	s9 =	sld [smem:$0x3FB5]  }
0x2f: {  	lr =	sadd.s32 s0, s3;
	s0 =	sld [smem:$0x3FAC]  }
0x30: {  	s3 =	sld [smem:$0x3FAF]  }
0x31: {  	[smem:$0x3FB8] =	sst s10  }
0x32: {  	s10 =	sld [smem:$0x3FB6];
	_ =	sdelay $0x3  }
0x33: {  	p0 =	seq.s32 s10, $0x1;
	s10 =	sld [smem:$0x3FB8];
	_ =	sdelay $0x3  }
0x34: {  	[smem:$0x3FB8] =	sst s10  }
0x35: {  	s10 =	sld [smem:$0x3FB7];
	_ =	sdelay $0x3  }
0x36: {  	p1 =	seq.s32 s10, $0x1;
	s10 =	sld [smem:$0x3FB8];
	_ =	sdelay $0x3  }
0x37: {  	[smem:$0x3FB8] =	sst s10  }
0x38: {  	s10 =	sld [smem:$0x3FB9]  }
0x39: {  	_ = 	snop;
	(pc) =	sbr.ind lr, $3  }
0x3a: {  	_ = 	snop  }
0x3b: {  	_ = 	snop  }
0x3c: {  	p2 =	seq.s32 s10, $0x1;
	s10 =	sld [smem:$0x3FB8]  }
0x3d: {  	_ =	shalt  }
0x3e: {  	_ =	shalt  }
0x3f: {  	_ =	shalt  }
0x40: {  	_ =	shalt  }
0x41: {  	_ =	shalt  }
0x42: {  	_ =	shalt  }
0x43: {  	_ =	shalt  }
0x44: {  	_ =	shalt  }
0x45: {  	_ =	shalt  }
0x46: {  	_ =	shalt  }
0x47: {  	_ =	shalt  }
0x48: {  	_ =	shalt  }
0x49: {  	_ =	shalt  }
0x4a: {  	_ =	shalt  }
0x4b: {  	_ =	shalt  }
0x4c: {  	_ =	shalt  }
0x4d: {  	_ =	shalt  }
0x4e: {  	_ =	shalt  }
0x4f: {  	_ =	shalt  }
0x50: {  	_ =	shalt  }
0x51: {  	_ =	shalt  }
0x52: {  	_ =	shalt  }
0x53: {  	_ =	shalt  }
0x54: {  	_ =	shalt  }
0x55: {  	_ =	shalt  }
0x56: {  	_ =	shalt  }
0x57: {  	_ =	shalt  }
0x58: {  	_ =	shalt  }
0x59: {  	_ =	shalt  }
0x5a: {  	_ =	shalt  }
0x5b: {  	_ =	shalt  }
0x5c: {  	_ =	shalt  }
0x5d: {  	_ =	shalt  }
0x5e: {  	_ =	shalt  }
0x5f: {  	_ =	shalt  }
0x60: {  	_ =	shalt  }
0x61: {  	_ =	shalt  }
0x62: {  	_ =	shalt  }
0x63: {  	_ =	shalt  }
0x64: {  	_ =	shalt  }
0x65: {  	_ =	shalt  }
0x66: {  	_ =	shalt  }
0x67: {  	_ =	shalt  }
0x68: {  	_ =	shalt  }
0x69: {  	_ =	shalt  }
0x6a: {  	_ =	shalt  }
0x6b: {  	_ =	shalt  }
0x6c: {  	_ =	shalt  }
0x6d: {  	_ =	shalt  }
0x6e: {  	_ =	shalt  }
0x6f: {  	_ =	shalt  }
0x70: {  	_ =	shalt  }
0x71: {  	_ =	shalt  }
0x72: {  	_ =	shalt  }
0x73: {  	_ =	shalt  }
0x74: {  	_ =	shalt  }
0x75: {  	_ =	shalt  }
0x76: {  	_ =	shalt  }
0x77: {  	_ =	shalt  }
0x78: {  	_ =	shalt  }
0x79: {  	_ =	shalt  }
0x7a: {  	_ =	shalt  }
0x7b: {  	_ =	shalt  }
0x7c: {  	_ =	shalt  }
0x7d: {  	_ =	shalt  }
0x7e: {  	_ =	shalt  }
0x7f: {  	_ =	shalt  }
0x80: {  	_ =	shalt  }
0x81: {  	_ =	shalt  }
0x82: {  	_ =	shalt  }
0x83: {  	_ =	shalt  }
0x84: {  	_ =	shalt  }
0x85: {  	_ =	shalt  }
0x86: {  	_ =	shalt  }
0x87: {  	_ =	shalt  }
.Lfunc_end0:
.L_simem_size_0:
called_computation_lowered:
.L_overlay_start_0:
0x88: {  	s2 =	sld [smem:$0x3FD9]  }
0x89: {  	s3 =	sld [smem:$0x3FFE];
	_ =	sdelay $0x1  }
0x8a: {  	s1 =	srdreg.scid  }
0x8b: {  	s0 =	sand.u32 $0x1, s1  }
0x8c: {  	s17 =	sshll.u32 s0, $0xA;
	s2 =	sadd.s32 s3, s2  }
0x8d: {  	s2 =	sadd.s32 s2, s17  }
0x8e: {  	[smem:$0x3FC4] =	sst s2  }
0x8f: {  	_ = 	snop  }
0x90: {  	s2 =	sld [smem:$0x3FD0];
	(tm) =	ssettm $0x1  }
0x91: {  	s18 =	sld [smem:$0x3FFB];
	_ =	sdelay $0x3  }
0x92: {  	_ =	strace s18  }
0x93: {  	s3 =	sld [smem:$0x3FFC];
	_ =	sdelay $0x3  }
0x94: {  	_ =	strace s3  }
0x95: {  	s3 =	sld [smem:$0x3FFD];
	_ =	sdelay $0x3  }
0x96: {  	_ =	strace s3  }
0x97: {  	_ =	strace $0x8FFFFFFF  }
0x98: {  	s19 =	sld [smem:$0x3FDB];
	_ =	sdelay $0x1  }
0x99: {  	s4 =	simm.s32 $_scs_section_size  }
0x9a: {  	s5 =	simm.s32 $_size__tile_overlayer_lowered;
	s6 =	simm.s32 $_tile_overlayer_lowered  }
0x9b: {  	s22 =	simm.s32 $0x1BFF;
	s21 =	sshll.u32 s6, $0x1;
	s3 =	sadd.s32 s4, s19  }
0x9c: {  	s7 =	simm.s32 $0x0;
	s20 =	sshll.u32 s5, $0x1;
	s5 =	sadd.s32 s21, s3  }
0x9d: {  	[timem:s7], [sflag:s22] =	dma.local [hbm:s5], s20  }
0x9e: {  	_ =	swait.ge [sflag:s22], s20  }
0x9f: {  	s4 =	ssub.s32 $0x0, s20;
	[sflag:s22] =	ssyncset.done $0x0  }
0xa0: {  	[sflag:s22] =	ssyncadd.s32 s4;
	_ =	sdelay $0x1  }
0xa1: {  	s23 =	simm.s32 $0x1B8B  }
0xa2: {  	_ =	swait.ge [sflag:s23], $0x1  }
0xa3: {  	[sflag:s23] =	ssyncset.done $0x0  }
0xa4: {  	s25 =	simm.s32 $0x1B8E;
	s24 =	sld [smem:$0x3FFE];
	[sflag:s23] =	ssyncadd.s32 $0xFFFFFFFF  }
0xa5: {  	s26 =	simm.s32 $execute0_lowered;
	[smem:$0x3FD2] =	sst s25  }
0xa6: {  	s5 =	sshll.u32 s26, $0x1;
	_ =	strace $0x80000046;
	[dreg:$0x1] =	wrdreg $0xFFFFFFFF  }
0xa7: {  	s28 =	simm.s32 $_size_execute0_lowered;
	s3 =	sadd.s32 s3, s5;
	[dreg:$0x0] =	wrdreg $0x0  }
0xa8: {  	s5 =	sshll.u32 s28, $0x1;
	[dreg:$0x2] =	wrdreg s3  }
0xa9: {  	[dreg:$0x3] =	wrdreg s5  }
0xaa: {  	[dreg:$0x4] =	wrdreg $0xC0  }
0xab: {  	_ =	task [dreg:s7], $0x5FFFF  }
0xac: {  	[dreg:$0x1] =	wrdreg $0xFFFFFFFF  }
0xad: {  	[dreg:$0x0] =	wrdreg $0x60  }
0xae: {  	[dreg:$0x2] =	wrdreg s24  }
0xaf: {  	[dreg:$0x3] =	wrdreg s2  }
0xb0: {  	[dreg:$0x4] =	wrdreg $0x9  }
0xb1: {  	_ =	task.clear_ibuf [dreg:s7], $0x5FFFF;
	_ =	strace $0x90000046  }
0xb2: {  	s29 =	simm.s32 $0x9;
	_ =	strace $0x80000048  }
0xb3: {  	_ =	swait.ge [sflag:s29], $0x1  }
0xb4: {  	[sflag:s29] =	ssyncadd.s32 $0xFFFFFFFF  }
0xb5: {  	_ =	strace $0x90000048  }
0xb6: {  	_ =	sfence  }
0xb7: {  	s30 =	sld [smem:$0x0];
	_ =	sdelay $0x2  }
0xb8: {  	s31 =	sshll.u32 s1, $0xD;
	s1 =	sshrl.u32 s1, $0x2  }
0xb9: {  	s3 =	sand.u32 $0x4000, s31;
	s1 =	sadd.s32 s1, s30  }
0xba: {  	s0 =	sor.u32 s3, s0;
	s1 =	sshll.u32 s1, $0x11  }
0xbb: {  	s0 =	sor.u32 s1, s0  }
0xbc: {  	s0 =	sadd.s32 $0x8F2B, s0  }
0xbd: {  	[sflag:s0] =	ssyncadd.remote.s32 $0x1  }
0xbe: {  	_ =	sfence.sel $0xFFFF  }
0xbf: {  	[dreg:$0x0] =	wrdreg $0xFFFFFFFF;
	(pc) =	sbr.abs _section_cstart, $3  }
0xc0: {  	[dreg:$0x1] =	wrdreg $0xFFFFFFFF  }
0xc1: {  	_ =	task.clear_ibuf [dreg:s7], $0x2FFFF;
	_ =	strace $0x9FFFFFFF  }
0xc2: {  	(tm) =	ssettm $0x7FFFFFFF  }
0xc3: {  	_ =	shalt  }
tec
execute0_lowered:
.L_overlay_start_1:
0x0: {  	(tag) =	ssettag $0x1  }
0x1: {  	s0 =	rddreg [dreg:$0x0];
	s1 =	simm.s32 $0x0  }
0x2: {  	s28 =	srdreg.scid;
	s3 =	stileid.u32;
	s12 =	simm.s32 $0x80  }
0x3: {  	s14 =	simm.s32 $0x2400;
	[smem:$0x7FF] =	sst s1;
	s2 =	sadd.s32 $0x37600, s0  }
0x4: {  	s1 =	sand.u32 $0x1, s28;
	s29 =	sadd.s32 $0x1600, s0;
	s3 =	sshll.u32 s3, $0x1  }
0x5: {  	s6 =	sadd.s32 $0x188000, s0;
	s0 =	sadd.s32 $0x40600, s0;
	_ =	strace $0x80000047  }
0x6: {  	[dreg:$0x3] =	wrdreg s2;
	s30 =	ssub.s32 $0x2, s1;
	s1 =	sor.u32 s1, s3  }
0x7: {  	v0 =	vlaneseq.u32;
	[dreg:$0x4] =	wrdreg s29;
	s4 =	sshrl.u32 s30, $0x1;
	s1 =	smul.u32 $0x2400, s1  }
0x8: {  	s9 =	simm.s32 $0x7980;
	v1 =	vmul.u32 $0x30, v0;
	[dreg:$0x5] =	wrdreg s0;
	s31 =	ssub.s32 s30, s4  }
0x9: {  	v2 =	vimm.s32 $0x0;
	v3 =	vimm.f32 $0.0e+00;
	vm0 =	vcmask $0x300;
	s3 =	simm.s32 $0x6;
	[dreg:$0x6] =	wrdreg s1;
	s0 =	smax.u32 s31, $0x1  }
0xa: {  	v4 =	vsel vm0, $0x30, v2;
	v5 =	vadd.s32 $0x20, v1;
	v6 =	vadd.s32 $0x10, v1;
	s4 =	simm.s32 $0x7;
	s1 =	simm.s32 $0x0;
	[dreg:$0x7] =	wrdreg s0  }
.LBB2_1:
0xb: {  	[dreg:$0x8] =	wrdreg s1;
	s0 =	simm.s32 $0x0  }
.LBB2_2:
0xc: {  	s20 =	smul.u32 $0x480, s0  }
0xd: {  	s1 =	rddreg [dreg:$0x6]  }
0xe: {  	[dreg:$0x9] =	wrdreg s0;
	s0 =	sadd.s32 s1, s20  }
0xf: {  	s1 =	smulhi.u32 $0xAAAAAAAB, s0  }
0x10: {  	s21 =	rddreg [dreg:$0x3];
	s0 =	sshrl.u32 s0, $0x3  }
0x11: {  	s22 =	simm.s32 $0x0;
	s0 =	sadd.s32 s21, s0;
	s2 =	sshrl.u32 s1, $0x8  }
0x12: {  	[tilespmem:s22], [sflag:$0x7] =	stream.linear.gather [hbm4b:s0+s22], $0x480, $0x38;
	[tilespmem:$0x19980] =	vst v63  }
0x13: {  	_ =	swait.ge [sflag:s4], $0x480;
	s23 =	smul.u32 $0x120, s2  }
0x14: {  	s25 =	simm.s32 $0x900;
	[sflag:s4] =	ssyncset.done $0x0;
	s24 =	rddreg [dreg:$0x4]  }
0x15: {  	[dreg:$0xa] =	wrdreg s2;
	[sflag:s4] =	ssyncadd.s32 $0xFFFFFB80;
	s0 =	sadd.s32 s24, s23  }
0x16: {  	[tilespmem:s25], [sflag:$0x7] =	stream.linear.gather [hbm4b:s0+s22], $0x1B00, $0x38;
	[tilespmem:$0x19980] =	vst v63  }
0x17: {  	_ =	swait.ge [sflag:s4], $0x1B00  }
0x18: {  	[sflag:s4] =	ssyncset.done $0x0  }
0x19: {  	s26 =	simm.s32 $0x0;
	[sflag:s4] =	ssyncadd.s32 $0xFFFFE500  }
0x1a: {  	v7 =	vld [tilespmem:s26+$0x0];
	_ =	sdelay $0x2  }
0x1b: {  	s1 =	sand.u32 $0x1E00, s22  }
0x1c: {  	s28 =	simm.s32 $0x0;
	s1 =	sshrl.u32 s1, $0x2  }
0x1d: {  	s2 =	sand.u32 $0x40, s28;
	s1 =	sadd.s32 $0x480, s1;
	vm0 =	vgt.s32 v7, $0x0  }
0x1e: {  	s2 =	sor.u32 s2, s1;
	v7 =	vnsel vm0, $0x0, v7  }
0x1f: {  	[tilespmem:s2+$0x0] =	vst v7  }
0x20: {  	v7 =	vld [tilespmem:s26+$0x10];
	_ =	sdelay $0x3  }
0x21: {  	s29 =	simm.s32 $0x10  }
0x22: {  	s2 =	sand.u32 $0x50, s29;
	vm13 =	vgt.s32 v7, $0x0  }
0x23: {  	s2 =	sor.u32 s2, s1;
	v7 =	vnsel vm13, $0x0, v7  }
0x24: {  	[tilespmem:s2+$0x0] =	vst v7  }
0x25: {  	v7 =	vld [tilespmem:s26+$0x20];
	_ =	sdelay $0x3  }
0x26: {  	s30 =	simm.s32 $0x20  }
0x27: {  	s2 =	sand.u32 $0x60, s30;
	vm14 =	vgt.s32 v7, $0x0  }
0x28: {  	s2 =	sor.u32 s2, s1;
	v7 =	vnsel vm14, $0x0, v7  }
0x29: {  	[tilespmem:s2+$0x0] =	vst v7  }
0x2a: {  	v7 =	vld [tilespmem:s26+$0x30];
	_ =	sdelay $0x3  }
0x2b: {  	s0 =	simm.s32 $0x30  }
0x2c: {  	s31 =	sand.u32 $0x70, s0;
	vm15 =	vgt.s32 v7, $0x0  }
0x2d: {  	s4 =	sor.u32 s31, s1;
	s1 =	simm.s32 $0x100;
	s2 =	simm.s32 $0x4;
	v7 =	vnsel vm15, $0x0, v7  }
.LBB2_3:
0x2e: {  	s2 =	sadd.s32 $0x4, s2;
	s5 =	sshra.s32 s1, $0x2;
	[tilespmem:s4+$0x0] =	vst v7;
	s0 =	sadd.s32 $0x40, s0  }
0x2f: {  	p0 =	slt.u32 s2, $0x44;
	v7 =	vld [tilespmem:s5+$0x0];
	_ =	sdelay $0x2  }
0x30: {  	s4 =	sand.u32 $0x1E00, s1  }
0x31: {  	s7 =	sadd.s32 $0xFFFFFFD0, s0;
	s4 =	sshrl.u32 s4, $0x2  }
0x32: {  	s7 =	sand.u32 $0x40, s7;
	s4 =	sadd.s32 $0x480, s4;
	vm0 =	vgt.s32 v7, $0x0  }
0x33: {  	s7 =	sor.u32 s7, s4;
	v7 =	vnsel vm0, $0x0, v7  }
0x34: {  	[tilespmem:s7+$0x0] =	vst v7  }
0x35: {  	v7 =	vld [tilespmem:s5+$0x10];
	_ =	sdelay $0x3  }
0x36: {  	s7 =	sadd.s32 $0xFFFFFFE0, s0  }
0x37: {  	s7 =	sand.u32 $0x50, s7;
	vm0 =	vgt.s32 v7, $0x0  }
0x38: {  	s7 =	sor.u32 s7, s4;
	v7 =	vnsel vm0, $0x0, v7  }
0x39: {  	[tilespmem:s7+$0x0] =	vst v7  }
0x3a: {  	v7 =	vld [tilespmem:s5+$0x20];
	_ =	sdelay $0x3  }
0x3b: {  	s7 =	sadd.s32 $0xFFFFFFF0, s0  }
0x3c: {  	s7 =	sand.u32 $0x60, s7;
	vm0 =	vgt.s32 v7, $0x0  }
0x3d: {  	s7 =	sor.u32 s7, s4;
	v7 =	vnsel vm0, $0x0, v7  }
0x3e: {  	[tilespmem:s7+$0x0] =	vst v7  }
0x3f: {  	v7 =	vld [tilespmem:s5+$0x30];
	_ =	sdelay $0x1  }
.Ltmp0:
0x40: {  	(pc) =	sbr.rel @p0 .LBB2_3-.Ltmp0, $3  }
0x41: {  	_ =	sdelay $0x1  }
0x42: {  	s5 =	sand.u32 $0x70, s0;
	vm0 =	vgt.s32 v7, $0x0  }
0x43: {  	s1 =	sadd.s32 $0x100, s1;
	s4 =	sor.u32 s5, s4;
	v7 =	vnsel vm0, $0x0, v7  }
0x44: {  	s2 =	sshra.s32 s1, $0x2;
	[tilespmem:s4+$0x0] =	vst v7  }
0x45: {  	v7 =	vld [tilespmem:s2+$0x0];
	_ =	sdelay $0x2  }
0x46: {  	s0 =	sadd.s32 $0x40, s0;
	s29 =	sand.u32 $0x1E00, s1  }
0x47: {  	s30 =	sadd.s32 $0xFFFFFFD0, s0;
	s1 =	sshrl.u32 s29, $0x2  }
0x48: {  	s4 =	sand.u32 $0x40, s30;
	s1 =	sadd.s32 $0x480, s1;
	vm0 =	vgt.s32 v7, $0x0  }
0x49: {  	s4 =	sor.u32 s4, s1;
	v7 =	vnsel vm0, $0x0, v7  }
0x4a: {  	[tilespmem:s4+$0x0] =	vst v7  }
0x4b: {  	v7 =	vld [tilespmem:s2+$0x10];
	_ =	sdelay $0x3  }
0x4c: {  	s31 =	sadd.s32 $0xFFFFFFE0, s0  }
0x4d: {  	s4 =	sand.u32 $0x50, s31;
	vm12 =	vgt.s32 v7, $0x0  }
0x4e: {  	s4 =	sor.u32 s4, s1;
	v7 =	vnsel vm12, $0x0, v7  }
0x4f: {  	[tilespmem:s4+$0x0] =	vst v7  }
0x50: {  	v7 =	vld [tilespmem:s2+$0x20];
	_ =	sdelay $0x3  }
0x51: {  	s5 =	sadd.s32 $0xFFFFFFF0, s0  }
0x52: {  	s4 =	sand.u32 $0x60, s5;
	vm13 =	vgt.s32 v7, $0x0  }
0x53: {  	s4 =	sor.u32 s4, s1;
	v7 =	vnsel vm13, $0x0, v7  }
0x54: {  	[tilespmem:s4+$0x0] =	vst v7  }
0x55: {  	v7 =	vld [tilespmem:s2+$0x30];
	_ =	sdelay $0x4  }
0x56: {  	s0 =	sand.u32 $0x70, s0;
	vm14 =	vgt.s32 v7, $0x0  }
0x57: {  	s0 =	sor.u32 s0, s1;
	v7 =	vnsel vm14, $0x0, v7  }
0x58: {  	s7 =	rddreg [dreg:$0x1];
	s8 =	simm.s32 $0x480;
	[tilespmem:s0+$0x0] =	vst v7  }
0x59: {  	[tilespmem:s14], [sflag:$0x1] =	stream.indirect.gather [hbm4b:s7+s12], $0x10, s8, s12, $0xb8;
	[tilespmem:$0x19980] =	vst v63  }
0x5a: {  	s10 =	simm.s32 $0x500;
	s11 =	simm.s32 $0x2C00  }
0x5b: {  	[tilespmem:s11], [sflag:$0x1] =	stream.indirect.gather [hbm4b:s7+s12], $0x10, s10, s12, $0xb8;
	[tilespmem:$0x19980] =	vst v63  }
0x5c: {  	s13 =	simm.s32 $0x580;
	s15 =	simm.s32 $0x3400  }
0x5d: {  	[tilespmem:s15], [sflag:$0x1] =	stream.indirect.gather [hbm4b:s7+s12], $0x10, s13, s12, $0xb8;
	[tilespmem:$0x19980] =	vst v63  }
0x5e: {  	s16 =	simm.s32 $0x600;
	s17 =	simm.s32 $0x3C00  }
0x5f: {  	[tilespmem:s17], [sflag:$0x2] =	stream.indirect.gather [hbm4b:s7+s12], $0x10, s16, s12, $0xb8;
	[tilespmem:$0x19980] =	vst v63  }
0x60: {  	s18 =	simm.s32 $0x680;
	s19 =	simm.s32 $0x4400;
	s20 =	simm.s32 $0x0  }
0x61: {  	[tilespmem:s19], [sflag:$0x2] =	stream.indirect.gather [hbm4b:s7+s12], $0x10, s18, s12, $0xb8;
	[tilespmem:$0x19980] =	vst v63  }
0x62: {  	s21 =	simm.s32 $0x700;
	s22 =	simm.s32 $0x4C00;
	v7 =	vor.u32 s20, v0  }
0x63: {  	v8 =	vmulhi.u32 $0xAAAAAAAB, v7;
	[tilespmem:s22], [sflag:$0x2] =	stream.indirect.gather [hbm4b:s7+s12], $0x10, s21, s12, $0xb8;
	[tilespmem:$0x19980] =	vst v63  }
0x64: {  	s23 =	simm.s32 $0x780;
	s24 =	simm.s32 $0x5400  }
0x65: {  	v8 =	vshrl.u32 v8, $0x1;
	[tilespmem:s24], [sflag:$0x3] =	stream.indirect.gather [hbm4b:s7+s12], $0x10, s23, s12, $0xb8;
	[tilespmem:$0x19980] =	vst v63  }
0x66: {  	s25 =	simm.s32 $0x800;
	s26 =	simm.s32 $0x5C00;
	v9 =	vmul.u32 $0xFFFFFFFD, v8  }
0x67: {  	[tilespmem:s26], [sflag:$0x3] =	stream.indirect.gather [hbm4b:s7+s12], $0x10, s25, s12, $0xb8;
	[tilespmem:$0x19980] =	vst v63  }
0x68: {  	s28 =	simm.s32 $0x880;
	v10 =	vmov s20;
	s29 =	simm.s32 $0x6400;
	s30 =	simm.s32 $0x1;
	v7 =	vadd.s32 v7, v9  }
0x69: {  	vm15 =	veq.s32 v10, v0;
	vm1 =	vne.s32 v7, $0x0;
	[tilespmem:s29], [sflag:$0x3] =	stream.indirect.gather [hbm4b:s7+s12], $0x10, s28, s12, $0xb8;
	[tilespmem:$0x19980] =	vst v63  }
0x6a: {  	vm0 =	vmand vm15, vm1;
	_ =	swait.ge [sflag:s30], $0x800  }
0x6b: {  	v9 =	vsel vm0, $0xFFFFFFFF, v2;
	[sflag:s30] =	ssyncset.done $0x0  }
0x6c: {  	s5 =	simm.s32 $0x10;
	v8 =	vadd.s32 v9, v8;
	[sflag:s30] =	ssyncadd.s32 $0xFFFFF800  }
0x6d: {  	v9 =	vor.u32 s5, v0;
	v8 =	vshll.u32 v8, $0x4;
	_ =	swait.ge [sflag:s30], $0x800  }
0x6e: {  	v7 =	vor.u32 v7, v8;
	v8 =	vmulhi.u32 $0xAAAAAAAB, v9;
	[sflag:s30] =	ssyncset.done $0x0  }
0x6f: {  	[sflag:s30] =	ssyncadd.s32 $0xFFFFF800  }
0x70: {  	v8 =	vshrl.u32 v8, $0x1;
	_ =	swait.ge [sflag:s30], $0x800  }
0x71: {  	v10 =	vmul.u32 $0xFFFFFFFD, v8;
	[sflag:s30] =	ssyncset.done $0x0  }
0x72: {  	s7 =	simm.s32 $0x20;
	[sflag:s30] =	ssyncadd.s32 $0xFFFFF800  }
0x73: {  	s1 =	simm.s32 $0x0;
	v8 =	vshll.u32 v8, $0x4;
	v9 =	vadd.s32 v9, v10;
	v11 =	vor.u32 s7, v0;
	v7 =	vld.idx.msk [tilespmem:v7+s14+$0x0], $0xffff  }
0x74: {  	s31 =	sand.u32 $0x1E00, s1;
	v8 =	vor.u32 v9, v8;
	v10 =	vmulhi.u32 $0xAAAAAAAB, v11  }
0x75: {  	s2 =	sshrl.u32 s31, $0x2  }
0x76: {  	s2 =	sadd.s32 $0x6C00, s2;
	s0 =	sand.u32 $0x40, s20;
	v9 =	vshrl.u32 v10, $0x1  }
0x77: {  	s0 =	sor.u32 s0, s2;
	v10 =	vmul.u32 $0xFFFFFFFD, v9  }
0x78: {  	[tilespmem:s0+$0x0] =	vst v7  }
0x79: {  	v9 =	vshll.u32 v9, $0x4;
	s0 =	simm.s32 $0x30;
	v7 =	vadd.s32 v11, v10;
	v8 =	vld.idx.msk [tilespmem:v8+s14+$0x0], $0xffff  }
0x7a: {  	s4 =	simm.s32 $0x0;
	s8 =	simm.s32 $0x70;
	v9 =	vor.u32 v7, v9;
	v7 =	vor.u32 s0, v0  }
.LBB2_5:
0x7b: {  	s10 =	sadd.s32 $0xFFFFFFD0, s8;
	s4 =	sadd.s32 $0x4, s4;
	v10 =	vmulhi.u32 $0xAAAAAAAB, v7  }
0x7c: {  	s5 =	sand.u32 $0x50, s5;
	v11 =	vor.u32 s10, v0;
	p0 =	slt.u32 s4, $0x44  }
0x7d: {  	s5 =	sor.u32 s5, s2;
	v12 =	vmulhi.u32 $0xAAAAAAAB, v11;
	v10 =	vshrl.u32 v10, $0x1  }
0x7e: {  	[tilespmem:s5+$0x0] =	vst v8;
	v8 =	vmul.u32 $0xFFFFFFFD, v10  }
0x7f: {  	v12 =	vshrl.u32 v12, $0x1;
	v9 =	vld.idx.msk [tilespmem:v9+s14+$0x0], $0xffff  }
0x80: {  	v13 =	vmul.u32 $0xFFFFFFFD, v12;
	v7 =	vadd.s32 v7, v8;
	v8 =	vshll.u32 v10, $0x4  }
0x81: {  	v7 =	vor.u32 v7, v8  }
0x82: {  	v8 =	vmov s10;
	v10 =	vadd.s32 v11, v13  }
0x83: {  	s5 =	sand.u32 $0x60, s7;
	vm0 =	veq.s32 v8, v0;
	vm1 =	vne.s32 v10, $0x0  }
0x84: {  	s5 =	sor.u32 s5, s2;
	vm0 =	vmand vm0, vm1  }
0x85: {  	v8 =	vsel vm0, $0xFFFFFFFF, v2;
	[tilespmem:s5+$0x0] =	vst v9  }
0x86: {  	v8 =	vadd.s32 v8, v12;
	v7 =	vld.idx.msk [tilespmem:v7+s14+$0x0], $0xffff  }
0x87: {  	s5 =	sadd.s32 $0xFFFFFFE0, s8;
	v8 =	vshll.u32 v8, $0x4  }
0x88: {  	v9 =	vor.u32 s5, v0;
	v8 =	vor.u32 v10, v8  }
0x89: {  	v10 =	vmulhi.u32 $0xAAAAAAAB, v9  }
0x8a: {  	s7 =	sand.u32 $0x70, s0;
	s0 =	smov.u32 s8  }
0x8b: {  	s2 =	sor.u32 s7, s2;
	v10 =	vshrl.u32 v10, $0x1  }
0x8c: {  	v11 =	vmul.u32 $0xFFFFFFFD, v10;
	[tilespmem:s2+$0x0] =	vst v7  }
0x8d: {  	v7 =	vld.idx.msk [tilespmem:v8+s14+$0x0], $0xffff  }
0x8e: {  	s1 =	sadd.s32 $0x100, s1;
	s7 =	sadd.s32 $0xFFFFFFF0, s8;
	v8 =	vadd.s32 v9, v11;
	v9 =	vshll.u32 v10, $0x4  }
0x8f: {  	s2 =	sand.u32 $0x1E00, s1;
	v8 =	vor.u32 v8, v9;
	v9 =	vor.u32 s7, v0  }
0x90: {  	s2 =	sshrl.u32 s2, $0x2;
	v10 =	vmulhi.u32 $0xAAAAAAAB, v9  }
0x91: {  	s10 =	sand.u32 $0x40, s10;
	s2 =	sadd.s32 $0x6C00, s2  }
.Ltmp1:
0x92: {  	s10 =	sor.u32 s10, s2;
	v10 =	vshrl.u32 v10, $0x1;
	(pc) =	sbr.rel @p0 .LBB2_5-.Ltmp1, $4  }
0x93: {  	[tilespmem:s10+$0x0] =	vst v7;
	v7 =	vmul.u32 $0xFFFFFFFD, v10  }
0x94: {  	v8 =	vld.idx.msk [tilespmem:v8+s14+$0x0], $0xffff  }
0x95: {  	v7 =	vadd.s32 v9, v7;
	v9 =	vshll.u32 v10, $0x4  }
0x96: {  	s8 =	sadd.s32 $0x40, s8;
	v9 =	vor.u32 v7, v9;
	v7 =	vor.u32 s0, v0  }
0x97: {  	v10 =	vmulhi.u32 $0xAAAAAAAB, v7;
	_ =	sdelay $0x1  }
0x98: {  	s1 =	sand.u32 $0x50, s5;
	v10 =	vshrl.u32 v10, $0x1  }
0x99: {  	s1 =	sor.u32 s1, s2;
	v11 =	vmul.u32 $0xFFFFFFFD, v10  }
0x9a: {  	[tilespmem:s1+$0x0] =	vst v8  }
0x9b: {  	v8 =	vld.idx.msk [tilespmem:v9+s14+$0x0], $0xffff;
	v9 =	vshll.u32 v10, $0x4;
	v7 =	vadd.s32 v7, v11  }
0x9c: {  	v7 =	vor.u32 v7, v9;
	_ =	sdelay $0x1  }
0x9d: {  	s7 =	sand.u32 $0x60, s7  }
0x9e: {  	s1 =	sor.u32 s7, s2  }
0x9f: {  	[tilespmem:s1+$0x0] =	vst v8  }
0xa0: {  	v7 =	vld.idx.msk [tilespmem:v7+s14+$0x0], $0xffff;
	_ =	sdelay $0x2  }
0xa1: {  	s0 =	sand.u32 $0x70, s0  }
0xa2: {  	s0 =	sor.u32 s0, s2  }
0xa3: {  	s8 =	simm.s32 $0x6C00;
	[tilespmem:s0+$0x0] =	vst v7  }
0xa4: {  	[tilespmem:s9], [sflag:$0x4] =	stream.indirect.gather [hbm4b:s6+s12], $0x10, s8, s12, $0xb8;
	[tilespmem:$0x19980] =	vst v63  }
0xa5: {  	s10 =	simm.s32 $0x6C80;
	s11 =	simm.s32 $0x8180  }
0xa6: {  	[tilespmem:s11], [sflag:$0x4] =	stream.indirect.gather [hbm4b:s6+s12], $0x10, s10, s12, $0xb8;
	[tilespmem:$0x19980] =	vst v63  }
0xa7: {  	s13 =	simm.s32 $0x6D00;
	s15 =	simm.s32 $0x8980  }
0xa8: {  	[tilespmem:s15], [sflag:$0x4] =	stream.indirect.gather [hbm4b:s6+s12], $0x10, s13, s12, $0xb8;
	[tilespmem:$0x19980] =	vst v63  }
0xa9: {  	s16 =	simm.s32 $0x6D80;
	s17 =	simm.s32 $0x9180  }
0xaa: {  	[tilespmem:s17], [sflag:$0x4] =	stream.indirect.gather [hbm4b:s6+s12], $0x10, s16, s12, $0xb8;
	[tilespmem:$0x19980] =	vst v63  }
0xab: {  	s18 =	simm.s32 $0x6E00;
	s19 =	simm.s32 $0x9980  }
0xac: {  	[tilespmem:s19], [sflag:$0x4] =	stream.indirect.gather [hbm4b:s6+s12], $0x10, s18, s12, $0xb8;
	[tilespmem:$0x19980] =	vst v63  }
0xad: {  	s20 =	simm.s32 $0x6E80;
	s21 =	simm.s32 $0xA180  }
0xae: {  	[tilespmem:s21], [sflag:$0x4] =	stream.indirect.gather [hbm4b:s6+s12], $0x10, s20, s12, $0xb8;
	[tilespmem:$0x19980] =	vst v63  }
0xaf: {  	s22 =	simm.s32 $0x6F00;
	s23 =	simm.s32 $0xA980  }
0xb0: {  	[tilespmem:s23], [sflag:$0x4] =	stream.indirect.gather [hbm4b:s6+s12], $0x10, s22, s12, $0xb8;
	[tilespmem:$0x19980] =	vst v63  }
0xb1: {  	s24 =	simm.s32 $0x480;
	s25 =	simm.s32 $0x6F80;
	s26 =	simm.s32 $0xB180  }
0xb2: {  	v7 =	vor.u32 s24, v0;
	[tilespmem:s26], [sflag:$0x4] =	stream.indirect.gather [hbm4b:s6+s12], $0x10, s25, s12, $0xb8;
	[tilespmem:$0x19980] =	vst v63  }
0xb3: {  	s28 =	simm.s32 $0x7000;
	s29 =	simm.s32 $0xB980;
	s30 =	simm.s32 $0x2;
	v8 =	vmulhi.u32 $0xAAAAAAAB, v7  }
0xb4: {  	[tilespmem:s29], [sflag:$0x4] =	stream.indirect.gather [hbm4b:s6+s12], $0x10, s28, s12, $0xb8;
	[tilespmem:$0x19980] =	vst v63  }
0xb5: {  	v8 =	vshrl.u32 v8, $0x1;
	_ =	swait.ge [sflag:s30], $0x800  }
0xb6: {  	v9 =	vmul.u32 $0xFFFFFFFD, v8;
	[sflag:s30] =	ssyncset.done $0x0  }
0xb7: {  	s4 =	simm.s32 $0x490;
	[sflag:s30] =	ssyncadd.s32 $0xFFFFF800  }
0xb8: {  	v8 =	vshll.u32 v8, $0x4;
	v7 =	vadd.s32 v7, v9;
	v9 =	vor.u32 s4, v0;
	_ =	swait.ge [sflag:s30], $0x800  }
0xb9: {  	v7 =	vor.u32 v7, v8;
	v8 =	vmulhi.u32 $0xAAAAAAAB, v9;
	[sflag:s30] =	ssyncset.done $0x0  }
0xba: {  	[sflag:s30] =	ssyncadd.s32 $0xFFFFF800  }
0xbb: {  	v8 =	vshrl.u32 v8, $0x1;
	_ =	swait.ge [sflag:s30], $0x800  }
0xbc: {  	v10 =	vmul.u32 $0xFFFFFFFD, v8;
	[sflag:s30] =	ssyncset.done $0x0  }
0xbd: {  	s5 =	simm.s32 $0x4A0;
	[sflag:s30] =	ssyncadd.s32 $0xFFFFF800  }
0xbe: {  	s0 =	simm.s32 $0x1200;
	v8 =	vshll.u32 v8, $0x4;
	v9 =	vadd.s32 v9, v10;
	v10 =	vor.u32 s5, v0;
	v7 =	vld.idx.msk [tilespmem:v7+s14+$0x0], $0xffff  }
0xbf: {  	s31 =	sand.u32 $0x3E00, s0;
	v8 =	vor.u32 v9, v8;
	v9 =	vmulhi.u32 $0xAAAAAAAB, v10  }
0xc0: {  	s2 =	sshrl.u32 s31, $0x2  }
0xc1: {  	s1 =	sand.u32 $0x40, s24;
	s2 =	sadd.s32 $0x6C00, s2;
	v9 =	vshrl.u32 v9, $0x1  }
0xc2: {  	s1 =	sor.u32 s1, s2;
	v11 =	vmul.u32 $0xFFFFFFFD, v9  }
0xc3: {  	[tilespmem:s1+$0x0] =	vst v7  }
0xc4: {  	v9 =	vshll.u32 v9, $0x4;
	v7 =	vadd.s32 v10, v11;
	s1 =	simm.s32 $0x4B0;
	v8 =	vld.idx.msk [tilespmem:v8+s14+$0x0], $0xffff  }
0xc5: {  	v11 =	vor.u32 v7, v9;
	v7 =	vor.u32 s1, v0  }
0xc6: {  	v9 =	vmulhi.u32 $0xAAAAAAAB, v7  }
0xc7: {  	s4 =	sand.u32 $0x50, s4  }
0xc8: {  	s4 =	sor.u32 s4, s2;
	v9 =	vshrl.u32 v9, $0x1  }
0xc9: {  	v10 =	vmul.u32 $0xFFFFFFFD, v9;
	[tilespmem:s4+$0x0] =	vst v8  }
0xca: {  	s7 =	simm.s32 $0x4F0;
	s4 =	simm.s32 $0x48;
	v8 =	vld.idx.msk [tilespmem:v11+s14+$0x0], $0xffff  }
.LBB2_7:
0xcb: {  	s8 =	sadd.s32 $0xFFFFFFD0, s7;
	s4 =	sadd.s32 $0x4, s4;
	v7 =	vadd.s32 v7, v10;
	v9 =	vshll.u32 v9, $0x4  }
0xcc: {  	v10 =	vor.u32 s8, v0;
	p0 =	slt.u32 s4, $0x8C;
	v7 =	vor.u32 v7, v9  }
0xcd: {  	v9 =	vmulhi.u32 $0xAAAAAAAB, v10  }
0xce: {  	s5 =	sand.u32 $0x60, s5  }
0xcf: {  	s5 =	sor.u32 s5, s2;
	v9 =	vshrl.u32 v9, $0x1  }
0xd0: {  	v11 =	vmul.u32 $0xFFFFFFFD, v9;
	[tilespmem:s5+$0x0] =	vst v8  }
0xd1: {  	v7 =	vld.idx.msk [tilespmem:v7+s14+$0x0], $0xffff  }
0xd2: {  	s10 =	sadd.s32 $0xFFFFFFE0, s7;
	v9 =	vshll.u32 v9, $0x4;
	v8 =	vadd.s32 v10, v11  }
0xd3: {  	v8 =	vor.u32 v8, v9;
	v9 =	vor.u32 s10, v0  }
0xd4: {  	v10 =	vmulhi.u32 $0xAAAAAAAB, v9  }
0xd5: {  	s5 =	sand.u32 $0x70, s1;
	s1 =	smov.u32 s7  }
0xd6: {  	s2 =	sor.u32 s5, s2;
	v10 =	vshrl.u32 v10, $0x1  }
0xd7: {  	v11 =	vmul.u32 $0xFFFFFFFD, v10;
	[tilespmem:s2+$0x0] =	vst v7  }
0xd8: {  	v7 =	vld.idx.msk [tilespmem:v8+s14+$0x0], $0xffff  }
0xd9: {  	s0 =	sadd.s32 $0x100, s0;
	s5 =	sadd.s32 $0xFFFFFFF0, s7;
	v8 =	vadd.s32 v9, v11;
	v9 =	vshll.u32 v10, $0x4  }
0xda: {  	s2 =	sand.u32 $0x3E00, s0;
	v8 =	vor.u32 v8, v9;
	v9 =	vor.u32 s5, v0  }
0xdb: {  	s2 =	sshrl.u32 s2, $0x2;
	v10 =	vmulhi.u32 $0xAAAAAAAB, v9  }
0xdc: {  	s8 =	sand.u32 $0x40, s8;
	s2 =	sadd.s32 $0x6C00, s2  }
0xdd: {  	s8 =	sor.u32 s8, s2;
	v10 =	vshrl.u32 v10, $0x1  }
0xde: {  	[tilespmem:s8+$0x0] =	vst v7;
	v7 =	vmul.u32 $0xFFFFFFFD, v10  }
0xdf: {  	v8 =	vld.idx.msk [tilespmem:v8+s14+$0x0], $0xffff  }
0xe0: {  	v7 =	vadd.s32 v9, v7;
	v9 =	vshll.u32 v10, $0x4  }
0xe1: {  	v11 =	vor.u32 v7, v9;
	v7 =	vor.u32 s7, v0  }
.Ltmp2:
0xe2: {  	v9 =	vmulhi.u32 $0xAAAAAAAB, v7;
	(pc) =	sbr.rel @p0 .LBB2_7-.Ltmp2, $4  }
0xe3: {  	s8 =	sand.u32 $0x50, s10  }
0xe4: {  	s8 =	sor.u32 s8, s2;
	v9 =	vshrl.u32 v9, $0x1  }
0xe5: {  	[tilespmem:s8+$0x0] =	vst v8;
	v10 =	vmul.u32 $0xFFFFFFFD, v9  }
0xe6: {  	s7 =	sadd.s32 $0x40, s7;
	v8 =	vld.idx.msk [tilespmem:v11+s14+$0x0], $0xffff  }
0xe7: {  	v7 =	vadd.s32 v7, v10;
	v9 =	vshll.u32 v9, $0x4  }
0xe8: {  	v7 =	vor.u32 v7, v9;
	_ =	sdelay $0x1  }
0xe9: {  	s0 =	sand.u32 $0x60, s5  }
0xea: {  	s0 =	sor.u32 s0, s2  }
0xeb: {  	[tilespmem:s0+$0x0] =	vst v8  }
0xec: {  	v7 =	vld.idx.msk [tilespmem:v7+s14+$0x0], $0xffff;
	_ =	sdelay $0x2  }
0xed: {  	s5 =	sand.u32 $0x70, s1  }
0xee: {  	s0 =	sor.u32 s5, s2  }
0xef: {  	s7 =	simm.s32 $0x7080;
	s8 =	simm.s32 $0xC180;
	[tilespmem:s0+$0x0] =	vst v7  }
0xf0: {  	[tilespmem:s8], [sflag:$0x5] =	stream.indirect.gather [hbm4b:s6+s12], $0x10, s7, s12, $0xb8;
	[tilespmem:$0x19980] =	vst v63  }
0xf1: {  	s10 =	simm.s32 $0x7100;
	s11 =	simm.s32 $0xC980  }
0xf2: {  	[tilespmem:s11], [sflag:$0x5] =	stream.indirect.gather [hbm4b:s6+s12], $0x10, s10, s12, $0xb8;
	[tilespmem:$0x19980] =	vst v63  }
0xf3: {  	s13 =	simm.s32 $0x7180;
	s15 =	simm.s32 $0xD180  }
0xf4: {  	[tilespmem:s15], [sflag:$0x5] =	stream.indirect.gather [hbm4b:s6+s12], $0x10, s13, s12, $0xb8;
	[tilespmem:$0x19980] =	vst v63  }
0xf5: {  	s16 =	simm.s32 $0x7200;
	s17 =	simm.s32 $0xD980  }
0xf6: {  	[tilespmem:s17], [sflag:$0x5] =	stream.indirect.gather [hbm4b:s6+s12], $0x10, s16, s12, $0xb8;
	[tilespmem:$0x19980] =	vst v63  }
0xf7: {  	s18 =	simm.s32 $0x7280;
	s19 =	simm.s32 $0xE180  }
0xf8: {  	[tilespmem:s19], [sflag:$0x5] =	stream.indirect.gather [hbm4b:s6+s12], $0x10, s18, s12, $0xb8;
	[tilespmem:$0x19980] =	vst v63  }
0xf9: {  	s20 =	simm.s32 $0x7300;
	s21 =	simm.s32 $0xE980  }
0xfa: {  	[tilespmem:s21], [sflag:$0x5] =	stream.indirect.gather [hbm4b:s6+s12], $0x10, s20, s12, $0xb8;
	[tilespmem:$0x19980] =	vst v63  }
0xfb: {  	s22 =	simm.s32 $0x7380;
	s23 =	simm.s32 $0xF180  }
0xfc: {  	[tilespmem:s23], [sflag:$0x5] =	stream.indirect.gather [hbm4b:s6+s12], $0x10, s22, s12, $0xb8;
	[tilespmem:$0x19980] =	vst v63  }
0xfd: {  	s24 =	simm.s32 $0x900;
	s25 =	simm.s32 $0x7400;
	s26 =	simm.s32 $0xF980  }
0xfe: {  	v7 =	vor.u32 s24, v0;
	[tilespmem:s26], [sflag:$0x5] =	stream.indirect.gather [hbm4b:s6+s12], $0x10, s25, s12, $0xb8;
	[tilespmem:$0x19980] =	vst v63  }
0xff: {  	s28 =	simm.s32 $0x7480;
	s29 =	simm.s32 $0x10180;
	s30 =	simm.s32 $0x3;
	v8 =	vmulhi.u32 $0xAAAAAAAB, v7  }
0x100: {  	[tilespmem:s29], [sflag:$0x5] =	stream.indirect.gather [hbm4b:s6+s12], $0x10, s28, s12, $0xb8;
	[tilespmem:$0x19980] =	vst v63  }
0x101: {  	v8 =	vshrl.u32 v8, $0x1;
	_ =	swait.ge [sflag:s30], $0x800  }
0x102: {  	v9 =	vmul.u32 $0xFFFFFFFD, v8;
	[sflag:s30] =	ssyncset.done $0x0  }
0x103: {  	s4 =	simm.s32 $0x910;
	[sflag:s30] =	ssyncadd.s32 $0xFFFFF800  }
0x104: {  	v8 =	vshll.u32 v8, $0x4;
	v7 =	vadd.s32 v7, v9;
	v9 =	vor.u32 s4, v0;
	_ =	swait.ge [sflag:s30], $0x800  }
0x105: {  	v7 =	vor.u32 v7, v8;
	v8 =	vmulhi.u32 $0xAAAAAAAB, v9;
	[sflag:s30] =	ssyncset.done $0x0  }
0x106: {  	[sflag:s30] =	ssyncadd.s32 $0xFFFFF800  }
0x107: {  	v8 =	vshrl.u32 v8, $0x1;
	_ =	swait.ge [sflag:s30], $0x800  }
0x108: {  	v10 =	vmul.u32 $0xFFFFFFFD, v8;
	[sflag:s30] =	ssyncset.done $0x0  }
0x109: {  	s5 =	simm.s32 $0x920;
	[sflag:s30] =	ssyncadd.s32 $0xFFFFF800  }
0x10a: {  	s0 =	simm.s32 $0x2400;
	v8 =	vshll.u32 v8, $0x4;
	v9 =	vadd.s32 v9, v10;
	v10 =	vor.u32 s5, v0;
	v7 =	vld.idx.msk [tilespmem:v7+s14+$0x0], $0xffff  }
0x10b: {  	s31 =	sand.u32 $0x3E00, s0;
	v8 =	vor.u32 v9, v8;
	v9 =	vmulhi.u32 $0xAAAAAAAB, v10  }
0x10c: {  	s2 =	sshrl.u32 s31, $0x2  }
0x10d: {  	s1 =	sand.u32 $0x40, s24;
	s2 =	sadd.s32 $0x6C00, s2;
	v9 =	vshrl.u32 v9, $0x1  }
0x10e: {  	s1 =	sor.u32 s1, s2;
	v11 =	vmul.u32 $0xFFFFFFFD, v9  }
0x10f: {  	[tilespmem:s1+$0x0] =	vst v7  }
0x110: {  	v9 =	vshll.u32 v9, $0x4;
	v7 =	vadd.s32 v10, v11;
	s1 =	simm.s32 $0x930;
	v8 =	vld.idx.msk [tilespmem:v8+s14+$0x0], $0xffff  }
0x111: {  	v11 =	vor.u32 v7, v9;
	v7 =	vor.u32 s1, v0  }
0x112: {  	v9 =	vmulhi.u32 $0xAAAAAAAB, v7  }
0x113: {  	s4 =	sand.u32 $0x50, s4  }
0x114: {  	s4 =	sor.u32 s4, s2;
	v9 =	vshrl.u32 v9, $0x1  }
0x115: {  	v10 =	vmul.u32 $0xFFFFFFFD, v9;
	[tilespmem:s4+$0x0] =	vst v8  }
0x116: {  	s7 =	simm.s32 $0x970;
	s4 =	simm.s32 $0x90;
	v8 =	vld.idx.msk [tilespmem:v11+s14+$0x0], $0xffff  }
.LBB2_9:
0x117: {  	s8 =	sadd.s32 $0xFFFFFFD0, s7;
	s4 =	sadd.s32 $0x4, s4;
	v7 =	vadd.s32 v7, v10;
	v9 =	vshll.u32 v9, $0x4  }
0x118: {  	v10 =	vor.u32 s8, v0;
	p0 =	slt.u32 s4, $0xD4;
	v7 =	vor.u32 v7, v9  }
0x119: {  	v9 =	vmulhi.u32 $0xAAAAAAAB, v10  }
0x11a: {  	s5 =	sand.u32 $0x60, s5  }
0x11b: {  	s5 =	sor.u32 s5, s2;
	v9 =	vshrl.u32 v9, $0x1  }
0x11c: {  	v11 =	vmul.u32 $0xFFFFFFFD, v9;
	[tilespmem:s5+$0x0] =	vst v8  }
0x11d: {  	v7 =	vld.idx.msk [tilespmem:v7+s14+$0x0], $0xffff  }
0x11e: {  	s10 =	sadd.s32 $0xFFFFFFE0, s7;
	v9 =	vshll.u32 v9, $0x4;
	v8 =	vadd.s32 v10, v11  }
0x11f: {  	v8 =	vor.u32 v8, v9;
	v9 =	vor.u32 s10, v0  }
0x120: {  	v10 =	vmulhi.u32 $0xAAAAAAAB, v9  }
0x121: {  	s5 =	sand.u32 $0x70, s1;
	s1 =	smov.u32 s7  }
0x122: {  	s2 =	sor.u32 s5, s2;
	v10 =	vshrl.u32 v10, $0x1  }
0x123: {  	v11 =	vmul.u32 $0xFFFFFFFD, v10;
	[tilespmem:s2+$0x0] =	vst v7  }
0x124: {  	v7 =	vld.idx.msk [tilespmem:v8+s14+$0x0], $0xffff  }
0x125: {  	s0 =	sadd.s32 $0x100, s0;
	s5 =	sadd.s32 $0xFFFFFFF0, s7;
	v8 =	vadd.s32 v9, v11;
	v9 =	vshll.u32 v10, $0x4  }
0x126: {  	s2 =	sand.u32 $0x3E00, s0;
	v8 =	vor.u32 v8, v9;
	v9 =	vor.u32 s5, v0  }
0x127: {  	s2 =	sshrl.u32 s2, $0x2;
	v10 =	vmulhi.u32 $0xAAAAAAAB, v9  }
0x128: {  	s8 =	sand.u32 $0x40, s8;
	s2 =	sadd.s32 $0x6C00, s2  }
0x129: {  	s8 =	sor.u32 s8, s2;
	v10 =	vshrl.u32 v10, $0x1  }
0x12a: {  	[tilespmem:s8+$0x0] =	vst v7;
	v7 =	vmul.u32 $0xFFFFFFFD, v10  }
0x12b: {  	v8 =	vld.idx.msk [tilespmem:v8+s14+$0x0], $0xffff  }
0x12c: {  	v7 =	vadd.s32 v9, v7;
	v9 =	vshll.u32 v10, $0x4  }
0x12d: {  	v11 =	vor.u32 v7, v9;
	v7 =	vor.u32 s7, v0  }
.Ltmp3:
0x12e: {  	v9 =	vmulhi.u32 $0xAAAAAAAB, v7;
	(pc) =	sbr.rel @p0 .LBB2_9-.Ltmp3, $4  }
0x12f: {  	s8 =	sand.u32 $0x50, s10  }
0x130: {  	s8 =	sor.u32 s8, s2;
	v9 =	vshrl.u32 v9, $0x1  }
0x131: {  	[tilespmem:s8+$0x0] =	vst v8;
	v10 =	vmul.u32 $0xFFFFFFFD, v9  }
0x132: {  	s7 =	sadd.s32 $0x40, s7;
	v8 =	vld.idx.msk [tilespmem:v11+s14+$0x0], $0xffff  }
0x133: {  	v7 =	vadd.s32 v7, v10;
	v9 =	vshll.u32 v9, $0x4  }
0x134: {  	v7 =	vor.u32 v7, v9;
	_ =	sdelay $0x1  }
0x135: {  	s0 =	sand.u32 $0x60, s5  }
0x136: {  	s0 =	sor.u32 s0, s2  }
0x137: {  	[tilespmem:s0+$0x0] =	vst v8  }
0x138: {  	v7 =	vld.idx.msk [tilespmem:v7+s14+$0x0], $0xffff;
	_ =	sdelay $0x2  }
0x139: {  	s8 =	sand.u32 $0x70, s1  }
0x13a: {  	s0 =	sor.u32 s8, s2  }
0x13b: {  	s10 =	simm.s32 $0x7500;
	s11 =	simm.s32 $0x10980;
	[tilespmem:s0+$0x0] =	vst v7  }
0x13c: {  	[tilespmem:s11], [sflag:$0x6] =	stream.indirect.gather [hbm4b:s6+s12], $0x10, s10, s12, $0xb8;
	[tilespmem:$0x19980] =	vst v63  }
0x13d: {  	s13 =	simm.s32 $0x7580;
	s15 =	simm.s32 $0x11180  }
0x13e: {  	[tilespmem:s15], [sflag:$0x6] =	stream.indirect.gather [hbm4b:s6+s12], $0x10, s13, s12, $0xb8;
	[tilespmem:$0x19980] =	vst v63  }
0x13f: {  	s16 =	simm.s32 $0x7600;
	s17 =	simm.s32 $0x11980  }
0x140: {  	[tilespmem:s17], [sflag:$0x6] =	stream.indirect.gather [hbm4b:s6+s12], $0x10, s16, s12, $0xb8;
	[tilespmem:$0x19980] =	vst v63  }
0x141: {  	s18 =	simm.s32 $0x7680;
	s19 =	simm.s32 $0x12180  }
0x142: {  	[tilespmem:s19], [sflag:$0x6] =	stream.indirect.gather [hbm4b:s6+s12], $0x10, s18, s12, $0xb8;
	[tilespmem:$0x19980] =	vst v63  }
0x143: {  	s20 =	simm.s32 $0x7700;
	s21 =	simm.s32 $0x12980  }
0x144: {  	[tilespmem:s21], [sflag:$0x6] =	stream.indirect.gather [hbm4b:s6+s12], $0x10, s20, s12, $0xb8;
	[tilespmem:$0x19980] =	vst v63  }
0x145: {  	s22 =	simm.s32 $0x7780;
	s23 =	simm.s32 $0x13180  }
0x146: {  	[tilespmem:s23], [sflag:$0x6] =	stream.indirect.gather [hbm4b:s6+s12], $0x10, s22, s12, $0xb8;
	[tilespmem:$0x19980] =	vst v63  }
0x147: {  	s24 =	simm.s32 $0x7800;
	s25 =	simm.s32 $0x13980  }
0x148: {  	[tilespmem:s25], [sflag:$0x6] =	stream.indirect.gather [hbm4b:s6+s12], $0x10, s24, s12, $0xb8;
	[tilespmem:$0x19980] =	vst v63  }
0x149: {  	s26 =	simm.s32 $0x7880;
	s28 =	simm.s32 $0x14180  }
0x14a: {  	[tilespmem:s28], [sflag:$0x6] =	stream.indirect.gather [hbm4b:s6+s12], $0x10, s26, s12, $0xb8;
	[tilespmem:$0x19980] =	vst v63  }
0x14b: {  	s29 =	simm.s32 $0x7900;
	s30 =	simm.s32 $0x14980;
	s31 =	simm.s32 $0x4  }
0x14c: {  	[tilespmem:s30], [sflag:$0x6] =	stream.indirect.gather [hbm4b:s6+s12], $0x10, s29, s12, $0xb8;
	[tilespmem:$0x19980] =	vst v63  }
0x14d: {  	_ =	swait.ge [sflag:s31], $0x800  }
0x14e: {  	[sflag:s31] =	ssyncset.done $0x0  }
0x14f: {  	[sflag:s31] =	ssyncadd.s32 $0xFFFFF800  }
0x150: {  	_ =	swait.ge [sflag:s31], $0x800  }
0x151: {  	[sflag:s31] =	ssyncset.done $0x0  }
0x152: {  	[sflag:s31] =	ssyncadd.s32 $0xFFFFF800  }
0x153: {  	_ =	swait.ge [sflag:s31], $0x800  }
0x154: {  	[sflag:s31] =	ssyncset.done $0x0  }
0x155: {  	[sflag:s31] =	ssyncadd.s32 $0xFFFFF800  }
0x156: {  	_ =	swait.ge [sflag:s31], $0x800  }
0x157: {  	[sflag:s31] =	ssyncset.done $0x0  }
0x158: {  	[sflag:s31] =	ssyncadd.s32 $0xFFFFF800  }
0x159: {  	_ =	swait.ge [sflag:s31], $0x800  }
0x15a: {  	[sflag:s31] =	ssyncset.done $0x0  }
0x15b: {  	[sflag:s31] =	ssyncadd.s32 $0xFFFFF800  }
0x15c: {  	_ =	swait.ge [sflag:s31], $0x800  }
0x15d: {  	[sflag:s31] =	ssyncset.done $0x0  }
0x15e: {  	[sflag:s31] =	ssyncadd.s32 $0xFFFFF800  }
0x15f: {  	_ =	swait.ge [sflag:s31], $0x800  }
0x160: {  	[sflag:s31] =	ssyncset.done $0x0  }
0x161: {  	[sflag:s31] =	ssyncadd.s32 $0xFFFFF800  }
0x162: {  	_ =	swait.ge [sflag:s31], $0x800  }
0x163: {  	[sflag:s31] =	ssyncset.done $0x0  }
0x164: {  	[sflag:s31] =	ssyncadd.s32 $0xFFFFF800  }
0x165: {  	s15 =	simm.s32 $0xFFFFFFFE;
	_ =	swait.ge [sflag:s31], $0x800  }
0x166: {  	s16 =	simm.s32 $0x15D80;
	s17 =	simm.s32 $0x0;
	[sflag:s31] =	ssyncset.done $0x0  }
0x167: {  	s18 =	simm.s32 $0x10;
	s19 =	simm.s32 $0xC10;
	[sflag:s31] =	ssyncadd.s32 $0xFFFFF800  }
.LBB2_11:
0x168: {  	v7 =	vmul.u32 s17, v4;
	_ =	sdelay $0x1  }
0x169: {  	v9 =	vbroadcast v7, $0x0;
	_ =	sdelay $0x1  }
0x16a: {  	v7 =	vadd.s32 v1, v9  }
0x16b: {  	v11 =	vld [tilespmem:s18+$0xFFFFFFF0];
	v8 =	vadd.s32 v6, v9  }
0x16c: {  	v12 =	vld [tilespmem:s19+$0xFFFFFCF0]  }
0x16d: {  	v13 =	vld [tilespmem:s19+$0xFFFFFFF0];
	v10 =	vadd.s32 v5, v9  }
0x16e: {  	v30 =	vld [tilespmem:s19+$0x2F0]  }
0x16f: {  	v14 =	vld.idx.msk [tilespmem:v7+s9+$0x0], $0xffff  }
0x170: {  	v15 =	vld.idx.msk [tilespmem:v8+s9+$0x0], $0xffff  }
0x171: {  	vm0 =	vgt.s32 v11, $0xFFFFFFFF  }
0x172: {  	v16 =	vsel vm0, $0x3F800000, v3;
	v17 =	vld.idx.msk [tilespmem:v10+s9+$0x0], $0xffff  }
0x173: {  	v11 =	vmul.f32 v16, v12;
	v12 =	vmul.f32 v16, v13  }
0x174: {  	v9 =	vmul.f32 v30, v16  }
0x175: {  	v31 =	vmul.f32 v14, v11;
	v32 =	vmul.f32 v15, v12;
	_ =	sdelay $0x1  }
0x176: {  	v34 =	vor.u32 $0x1, v7;
	v33 =	vmul.f32 v17, v9;
	v13 =	vadd.f32 v32, v31  }
0x177: {  	v35 =	vor.u32 $0x1, v8  }
0x178: {  	v13 =	vadd.f32 v33, v13  }
0x179: {  	v36 =	vor.u32 $0x1, v10  }
0x17a: {  	[tilespmem:s16+$0xFFFFF400] =	vst v13  }
0x17b: {  	v13 =	vld.idx.msk [tilespmem:v34+s9+$0x0], $0xffff  }
0x17c: {  	v37 =	vld.idx.msk [tilespmem:v35+s9+$0x0], $0xffff;
	_ =	sdelay $0x1  }
0x17d: {  	v14 =	vld.idx.msk [tilespmem:v36+s9+$0x0], $0xffff;
	_ =	sdelay $0x2  }
0x17e: {  	v13 =	vmul.f32 v13, v11;
	v15 =	vmul.f32 v37, v12;
	_ =	sdelay $0x1  }
0x17f: {  	v38 =	vor.u32 $0x2, v7;
	v14 =	vmul.f32 v14, v9;
	v13 =	vadd.f32 v15, v13  }
0x180: {  	v39 =	vor.u32 $0x2, v8  }
0x181: {  	v13 =	vadd.f32 v14, v13  }
0x182: {  	v40 =	vor.u32 $0x2, v10  }
0x183: {  	[tilespmem:s16+$0xFFFFF580] =	vst v13  }
0x184: {  	v13 =	vld.idx.msk [tilespmem:v38+s9+$0x0], $0xffff  }
0x185: {  	v41 =	vld.idx.msk [tilespmem:v39+s9+$0x0], $0xffff;
	_ =	sdelay $0x1  }
0x186: {  	v14 =	vld.idx.msk [tilespmem:v40+s9+$0x0], $0xffff;
	_ =	sdelay $0x2  }
0x187: {  	v13 =	vmul.f32 v13, v11;
	v15 =	vmul.f32 v41, v12;
	_ =	sdelay $0x1  }
0x188: {  	v42 =	vor.u32 $0x3, v7;
	v14 =	vmul.f32 v14, v9;
	v13 =	vadd.f32 v15, v13  }
0x189: {  	v43 =	vor.u32 $0x3, v8  }
0x18a: {  	v13 =	vadd.f32 v14, v13  }
0x18b: {  	v44 =	vor.u32 $0x3, v10  }
0x18c: {  	[tilespmem:s16+$0xFFFFF700] =	vst v13  }
0x18d: {  	v13 =	vld.idx.msk [tilespmem:v42+s9+$0x0], $0xffff  }
0x18e: {  	v45 =	vld.idx.msk [tilespmem:v43+s9+$0x0], $0xffff;
	_ =	sdelay $0x1  }
0x18f: {  	v14 =	vld.idx.msk [tilespmem:v44+s9+$0x0], $0xffff;
	_ =	sdelay $0x2  }
0x190: {  	v13 =	vmul.f32 v13, v11;
	v15 =	vmul.f32 v45, v12;
	_ =	sdelay $0x1  }
0x191: {  	v46 =	vor.u32 $0x4, v7;
	v14 =	vmul.f32 v14, v9;
	v13 =	vadd.f32 v15, v13  }
0x192: {  	v47 =	vor.u32 $0x4, v8  }
0x193: {  	v13 =	vadd.f32 v14, v13  }
0x194: {  	v48 =	vor.u32 $0x4, v10  }
0x195: {  	[tilespmem:s16+$0xFFFFF880] =	vst v13  }
0x196: {  	v13 =	vld.idx.msk [tilespmem:v46+s9+$0x0], $0xffff  }
0x197: {  	v49 =	vld.idx.msk [tilespmem:v47+s9+$0x0], $0xffff;
	_ =	sdelay $0x1  }
0x198: {  	v14 =	vld.idx.msk [tilespmem:v48+s9+$0x0], $0xffff;
	_ =	sdelay $0x2  }
0x199: {  	v13 =	vmul.f32 v13, v11;
	v15 =	vmul.f32 v49, v12;
	_ =	sdelay $0x1  }
0x19a: {  	v50 =	vor.u32 $0x5, v7;
	v14 =	vmul.f32 v14, v9;
	v13 =	vadd.f32 v15, v13  }
0x19b: {  	v51 =	vor.u32 $0x5, v8  }
0x19c: {  	v13 =	vadd.f32 v14, v13  }
0x19d: {  	v52 =	vor.u32 $0x5, v10  }
0x19e: {  	[tilespmem:s16+$0xFFFFFA00] =	vst v13  }
0x19f: {  	v13 =	vld.idx.msk [tilespmem:v50+s9+$0x0], $0xffff  }
0x1a0: {  	v53 =	vld.idx.msk [tilespmem:v51+s9+$0x0], $0xffff;
	_ =	sdelay $0x1  }
0x1a1: {  	v14 =	vld.idx.msk [tilespmem:v52+s9+$0x0], $0xffff;
	_ =	sdelay $0x2  }
0x1a2: {  	v13 =	vmul.f32 v13, v11;
	v15 =	vmul.f32 v53, v12;
	_ =	sdelay $0x1  }
0x1a3: {  	v54 =	vor.u32 $0x6, v7;
	v14 =	vmul.f32 v14, v9;
	v13 =	vadd.f32 v15, v13  }
0x1a4: {  	v55 =	vor.u32 $0x6, v8  }
0x1a5: {  	v13 =	vadd.f32 v14, v13  }
0x1a6: {  	v56 =	vor.u32 $0x6, v10  }
0x1a7: {  	[tilespmem:s16+$0xFFFFFB80] =	vst v13  }
0x1a8: {  	v13 =	vld.idx.msk [tilespmem:v54+s9+$0x0], $0xffff  }
0x1a9: {  	v57 =	vld.idx.msk [tilespmem:v55+s9+$0x0], $0xffff;
	_ =	sdelay $0x1  }
0x1aa: {  	v14 =	vld.idx.msk [tilespmem:v56+s9+$0x0], $0xffff;
	_ =	sdelay $0x2  }
0x1ab: {  	v13 =	vmul.f32 v13, v11;
	v15 =	vmul.f32 v57, v12;
	_ =	sdelay $0x1  }
0x1ac: {  	v58 =	vor.u32 $0x7, v7;
	v14 =	vmul.f32 v14, v9;
	v13 =	vadd.f32 v15, v13  }
0x1ad: {  	v59 =	vor.u32 $0x7, v8  }
0x1ae: {  	v13 =	vadd.f32 v14, v13  }
0x1af: {  	v60 =	vor.u32 $0x7, v10  }
0x1b0: {  	[tilespmem:s16+$0xFFFFFD00] =	vst v13  }
0x1b1: {  	v13 =	vld.idx.msk [tilespmem:v58+s9+$0x0], $0xffff  }
0x1b2: {  	v61 =	vld.idx.msk [tilespmem:v59+s9+$0x0], $0xffff;
	_ =	sdelay $0x1  }
0x1b3: {  	v14 =	vld.idx.msk [tilespmem:v60+s9+$0x0], $0xffff;
	_ =	sdelay $0x2  }
0x1b4: {  	v13 =	vmul.f32 v13, v11;
	v15 =	vmul.f32 v61, v12;
	_ =	sdelay $0x1  }
0x1b5: {  	v62 =	vor.u32 $0x8, v7;
	v14 =	vmul.f32 v14, v9;
	v13 =	vadd.f32 v15, v13  }
0x1b6: {  	v63 =	vor.u32 $0x8, v8  }
0x1b7: {  	v13 =	vadd.f32 v14, v13  }
0x1b8: {  	v18 =	vor.u32 $0x8, v10  }
0x1b9: {  	[tilespmem:s16+$0xFFFFFE80] =	vst v13  }
0x1ba: {  	v13 =	vld.idx.msk [tilespmem:v62+s9+$0x0], $0xffff  }
0x1bb: {  	v19 =	vld.idx.msk [tilespmem:v63+s9+$0x0], $0xffff;
	_ =	sdelay $0x1  }
0x1bc: {  	v14 =	vld.idx.msk [tilespmem:v18+s9+$0x0], $0xffff;
	_ =	sdelay $0x2  }
0x1bd: {  	v13 =	vmul.f32 v13, v11;
	v15 =	vmul.f32 v19, v12;
	_ =	sdelay $0x1  }
0x1be: {  	v20 =	vor.u32 $0x9, v7;
	v14 =	vmul.f32 v14, v9;
	v13 =	vadd.f32 v15, v13  }
0x1bf: {  	v21 =	vor.u32 $0x9, v8  }
0x1c0: {  	v13 =	vadd.f32 v14, v13  }
0x1c1: {  	v22 =	vor.u32 $0x9, v10  }
0x1c2: {  	[tilespmem:s16+$0x0] =	vst v13  }
0x1c3: {  	v13 =	vld.idx.msk [tilespmem:v20+s9+$0x0], $0xffff  }
0x1c4: {  	v23 =	vld.idx.msk [tilespmem:v21+s9+$0x0], $0xffff;
	_ =	sdelay $0x1  }
0x1c5: {  	v14 =	vld.idx.msk [tilespmem:v22+s9+$0x0], $0xffff;
	_ =	sdelay $0x2  }
0x1c6: {  	v13 =	vmul.f32 v13, v11;
	v15 =	vmul.f32 v23, v12;
	_ =	sdelay $0x1  }
0x1c7: {  	v24 =	vor.u32 $0xA, v7;
	v14 =	vmul.f32 v14, v9;
	v13 =	vadd.f32 v15, v13  }
0x1c8: {  	v25 =	vor.u32 $0xA, v8  }
0x1c9: {  	v13 =	vadd.f32 v14, v13  }
0x1ca: {  	v26 =	vor.u32 $0xA, v10  }
0x1cb: {  	[tilespmem:s16+$0x180] =	vst v13  }
0x1cc: {  	v13 =	vld.idx.msk [tilespmem:v24+s9+$0x0], $0xffff  }
0x1cd: {  	v27 =	vld.idx.msk [tilespmem:v25+s9+$0x0], $0xffff;
	_ =	sdelay $0x1  }
0x1ce: {  	v14 =	vld.idx.msk [tilespmem:v26+s9+$0x0], $0xffff;
	_ =	sdelay $0x2  }
0x1cf: {  	v13 =	vmul.f32 v13, v11;
	v15 =	vmul.f32 v27, v12;
	_ =	sdelay $0x1  }
0x1d0: {  	v28 =	vor.u32 $0xB, v7;
	v14 =	vmul.f32 v14, v9;
	v13 =	vadd.f32 v15, v13  }
0x1d1: {  	v29 =	vor.u32 $0xB, v8  }
0x1d2: {  	v13 =	vadd.f32 v14, v13  }
0x1d3: {  	v30 =	vor.u32 $0xB, v10  }
0x1d4: {  	[tilespmem:s16+$0x300] =	vst v13  }
0x1d5: {  	v13 =	vld.idx.msk [tilespmem:v28+s9+$0x0], $0xffff  }
0x1d6: {  	v31 =	vld.idx.msk [tilespmem:v29+s9+$0x0], $0xffff;
	_ =	sdelay $0x1  }
0x1d7: {  	v14 =	vld.idx.msk [tilespmem:v30+s9+$0x0], $0xffff;
	_ =	sdelay $0x2  }
0x1d8: {  	v13 =	vmul.f32 v13, v11;
	v15 =	vmul.f32 v31, v12;
	_ =	sdelay $0x1  }
0x1d9: {  	v32 =	vor.u32 $0xC, v7;
	v14 =	vmul.f32 v14, v9;
	v13 =	vadd.f32 v15, v13  }
0x1da: {  	v33 =	vor.u32 $0xC, v8  }
0x1db: {  	v13 =	vadd.f32 v14, v13  }
0x1dc: {  	v34 =	vor.u32 $0xC, v10  }
0x1dd: {  	[tilespmem:s16+$0x480] =	vst v13  }
0x1de: {  	v13 =	vld.idx.msk [tilespmem:v32+s9+$0x0], $0xffff  }
0x1df: {  	v35 =	vld.idx.msk [tilespmem:v33+s9+$0x0], $0xffff;
	_ =	sdelay $0x1  }
0x1e0: {  	v14 =	vld.idx.msk [tilespmem:v34+s9+$0x0], $0xffff;
	_ =	sdelay $0x2  }
0x1e1: {  	v13 =	vmul.f32 v13, v11;
	v15 =	vmul.f32 v35, v12;
	_ =	sdelay $0x1  }
0x1e2: {  	v36 =	vor.u32 $0xD, v7;
	v14 =	vmul.f32 v14, v9;
	v13 =	vadd.f32 v15, v13  }
0x1e3: {  	v37 =	vor.u32 $0xD, v8  }
0x1e4: {  	v13 =	vadd.f32 v14, v13  }
0x1e5: {  	v38 =	vor.u32 $0xD, v10  }
0x1e6: {  	[tilespmem:s16+$0x600] =	vst v13  }
0x1e7: {  	v13 =	vld.idx.msk [tilespmem:v36+s9+$0x0], $0xffff  }
0x1e8: {  	v39 =	vld.idx.msk [tilespmem:v37+s9+$0x0], $0xffff;
	_ =	sdelay $0x1  }
0x1e9: {  	v14 =	vld.idx.msk [tilespmem:v38+s9+$0x0], $0xffff;
	_ =	sdelay $0x2  }
0x1ea: {  	v13 =	vmul.f32 v13, v11;
	v15 =	vmul.f32 v39, v12;
	_ =	sdelay $0x1  }
0x1eb: {  	v40 =	vor.u32 $0xE, v7;
	v14 =	vmul.f32 v14, v9;
	v13 =	vadd.f32 v15, v13  }
0x1ec: {  	v41 =	vor.u32 $0xE, v8  }
0x1ed: {  	v13 =	vadd.f32 v14, v13  }
0x1ee: {  	v42 =	vor.u32 $0xE, v10  }
0x1ef: {  	[tilespmem:s16+$0x780] =	vst v13  }
0x1f0: {  	v13 =	vld.idx.msk [tilespmem:v40+s9+$0x0], $0xffff  }
0x1f1: {  	v43 =	vld.idx.msk [tilespmem:v41+s9+$0x0], $0xffff;
	_ =	sdelay $0x1  }
0x1f2: {  	v14 =	vld.idx.msk [tilespmem:v42+s9+$0x0], $0xffff;
	_ =	sdelay $0x2  }
0x1f3: {  	v13 =	vmul.f32 v13, v11;
	v15 =	vmul.f32 v43, v12;
	_ =	sdelay $0x1  }
0x1f4: {  	v7 =	vor.u32 $0xF, v7;
	v14 =	vmul.f32 v14, v9;
	v13 =	vadd.f32 v15, v13  }
0x1f5: {  	v8 =	vor.u32 $0xF, v8  }
0x1f6: {  	v13 =	vadd.f32 v14, v13  }
0x1f7: {  	v10 =	vor.u32 $0xF, v10  }
0x1f8: {  	[tilespmem:s16+$0x900] =	vst v13  }
0x1f9: {  	v7 =	vld.idx.msk [tilespmem:v7+s9+$0x0], $0xffff  }
0x1fa: {  	v8 =	vld.idx.msk [tilespmem:v8+s9+$0x0], $0xffff;
	_ =	sdelay $0x1  }
0x1fb: {  	v10 =	vld.idx.msk [tilespmem:v10+s9+$0x0], $0xffff;
	_ =	sdelay $0x2  }
0x1fc: {  	v7 =	vmul.f32 v7, v11;
	v8 =	vmul.f32 v8, v12  }
0x1fd: {  	s0 =	sadd.s32 $0x10, s17  }
0x1fe: {  	v44 =	vmul.u32 s0, v4;
	v7 =	vadd.f32 v8, v7;
	v8 =	vmul.f32 v10, v9;
	_ =	sdelay $0x1  }
0x1ff: {  	v9 =	vbroadcast v44, $0x0;
	v7 =	vadd.f32 v8, v7;
	_ =	sdelay $0x1  }
0x200: {  	v8 =	vadd.s32 v6, v9;
	[tilespmem:s16+$0xA80] =	vst v7  }
0x201: {  	v7 =	vadd.s32 v1, v9;
	v45 =	vld [tilespmem:s18+$0x0]  }
0x202: {  	v46 =	vld [tilespmem:s19+$0xFFFFFD00]  }
0x203: {  	v9 =	vadd.s32 v5, v9;
	v47 =	vld [tilespmem:s19+$0x0]  }
0x204: {  	v13 =	vld [tilespmem:s19+$0x300]  }
0x205: {  	v49 =	vld.idx.msk [tilespmem:v8+s9+$0x0], $0xffff  }
0x206: {  	v48 =	vld.idx.msk [tilespmem:v7+s9+$0x0], $0xffff  }
0x207: {  	vm15 =	vgt.s32 v45, $0xFFFFFFFF  }
0x208: {  	v50 =	vld.idx.msk [tilespmem:v9+s9+$0x0], $0xffff;
	v10 =	vsel vm15, $0x3F800000, v3  }
0x209: {  	v11 =	vmul.f32 v10, v46;
	v12 =	vmul.f32 v10, v47  }
0x20a: {  	v10 =	vmul.f32 v13, v10  }
0x20b: {  	v51 =	vmul.f32 v48, v11;
	v52 =	vmul.f32 v49, v12;
	_ =	sdelay $0x1  }
0x20c: {  	v54 =	vor.u32 $0x1, v7;
	v53 =	vmul.f32 v50, v10;
	v13 =	vadd.f32 v52, v51  }
0x20d: {  	v55 =	vor.u32 $0x1, v8  }
0x20e: {  	v13 =	vadd.f32 v53, v13  }
0x20f: {  	v56 =	vor.u32 $0x1, v9  }
0x210: {  	[tilespmem:s16+$0xFFFFF410] =	vst v13  }
0x211: {  	v13 =	vld.idx.msk [tilespmem:v54+s9+$0x0], $0xffff  }
0x212: {  	v57 =	vld.idx.msk [tilespmem:v55+s9+$0x0], $0xffff;
	_ =	sdelay $0x1  }
0x213: {  	v14 =	vld.idx.msk [tilespmem:v56+s9+$0x0], $0xffff;
	_ =	sdelay $0x2  }
0x214: {  	v13 =	vmul.f32 v13, v11;
	v15 =	vmul.f32 v57, v12;
	_ =	sdelay $0x1  }
0x215: {  	v58 =	vor.u32 $0x2, v7;
	v14 =	vmul.f32 v14, v10;
	v13 =	vadd.f32 v15, v13  }
0x216: {  	v59 =	vor.u32 $0x2, v8  }
0x217: {  	v13 =	vadd.f32 v14, v13  }
0x218: {  	v60 =	vor.u32 $0x2, v9  }
0x219: {  	[tilespmem:s16+$0xFFFFF590] =	vst v13  }
0x21a: {  	v13 =	vld.idx.msk [tilespmem:v58+s9+$0x0], $0xffff  }
0x21b: {  	v61 =	vld.idx.msk [tilespmem:v59+s9+$0x0], $0xffff;
	_ =	sdelay $0x1  }
0x21c: {  	v14 =	vld.idx.msk [tilespmem:v60+s9+$0x0], $0xffff;
	_ =	sdelay $0x2  }
0x21d: {  	v13 =	vmul.f32 v13, v11;
	v15 =	vmul.f32 v61, v12;
	_ =	sdelay $0x1  }
0x21e: {  	v62 =	vor.u32 $0x3, v7;
	v14 =	vmul.f32 v14, v10;
	v13 =	vadd.f32 v15, v13  }
0x21f: {  	v63 =	vor.u32 $0x3, v8  }
0x220: {  	v13 =	vadd.f32 v14, v13  }
0x221: {  	v18 =	vor.u32 $0x3, v9  }
0x222: {  	[tilespmem:s16+$0xFFFFF710] =	vst v13  }
0x223: {  	v13 =	vld.idx.msk [tilespmem:v62+s9+$0x0], $0xffff  }
0x224: {  	v19 =	vld.idx.msk [tilespmem:v63+s9+$0x0], $0xffff;
	_ =	sdelay $0x1  }
0x225: {  	v14 =	vld.idx.msk [tilespmem:v18+s9+$0x0], $0xffff;
	_ =	sdelay $0x2  }
0x226: {  	v13 =	vmul.f32 v13, v11;
	v15 =	vmul.f32 v19, v12;
	_ =	sdelay $0x1  }
0x227: {  	v20 =	vor.u32 $0x4, v7;
	v14 =	vmul.f32 v14, v10;
	v13 =	vadd.f32 v15, v13  }
0x228: {  	v21 =	vor.u32 $0x4, v8  }
0x229: {  	v13 =	vadd.f32 v14, v13  }
0x22a: {  	v22 =	vor.u32 $0x4, v9  }
0x22b: {  	[tilespmem:s16+$0xFFFFF890] =	vst v13  }
0x22c: {  	v13 =	vld.idx.msk [tilespmem:v20+s9+$0x0], $0xffff  }
0x22d: {  	v23 =	vld.idx.msk [tilespmem:v21+s9+$0x0], $0xffff;
	_ =	sdelay $0x1  }
0x22e: {  	v14 =	vld.idx.msk [tilespmem:v22+s9+$0x0], $0xffff;
	_ =	sdelay $0x2  }
0x22f: {  	v13 =	vmul.f32 v13, v11;
	v15 =	vmul.f32 v23, v12;
	_ =	sdelay $0x1  }
0x230: {  	v24 =	vor.u32 $0x5, v7;
	v14 =	vmul.f32 v14, v10;
	v13 =	vadd.f32 v15, v13  }
0x231: {  	v25 =	vor.u32 $0x5, v8  }
0x232: {  	v13 =	vadd.f32 v14, v13  }
0x233: {  	v26 =	vor.u32 $0x5, v9  }
0x234: {  	[tilespmem:s16+$0xFFFFFA10] =	vst v13  }
0x235: {  	v13 =	vld.idx.msk [tilespmem:v24+s9+$0x0], $0xffff  }
0x236: {  	v27 =	vld.idx.msk [tilespmem:v25+s9+$0x0], $0xffff;
	_ =	sdelay $0x1  }
0x237: {  	v14 =	vld.idx.msk [tilespmem:v26+s9+$0x0], $0xffff;
	_ =	sdelay $0x2  }
0x238: {  	v13 =	vmul.f32 v13, v11;
	v15 =	vmul.f32 v27, v12;
	_ =	sdelay $0x1  }
0x239: {  	v28 =	vor.u32 $0x6, v7;
	v14 =	vmul.f32 v14, v10;
	v13 =	vadd.f32 v15, v13  }
0x23a: {  	v29 =	vor.u32 $0x6, v8  }
0x23b: {  	v13 =	vadd.f32 v14, v13  }
0x23c: {  	v30 =	vor.u32 $0x6, v9  }
0x23d: {  	[tilespmem:s16+$0xFFFFFB90] =	vst v13  }
0x23e: {  	v13 =	vld.idx.msk [tilespmem:v28+s9+$0x0], $0xffff  }
0x23f: {  	v31 =	vld.idx.msk [tilespmem:v29+s9+$0x0], $0xffff;
	_ =	sdelay $0x1  }
0x240: {  	v14 =	vld.idx.msk [tilespmem:v30+s9+$0x0], $0xffff;
	_ =	sdelay $0x2  }
0x241: {  	v13 =	vmul.f32 v13, v11;
	v15 =	vmul.f32 v31, v12;
	_ =	sdelay $0x1  }
0x242: {  	v32 =	vor.u32 $0x7, v7;
	v14 =	vmul.f32 v14, v10;
	v13 =	vadd.f32 v15, v13  }
0x243: {  	v33 =	vor.u32 $0x7, v8  }
0x244: {  	v13 =	vadd.f32 v14, v13  }
0x245: {  	v34 =	vor.u32 $0x7, v9  }
0x246: {  	[tilespmem:s16+$0xFFFFFD10] =	vst v13  }
0x247: {  	v13 =	vld.idx.msk [tilespmem:v32+s9+$0x0], $0xffff  }
0x248: {  	v35 =	vld.idx.msk [tilespmem:v33+s9+$0x0], $0xffff;
	_ =	sdelay $0x1  }
0x249: {  	v14 =	vld.idx.msk [tilespmem:v34+s9+$0x0], $0xffff;
	_ =	sdelay $0x2  }
0x24a: {  	v13 =	vmul.f32 v13, v11;
	v15 =	vmul.f32 v35, v12;
	_ =	sdelay $0x1  }
0x24b: {  	v36 =	vor.u32 $0x8, v7;
	v14 =	vmul.f32 v14, v10;
	v13 =	vadd.f32 v15, v13  }
0x24c: {  	v37 =	vor.u32 $0x8, v8  }
0x24d: {  	v13 =	vadd.f32 v14, v13  }
0x24e: {  	v38 =	vor.u32 $0x8, v9  }
0x24f: {  	[tilespmem:s16+$0xFFFFFE90] =	vst v13  }
0x250: {  	v13 =	vld.idx.msk [tilespmem:v36+s9+$0x0], $0xffff  }
0x251: {  	v39 =	vld.idx.msk [tilespmem:v37+s9+$0x0], $0xffff;
	_ =	sdelay $0x1  }
0x252: {  	v14 =	vld.idx.msk [tilespmem:v38+s9+$0x0], $0xffff;
	_ =	sdelay $0x2  }
0x253: {  	v13 =	vmul.f32 v13, v11;
	v15 =	vmul.f32 v39, v12;
	_ =	sdelay $0x1  }
0x254: {  	v40 =	vor.u32 $0x9, v7;
	v14 =	vmul.f32 v14, v10;
	v13 =	vadd.f32 v15, v13  }
0x255: {  	v41 =	vor.u32 $0x9, v8  }
0x256: {  	v13 =	vadd.f32 v14, v13  }
0x257: {  	v42 =	vor.u32 $0x9, v9  }
0x258: {  	[tilespmem:s16+$0x10] =	vst v13  }
0x259: {  	v13 =	vld.idx.msk [tilespmem:v40+s9+$0x0], $0xffff  }
0x25a: {  	v43 =	vld.idx.msk [tilespmem:v41+s9+$0x0], $0xffff;
	_ =	sdelay $0x1  }
0x25b: {  	v14 =	vld.idx.msk [tilespmem:v42+s9+$0x0], $0xffff;
	_ =	sdelay $0x2  }
0x25c: {  	v13 =	vmul.f32 v13, v11;
	v15 =	vmul.f32 v43, v12;
	_ =	sdelay $0x1  }
0x25d: {  	v44 =	vor.u32 $0xA, v7;
	v14 =	vmul.f32 v14, v10;
	v13 =	vadd.f32 v15, v13  }
0x25e: {  	v45 =	vor.u32 $0xA, v8  }
0x25f: {  	v13 =	vadd.f32 v14, v13  }
0x260: {  	v46 =	vor.u32 $0xA, v9  }
0x261: {  	[tilespmem:s16+$0x190] =	vst v13  }
0x262: {  	v13 =	vld.idx.msk [tilespmem:v44+s9+$0x0], $0xffff  }
0x263: {  	v47 =	vld.idx.msk [tilespmem:v45+s9+$0x0], $0xffff;
	_ =	sdelay $0x1  }
0x264: {  	v14 =	vld.idx.msk [tilespmem:v46+s9+$0x0], $0xffff;
	_ =	sdelay $0x2  }
0x265: {  	v13 =	vmul.f32 v13, v11;
	v15 =	vmul.f32 v47, v12;
	_ =	sdelay $0x1  }
0x266: {  	v48 =	vor.u32 $0xB, v7;
	v14 =	vmul.f32 v14, v10;
	v13 =	vadd.f32 v15, v13  }
0x267: {  	v49 =	vor.u32 $0xB, v8  }
0x268: {  	v13 =	vadd.f32 v14, v13  }
0x269: {  	v50 =	vor.u32 $0xB, v9  }
0x26a: {  	[tilespmem:s16+$0x310] =	vst v13  }
0x26b: {  	v13 =	vld.idx.msk [tilespmem:v48+s9+$0x0], $0xffff  }
0x26c: {  	v51 =	vld.idx.msk [tilespmem:v49+s9+$0x0], $0xffff;
	_ =	sdelay $0x1  }
0x26d: {  	v14 =	vld.idx.msk [tilespmem:v50+s9+$0x0], $0xffff;
	_ =	sdelay $0x2  }
0x26e: {  	v13 =	vmul.f32 v13, v11;
	v15 =	vmul.f32 v51, v12;
	_ =	sdelay $0x1  }
0x26f: {  	v52 =	vor.u32 $0xC, v7;
	v14 =	vmul.f32 v14, v10;
	v13 =	vadd.f32 v15, v13  }
0x270: {  	v53 =	vor.u32 $0xC, v8  }
0x271: {  	v13 =	vadd.f32 v14, v13  }
0x272: {  	v54 =	vor.u32 $0xC, v9  }
0x273: {  	[tilespmem:s16+$0x490] =	vst v13  }
0x274: {  	v13 =	vld.idx.msk [tilespmem:v52+s9+$0x0], $0xffff  }
0x275: {  	v55 =	vld.idx.msk [tilespmem:v53+s9+$0x0], $0xffff;
	_ =	sdelay $0x1  }
0x276: {  	v14 =	vld.idx.msk [tilespmem:v54+s9+$0x0], $0xffff;
	_ =	sdelay $0x2  }
0x277: {  	v13 =	vmul.f32 v13, v11;
	v15 =	vmul.f32 v55, v12;
	_ =	sdelay $0x1  }
0x278: {  	v56 =	vor.u32 $0xD, v7;
	v14 =	vmul.f32 v14, v10;
	v13 =	vadd.f32 v15, v13  }
0x279: {  	v57 =	vor.u32 $0xD, v8  }
0x27a: {  	v13 =	vadd.f32 v14, v13  }
0x27b: {  	v58 =	vor.u32 $0xD, v9  }
0x27c: {  	[tilespmem:s16+$0x610] =	vst v13  }
0x27d: {  	v13 =	vld.idx.msk [tilespmem:v56+s9+$0x0], $0xffff  }
0x27e: {  	v59 =	vld.idx.msk [tilespmem:v57+s9+$0x0], $0xffff;
	_ =	sdelay $0x1  }
0x27f: {  	v14 =	vld.idx.msk [tilespmem:v58+s9+$0x0], $0xffff;
	_ =	sdelay $0x2  }
0x280: {  	v13 =	vmul.f32 v13, v11;
	v15 =	vmul.f32 v59, v12;
	_ =	sdelay $0x1  }
0x281: {  	v60 =	vor.u32 $0xE, v7;
	v14 =	vmul.f32 v14, v10;
	v13 =	vadd.f32 v15, v13  }
0x282: {  	v61 =	vor.u32 $0xE, v8  }
0x283: {  	v13 =	vadd.f32 v14, v13  }
0x284: {  	v62 =	vor.u32 $0xE, v9  }
0x285: {  	[tilespmem:s16+$0x790] =	vst v13  }
0x286: {  	v13 =	vld.idx.msk [tilespmem:v60+s9+$0x0], $0xffff  }
0x287: {  	v63 =	vld.idx.msk [tilespmem:v61+s9+$0x0], $0xffff;
	_ =	sdelay $0x1  }
0x288: {  	v14 =	vld.idx.msk [tilespmem:v62+s9+$0x0], $0xffff;
	_ =	sdelay $0x2  }
0x289: {  	v13 =	vmul.f32 v13, v11;
	v15 =	vmul.f32 v63, v12;
	_ =	sdelay $0x1  }
0x28a: {  	v7 =	vor.u32 $0xF, v7;
	v14 =	vmul.f32 v14, v10;
	v13 =	vadd.f32 v15, v13  }
0x28b: {  	v8 =	vor.u32 $0xF, v8  }
0x28c: {  	v13 =	vadd.f32 v14, v13  }
0x28d: {  	v9 =	vor.u32 $0xF, v9  }
0x28e: {  	[tilespmem:s16+$0x910] =	vst v13  }
0x28f: {  	v7 =	vld.idx.msk [tilespmem:v7+s9+$0x0], $0xffff  }
0x290: {  	v8 =	vld.idx.msk [tilespmem:v8+s9+$0x0], $0xffff;
	_ =	sdelay $0x1  }
0x291: {  	v9 =	vld.idx.msk [tilespmem:v9+s9+$0x0], $0xffff;
	_ =	sdelay $0x2  }
0x292: {  	s15 =	sadd.s32 $0x2, s15;
	v7 =	vmul.f32 v7, v11;
	v8 =	vmul.f32 v8, v12  }
0x293: {  	p0 =	slt.u32 s15, $0x16  }
.Ltmp4:
0x294: {  	v7 =	vadd.f32 v8, v7;
	v8 =	vmul.f32 v9, v10;
	(pc) =	sbr.rel @p0 .LBB2_11-.Ltmp4, $4  }
0x295: {  	_ = 	snop  }
0x296: {  	v7 =	vadd.f32 v8, v7  }
0x297: {  	s17 =	sadd.s32 $0x20, s17  }
0x298: {  	s18 =	sadd.s32 $0x20, s18;
	s19 =	sadd.s32 $0x20, s19;
	[tilespmem:s16+$0xA90] =	vst v7;
	s16 =	sadd.s32 $0x20, s16  }
0x299: {  	s0 =	simm.s32 $0x5  }
0x29a: {  	_ =	swait.ge [sflag:s0], $0x800  }
0x29b: {  	[sflag:s0] =	ssyncset.done $0x0  }
0x29c: {  	[sflag:s0] =	ssyncadd.s32 $0xFFFFF800  }
0x29d: {  	_ =	swait.ge [sflag:s0], $0x800  }
0x29e: {  	[sflag:s0] =	ssyncset.done $0x0  }
0x29f: {  	[sflag:s0] =	ssyncadd.s32 $0xFFFFF800  }
0x2a0: {  	_ =	swait.ge [sflag:s0], $0x800  }
0x2a1: {  	[sflag:s0] =	ssyncset.done $0x0  }
0x2a2: {  	[sflag:s0] =	ssyncadd.s32 $0xFFFFF800  }
0x2a3: {  	_ =	swait.ge [sflag:s0], $0x800  }
0x2a4: {  	[sflag:s0] =	ssyncset.done $0x0  }
0x2a5: {  	[sflag:s0] =	ssyncadd.s32 $0xFFFFF800  }
0x2a6: {  	_ =	swait.ge [sflag:s0], $0x800  }
0x2a7: {  	[sflag:s0] =	ssyncset.done $0x0  }
0x2a8: {  	[sflag:s0] =	ssyncadd.s32 $0xFFFFF800  }
0x2a9: {  	_ =	swait.ge [sflag:s0], $0x800  }
0x2aa: {  	[sflag:s0] =	ssyncset.done $0x0  }
0x2ab: {  	[sflag:s0] =	ssyncadd.s32 $0xFFFFF800  }
0x2ac: {  	_ =	swait.ge [sflag:s0], $0x800  }
0x2ad: {  	[sflag:s0] =	ssyncset.done $0x0  }
0x2ae: {  	[sflag:s0] =	ssyncadd.s32 $0xFFFFF800  }
0x2af: {  	_ =	swait.ge [sflag:s0], $0x800  }
0x2b0: {  	[sflag:s0] =	ssyncset.done $0x0  }
0x2b1: {  	[sflag:s0] =	ssyncadd.s32 $0xFFFFF800  }
0x2b2: {  	s15 =	simm.s32 $0x16;
	_ =	swait.ge [sflag:s0], $0x800  }
0x2b3: {  	s16 =	simm.s32 $0x190;
	s17 =	simm.s32 $0x18010;
	[sflag:s0] =	ssyncset.done $0x0  }
0x2b4: {  	s18 =	simm.s32 $0x1810;
	s19 =	simm.s32 $0x190;
	[sflag:s0] =	ssyncadd.s32 $0xFFFFF800  }
.LBB2_13:
0x2b5: {  	s0 =	sadd.s32 $0xFFFFFFF0, s19  }
0x2b6: {  	v7 =	vmul.u32 s0, v4;
	_ =	sdelay $0x1  }
0x2b7: {  	v9 =	vbroadcast v7, $0x0;
	_ =	sdelay $0x1  }
0x2b8: {  	v7 =	vadd.s32 v1, v9  }
0x2b9: {  	v10 =	vld [tilespmem:s16+$0xFFFFFFF0];
	v8 =	vadd.s32 v6, v9  }
0x2ba: {  	v11 =	vld [tilespmem:s18+$0xFFFFF9F0]  }
0x2bb: {  	v12 =	vld [tilespmem:s18+$0xFFFFFCF0];
	v9 =	vadd.s32 v5, v9  }
0x2bc: {  	v13 =	vld [tilespmem:s18+$0xFFFFFFF0]  }
0x2bd: {  	v14 =	vld.idx.msk [tilespmem:v7+s9+$0x0], $0xffff  }
0x2be: {  	v15 =	vld.idx.msk [tilespmem:v8+s9+$0x0], $0xffff  }
0x2bf: {  	vm0 =	vgt.s32 v10, $0xFFFFFFFF  }
0x2c0: {  	v10 =	vsel vm0, $0x3F800000, v3;
	v16 =	vld.idx.msk [tilespmem:v9+s9+$0x0], $0xffff  }
0x2c1: {  	v11 =	vmul.f32 v10, v11;
	v12 =	vmul.f32 v10, v12  }
0x2c2: {  	v10 =	vmul.f32 v13, v10  }
0x2c3: {  	v31 =	vmul.f32 v14, v11;
	v32 =	vmul.f32 v15, v12;
	_ =	sdelay $0x1  }
0x2c4: {  	v34 =	vor.u32 $0x1, v7;
	v33 =	vmul.f32 v16, v10;
	v13 =	vadd.f32 v32, v31  }
0x2c5: {  	v35 =	vor.u32 $0x1, v8  }
0x2c6: {  	v13 =	vadd.f32 v33, v13  }
0x2c7: {  	v36 =	vor.u32 $0x1, v9  }
0x2c8: {  	[tilespmem:s17+$0xFFFFE970] =	vst v13  }
0x2c9: {  	v13 =	vld.idx.msk [tilespmem:v34+s9+$0x0], $0xffff  }
0x2ca: {  	v37 =	vld.idx.msk [tilespmem:v35+s9+$0x0], $0xffff;
	_ =	sdelay $0x1  }
0x2cb: {  	v14 =	vld.idx.msk [tilespmem:v36+s9+$0x0], $0xffff;
	_ =	sdelay $0x2  }
0x2cc: {  	v13 =	vmul.f32 v13, v11;
	v15 =	vmul.f32 v37, v12;
	_ =	sdelay $0x1  }
0x2cd: {  	v38 =	vor.u32 $0x2, v7;
	v14 =	vmul.f32 v14, v10;
	v13 =	vadd.f32 v15, v13  }
0x2ce: {  	v39 =	vor.u32 $0x2, v8  }
0x2cf: {  	v13 =	vadd.f32 v14, v13  }
0x2d0: {  	v40 =	vor.u32 $0x2, v9  }
0x2d1: {  	[tilespmem:s17+$0xFFFFEAF0] =	vst v13  }
0x2d2: {  	v13 =	vld.idx.msk [tilespmem:v38+s9+$0x0], $0xffff  }
0x2d3: {  	v41 =	vld.idx.msk [tilespmem:v39+s9+$0x0], $0xffff;
	_ =	sdelay $0x1  }
0x2d4: {  	v14 =	vld.idx.msk [tilespmem:v40+s9+$0x0], $0xffff;
	_ =	sdelay $0x2  }
0x2d5: {  	v13 =	vmul.f32 v13, v11;
	v15 =	vmul.f32 v41, v12;
	_ =	sdelay $0x1  }
0x2d6: {  	v42 =	vor.u32 $0x3, v7;
	v14 =	vmul.f32 v14, v10;
	v13 =	vadd.f32 v15, v13  }
0x2d7: {  	v43 =	vor.u32 $0x3, v8  }
0x2d8: {  	v13 =	vadd.f32 v14, v13  }
0x2d9: {  	v44 =	vor.u32 $0x3, v9  }
0x2da: {  	[tilespmem:s17+$0xFFFFEC70] =	vst v13  }
0x2db: {  	v13 =	vld.idx.msk [tilespmem:v42+s9+$0x0], $0xffff  }
0x2dc: {  	v45 =	vld.idx.msk [tilespmem:v43+s9+$0x0], $0xffff;
	_ =	sdelay $0x1  }
0x2dd: {  	v14 =	vld.idx.msk [tilespmem:v44+s9+$0x0], $0xffff;
	_ =	sdelay $0x2  }
0x2de: {  	v13 =	vmul.f32 v13, v11;
	v15 =	vmul.f32 v45, v12;
	_ =	sdelay $0x1  }
0x2df: {  	v46 =	vor.u32 $0x4, v7;
	v14 =	vmul.f32 v14, v10;
	v13 =	vadd.f32 v15, v13  }
0x2e0: {  	v47 =	vor.u32 $0x4, v8  }
0x2e1: {  	v13 =	vadd.f32 v14, v13  }
0x2e2: {  	v48 =	vor.u32 $0x4, v9  }
0x2e3: {  	[tilespmem:s17+$0xFFFFEDF0] =	vst v13  }
0x2e4: {  	v13 =	vld.idx.msk [tilespmem:v46+s9+$0x0], $0xffff  }
0x2e5: {  	v49 =	vld.idx.msk [tilespmem:v47+s9+$0x0], $0xffff;
	_ =	sdelay $0x1  }
0x2e6: {  	v14 =	vld.idx.msk [tilespmem:v48+s9+$0x0], $0xffff;
	_ =	sdelay $0x2  }
0x2e7: {  	v13 =	vmul.f32 v13, v11;
	v15 =	vmul.f32 v49, v12;
	_ =	sdelay $0x1  }
0x2e8: {  	v50 =	vor.u32 $0x5, v7;
	v14 =	vmul.f32 v14, v10;
	v13 =	vadd.f32 v15, v13  }
0x2e9: {  	v51 =	vor.u32 $0x5, v8  }
0x2ea: {  	v13 =	vadd.f32 v14, v13  }
0x2eb: {  	v52 =	vor.u32 $0x5, v9  }
0x2ec: {  	[tilespmem:s17+$0xFFFFEF70] =	vst v13  }
0x2ed: {  	v13 =	vld.idx.msk [tilespmem:v50+s9+$0x0], $0xffff  }
0x2ee: {  	v53 =	vld.idx.msk [tilespmem:v51+s9+$0x0], $0xffff;
	_ =	sdelay $0x1  }
0x2ef: {  	v14 =	vld.idx.msk [tilespmem:v52+s9+$0x0], $0xffff;
	_ =	sdelay $0x2  }
0x2f0: {  	v13 =	vmul.f32 v13, v11;
	v15 =	vmul.f32 v53, v12;
	_ =	sdelay $0x1  }
0x2f1: {  	v54 =	vor.u32 $0x6, v7;
	v14 =	vmul.f32 v14, v10;
	v13 =	vadd.f32 v15, v13  }
0x2f2: {  	v55 =	vor.u32 $0x6, v8  }
0x2f3: {  	v13 =	vadd.f32 v14, v13  }
0x2f4: {  	v56 =	vor.u32 $0x6, v9  }
0x2f5: {  	[tilespmem:s17+$0xFFFFF0F0] =	vst v13  }
0x2f6: {  	v13 =	vld.idx.msk [tilespmem:v54+s9+$0x0], $0xffff  }
0x2f7: {  	v57 =	vld.idx.msk [tilespmem:v55+s9+$0x0], $0xffff;
	_ =	sdelay $0x1  }
0x2f8: {  	v14 =	vld.idx.msk [tilespmem:v56+s9+$0x0], $0xffff;
	_ =	sdelay $0x2  }
0x2f9: {  	v13 =	vmul.f32 v13, v11;
	v15 =	vmul.f32 v57, v12;
	_ =	sdelay $0x1  }
0x2fa: {  	v58 =	vor.u32 $0x7, v7;
	v14 =	vmul.f32 v14, v10;
	v13 =	vadd.f32 v15, v13  }
0x2fb: {  	v59 =	vor.u32 $0x7, v8  }
0x2fc: {  	v13 =	vadd.f32 v14, v13  }
0x2fd: {  	v60 =	vor.u32 $0x7, v9  }
0x2fe: {  	[tilespmem:s17+$0xFFFFF270] =	vst v13  }
0x2ff: {  	v13 =	vld.idx.msk [tilespmem:v58+s9+$0x0], $0xffff  }
0x300: {  	v61 =	vld.idx.msk [tilespmem:v59+s9+$0x0], $0xffff;
	_ =	sdelay $0x1  }
0x301: {  	v14 =	vld.idx.msk [tilespmem:v60+s9+$0x0], $0xffff;
	_ =	sdelay $0x2  }
0x302: {  	v13 =	vmul.f32 v13, v11;
	v15 =	vmul.f32 v61, v12;
	_ =	sdelay $0x1  }
0x303: {  	v62 =	vor.u32 $0x8, v7;
	v14 =	vmul.f32 v14, v10;
	v13 =	vadd.f32 v15, v13  }
0x304: {  	v63 =	vor.u32 $0x8, v8  }
0x305: {  	v13 =	vadd.f32 v14, v13  }
0x306: {  	v18 =	vor.u32 $0x8, v9  }
0x307: {  	[tilespmem:s17+$0xFFFFF3F0] =	vst v13  }
0x308: {  	v13 =	vld.idx.msk [tilespmem:v62+s9+$0x0], $0xffff  }
0x309: {  	v19 =	vld.idx.msk [tilespmem:v63+s9+$0x0], $0xffff;
	_ =	sdelay $0x1  }
0x30a: {  	v14 =	vld.idx.msk [tilespmem:v18+s9+$0x0], $0xffff;
	_ =	sdelay $0x2  }
0x30b: {  	v13 =	vmul.f32 v13, v11;
	v15 =	vmul.f32 v19, v12;
	_ =	sdelay $0x1  }
0x30c: {  	v20 =	vor.u32 $0x9, v7;
	v14 =	vmul.f32 v14, v10;
	v13 =	vadd.f32 v15, v13  }
0x30d: {  	v21 =	vor.u32 $0x9, v8  }
0x30e: {  	v13 =	vadd.f32 v14, v13  }
0x30f: {  	v22 =	vor.u32 $0x9, v9  }
0x310: {  	[tilespmem:s17+$0xFFFFF570] =	vst v13  }
0x311: {  	v13 =	vld.idx.msk [tilespmem:v20+s9+$0x0], $0xffff  }
0x312: {  	v23 =	vld.idx.msk [tilespmem:v21+s9+$0x0], $0xffff;
	_ =	sdelay $0x1  }
0x313: {  	v14 =	vld.idx.msk [tilespmem:v22+s9+$0x0], $0xffff;
	_ =	sdelay $0x2  }
0x314: {  	v13 =	vmul.f32 v13, v11;
	v15 =	vmul.f32 v23, v12;
	_ =	sdelay $0x1  }
0x315: {  	v24 =	vor.u32 $0xA, v7;
	v14 =	vmul.f32 v14, v10;
	v13 =	vadd.f32 v15, v13  }
0x316: {  	v25 =	vor.u32 $0xA, v8  }
0x317: {  	v13 =	vadd.f32 v14, v13  }
0x318: {  	v26 =	vor.u32 $0xA, v9  }
0x319: {  	[tilespmem:s17+$0xFFFFF6F0] =	vst v13  }
0x31a: {  	v13 =	vld.idx.msk [tilespmem:v24+s9+$0x0], $0xffff  }
0x31b: {  	v27 =	vld.idx.msk [tilespmem:v25+s9+$0x0], $0xffff;
	_ =	sdelay $0x1  }
0x31c: {  	v14 =	vld.idx.msk [tilespmem:v26+s9+$0x0], $0xffff;
	_ =	sdelay $0x2  }
0x31d: {  	v13 =	vmul.f32 v13, v11;
	v15 =	vmul.f32 v27, v12;
	_ =	sdelay $0x1  }
0x31e: {  	v28 =	vor.u32 $0xB, v7;
	v14 =	vmul.f32 v14, v10;
	v13 =	vadd.f32 v15, v13  }
0x31f: {  	v29 =	vor.u32 $0xB, v8  }
0x320: {  	v13 =	vadd.f32 v14, v13  }
0x321: {  	v30 =	vor.u32 $0xB, v9  }
0x322: {  	[tilespmem:s17+$0xFFFFF870] =	vst v13  }
0x323: {  	v13 =	vld.idx.msk [tilespmem:v28+s9+$0x0], $0xffff  }
0x324: {  	v31 =	vld.idx.msk [tilespmem:v29+s9+$0x0], $0xffff;
	_ =	sdelay $0x1  }
0x325: {  	v14 =	vld.idx.msk [tilespmem:v30+s9+$0x0], $0xffff;
	_ =	sdelay $0x2  }
0x326: {  	v13 =	vmul.f32 v13, v11;
	v15 =	vmul.f32 v31, v12;
	_ =	sdelay $0x1  }
0x327: {  	v32 =	vor.u32 $0xC, v7;
	v14 =	vmul.f32 v14, v10;
	v13 =	vadd.f32 v15, v13  }
0x328: {  	v33 =	vor.u32 $0xC, v8  }
0x329: {  	v13 =	vadd.f32 v14, v13  }
0x32a: {  	v34 =	vor.u32 $0xC, v9  }
0x32b: {  	[tilespmem:s17+$0xFFFFF9F0] =	vst v13  }
0x32c: {  	v13 =	vld.idx.msk [tilespmem:v32+s9+$0x0], $0xffff  }
0x32d: {  	v35 =	vld.idx.msk [tilespmem:v33+s9+$0x0], $0xffff;
	_ =	sdelay $0x1  }
0x32e: {  	v14 =	vld.idx.msk [tilespmem:v34+s9+$0x0], $0xffff;
	_ =	sdelay $0x2  }
0x32f: {  	v13 =	vmul.f32 v13, v11;
	v15 =	vmul.f32 v35, v12;
	_ =	sdelay $0x1  }
0x330: {  	v36 =	vor.u32 $0xD, v7;
	v14 =	vmul.f32 v14, v10;
	v13 =	vadd.f32 v15, v13  }
0x331: {  	v37 =	vor.u32 $0xD, v8  }
0x332: {  	v13 =	vadd.f32 v14, v13  }
0x333: {  	v38 =	vor.u32 $0xD, v9  }
0x334: {  	[tilespmem:s17+$0xFFFFFB70] =	vst v13  }
0x335: {  	v13 =	vld.idx.msk [tilespmem:v36+s9+$0x0], $0xffff  }
0x336: {  	v39 =	vld.idx.msk [tilespmem:v37+s9+$0x0], $0xffff;
	_ =	sdelay $0x1  }
0x337: {  	v14 =	vld.idx.msk [tilespmem:v38+s9+$0x0], $0xffff;
	_ =	sdelay $0x2  }
0x338: {  	v13 =	vmul.f32 v13, v11;
	v15 =	vmul.f32 v39, v12;
	_ =	sdelay $0x1  }
0x339: {  	v40 =	vor.u32 $0xE, v7;
	v14 =	vmul.f32 v14, v10;
	v13 =	vadd.f32 v15, v13  }
0x33a: {  	v41 =	vor.u32 $0xE, v8  }
0x33b: {  	v13 =	vadd.f32 v14, v13  }
0x33c: {  	v42 =	vor.u32 $0xE, v9  }
0x33d: {  	[tilespmem:s17+$0xFFFFFCF0] =	vst v13  }
0x33e: {  	v13 =	vld.idx.msk [tilespmem:v40+s9+$0x0], $0xffff  }
0x33f: {  	v43 =	vld.idx.msk [tilespmem:v41+s9+$0x0], $0xffff;
	_ =	sdelay $0x1  }
0x340: {  	v14 =	vld.idx.msk [tilespmem:v42+s9+$0x0], $0xffff;
	_ =	sdelay $0x2  }
0x341: {  	v13 =	vmul.f32 v13, v11;
	v15 =	vmul.f32 v43, v12;
	_ =	sdelay $0x1  }
0x342: {  	v7 =	vor.u32 $0xF, v7;
	v14 =	vmul.f32 v14, v10;
	v13 =	vadd.f32 v15, v13  }
0x343: {  	v8 =	vor.u32 $0xF, v8  }
0x344: {  	v13 =	vadd.f32 v14, v13  }
0x345: {  	v9 =	vor.u32 $0xF, v9  }
0x346: {  	[tilespmem:s17+$0xFFFFFE70] =	vst v13  }
0x347: {  	v7 =	vld.idx.msk [tilespmem:v7+s9+$0x0], $0xffff  }
0x348: {  	v8 =	vld.idx.msk [tilespmem:v8+s9+$0x0], $0xffff;
	_ =	sdelay $0x1  }
0x349: {  	v9 =	vld.idx.msk [tilespmem:v9+s9+$0x0], $0xffff;
	_ =	sdelay $0x2  }
0x34a: {  	v7 =	vmul.f32 v7, v11;
	v8 =	vmul.f32 v8, v12;
	_ =	sdelay $0x1  }
0x34b: {  	v44 =	vmul.u32 s19, v4;
	v7 =	vadd.f32 v8, v7;
	v8 =	vmul.f32 v9, v10;
	_ =	sdelay $0x1  }
0x34c: {  	v9 =	vbroadcast v44, $0x0;
	v7 =	vadd.f32 v8, v7;
	_ =	sdelay $0x1  }
0x34d: {  	v8 =	vadd.s32 v6, v9;
	[tilespmem:s17+$0xFFFFFFF0] =	vst v7  }
0x34e: {  	v7 =	vadd.s32 v1, v9;
	v45 =	vld [tilespmem:s16+$0x0]  }
0x34f: {  	v46 =	vld [tilespmem:s18+$0xFFFFFA00]  }
0x350: {  	v9 =	vadd.s32 v5, v9;
	v47 =	vld [tilespmem:s18+$0xFFFFFD00]  }
0x351: {  	v13 =	vld [tilespmem:s18+$0x0]  }
0x352: {  	v49 =	vld.idx.msk [tilespmem:v8+s9+$0x0], $0xffff  }
0x353: {  	v48 =	vld.idx.msk [tilespmem:v7+s9+$0x0], $0xffff  }
0x354: {  	vm15 =	vgt.s32 v45, $0xFFFFFFFF  }
0x355: {  	v50 =	vld.idx.msk [tilespmem:v9+s9+$0x0], $0xffff;
	v10 =	vsel vm15, $0x3F800000, v3  }
0x356: {  	v11 =	vmul.f32 v10, v46;
	v12 =	vmul.f32 v10, v47  }
0x357: {  	v10 =	vmul.f32 v13, v10  }
0x358: {  	v51 =	vmul.f32 v48, v11;
	v52 =	vmul.f32 v49, v12;
	_ =	sdelay $0x1  }
0x359: {  	v54 =	vor.u32 $0x1, v7;
	v53 =	vmul.f32 v50, v10;
	v13 =	vadd.f32 v52, v51  }
0x35a: {  	v55 =	vor.u32 $0x1, v8  }
0x35b: {  	v13 =	vadd.f32 v53, v13  }
0x35c: {  	v56 =	vor.u32 $0x1, v9  }
0x35d: {  	[tilespmem:s17+$0xFFFFE980] =	vst v13  }
0x35e: {  	v13 =	vld.idx.msk [tilespmem:v54+s9+$0x0], $0xffff  }
0x35f: {  	v57 =	vld.idx.msk [tilespmem:v55+s9+$0x0], $0xffff;
	_ =	sdelay $0x1  }
0x360: {  	v14 =	vld.idx.msk [tilespmem:v56+s9+$0x0], $0xffff;
	_ =	sdelay $0x2  }
0x361: {  	v13 =	vmul.f32 v13, v11;
	v15 =	vmul.f32 v57, v12;
	_ =	sdelay $0x1  }
0x362: {  	v58 =	vor.u32 $0x2, v7;
	v14 =	vmul.f32 v14, v10;
	v13 =	vadd.f32 v15, v13  }
0x363: {  	v59 =	vor.u32 $0x2, v8  }
0x364: {  	v13 =	vadd.f32 v14, v13  }
0x365: {  	v60 =	vor.u32 $0x2, v9  }
0x366: {  	[tilespmem:s17+$0xFFFFEB00] =	vst v13  }
0x367: {  	v13 =	vld.idx.msk [tilespmem:v58+s9+$0x0], $0xffff  }
0x368: {  	v61 =	vld.idx.msk [tilespmem:v59+s9+$0x0], $0xffff;
	_ =	sdelay $0x1  }
0x369: {  	v14 =	vld.idx.msk [tilespmem:v60+s9+$0x0], $0xffff;
	_ =	sdelay $0x2  }
0x36a: {  	v13 =	vmul.f32 v13, v11;
	v15 =	vmul.f32 v61, v12;
	_ =	sdelay $0x1  }
0x36b: {  	v62 =	vor.u32 $0x3, v7;
	v14 =	vmul.f32 v14, v10;
	v13 =	vadd.f32 v15, v13  }
0x36c: {  	v63 =	vor.u32 $0x3, v8  }
0x36d: {  	v13 =	vadd.f32 v14, v13  }
0x36e: {  	v18 =	vor.u32 $0x3, v9  }
0x36f: {  	[tilespmem:s17+$0xFFFFEC80] =	vst v13  }
0x370: {  	v13 =	vld.idx.msk [tilespmem:v62+s9+$0x0], $0xffff  }
0x371: {  	v19 =	vld.idx.msk [tilespmem:v63+s9+$0x0], $0xffff;
	_ =	sdelay $0x1  }
0x372: {  	v14 =	vld.idx.msk [tilespmem:v18+s9+$0x0], $0xffff;
	_ =	sdelay $0x2  }
0x373: {  	v13 =	vmul.f32 v13, v11;
	v15 =	vmul.f32 v19, v12;
	_ =	sdelay $0x1  }
0x374: {  	v20 =	vor.u32 $0x4, v7;
	v14 =	vmul.f32 v14, v10;
	v13 =	vadd.f32 v15, v13  }
0x375: {  	v21 =	vor.u32 $0x4, v8  }
0x376: {  	v13 =	vadd.f32 v14, v13  }
0x377: {  	v22 =	vor.u32 $0x4, v9  }
0x378: {  	[tilespmem:s17+$0xFFFFEE00] =	vst v13  }
0x379: {  	v13 =	vld.idx.msk [tilespmem:v20+s9+$0x0], $0xffff  }
0x37a: {  	v23 =	vld.idx.msk [tilespmem:v21+s9+$0x0], $0xffff;
	_ =	sdelay $0x1  }
0x37b: {  	v14 =	vld.idx.msk [tilespmem:v22+s9+$0x0], $0xffff;
	_ =	sdelay $0x2  }
0x37c: {  	v13 =	vmul.f32 v13, v11;
	v15 =	vmul.f32 v23, v12;
	_ =	sdelay $0x1  }
0x37d: {  	v24 =	vor.u32 $0x5, v7;
	v14 =	vmul.f32 v14, v10;
	v13 =	vadd.f32 v15, v13  }
0x37e: {  	v25 =	vor.u32 $0x5, v8  }
0x37f: {  	v13 =	vadd.f32 v14, v13  }
0x380: {  	v26 =	vor.u32 $0x5, v9  }
0x381: {  	[tilespmem:s17+$0xFFFFEF80] =	vst v13  }
0x382: {  	v13 =	vld.idx.msk [tilespmem:v24+s9+$0x0], $0xffff  }
0x383: {  	v27 =	vld.idx.msk [tilespmem:v25+s9+$0x0], $0xffff;
	_ =	sdelay $0x1  }
0x384: {  	v14 =	vld.idx.msk [tilespmem:v26+s9+$0x0], $0xffff;
	_ =	sdelay $0x2  }
0x385: {  	v13 =	vmul.f32 v13, v11;
	v15 =	vmul.f32 v27, v12;
	_ =	sdelay $0x1  }
0x386: {  	v28 =	vor.u32 $0x6, v7;
	v14 =	vmul.f32 v14, v10;
	v13 =	vadd.f32 v15, v13  }
0x387: {  	v29 =	vor.u32 $0x6, v8  }
0x388: {  	v13 =	vadd.f32 v14, v13  }
0x389: {  	v30 =	vor.u32 $0x6, v9  }
0x38a: {  	[tilespmem:s17+$0xFFFFF100] =	vst v13  }
0x38b: {  	v13 =	vld.idx.msk [tilespmem:v28+s9+$0x0], $0xffff  }
0x38c: {  	v31 =	vld.idx.msk [tilespmem:v29+s9+$0x0], $0xffff;
	_ =	sdelay $0x1  }
0x38d: {  	v14 =	vld.idx.msk [tilespmem:v30+s9+$0x0], $0xffff;
	_ =	sdelay $0x2  }
0x38e: {  	v13 =	vmul.f32 v13, v11;
	v15 =	vmul.f32 v31, v12;
	_ =	sdelay $0x1  }
0x38f: {  	v32 =	vor.u32 $0x7, v7;
	v14 =	vmul.f32 v14, v10;
	v13 =	vadd.f32 v15, v13  }
0x390: {  	v33 =	vor.u32 $0x7, v8  }
0x391: {  	v13 =	vadd.f32 v14, v13  }
0x392: {  	v34 =	vor.u32 $0x7, v9  }
0x393: {  	[tilespmem:s17+$0xFFFFF280] =	vst v13  }
0x394: {  	v13 =	vld.idx.msk [tilespmem:v32+s9+$0x0], $0xffff  }
0x395: {  	v35 =	vld.idx.msk [tilespmem:v33+s9+$0x0], $0xffff;
	_ =	sdelay $0x1  }
0x396: {  	v14 =	vld.idx.msk [tilespmem:v34+s9+$0x0], $0xffff;
	_ =	sdelay $0x2  }
0x397: {  	v13 =	vmul.f32 v13, v11;
	v15 =	vmul.f32 v35, v12;
	_ =	sdelay $0x1  }
0x398: {  	v36 =	vor.u32 $0x8, v7;
	v14 =	vmul.f32 v14, v10;
	v13 =	vadd.f32 v15, v13  }
0x399: {  	v37 =	vor.u32 $0x8, v8  }
0x39a: {  	v13 =	vadd.f32 v14, v13  }
0x39b: {  	v38 =	vor.u32 $0x8, v9  }
0x39c: {  	[tilespmem:s17+$0xFFFFF400] =	vst v13  }
0x39d: {  	v13 =	vld.idx.msk [tilespmem:v36+s9+$0x0], $0xffff  }
0x39e: {  	v39 =	vld.idx.msk [tilespmem:v37+s9+$0x0], $0xffff;
	_ =	sdelay $0x1  }
0x39f: {  	v14 =	vld.idx.msk [tilespmem:v38+s9+$0x0], $0xffff;
	_ =	sdelay $0x2  }
0x3a0: {  	v13 =	vmul.f32 v13, v11;
	v15 =	vmul.f32 v39, v12;
	_ =	sdelay $0x1  }
0x3a1: {  	v40 =	vor.u32 $0x9, v7;
	v14 =	vmul.f32 v14, v10;
	v13 =	vadd.f32 v15, v13  }
0x3a2: {  	v41 =	vor.u32 $0x9, v8  }
0x3a3: {  	v13 =	vadd.f32 v14, v13  }
0x3a4: {  	v42 =	vor.u32 $0x9, v9  }
0x3a5: {  	[tilespmem:s17+$0xFFFFF580] =	vst v13  }
0x3a6: {  	v13 =	vld.idx.msk [tilespmem:v40+s9+$0x0], $0xffff  }
0x3a7: {  	v43 =	vld.idx.msk [tilespmem:v41+s9+$0x0], $0xffff;
	_ =	sdelay $0x1  }
0x3a8: {  	v14 =	vld.idx.msk [tilespmem:v42+s9+$0x0], $0xffff;
	_ =	sdelay $0x2  }
0x3a9: {  	v13 =	vmul.f32 v13, v11;
	v15 =	vmul.f32 v43, v12;
	_ =	sdelay $0x1  }
0x3aa: {  	v44 =	vor.u32 $0xA, v7;
	v14 =	vmul.f32 v14, v10;
	v13 =	vadd.f32 v15, v13  }
0x3ab: {  	v45 =	vor.u32 $0xA, v8  }
0x3ac: {  	v13 =	vadd.f32 v14, v13  }
0x3ad: {  	v46 =	vor.u32 $0xA, v9  }
0x3ae: {  	[tilespmem:s17+$0xFFFFF700] =	vst v13  }
0x3af: {  	v13 =	vld.idx.msk [tilespmem:v44+s9+$0x0], $0xffff  }
0x3b0: {  	v47 =	vld.idx.msk [tilespmem:v45+s9+$0x0], $0xffff;
	_ =	sdelay $0x1  }
0x3b1: {  	v14 =	vld.idx.msk [tilespmem:v46+s9+$0x0], $0xffff;
	_ =	sdelay $0x2  }
0x3b2: {  	v13 =	vmul.f32 v13, v11;
	v15 =	vmul.f32 v47, v12;
	_ =	sdelay $0x1  }
0x3b3: {  	v48 =	vor.u32 $0xB, v7;
	v14 =	vmul.f32 v14, v10;
	v13 =	vadd.f32 v15, v13  }
0x3b4: {  	v49 =	vor.u32 $0xB, v8  }
0x3b5: {  	v13 =	vadd.f32 v14, v13  }
0x3b6: {  	v50 =	vor.u32 $0xB, v9  }
0x3b7: {  	[tilespmem:s17+$0xFFFFF880] =	vst v13  }
0x3b8: {  	v13 =	vld.idx.msk [tilespmem:v48+s9+$0x0], $0xffff  }
0x3b9: {  	v51 =	vld.idx.msk [tilespmem:v49+s9+$0x0], $0xffff;
	_ =	sdelay $0x1  }
0x3ba: {  	v14 =	vld.idx.msk [tilespmem:v50+s9+$0x0], $0xffff;
	_ =	sdelay $0x2  }
0x3bb: {  	v13 =	vmul.f32 v13, v11;
	v15 =	vmul.f32 v51, v12;
	_ =	sdelay $0x1  }
0x3bc: {  	v52 =	vor.u32 $0xC, v7;
	v14 =	vmul.f32 v14, v10;
	v13 =	vadd.f32 v15, v13  }
0x3bd: {  	v53 =	vor.u32 $0xC, v8  }
0x3be: {  	v13 =	vadd.f32 v14, v13  }
0x3bf: {  	v54 =	vor.u32 $0xC, v9  }
0x3c0: {  	[tilespmem:s17+$0xFFFFFA00] =	vst v13  }
0x3c1: {  	v13 =	vld.idx.msk [tilespmem:v52+s9+$0x0], $0xffff  }
0x3c2: {  	v55 =	vld.idx.msk [tilespmem:v53+s9+$0x0], $0xffff;
	_ =	sdelay $0x1  }
0x3c3: {  	v14 =	vld.idx.msk [tilespmem:v54+s9+$0x0], $0xffff;
	_ =	sdelay $0x2  }
0x3c4: {  	v13 =	vmul.f32 v13, v11;
	v15 =	vmul.f32 v55, v12;
	_ =	sdelay $0x1  }
0x3c5: {  	v56 =	vor.u32 $0xD, v7;
	v14 =	vmul.f32 v14, v10;
	v13 =	vadd.f32 v15, v13  }
0x3c6: {  	v57 =	vor.u32 $0xD, v8  }
0x3c7: {  	v13 =	vadd.f32 v14, v13  }
0x3c8: {  	v58 =	vor.u32 $0xD, v9  }
0x3c9: {  	[tilespmem:s17+$0xFFFFFB80] =	vst v13  }
0x3ca: {  	v13 =	vld.idx.msk [tilespmem:v56+s9+$0x0], $0xffff  }
0x3cb: {  	v59 =	vld.idx.msk [tilespmem:v57+s9+$0x0], $0xffff;
	_ =	sdelay $0x1  }
0x3cc: {  	v14 =	vld.idx.msk [tilespmem:v58+s9+$0x0], $0xffff;
	_ =	sdelay $0x2  }
0x3cd: {  	v13 =	vmul.f32 v13, v11;
	v15 =	vmul.f32 v59, v12;
	_ =	sdelay $0x1  }
0x3ce: {  	v60 =	vor.u32 $0xE, v7;
	v14 =	vmul.f32 v14, v10;
	v13 =	vadd.f32 v15, v13  }
0x3cf: {  	v61 =	vor.u32 $0xE, v8  }
0x3d0: {  	v13 =	vadd.f32 v14, v13  }
0x3d1: {  	v62 =	vor.u32 $0xE, v9  }
0x3d2: {  	[tilespmem:s17+$0xFFFFFD00] =	vst v13  }
0x3d3: {  	v13 =	vld.idx.msk [tilespmem:v60+s9+$0x0], $0xffff  }
0x3d4: {  	v63 =	vld.idx.msk [tilespmem:v61+s9+$0x0], $0xffff;
	_ =	sdelay $0x1  }
0x3d5: {  	v14 =	vld.idx.msk [tilespmem:v62+s9+$0x0], $0xffff;
	_ =	sdelay $0x2  }
0x3d6: {  	v13 =	vmul.f32 v13, v11;
	v15 =	vmul.f32 v63, v12;
	_ =	sdelay $0x1  }
0x3d7: {  	v7 =	vor.u32 $0xF, v7;
	v14 =	vmul.f32 v14, v10;
	v13 =	vadd.f32 v15, v13  }
0x3d8: {  	v8 =	vor.u32 $0xF, v8  }
0x3d9: {  	v13 =	vadd.f32 v14, v13  }
0x3da: {  	v9 =	vor.u32 $0xF, v9  }
0x3db: {  	[tilespmem:s17+$0xFFFFFE80] =	vst v13  }
0x3dc: {  	v7 =	vld.idx.msk [tilespmem:v7+s9+$0x0], $0xffff  }
0x3dd: {  	v8 =	vld.idx.msk [tilespmem:v8+s9+$0x0], $0xffff;
	_ =	sdelay $0x1  }
0x3de: {  	v9 =	vld.idx.msk [tilespmem:v9+s9+$0x0], $0xffff;
	_ =	sdelay $0x2  }
0x3df: {  	s15 =	sadd.s32 $0x2, s15;
	v7 =	vmul.f32 v7, v11;
	v8 =	vmul.f32 v8, v12  }
0x3e0: {  	p0 =	slt.u32 s15, $0x2E  }
.Ltmp5:
0x3e1: {  	v7 =	vadd.f32 v8, v7;
	v8 =	vmul.f32 v9, v10;
	(pc) =	sbr.rel @p0 .LBB2_13-.Ltmp5, $4  }
0x3e2: {  	_ = 	snop  }
0x3e3: {  	v7 =	vadd.f32 v8, v7  }
0x3e4: {  	s19 =	sadd.s32 $0x20, s19  }
0x3e5: {  	s16 =	sadd.s32 $0x20, s16;
	s18 =	sadd.s32 $0x20, s18;
	[tilespmem:s17+$0x0] =	vst v7;
	s17 =	sadd.s32 $0x20, s17  }
0x3e6: {  	_ =	swait.ge [sflag:s3], $0x800  }
0x3e7: {  	[sflag:s3] =	ssyncset.done $0x0  }
0x3e8: {  	[sflag:s3] =	ssyncadd.s32 $0xFFFFF800  }
0x3e9: {  	_ =	swait.ge [sflag:s3], $0x800  }
0x3ea: {  	[sflag:s3] =	ssyncset.done $0x0  }
0x3eb: {  	[sflag:s3] =	ssyncadd.s32 $0xFFFFF800  }
0x3ec: {  	_ =	swait.ge [sflag:s3], $0x800  }
0x3ed: {  	[sflag:s3] =	ssyncset.done $0x0  }
0x3ee: {  	[sflag:s3] =	ssyncadd.s32 $0xFFFFF800  }
0x3ef: {  	_ =	swait.ge [sflag:s3], $0x800  }
0x3f0: {  	[sflag:s3] =	ssyncset.done $0x0  }
0x3f1: {  	[sflag:s3] =	ssyncadd.s32 $0xFFFFF800  }
0x3f2: {  	_ =	swait.ge [sflag:s3], $0x800  }
0x3f3: {  	[sflag:s3] =	ssyncset.done $0x0  }
0x3f4: {  	[sflag:s3] =	ssyncadd.s32 $0xFFFFF800  }
0x3f5: {  	_ =	swait.ge [sflag:s3], $0x800  }
0x3f6: {  	[sflag:s3] =	ssyncset.done $0x0  }
0x3f7: {  	[sflag:s3] =	ssyncadd.s32 $0xFFFFF800  }
0x3f8: {  	_ =	swait.ge [sflag:s3], $0x800  }
0x3f9: {  	[sflag:s3] =	ssyncset.done $0x0  }
0x3fa: {  	[sflag:s3] =	ssyncadd.s32 $0xFFFFF800  }
0x3fb: {  	_ =	swait.ge [sflag:s3], $0x800  }
0x3fc: {  	[sflag:s3] =	ssyncset.done $0x0  }
0x3fd: {  	[sflag:s3] =	ssyncadd.s32 $0xFFFFF800  }
0x3fe: {  	_ =	swait.ge [sflag:s3], $0x800  }
0x3ff: {  	s18 =	simm.s32 $0x2E;
	[sflag:s3] =	ssyncset.done $0x0  }
0x400: {  	s15 =	simm.s32 $0x310;
	s16 =	simm.s32 $0x310;
	[sflag:s3] =	ssyncadd.s32 $0xFFFFF800  }
.LBB2_15:
0x401: {  	s23 =	smul.u32 $0xAB, s18;
	s1 =	sadd.s32 $0xFFFFFFF0, s15  }
0x402: {  	v7 =	vmul.u32 s1, v4  }
0x403: {  	s0 =	sadd.s32 $0x156, s23  }
0x404: {  	s0 =	sshrl.u32 s0, $0xC;
	v8 =	vbroadcast v7, $0x0  }
0x405: {  	s0 =	sand.u32 $0xF, s0  }
0x406: {  	s2 =	smul.u32 $0x18, s0;
	v7 =	vadd.s32 v1, v8  }
0x407: {  	s17 =	sadd.s32 $0x2, s18;
	s4 =	smul.u32 $0x2400, s0  }
0x408: {  	s2 =	ssub.s32 s17, s2  }
0x409: {  	s1 =	sshrl.u32 s4, $0x2;
	s2 =	sand.u32 $0xFF, s2  }
0x40a: {  	v10 =	vld [tilespmem:s16+$0xFFFFFFF0];
	v9 =	vadd.s32 v6, v8;
	s20 =	sadd.s32 $0x900, s1;
	s22 =	sshll.u32 s2, $0x4  }
0x40b: {  	s19 =	sadd.s32 $0xC00, s1;
	s2 =	sadd.s32 s22, s20;
	v14 =	vld.idx.msk [tilespmem:v7+s9+$0x0], $0xffff  }
0x40c: {  	v12 =	vadd.s32 v5, v8;
	s21 =	sadd.s32 $0xF00, s1;
	s5 =	sadd.s32 s22, s19;
	v11 =	vld [tilespmem:s2+$0x0]  }
0x40d: {  	s1 =	sadd.s32 s22, s21;
	v13 =	vld [tilespmem:s5+$0x0]  }
0x40e: {  	v8 =	vld [tilespmem:s1+$0x0]  }
0x40f: {  	v15 =	vld.idx.msk [tilespmem:v9+s9+$0x0], $0xffff  }
0x410: {  	vm0 =	vgt.s32 v10, $0xFFFFFFFF  }
0x411: {  	v16 =	vsel vm0, $0x3F800000, v3;
	v17 =	vld.idx.msk [tilespmem:v12+s9+$0x0], $0xffff  }
0x412: {  	v10 =	vmul.f32 v16, v11;
	v11 =	vmul.f32 v16, v13  }
0x413: {  	v8 =	vmul.f32 v8, v16  }
0x414: {  	v28 =	vmul.f32 v14, v10;
	v29 =	vmul.f32 v15, v11  }
0x415: {  	s0 =	smul.u32 $0x6000, s0  }
0x416: {  	v31 =	vor.u32 $0x1, v7;
	v30 =	vmul.f32 v17, v8;
	v13 =	vadd.f32 v29, v28  }
0x417: {  	v32 =	vor.u32 $0x1, v9;
	s30 =	sshrl.u32 s0, $0x2  }
0x418: {  	s24 =	sadd.s32 $0x15180, s30;
	v13 =	vadd.f32 v30, v13  }
0x419: {  	v33 =	vor.u32 $0x1, v12;
	s7 =	sadd.s32 s22, s24  }
0x41a: {  	[tilespmem:s7+$0x0] =	vst v13  }
0x41b: {  	v13 =	vld.idx.msk [tilespmem:v31+s9+$0x0], $0xffff  }
0x41c: {  	v34 =	vld.idx.msk [tilespmem:v32+s9+$0x0], $0xffff;
	_ =	sdelay $0x1  }
0x41d: {  	v14 =	vld.idx.msk [tilespmem:v33+s9+$0x0], $0xffff;
	_ =	sdelay $0x2  }
0x41e: {  	v13 =	vmul.f32 v13, v10;
	v15 =	vmul.f32 v34, v11;
	_ =	sdelay $0x1  }
0x41f: {  	v35 =	vor.u32 $0x2, v7;
	v14 =	vmul.f32 v14, v8;
	v13 =	vadd.f32 v15, v13  }
0x420: {  	v36 =	vor.u32 $0x2, v9  }
0x421: {  	s25 =	sadd.s32 $0x15300, s30;
	v13 =	vadd.f32 v14, v13  }
0x422: {  	v37 =	vor.u32 $0x2, v12;
	s8 =	sadd.s32 s22, s25  }
0x423: {  	[tilespmem:s8+$0x0] =	vst v13  }
0x424: {  	v13 =	vld.idx.msk [tilespmem:v35+s9+$0x0], $0xffff  }
0x425: {  	v38 =	vld.idx.msk [tilespmem:v36+s9+$0x0], $0xffff;
	_ =	sdelay $0x1  }
0x426: {  	v14 =	vld.idx.msk [tilespmem:v37+s9+$0x0], $0xffff;
	_ =	sdelay $0x2  }
0x427: {  	v13 =	vmul.f32 v13, v10;
	v15 =	vmul.f32 v38, v11;
	_ =	sdelay $0x1  }
0x428: {  	v39 =	vor.u32 $0x3, v7;
	v14 =	vmul.f32 v14, v8;
	v13 =	vadd.f32 v15, v13  }
0x429: {  	v40 =	vor.u32 $0x3, v9  }
0x42a: {  	s26 =	sadd.s32 $0x15480, s30;
	v13 =	vadd.f32 v14, v13  }
0x42b: {  	v41 =	vor.u32 $0x3, v12;
	s10 =	sadd.s32 s22, s26  }
0x42c: {  	[tilespmem:s10+$0x0] =	vst v13  }
0x42d: {  	v13 =	vld.idx.msk [tilespmem:v39+s9+$0x0], $0xffff  }
0x42e: {  	v42 =	vld.idx.msk [tilespmem:v40+s9+$0x0], $0xffff;
	_ =	sdelay $0x1  }
0x42f: {  	v14 =	vld.idx.msk [tilespmem:v41+s9+$0x0], $0xffff;
	_ =	sdelay $0x2  }
0x430: {  	v13 =	vmul.f32 v13, v10;
	v15 =	vmul.f32 v42, v11;
	_ =	sdelay $0x1  }
0x431: {  	v43 =	vor.u32 $0x4, v7;
	v14 =	vmul.f32 v14, v8;
	v13 =	vadd.f32 v15, v13  }
0x432: {  	v44 =	vor.u32 $0x4, v9  }
0x433: {  	s2 =	sadd.s32 $0x15600, s30;
	v13 =	vadd.f32 v14, v13  }
0x434: {  	v45 =	vor.u32 $0x4, v12;
	s11 =	sor.u32 s22, s2  }
0x435: {  	[tilespmem:s11+$0x0] =	vst v13  }
0x436: {  	v13 =	vld.idx.msk [tilespmem:v43+s9+$0x0], $0xffff  }
0x437: {  	v46 =	vld.idx.msk [tilespmem:v44+s9+$0x0], $0xffff;
	_ =	sdelay $0x1  }
0x438: {  	v14 =	vld.idx.msk [tilespmem:v45+s9+$0x0], $0xffff;
	_ =	sdelay $0x2  }
0x439: {  	v13 =	vmul.f32 v13, v10;
	v15 =	vmul.f32 v46, v11;
	_ =	sdelay $0x1  }
0x43a: {  	v47 =	vor.u32 $0x5, v7;
	v14 =	vmul.f32 v14, v8;
	v13 =	vadd.f32 v15, v13  }
0x43b: {  	v48 =	vor.u32 $0x5, v9  }
0x43c: {  	s4 =	sadd.s32 $0x15780, s30;
	v13 =	vadd.f32 v14, v13  }
0x43d: {  	v49 =	vor.u32 $0x5, v12;
	s13 =	sadd.s32 s22, s4  }
0x43e: {  	[tilespmem:s13+$0x0] =	vst v13  }
0x43f: {  	v13 =	vld.idx.msk [tilespmem:v47+s9+$0x0], $0xffff  }
0x440: {  	v50 =	vld.idx.msk [tilespmem:v48+s9+$0x0], $0xffff;
	_ =	sdelay $0x1  }
0x441: {  	v14 =	vld.idx.msk [tilespmem:v49+s9+$0x0], $0xffff;
	_ =	sdelay $0x2  }
0x442: {  	v13 =	vmul.f32 v13, v10;
	v15 =	vmul.f32 v50, v11;
	_ =	sdelay $0x1  }
0x443: {  	v51 =	vor.u32 $0x6, v7;
	v14 =	vmul.f32 v14, v8;
	v13 =	vadd.f32 v15, v13  }
0x444: {  	v52 =	vor.u32 $0x6, v9  }
0x445: {  	s5 =	sadd.s32 $0x15900, s30;
	v13 =	vadd.f32 v14, v13  }
0x446: {  	v53 =	vor.u32 $0x6, v12;
	s28 =	sadd.s32 s22, s5  }
0x447: {  	[tilespmem:s28+$0x0] =	vst v13  }
0x448: {  	v13 =	vld.idx.msk [tilespmem:v51+s9+$0x0], $0xffff  }
0x449: {  	v54 =	vld.idx.msk [tilespmem:v52+s9+$0x0], $0xffff;
	_ =	sdelay $0x1  }
0x44a: {  	v14 =	vld.idx.msk [tilespmem:v53+s9+$0x0], $0xffff;
	_ =	sdelay $0x2  }
0x44b: {  	v13 =	vmul.f32 v13, v10;
	v15 =	vmul.f32 v54, v11;
	_ =	sdelay $0x1  }
0x44c: {  	v55 =	vor.u32 $0x7, v7;
	v14 =	vmul.f32 v14, v8;
	v13 =	vadd.f32 v15, v13  }
0x44d: {  	v56 =	vor.u32 $0x7, v9  }
0x44e: {  	s7 =	sadd.s32 $0x15A80, s30;
	v13 =	vadd.f32 v14, v13  }
0x44f: {  	v57 =	vor.u32 $0x7, v12;
	s29 =	sadd.s32 s22, s7  }
0x450: {  	[tilespmem:s29+$0x0] =	vst v13  }
0x451: {  	v13 =	vld.idx.msk [tilespmem:v55+s9+$0x0], $0xffff  }
0x452: {  	v58 =	vld.idx.msk [tilespmem:v56+s9+$0x0], $0xffff;
	_ =	sdelay $0x1  }
0x453: {  	v14 =	vld.idx.msk [tilespmem:v57+s9+$0x0], $0xffff;
	_ =	sdelay $0x2  }
0x454: {  	v13 =	vmul.f32 v13, v10;
	v15 =	vmul.f32 v58, v11;
	_ =	sdelay $0x1  }
0x455: {  	v59 =	vor.u32 $0x8, v7;
	v14 =	vmul.f32 v14, v8;
	v13 =	vadd.f32 v15, v13  }
0x456: {  	v60 =	vor.u32 $0x8, v9  }
0x457: {  	s8 =	sadd.s32 $0x15C00, s30;
	v13 =	vadd.f32 v14, v13  }
0x458: {  	v61 =	vor.u32 $0x8, v12;
	s31 =	sor.u32 s22, s8  }
0x459: {  	[tilespmem:s31+$0x0] =	vst v13  }
0x45a: {  	v13 =	vld.idx.msk [tilespmem:v59+s9+$0x0], $0xffff  }
0x45b: {  	v62 =	vld.idx.msk [tilespmem:v60+s9+$0x0], $0xffff;
	_ =	sdelay $0x1  }
0x45c: {  	v14 =	vld.idx.msk [tilespmem:v61+s9+$0x0], $0xffff;
	_ =	sdelay $0x2  }
0x45d: {  	v13 =	vmul.f32 v13, v10;
	v15 =	vmul.f32 v62, v11;
	_ =	sdelay $0x1  }
0x45e: {  	v63 =	vor.u32 $0x9, v7;
	v14 =	vmul.f32 v14, v8;
	v13 =	vadd.f32 v15, v13  }
0x45f: {  	v20 =	vor.u32 $0x9, v9  }
0x460: {  	s13 =	sadd.s32 $0x15D80, s30;
	v13 =	vadd.f32 v14, v13  }
0x461: {  	v21 =	vor.u32 $0x9, v12;
	s1 =	sadd.s32 s22, s13  }
0x462: {  	[tilespmem:s1+$0x0] =	vst v13  }
0x463: {  	v13 =	vld.idx.msk [tilespmem:v63+s9+$0x0], $0xffff  }
0x464: {  	v22 =	vld.idx.msk [tilespmem:v20+s9+$0x0], $0xffff;
	_ =	sdelay $0x1  }
0x465: {  	v14 =	vld.idx.msk [tilespmem:v21+s9+$0x0], $0xffff;
	_ =	sdelay $0x2  }
0x466: {  	v13 =	vmul.f32 v13, v10;
	v15 =	vmul.f32 v22, v11;
	_ =	sdelay $0x1  }
0x467: {  	v23 =	vor.u32 $0xA, v7;
	v14 =	vmul.f32 v14, v8;
	v13 =	vadd.f32 v15, v13  }
0x468: {  	v24 =	vor.u32 $0xA, v9  }
0x469: {  	s1 =	sadd.s32 $0x15F00, s30;
	v13 =	vadd.f32 v14, v13  }
0x46a: {  	v25 =	vor.u32 $0xA, v12;
	s10 =	sadd.s32 s22, s1  }
0x46b: {  	[tilespmem:s10+$0x0] =	vst v13  }
0x46c: {  	v13 =	vld.idx.msk [tilespmem:v23+s9+$0x0], $0xffff  }
0x46d: {  	v26 =	vld.idx.msk [tilespmem:v24+s9+$0x0], $0xffff;
	_ =	sdelay $0x1  }
0x46e: {  	v14 =	vld.idx.msk [tilespmem:v25+s9+$0x0], $0xffff;
	_ =	sdelay $0x2  }
0x46f: {  	v13 =	vmul.f32 v13, v10;
	v15 =	vmul.f32 v26, v11;
	_ =	sdelay $0x1  }
0x470: {  	v27 =	vor.u32 $0xB, v7;
	v14 =	vmul.f32 v14, v8;
	v13 =	vadd.f32 v15, v13  }
0x471: {  	v28 =	vor.u32 $0xB, v9  }
0x472: {  	s10 =	sadd.s32 $0x16080, s30;
	v13 =	vadd.f32 v14, v13  }
0x473: {  	v29 =	vor.u32 $0xB, v12;
	s11 =	sadd.s32 s22, s10  }
0x474: {  	[tilespmem:s11+$0x0] =	vst v13  }
0x475: {  	v13 =	vld.idx.msk [tilespmem:v27+s9+$0x0], $0xffff  }
0x476: {  	v30 =	vld.idx.msk [tilespmem:v28+s9+$0x0], $0xffff;
	_ =	sdelay $0x1  }
0x477: {  	v14 =	vld.idx.msk [tilespmem:v29+s9+$0x0], $0xffff;
	_ =	sdelay $0x2  }
0x478: {  	v13 =	vmul.f32 v13, v10;
	v15 =	vmul.f32 v30, v11;
	_ =	sdelay $0x1  }
0x479: {  	v31 =	vor.u32 $0xC, v7;
	v14 =	vmul.f32 v14, v8;
	v13 =	vadd.f32 v15, v13  }
0x47a: {  	v32 =	vor.u32 $0xC, v9  }
0x47b: {  	s0 =	sadd.s32 $0x16200, s30;
	v13 =	vadd.f32 v14, v13  }
0x47c: {  	v33 =	vor.u32 $0xC, v12;
	s11 =	sor.u32 s22, s0  }
0x47d: {  	[tilespmem:s11+$0x0] =	vst v13  }
0x47e: {  	v13 =	vld.idx.msk [tilespmem:v31+s9+$0x0], $0xffff  }
0x47f: {  	v34 =	vld.idx.msk [tilespmem:v32+s9+$0x0], $0xffff;
	_ =	sdelay $0x1  }
0x480: {  	v14 =	vld.idx.msk [tilespmem:v33+s9+$0x0], $0xffff;
	_ =	sdelay $0x2  }
0x481: {  	v13 =	vmul.f32 v13, v10;
	v15 =	vmul.f32 v34, v11;
	_ =	sdelay $0x1  }
0x482: {  	v35 =	vor.u32 $0xD, v7;
	v14 =	vmul.f32 v14, v8;
	v13 =	vadd.f32 v15, v13  }
0x483: {  	v36 =	vor.u32 $0xD, v9  }
0x484: {  	s29 =	sadd.s32 $0x16380, s30;
	v13 =	vadd.f32 v14, v13  }
0x485: {  	v37 =	vor.u32 $0xD, v12;
	s28 =	sadd.s32 s22, s29  }
0x486: {  	[tilespmem:s28+$0x0] =	vst v13  }
0x487: {  	v13 =	vld.idx.msk [tilespmem:v35+s9+$0x0], $0xffff  }
0x488: {  	v38 =	vld.idx.msk [tilespmem:v36+s9+$0x0], $0xffff;
	_ =	sdelay $0x1  }
0x489: {  	v14 =	vld.idx.msk [tilespmem:v37+s9+$0x0], $0xffff;
	_ =	sdelay $0x2  }
0x48a: {  	v13 =	vmul.f32 v13, v10;
	v15 =	vmul.f32 v38, v11;
	_ =	sdelay $0x1  }
0x48b: {  	v39 =	vor.u32 $0xE, v7;
	v14 =	vmul.f32 v14, v8;
	v13 =	vadd.f32 v15, v13  }
0x48c: {  	v40 =	vor.u32 $0xE, v9  }
0x48d: {  	s28 =	sadd.s32 $0x16500, s30;
	v13 =	vadd.f32 v14, v13  }
0x48e: {  	v41 =	vor.u32 $0xE, v12;
	s31 =	sadd.s32 s22, s28  }
0x48f: {  	[tilespmem:s31+$0x0] =	vst v13  }
0x490: {  	v13 =	vld.idx.msk [tilespmem:v39+s9+$0x0], $0xffff  }
0x491: {  	v42 =	vld.idx.msk [tilespmem:v40+s9+$0x0], $0xffff;
	_ =	sdelay $0x1  }
0x492: {  	v14 =	vld.idx.msk [tilespmem:v41+s9+$0x0], $0xffff;
	_ =	sdelay $0x2  }
0x493: {  	v13 =	vmul.f32 v13, v10;
	v15 =	vmul.f32 v42, v11;
	_ =	sdelay $0x1  }
0x494: {  	v7 =	vor.u32 $0xF, v7;
	v14 =	vmul.f32 v14, v8;
	v13 =	vadd.f32 v15, v13  }
0x495: {  	v9 =	vor.u32 $0xF, v9  }
0x496: {  	s11 =	sadd.s32 $0x16680, s30;
	v13 =	vadd.f32 v14, v13  }
0x497: {  	v12 =	vor.u32 $0xF, v12;
	s31 =	sadd.s32 s22, s11  }
0x498: {  	[tilespmem:s31+$0x0] =	vst v13  }
0x499: {  	v7 =	vld.idx.msk [tilespmem:v7+s9+$0x0], $0xffff  }
0x49a: {  	v9 =	vld.idx.msk [tilespmem:v9+s9+$0x0], $0xffff;
	_ =	sdelay $0x1  }
0x49b: {  	s23 =	sadd.s32 $0x201, s23;
	v12 =	vld.idx.msk [tilespmem:v12+s9+$0x0], $0xffff  }
0x49c: {  	s23 =	sshrl.u32 s23, $0xC  }
0x49d: {  	s23 =	sand.u32 $0xF, s23  }
0x49e: {  	s23 =	smul.u32 $0x18, s23;
	v7 =	vmul.f32 v7, v10;
	v9 =	vmul.f32 v9, v11;
	_ =	sdelay $0x1  }
0x49f: {  	v43 =	vmul.u32 s15, v4;
	s31 =	ssub.s32 s18, s23;
	v8 =	vmul.f32 v12, v8;
	v7 =	vadd.f32 v9, v7  }
0x4a0: {  	s23 =	sadd.s32 $0x3, s31  }
0x4a1: {  	s18 =	sadd.s32 $0x16800, s30;
	s23 =	sand.u32 $0xFF, s23;
	v9 =	vbroadcast v43, $0x0;
	v7 =	vadd.f32 v8, v7  }
0x4a2: {  	s30 =	sor.u32 s22, s18;
	s22 =	sshll.u32 s23, $0x4  }
0x4a3: {  	s20 =	sadd.s32 s22, s20;
	v8 =	vadd.s32 v6, v9;
	[tilespmem:s30+$0x0] =	vst v7  }
0x4a4: {  	v7 =	vadd.s32 v1, v9;
	v44 =	vld [tilespmem:s20+$0x0]  }
0x4a5: {  	s19 =	sadd.s32 s22, s19;
	v45 =	vld [tilespmem:s16+$0x0]  }
0x4a6: {  	s23 =	sadd.s32 s22, s21;
	v9 =	vadd.s32 v5, v9;
	v46 =	vld [tilespmem:s19+$0x0]  }
0x4a7: {  	v13 =	vld [tilespmem:s23+$0x0]  }
0x4a8: {  	v48 =	vld.idx.msk [tilespmem:v8+s9+$0x0], $0xffff  }
0x4a9: {  	v47 =	vld.idx.msk [tilespmem:v7+s9+$0x0], $0xffff  }
0x4aa: {  	vm15 =	vgt.s32 v45, $0xFFFFFFFF  }
0x4ab: {  	v50 =	vld.idx.msk [tilespmem:v9+s9+$0x0], $0xffff;
	v49 =	vsel vm15, $0x3F800000, v3  }
0x4ac: {  	v11 =	vmul.f32 v49, v44;
	v12 =	vmul.f32 v49, v46  }
0x4ad: {  	v10 =	vmul.f32 v13, v49  }
0x4ae: {  	v51 =	vmul.f32 v47, v11;
	v52 =	vmul.f32 v48, v12;
	_ =	sdelay $0x1  }
0x4af: {  	v54 =	vor.u32 $0x1, v7;
	v53 =	vmul.f32 v50, v10;
	v13 =	vadd.f32 v52, v51  }
0x4b0: {  	v55 =	vor.u32 $0x1, v8  }
0x4b1: {  	v13 =	vadd.f32 v53, v13  }
0x4b2: {  	s24 =	sadd.s32 s22, s24;
	v56 =	vor.u32 $0x1, v9  }
0x4b3: {  	[tilespmem:s24+$0x0] =	vst v13  }
0x4b4: {  	v13 =	vld.idx.msk [tilespmem:v54+s9+$0x0], $0xffff  }
0x4b5: {  	v57 =	vld.idx.msk [tilespmem:v55+s9+$0x0], $0xffff;
	_ =	sdelay $0x1  }
0x4b6: {  	v14 =	vld.idx.msk [tilespmem:v56+s9+$0x0], $0xffff;
	_ =	sdelay $0x2  }
0x4b7: {  	v13 =	vmul.f32 v13, v11;
	v15 =	vmul.f32 v57, v12;
	_ =	sdelay $0x1  }
0x4b8: {  	v58 =	vor.u32 $0x2, v7;
	v14 =	vmul.f32 v14, v10;
	v13 =	vadd.f32 v15, v13  }
0x4b9: {  	v59 =	vor.u32 $0x2, v8  }
0x4ba: {  	v13 =	vadd.f32 v14, v13  }
0x4bb: {  	s30 =	sadd.s32 s22, s25;
	v60 =	vor.u32 $0x2, v9  }
0x4bc: {  	[tilespmem:s30+$0x0] =	vst v13  }
0x4bd: {  	v13 =	vld.idx.msk [tilespmem:v58+s9+$0x0], $0xffff  }
0x4be: {  	v61 =	vld.idx.msk [tilespmem:v59+s9+$0x0], $0xffff;
	_ =	sdelay $0x1  }
0x4bf: {  	v14 =	vld.idx.msk [tilespmem:v60+s9+$0x0], $0xffff;
	_ =	sdelay $0x2  }
0x4c0: {  	v13 =	vmul.f32 v13, v11;
	v15 =	vmul.f32 v61, v12;
	_ =	sdelay $0x1  }
0x4c1: {  	v62 =	vor.u32 $0x3, v7;
	v14 =	vmul.f32 v14, v10;
	v13 =	vadd.f32 v15, v13  }
0x4c2: {  	v63 =	vor.u32 $0x3, v8  }
0x4c3: {  	v13 =	vadd.f32 v14, v13  }
0x4c4: {  	s31 =	sadd.s32 s22, s26;
	v18 =	vor.u32 $0x3, v9  }
0x4c5: {  	[tilespmem:s31+$0x0] =	vst v13  }
0x4c6: {  	v13 =	vld.idx.msk [tilespmem:v62+s9+$0x0], $0xffff  }
0x4c7: {  	v19 =	vld.idx.msk [tilespmem:v63+s9+$0x0], $0xffff;
	_ =	sdelay $0x1  }
0x4c8: {  	v14 =	vld.idx.msk [tilespmem:v18+s9+$0x0], $0xffff;
	_ =	sdelay $0x2  }
0x4c9: {  	v13 =	vmul.f32 v13, v11;
	v15 =	vmul.f32 v19, v12;
	_ =	sdelay $0x1  }
0x4ca: {  	v20 =	vor.u32 $0x4, v7;
	v14 =	vmul.f32 v14, v10;
	v13 =	vadd.f32 v15, v13  }
0x4cb: {  	v21 =	vor.u32 $0x4, v8  }
0x4cc: {  	v13 =	vadd.f32 v14, v13  }
0x4cd: {  	s2 =	sadd.s32 s22, s2;
	v22 =	vor.u32 $0x4, v9  }
0x4ce: {  	[tilespmem:s2+$0x0] =	vst v13  }
0x4cf: {  	v13 =	vld.idx.msk [tilespmem:v20+s9+$0x0], $0xffff  }
0x4d0: {  	v23 =	vld.idx.msk [tilespmem:v21+s9+$0x0], $0xffff;
	_ =	sdelay $0x1  }
0x4d1: {  	v14 =	vld.idx.msk [tilespmem:v22+s9+$0x0], $0xffff;
	_ =	sdelay $0x2  }
0x4d2: {  	v13 =	vmul.f32 v13, v11;
	v15 =	vmul.f32 v23, v12;
	_ =	sdelay $0x1  }
0x4d3: {  	v24 =	vor.u32 $0x5, v7;
	v14 =	vmul.f32 v14, v10;
	v13 =	vadd.f32 v15, v13  }
0x4d4: {  	v25 =	vor.u32 $0x5, v8  }
0x4d5: {  	v13 =	vadd.f32 v14, v13  }
0x4d6: {  	s19 =	sadd.s32 s22, s4;
	v26 =	vor.u32 $0x5, v9  }
0x4d7: {  	[tilespmem:s19+$0x0] =	vst v13  }
0x4d8: {  	v13 =	vld.idx.msk [tilespmem:v24+s9+$0x0], $0xffff  }
0x4d9: {  	v27 =	vld.idx.msk [tilespmem:v25+s9+$0x0], $0xffff;
	_ =	sdelay $0x1  }
0x4da: {  	v14 =	vld.idx.msk [tilespmem:v26+s9+$0x0], $0xffff;
	_ =	sdelay $0x2  }
0x4db: {  	v13 =	vmul.f32 v13, v11;
	v15 =	vmul.f32 v27, v12;
	_ =	sdelay $0x1  }
0x4dc: {  	v28 =	vor.u32 $0x6, v7;
	v14 =	vmul.f32 v14, v10;
	v13 =	vadd.f32 v15, v13  }
0x4dd: {  	v29 =	vor.u32 $0x6, v8  }
0x4de: {  	v13 =	vadd.f32 v14, v13  }
0x4df: {  	s20 =	sadd.s32 s22, s5;
	v30 =	vor.u32 $0x6, v9  }
0x4e0: {  	[tilespmem:s20+$0x0] =	vst v13  }
0x4e1: {  	v13 =	vld.idx.msk [tilespmem:v28+s9+$0x0], $0xffff  }
0x4e2: {  	v31 =	vld.idx.msk [tilespmem:v29+s9+$0x0], $0xffff;
	_ =	sdelay $0x1  }
0x4e3: {  	v14 =	vld.idx.msk [tilespmem:v30+s9+$0x0], $0xffff;
	_ =	sdelay $0x2  }
0x4e4: {  	v13 =	vmul.f32 v13, v11;
	v15 =	vmul.f32 v31, v12;
	_ =	sdelay $0x1  }
0x4e5: {  	v32 =	vor.u32 $0x7, v7;
	v14 =	vmul.f32 v14, v10;
	v13 =	vadd.f32 v15, v13  }
0x4e6: {  	v33 =	vor.u32 $0x7, v8  }
0x4e7: {  	v13 =	vadd.f32 v14, v13  }
0x4e8: {  	s21 =	sadd.s32 s22, s7;
	v34 =	vor.u32 $0x7, v9  }
0x4e9: {  	[tilespmem:s21+$0x0] =	vst v13  }
0x4ea: {  	v13 =	vld.idx.msk [tilespmem:v32+s9+$0x0], $0xffff  }
0x4eb: {  	v35 =	vld.idx.msk [tilespmem:v33+s9+$0x0], $0xffff;
	_ =	sdelay $0x1  }
0x4ec: {  	v14 =	vld.idx.msk [tilespmem:v34+s9+$0x0], $0xffff;
	_ =	sdelay $0x2  }
0x4ed: {  	v13 =	vmul.f32 v13, v11;
	v15 =	vmul.f32 v35, v12;
	_ =	sdelay $0x1  }
0x4ee: {  	v36 =	vor.u32 $0x8, v7;
	v14 =	vmul.f32 v14, v10;
	v13 =	vadd.f32 v15, v13  }
0x4ef: {  	v37 =	vor.u32 $0x8, v8  }
0x4f0: {  	v13 =	vadd.f32 v14, v13  }
0x4f1: {  	s23 =	sadd.s32 s22, s8;
	v38 =	vor.u32 $0x8, v9  }
0x4f2: {  	[tilespmem:s23+$0x0] =	vst v13  }
0x4f3: {  	v13 =	vld.idx.msk [tilespmem:v36+s9+$0x0], $0xffff  }
0x4f4: {  	v39 =	vld.idx.msk [tilespmem:v37+s9+$0x0], $0xffff;
	_ =	sdelay $0x1  }
0x4f5: {  	v14 =	vld.idx.msk [tilespmem:v38+s9+$0x0], $0xffff;
	_ =	sdelay $0x2  }
0x4f6: {  	v13 =	vmul.f32 v13, v11;
	v15 =	vmul.f32 v39, v12;
	_ =	sdelay $0x1  }
0x4f7: {  	v40 =	vor.u32 $0x9, v7;
	v14 =	vmul.f32 v14, v10;
	v13 =	vadd.f32 v15, v13  }
0x4f8: {  	v41 =	vor.u32 $0x9, v8  }
0x4f9: {  	v13 =	vadd.f32 v14, v13  }
0x4fa: {  	v42 =	vor.u32 $0x9, v9;
	s24 =	sadd.s32 s22, s13  }
0x4fb: {  	[tilespmem:s24+$0x0] =	vst v13  }
0x4fc: {  	v13 =	vld.idx.msk [tilespmem:v40+s9+$0x0], $0xffff  }
0x4fd: {  	v43 =	vld.idx.msk [tilespmem:v41+s9+$0x0], $0xffff;
	_ =	sdelay $0x1  }
0x4fe: {  	v14 =	vld.idx.msk [tilespmem:v42+s9+$0x0], $0xffff;
	_ =	sdelay $0x2  }
0x4ff: {  	v13 =	vmul.f32 v13, v11;
	v15 =	vmul.f32 v43, v12;
	_ =	sdelay $0x1  }
0x500: {  	v44 =	vor.u32 $0xA, v7;
	v14 =	vmul.f32 v14, v10;
	v13 =	vadd.f32 v15, v13  }
0x501: {  	v45 =	vor.u32 $0xA, v8  }
0x502: {  	v13 =	vadd.f32 v14, v13  }
0x503: {  	s1 =	sadd.s32 s22, s1;
	v46 =	vor.u32 $0xA, v9  }
0x504: {  	[tilespmem:s1+$0x0] =	vst v13  }
0x505: {  	v13 =	vld.idx.msk [tilespmem:v44+s9+$0x0], $0xffff  }
0x506: {  	v47 =	vld.idx.msk [tilespmem:v45+s9+$0x0], $0xffff;
	_ =	sdelay $0x1  }
0x507: {  	v14 =	vld.idx.msk [tilespmem:v46+s9+$0x0], $0xffff;
	_ =	sdelay $0x2  }
0x508: {  	v13 =	vmul.f32 v13, v11;
	v15 =	vmul.f32 v47, v12;
	_ =	sdelay $0x1  }
0x509: {  	v48 =	vor.u32 $0xB, v7;
	v14 =	vmul.f32 v14, v10;
	v13 =	vadd.f32 v15, v13  }
0x50a: {  	v49 =	vor.u32 $0xB, v8  }
0x50b: {  	v13 =	vadd.f32 v14, v13  }
0x50c: {  	s25 =	sadd.s32 s22, s10;
	v50 =	vor.u32 $0xB, v9  }
0x50d: {  	[tilespmem:s25+$0x0] =	vst v13  }
0x50e: {  	v13 =	vld.idx.msk [tilespmem:v48+s9+$0x0], $0xffff  }
0x50f: {  	v51 =	vld.idx.msk [tilespmem:v49+s9+$0x0], $0xffff;
	_ =	sdelay $0x1  }
0x510: {  	v14 =	vld.idx.msk [tilespmem:v50+s9+$0x0], $0xffff;
	_ =	sdelay $0x2  }
0x511: {  	v13 =	vmul.f32 v13, v11;
	v15 =	vmul.f32 v51, v12;
	_ =	sdelay $0x1  }
0x512: {  	v52 =	vor.u32 $0xC, v7;
	v14 =	vmul.f32 v14, v10;
	v13 =	vadd.f32 v15, v13  }
0x513: {  	v53 =	vor.u32 $0xC, v8  }
0x514: {  	v13 =	vadd.f32 v14, v13  }
0x515: {  	s0 =	sadd.s32 s22, s0;
	v54 =	vor.u32 $0xC, v9  }
0x516: {  	[tilespmem:s0+$0x0] =	vst v13  }
0x517: {  	v13 =	vld.idx.msk [tilespmem:v52+s9+$0x0], $0xffff  }
0x518: {  	v55 =	vld.idx.msk [tilespmem:v53+s9+$0x0], $0xffff;
	_ =	sdelay $0x1  }
0x519: {  	v14 =	vld.idx.msk [tilespmem:v54+s9+$0x0], $0xffff;
	_ =	sdelay $0x2  }
0x51a: {  	v13 =	vmul.f32 v13, v11;
	v15 =	vmul.f32 v55, v12;
	_ =	sdelay $0x1  }
0x51b: {  	v56 =	vor.u32 $0xD, v7;
	v14 =	vmul.f32 v14, v10;
	v13 =	vadd.f32 v15, v13  }
0x51c: {  	v57 =	vor.u32 $0xD, v8  }
0x51d: {  	v13 =	vadd.f32 v14, v13  }
0x51e: {  	s26 =	sadd.s32 s22, s29;
	v58 =	vor.u32 $0xD, v9  }
0x51f: {  	[tilespmem:s26+$0x0] =	vst v13  }
0x520: {  	v13 =	vld.idx.msk [tilespmem:v56+s9+$0x0], $0xffff  }
0x521: {  	v59 =	vld.idx.msk [tilespmem:v57+s9+$0x0], $0xffff;
	_ =	sdelay $0x1  }
0x522: {  	v14 =	vld.idx.msk [tilespmem:v58+s9+$0x0], $0xffff;
	_ =	sdelay $0x2  }
0x523: {  	v13 =	vmul.f32 v13, v11;
	v15 =	vmul.f32 v59, v12;
	_ =	sdelay $0x1  }
0x524: {  	v60 =	vor.u32 $0xE, v7;
	v14 =	vmul.f32 v14, v10;
	v13 =	vadd.f32 v15, v13  }
0x525: {  	v61 =	vor.u32 $0xE, v8  }
0x526: {  	v13 =	vadd.f32 v14, v13  }
0x527: {  	s29 =	sadd.s32 s22, s28;
	v62 =	vor.u32 $0xE, v9  }
0x528: {  	[tilespmem:s29+$0x0] =	vst v13  }
0x529: {  	v13 =	vld.idx.msk [tilespmem:v60+s9+$0x0], $0xffff  }
0x52a: {  	v63 =	vld.idx.msk [tilespmem:v61+s9+$0x0], $0xffff;
	_ =	sdelay $0x1  }
0x52b: {  	v14 =	vld.idx.msk [tilespmem:v62+s9+$0x0], $0xffff;
	_ =	sdelay $0x2  }
0x52c: {  	v13 =	vmul.f32 v13, v11;
	v15 =	vmul.f32 v63, v12;
	_ =	sdelay $0x1  }
0x52d: {  	v7 =	vor.u32 $0xF, v7;
	v14 =	vmul.f32 v14, v10;
	v13 =	vadd.f32 v15, v13  }
0x52e: {  	v8 =	vor.u32 $0xF, v8  }
0x52f: {  	v13 =	vadd.f32 v14, v13  }
0x530: {  	s30 =	sadd.s32 s22, s11;
	v9 =	vor.u32 $0xF, v9  }
0x531: {  	[tilespmem:s30+$0x0] =	vst v13  }
0x532: {  	v7 =	vld.idx.msk [tilespmem:v7+s9+$0x0], $0xffff  }
0x533: {  	v8 =	vld.idx.msk [tilespmem:v8+s9+$0x0], $0xffff;
	_ =	sdelay $0x1  }
0x534: {  	v9 =	vld.idx.msk [tilespmem:v9+s9+$0x0], $0xffff;
	_ =	sdelay $0x2  }
0x535: {  	v7 =	vmul.f32 v7, v11;
	v8 =	vmul.f32 v8, v12  }
0x536: {  	p0 =	slt.u32 s17, $0x46  }
.Ltmp6:
0x537: {  	v7 =	vadd.f32 v8, v7;
	v8 =	vmul.f32 v9, v10;
	(pc) =	sbr.rel @p0 .LBB2_15-.Ltmp6, $4  }
0x538: {  	_ = 	snop  }
0x539: {  	v7 =	vadd.f32 v8, v7  }
0x53a: {  	s31 =	sadd.s32 s22, s18  }
0x53b: {  	s15 =	sadd.s32 $0x20, s15;
	s16 =	sadd.s32 $0x20, s16;
	s18 =	smov.u32 s17;
	[tilespmem:s31+$0x0] =	vst v7  }
0x53c: {  	s0 =	rddreg [dreg:$0xa]  }
0x53d: {  	s0 =	smul.u32 $0x300, s0  }
0x53e: {  	s1 =	rddreg [dreg:$0x5];
	s30 =	simm.s32 $0x0  }
0x53f: {  	s2 =	simm.s32 $0x15180;
	s4 =	simm.s32 $0x7;
	s0 =	sadd.s32 s1, s0  }
0x540: {  	[hbm4b:s0+s30] =	stream.linear.scatter [tilespmem:s2], [sflag:$0x7], $0x4800, $0x38;
	[tilespmem:$0x19980] =	vst v63  }
0x541: {  	_ =	swait.ge [sflag:s4], $0x4800  }
0x542: {  	s31 =	rddreg [dreg:$0x9]  }
0x543: {  	s0 =	sadd.s32 $0x1, s31  }
0x544: {  	p0 =	sne.s32 s0, $0x8  }
.Ltmp7:
0x545: {  	_ = 	snop;
	(pc) =	sbr.rel @p0 .LBB2_2-.Ltmp7, $3  }
0x546: {  	_ =	sdelay $0x1  }
0x547: {  	[sflag:s4] =	ssyncset.done $0x0  }
0x548: {  	[sflag:s4] =	ssyncadd.s32 $0xFFFFB800  }
0x549: {  	s1 =	rddreg [dreg:$0x8]  }
0x54a: {  	s0 =	rddreg [dreg:$0x7];
	s1 =	sadd.s32 $0x1, s1  }
0x54b: {  	p0 =	sne.s32 s1, s0  }
.Ltmp8:
0x54c: {  	_ = 	snop;
	(pc) =	sbr.rel @p0 .LBB2_1-.Ltmp8, $1  }
0x54d: {  	_ =	sdelay $0x3  }
0x54e: {  	_ =	sfence.sel $0x180000  }
0x54f: {  	[bflag:$0x0] =	sbarrier.arrive $0xFFFF  }
0x550: {  	_ =	strace $0x90000047  }
0x551: {  	s0 =	stileid.u32;
	[bflag:$0x2] =	sbarrier.arrive $0xFFFF  }
0x552: {  	p0 =	sne.s32 s0, $0x0;
	s0 =	rddreg [dreg:$0x2]  }
0x553: {  	s0 =	sadd.s32 @!p0 $0x100000, s0  }
0x554: {  	[sflag:s0] =	ssyncadd.tile.s32 @!p0 $0x1;
	_ =	shalt  }
.Lfunc_end2:
_tile_overlayer_lowered:
.L_overlay_start_2:
0x555: {  	(tag) =	ssettag $0x2  }
0x556: {  	s0 =	rddreg [dreg:$0x0];
	s2 =	stileid.u32  }
0x557: {  	s1 =	rddreg [dreg:$0x1];
	p0 =	sne.s32 s2, $0x0  }
0x558: {  	s3 =	rddreg [dreg:$0x2];
	[bflag:$0x3] =	sbarrier.arrive $0xFFFF;
	s2 =	simm.s32 @!p0 $0x1C07  }
0x559: {  	[timem:s3], [sflag:s2] =	dma.local @!p0 [hbm:s0], s1  }
0x55a: {  	s0 =	simm.s32 @!p0 $0x7  }
0x55b: {  	_ =	swait.ge @!p0 [sflag:s0], s1  }
0x55c: {  	s1 =	ssub.s32 @!p0 $0x0, s1;
	[sflag:s0] =	ssyncset.done @!p0 $0x0  }
0x55d: {  	[sflag:s0] =	ssyncadd.s32 @!p0 s1  }
0x55e: {  	[bflag:$0x3] =	sbarrier.arrive $0xFFFF  }
0x55f: {  	_ =	shalt  }

</sc_bundles>
